<compile_context>
chip_gen: v7x
topology: tpu7x:2x2x1
jax: 0.10.2.dev20260603
libtpu: 0.0.44.dev20260713+nightly
codegen_flags: <defaults>
</compile_context>

<pallas_src>
import functools

import jax
import jax.numpy as jnp
from jax import lax
from jax.experimental import pallas as pl
from jax.experimental.pallas import tpu as pltpu
from jax.experimental.pallas import tpu_sc as plsc

C1 = 384
C2 = 384
C = 192
E = 4
TOPK = 2
H = 56
W = 56
HP = H + 2
WP = W + 2
NP = HP * WP
NI = (H - 1) * WP + W
OFF0 = WP + 1
STARTS = tuple(i * WP + j for i in range(3) for j in range(3))
L = 16


def _silu(v):
    return v * jax.nn.sigmoid(v)


def _cv1_body(x_ref, W1_ref, b1_ref, y0_ref, y1p_ref, pool_ref):
    xb = x_ref[0]
    t = jnp.dot(W1_ref[...], xb, preferred_element_type=jnp.float32) + b1_ref[...]
    t = _silu(t)
    y1 = t[C:]
    y0_ref[0] = t[:C].astype(jnp.bfloat16)
    y1b = y1.astype(jnp.bfloat16)
    y1p_ref[0] = jnp.zeros((C, NP), jnp.bfloat16)
    for h in range(H):
        y1p_ref[0, :, (h + 1) * WP + 1:(h + 1) * WP + 1 + W] = y1b[:, h * W:(h + 1) * W]
    pool_ref[0] = jnp.sum(y1, axis=1, keepdims=True) * jnp.float32(1.0 / (H * W))


def _router_sc_body(pool_hbm, wr_hbm, br_hbm, idx_hbm, wts_hbm,
                    pool_v, wr_v, br_v, idx_v, wts_v):
    cid = lax.axis_index("c")
    sid = lax.axis_index("s")

    @pl.when((cid == 0) & (sid == 0))
    def _():
        pltpu.sync_copy(pool_hbm, pool_v)
        pltpu.sync_copy(wr_hbm, wr_v)
        pltpu.sync_copy(br_hbm, br_v)
        lanes = lax.iota(jnp.int32, L)
        br_vec = br_v[...]
        idx_acc = jnp.zeros((L,), jnp.int32)
        num_acc = jnp.zeros((L,), jnp.float32)
        den_acc = jnp.ones((L,), jnp.float32)
        for b in range(4):
            lv = jnp.zeros((L,), jnp.float32)
            for e in range(E):
                acc = jnp.zeros((L,), jnp.float32)
                for k in range(C // L):
                    acc = acc + (pool_v[pl.ds(b * C + k * L, L)]
                                 * wr_v[pl.ds(e * C + k * L, L)])
                le = jnp.sum(acc)
                lv = jnp.where(lanes == e, le, lv)
            lv = lv + br_vec
            lvm = jnp.where(lanes < E, lv, jnp.float32(-1e30))
            m = jnp.max(lvm)
            ex = jnp.exp(lvm - m)
            p1 = jnp.max(ex)
            i1 = jnp.min(jnp.where(ex >= p1, lanes, E))
            pm = jnp.where(lanes == i1, jnp.float32(-1.0), ex)
            p2 = jnp.max(pm)
            i2 = jnp.min(jnp.where(pm >= p2, lanes, E))
            ssum = p1 + p2
            idx_acc = jnp.where(lanes == 2 * b, i1, idx_acc)
            idx_acc = jnp.where(lanes == 2 * b + 1, i2, idx_acc)
            num_acc = jnp.where(lanes == 2 * b, p1, num_acc)
            num_acc = jnp.where(lanes == 2 * b + 1, p2, num_acc)
            pair = (lanes == 2 * b) | (lanes == 2 * b + 1)
            den_acc = jnp.where(pair, ssum, den_acc)
        idx_v[...] = idx_acc
        wts_v[...] = num_acc / den_acc
        pltpu.sync_copy(idx_v, idx_hbm)
        pltpu.sync_copy(wts_v, wts_hbm)


def _expert_cv2_body(idx_sref, wts_sref, y0_ref, y1p_ref, Wm1_ref, Wm2_ref,
                     be1_ref, be2_ref, W2_ref, b2_ref, out_ref,
                     xcat_ref, ycat_ref):
    b = pl.program_id(0)
    w1 = wts_sref[2 * b]
    w2 = wts_sref[2 * b + 1]
    for sidx in range(9):
        xcat_ref[sidx * C:(sidx + 1) * C, :] = y1p_ref[0, :, STARTS[sidx]:STARTS[sidx] + NI]
    wcat = jnp.concatenate([Wm1_ref[0], Wm2_ref[0]], axis=0)
    acc = jnp.dot(wcat, xcat_ref[...], preferred_element_type=jnp.float32)
    e1 = _silu(acc[:C] + be1_ref[0])
    e2 = _silu(acc[C:] + be2_ref[0])
    eo = w1 * e1 + w2 * e2
    ycat_ref[:C] = y0_ref[0]
    for h in range(H):
        ycat_ref[C:2 * C, h * W:(h + 1) * W] = y1p_ref[0, :, (h + 1) * WP + 1:(h + 1) * WP + 1 + W]
        ycat_ref[2 * C:, h * W:(h + 1) * W] = eo[:, h * WP:h * WP + W].astype(jnp.bfloat16)
    o = jnp.dot(W2_ref[...], ycat_ref[...], preferred_element_type=jnp.float32) + b2_ref[...]
    out_ref[0] = _silu(o)


def kernel(x, W1, b1, Wr, br, We, be, W2, b2):
    B = x.shape[0]
    xf = x.reshape(B, C1, H * W)
    W1r = W1.reshape(2 * C, C1)
    b1c = b1.reshape(2 * C, 1)
    Wm2 = (We.transpose(0, 3, 4, 1, 2)
             .reshape(E, 9, C, C)
             .transpose(0, 2, 1, 3)
             .reshape(E, C, 9 * C)
             .astype(jnp.bfloat16))
    bec = be.reshape(E, C, 1)
    W2r = W2.reshape(C2, (2 + 1) * C).astype(jnp.bfloat16)
    b2c = b2.reshape(C2, 1)

    y0d, y1p, pooled = pl.pallas_call(
        _cv1_body,
        grid=(B,),
        in_specs=[
            pl.BlockSpec((1, C1, H * W), lambda b: (b, 0, 0)),
            pl.BlockSpec((2 * C, C1), lambda b: (0, 0)),
            pl.BlockSpec((2 * C, 1), lambda b: (0, 0)),
        ],
        out_specs=[
            pl.BlockSpec((1, C, H * W), lambda b: (b, 0, 0)),
            pl.BlockSpec((1, C, NP), lambda b: (b, 0, 0)),
            pl.BlockSpec((1, C, 1), lambda b: (b, 0, 0)),
        ],
        out_shape=[
            jax.ShapeDtypeStruct((B, C, H * W), jnp.bfloat16),
            jax.ShapeDtypeStruct((B, C, NP), jnp.bfloat16),
            jax.ShapeDtypeStruct((B, C, 1), jnp.float32),
        ],
        compiler_params=pltpu.CompilerParams(
            dimension_semantics=("parallel",)),
    )(xf, W1r, b1c)

    pooled_flat = pooled.reshape(B * C)
    wr_flat = Wr.reshape(E * C)
    br_pad = jnp.concatenate([br, jnp.zeros((L - E,), jnp.float32)])

    router = functools.partial(
        pl.kernel,
        mesh=plsc.VectorSubcoreMesh(core_axis_name="c", subcore_axis_name="s"),
        out_type=(
            jax.ShapeDtypeStruct((L,), jnp.int32),
            jax.ShapeDtypeStruct((L,), jnp.float32),
        ),
        scratch_types=[
            pltpu.VMEM((B * C,), jnp.float32),
            pltpu.VMEM((E * C,), jnp.float32),
            pltpu.VMEM((L,), jnp.float32),
            pltpu.VMEM((L,), jnp.int32),
            pltpu.VMEM((L,), jnp.float32),
        ],
        compiler_params=pltpu.CompilerParams(needs_layout_passes=False),
    )(_router_sc_body)
    idx16, wts16 = router(pooled_flat, wr_flat, br_pad)
    idx_flat = idx16[:B * TOPK]
    wts_flat = wts16[:B * TOPK]

    grid_spec = pltpu.PrefetchScalarGridSpec(
        num_scalar_prefetch=2,
        grid=(B,),
        in_specs=[
            pl.BlockSpec((1, C, H * W), lambda b, I, Ww: (b, 0, 0)),
            pl.BlockSpec((1, C, NP), lambda b, I, Ww: (b, 0, 0)),
            pl.BlockSpec((1, C, 9 * C), lambda b, I, Ww: (I[2 * b], 0, 0)),
            pl.BlockSpec((1, C, 9 * C), lambda b, I, Ww: (I[2 * b + 1], 0, 0)),
            pl.BlockSpec((1, C, 1), lambda b, I, Ww: (I[2 * b], 0, 0)),
            pl.BlockSpec((1, C, 1), lambda b, I, Ww: (I[2 * b + 1], 0, 0)),
            pl.BlockSpec((C2, 3 * C), lambda b, I, Ww: (0, 0)),
            pl.BlockSpec((C2, 1), lambda b, I, Ww: (0, 0)),
        ],
        out_specs=pl.BlockSpec((1, C2, H * W), lambda b, I, Ww: (b, 0, 0)),
        scratch_shapes=[
            pltpu.VMEM((9 * C, NI), jnp.bfloat16),
            pltpu.VMEM((3 * C, H * W), jnp.bfloat16),
        ],
    )
    out_f = pl.pallas_call(
        _expert_cv2_body,
        grid_spec=grid_spec,
        out_shape=jax.ShapeDtypeStruct((B, C2, H * W), jnp.float32),
        compiler_params=pltpu.CompilerParams(
            dimension_semantics=("parallel",)),
    )(idx_flat, wts_flat, y0d, y1p, Wm2, Wm2, bec, bec, W2r, b2c)

    return out_f.reshape(B, C2, H, W)

# --- scband reference (transcript-rebuilt; emitter-appended) ---
"""Pipeline reference for scband-c2f-dual-modal-mo-e-51531017617523 (READ-ONLY COPY).

The authoritative reference and input builder live on the scoring server;
editing this copy changes nothing except your own understanding.
"""

import jax, jax.numpy as jnp
import numpy as np
from jax import lax

C1 = 384
C2 = 384
C = 192  # int(c2 * e)
E = 4    # num_experts
TOPK = 2
N_REP = 1

def silu(x):
    return x * jax.nn.sigmoid(x)

def conv2d(x, w, b):
    out = lax.conv_general_dilated(x, w, window_strides=(1, 1), padding='SAME',
                                   dimension_numbers=('NCHW', 'OIHW', 'NCHW'))
    return out + b[None, :, None, None]

def setup_inputs(seed: int = 0) -> dict:
    key = jax.random.key(seed)
    ks = [jax.random.fold_in(key, i) for i in range(10)]
    B, H, W = 4, 56, 56
    x = jax.random.normal(ks[0], (B, C1, H, W), dtype=jnp.float32)
    # cv1: Conv(c1, 2c, 1, 1) with folded BN -> weight+bias, SiLU act
    W1 = jax.random.normal(ks[1], (2 * C, C1, 1, 1), dtype=jnp.float32) * np.float32(1.0 / np.sqrt(C1))
    b1 = jnp.zeros((2 * C,), dtype=jnp.float32)
    # router: GAP -> linear(c, num_experts)
    Wr = jax.random.normal(ks[2], (E, C), dtype=jnp.float32) * np.float32(1.0 / np.sqrt(C))
    br = jnp.zeros((E,), dtype=jnp.float32)
    # experts: E x (3x3 conv c->c + SiLU)
    We = jax.random.normal(ks[3], (E, C, C, 3, 3), dtype=jnp.float32) * np.float32(1.0 / np.sqrt(C * 9))
    be = jnp.zeros((E, C), dtype=jnp.float32)
    # cv2: Conv((2+n)c, c2, 1)
    W2 = jax.random.normal(ks[4], (C2, (2 + N_REP) * C, 1, 1), dtype=jnp.float32) * np.float32(1.0 / np.sqrt((2 + N_REP) * C))
    b2 = jnp.zeros((C2,), dtype=jnp.float32)
    return {'x': x, 'W1': W1, 'b1': b1, 'Wr': Wr, 'br': br, 'We': We, 'be': be, 'W2': W2, 'b2': b2}

def reference(x, W1, b1, Wr, br, We, be, W2, b2):
    t = silu(conv2d(x, W1, b1))
    y0 = t[:, :C]
    y1 = t[:, C:]
    moe_input = y1
    # CrossModalRouter: global average pool -> linear -> softmax -> top-k -> renormalize
    pooled = jnp.mean(moe_input, axis=(2, 3))            # [B, C]
    logits = pooled @ Wr.T + br                          # [B, E]
    probs = jax.nn.softmax(logits, axis=-1)
    r_weights, r_indices = lax.top_k(probs, TOPK)        # [B, k]
    r_weights = r_weights / jnp.sum(r_weights, axis=-1, keepdims=True)
    # DualModalExpertContainer: run experts, combine per-sample by routed weights
    all_out = jax.vmap(lambda we, be_: silu(conv2d(moe_input, we, be_)))(We, be)  # [E, B, C, H, W]
    comb = jnp.sum(r_weights[..., None] * jax.nn.one_hot(r_indices, E, dtype=r_weights.dtype), axis=1)  # [B, E]
    expert_out = jnp.einsum('be,ebchw->bchw', comb, all_out)
    cat = jnp.concatenate([y0, y1, expert_out], axis=1)  # [(2+n)*C]
    out = silu(conv2d(cat, W2, b2))
    return out

if __name__ == "__main__":
    import jax
    _d = setup_inputs()
    print(jax.jit(kernel)(*tuple(_d.values())))

</pallas_src>

<mosaic_0001>
#map = affine_map<(d0, d1) -> (0)>
module attributes {stable_mosaic.version = 14 : i64} {
  func.func @_router_sc_body(%arg0: i32, %arg1: i32, %arg2: memref<768xf32, #tpu.memory_space<hbm>>, %arg3: memref<768xf32, #tpu.memory_space<hbm>>, %arg4: memref<16xf32, #tpu.memory_space<hbm>>, %arg5: memref<16xi32, #tpu.memory_space<hbm>>, %arg6: memref<16xf32, #tpu.memory_space<hbm>>, %arg7: memref<768xf32, #tpu.memory_space<vmem>>, %arg8: memref<768xf32, #tpu.memory_space<vmem>>, %arg9: memref<16xf32, #tpu.memory_space<vmem>>, %arg10: memref<16xi32, #tpu.memory_space<vmem>>, %arg11: memref<16xf32, #tpu.memory_space<vmem>>) attributes {dimension_semantics = [#tpu.dimension_semantics<core_parallel>, #tpu.dimension_semantics<subcore_parallel>], iteration_bounds = array<i64: 2, 16>, scalar_prefetch = 0 : i64, scratch_operands = 5 : i64, tpu.core_type = #tpu.core_type<sc_vector_subcore>, window_params = [{transform_indices = #map}, {transform_indices = #map}, {transform_indices = #map}, {transform_indices = #map}, {transform_indices = #map}]} {
    %eq3A = arith.constant 0 : i32
    %eq3A_0 = arith.cmpi eq, %arg0, %eq3A : i32
    %eq3A_1 = arith.constant 0 : i32
    %eq3A_2 = arith.cmpi eq, %arg1, %eq3A_1 : i32
    %and3A = arith.andi %eq3A_0, %eq3A_2 : i1
    %convert_element_type3A = arith.extui %and3A : i1 to i32
    %cond3A = arith.constant 0 : i32
    %cond3A_3 = arith.cmpi ne, %convert_element_type3A, %cond3A : i32
    scf.if %cond3A_3 {
      "tpu.region"() ({
        %run_scoped3A = tpu.sem_alloc : memref<!tpu.dma_semaphore, #tpu.memory_space<semaphore_mem>>
        tpu.enqueue_dma source(%arg2 : memref<768xf32, #tpu.memory_space<hbm>>) target(%arg7 : memref<768xf32, #tpu.memory_space<vmem>>) target_semaphore(%run_scoped3A : memref<!tpu.dma_semaphore, #tpu.memory_space<semaphore_mem>>)
        tpu.wait_dma2 semaphore(%run_scoped3A : memref<!tpu.dma_semaphore, #tpu.memory_space<semaphore_mem>>) src(%arg2 : memref<768xf32, #tpu.memory_space<hbm>>) dst(%arg7 : memref<768xf32, #tpu.memory_space<vmem>>)
        tpu.yield
      }) : () -> ()
      "tpu.region"() ({
        %run_scoped3A = tpu.sem_alloc : memref<!tpu.dma_semaphore, #tpu.memory_space<semaphore_mem>>
        tpu.enqueue_dma source(%arg3 : memref<768xf32, #tpu.memory_space<hbm>>) target(%arg8 : memref<768xf32, #tpu.memory_space<vmem>>) target_semaphore(%run_scoped3A : memref<!tpu.dma_semaphore, #tpu.memory_space<semaphore_mem>>)
        tpu.wait_dma2 semaphore(%run_scoped3A : memref<!tpu.dma_semaphore, #tpu.memory_space<semaphore_mem>>) src(%arg3 : memref<768xf32, #tpu.memory_space<hbm>>) dst(%arg8 : memref<768xf32, #tpu.memory_space<vmem>>)
        tpu.yield
      }) : () -> ()
      "tpu.region"() ({
        %run_scoped3A = tpu.sem_alloc : memref<!tpu.dma_semaphore, #tpu.memory_space<semaphore_mem>>
        tpu.enqueue_dma source(%arg4 : memref<16xf32, #tpu.memory_space<hbm>>) target(%arg9 : memref<16xf32, #tpu.memory_space<vmem>>) target_semaphore(%run_scoped3A : memref<!tpu.dma_semaphore, #tpu.memory_space<semaphore_mem>>)
        tpu.wait_dma2 semaphore(%run_scoped3A : memref<!tpu.dma_semaphore, #tpu.memory_space<semaphore_mem>>) src(%arg4 : memref<16xf32, #tpu.memory_space<hbm>>) dst(%arg9 : memref<16xf32, #tpu.memory_space<vmem>>)
        tpu.yield
      }) : () -> ()
      %iota3A = tpu.iota {dimensions = array<i32: 0>} : vector<16xi32>
      %get3A = arith.constant 0 : index
      %get3A_4 = tpu.vector_load %arg9[%get3A] {strides = array<i32>} : memref<16xf32, #tpu.memory_space<vmem>>, vector<16xf32>,
      %broadcast_in_dim3A = arith.constant 0 : i32
      %broadcast_in_dim3A_5 = vector.broadcast %broadcast_in_dim3A : i32 to vector<16xi32>
      %broadcast_in_dim3A_6 = arith.constant 0.000000e+00 : f32
      %broadcast_in_dim3A_7 = vector.broadcast %broadcast_in_dim3A_6 : f32 to vector<16xf32>
      %broadcast_in_dim3A_8 = arith.constant 1.000000e+00 : f32
      %broadcast_in_dim3A_9 = vector.broadcast %broadcast_in_dim3A_8 : f32 to vector<16xf32>
      %broadcast_in_dim3A_10 = arith.constant 0.000000e+00 : f32
      %broadcast_in_dim3A_11 = vector.broadcast %broadcast_in_dim3A_10 : f32 to vector<16xf32>
      %broadcast_in_dim3A_12 = arith.constant 0.000000e+00 : f32
      %broadcast_in_dim3A_13 = vector.broadcast %broadcast_in_dim3A_12 : f32 to vector<16xf32>
      %get3A_14 = arith.constant 0 : index
      %get3A_15 = tpu.vector_load %arg7[%get3A_14] {strides = array<i32>} : memref<768xf32, #tpu.memory_space<vmem>>, vector<16xf32>,
      %get3A_16 = arith.constant 0 : index
      %get3A_17 = tpu.vector_load %arg8[%get3A_16] {strides = array<i32>} : memref<768xf32, #tpu.memory_space<vmem>>, vector<16xf32>,
      %mul3A = arith.mulf %get3A_15, %get3A_17 : vector<16xf32>
      %add3A = arith.addf %broadcast_in_dim3A_13, %mul3A : vector<16xf32>
      %get3A_18 = arith.constant 16 : index
      %get3A_19 = tpu.vector_load %arg7[%get3A_18] {strides = array<i32>} : memref<768xf32, #tpu.memory_space<vmem>>, vector<16xf32>,
      %get3A_20 = arith.constant 16 : index
      %get3A_21 = tpu.vector_load %arg8[%get3A_20] {strides = array<i32>} : memref<768xf32, #tpu.memory_space<vmem>>, vector<16xf32>,
      %mul3A_22 = arith.mulf %get3A_19, %get3A_21 : vector<16xf32>
      %add3A_23 = arith.addf %add3A, %mul3A_22 : vector<16xf32>
      %get3A_24 = arith.constant 32 : index
      %get3A_25 = tpu.vector_load %arg7[%get3A_24] {strides = array<i32>} : memref<768xf32, #tpu.memory_space<vmem>>, vector<16xf32>,
      %get3A_26 = arith.constant 32 : index
      %get3A_27 = tpu.vector_load %arg8[%get3A_26] {strides = array<i32>} : memref<768xf32, #tpu.memory_space<vmem>>, vector<16xf32>,
      %mul3A_28 = arith.mulf %get3A_25, %get3A_27 : vector<16xf32>
      %add3A_29 = arith.addf %add3A_23, %mul3A_28 : vector<16xf32>
      %get3A_30 = arith.constant 48 : index
      %get3A_31 = tpu.vector_load %arg7[%get3A_30] {strides = array<i32>} : memref<768xf32, #tpu.memory_space<vmem>>, vector<16xf32>,
      %get3A_32 = arith.constant 48 : index
      %get3A_33 = tpu.vector_load %arg8[%get3A_32] {strides = array<i32>} : memref<768xf32, #tpu.memory_space<vmem>>, vector<16xf32>,
      %mul3A_34 = arith.mulf %get3A_31, %get3A_33 : vector<16xf32>
      %add3A_35 = arith.addf %add3A_29, %mul3A_34 : vector<16xf32>
      %get3A_36 = arith.constant 64 : index
      %get3A_37 = tpu.vector_load %arg7[%get3A_36] {strides = array<i32>} : memref<768xf32, #tpu.memory_space<vmem>>, vector<16xf32>,
      %get3A_38 = arith.constant 64 : index
      %get3A_39 = tpu.vector_load %arg8[%get3A_38] {strides = array<i32>} : memref<768xf32, #tpu.memory_space<vmem>>, vector<16xf32>,
      %mul3A_40 = arith.mulf %get3A_37, %get3A_39 : vector<16xf32>
      %add3A_41 = arith.addf %add3A_35, %mul3A_40 : vector<16xf32>
      %get3A_42 = arith.constant 80 : index
      %get3A_43 = tpu.vector_load %arg7[%get3A_42] {strides = array<i32>} : memref<768xf32, #tpu.memory_space<vmem>>, vector<16xf32>,
      %get3A_44 = arith.constant 80 : index
      %get3A_45 = tpu.vector_load %arg8[%get3A_44] {strides = array<i32>} : memref<768xf32, #tpu.memory_space<vmem>>, vector<16xf32>,
      %mul3A_46 = arith.mulf %get3A_43, %get3A_45 : vector<16xf32>
      %add3A_47 = arith.addf %add3A_41, %mul3A_46 : vector<16xf32>
      %get3A_48 = arith.constant 96 : index
      %get3A_49 = tpu.vector_load %arg7[%get3A_48] {strides = array<i32>} : memref<768xf32, #tpu.memory_space<vmem>>, vector<16xf32>,
      %get3A_50 = arith.constant 96 : index
      %get3A_51 = tpu.vector_load %arg8[%get3A_50] {strides = array<i32>} : memref<768xf32, #tpu.memory_space<vmem>>, vector<16xf32>,
      %mul3A_52 = arith.mulf %get3A_49, %get3A_51 : vector<16xf32>
      %add3A_53 = arith.addf %add3A_47, %mul3A_52 : vector<16xf32>
      %get3A_54 = arith.constant 112 : index
      %get3A_55 = tpu.vector_load %arg7[%get3A_54] {strides = array<i32>} : memref<768xf32, #tpu.memory_space<vmem>>, vector<16xf32>,
      %get3A_56 = arith.constant 112 : index
      %get3A_57 = tpu.vector_load %arg8[%get3A_56] {strides = array<i32>} : memref<768xf32, #tpu.memory_space<vmem>>, vector<16xf32>,
      %mul3A_58 = arith.mulf %get3A_55, %get3A_57 : vector<16xf32>
      %add3A_59 = arith.addf %add3A_53, %mul3A_58 : vector<16xf32>
      %get3A_60 = arith.constant 128 : index
      %get3A_61 = tpu.vector_load %arg7[%get3A_60] {strides = array<i32>} : memref<768xf32, #tpu.memory_space<vmem>>, vector<16xf32>,
      %get3A_62 = arith.constant 128 : index
      %get3A_63 = tpu.vector_load %arg8[%get3A_62] {strides = array<i32>} : memref<768xf32, #tpu.memory_space<vmem>>, vector<16xf32>,
      %mul3A_64 = arith.mulf %get3A_61, %get3A_63 : vector<16xf32>
      %add3A_65 = arith.addf %add3A_59, %mul3A_64 : vector<16xf32>
      %get3A_66 = arith.constant 144 : index
      %get3A_67 = tpu.vector_load %arg7[%get3A_66] {strides = array<i32>} : memref<768xf32, #tpu.memory_space<vmem>>, vector<16xf32>,
      %get3A_68 = arith.constant 144 : index
      %get3A_69 = tpu.vector_load %arg8[%get3A_68] {strides = array<i32>} : memref<768xf32, #tpu.memory_space<vmem>>, vector<16xf32>,
      %mul3A_70 = arith.mulf %get3A_67, %get3A_69 : vector<16xf32>
      %add3A_71 = arith.addf %add3A_65, %mul3A_70 : vector<16xf32>
      %get3A_72 = arith.constant 160 : index
      %get3A_73 = tpu.vector_load %arg7[%get3A_72] {strides = array<i32>} : memref<768xf32, #tpu.memory_space<vmem>>, vector<16xf32>,
      %get3A_74 = arith.constant 160 : index
      %get3A_75 = tpu.vector_load %arg8[%get3A_74] {strides = array<i32>} : memref<768xf32, #tpu.memory_space<vmem>>, vector<16xf32>,
      %mul3A_76 = arith.mulf %get3A_73, %get3A_75 : vector<16xf32>
      %add3A_77 = arith.addf %add3A_71, %mul3A_76 : vector<16xf32>
      %get3A_78 = arith.constant 176 : index
      %get3A_79 = tpu.vector_load %arg7[%get3A_78] {strides = array<i32>} : memref<768xf32, #tpu.memory_space<vmem>>, vector<16xf32>,
      %get3A_80 = arith.constant 176 : index
      %get3A_81 = tpu.vector_load %arg8[%get3A_80] {strides = array<i32>} : memref<768xf32, #tpu.memory_space<vmem>>, vector<16xf32>,
      %mul3A_82 = arith.mulf %get3A_79, %get3A_81 : vector<16xf32>
      %add3A_83 = arith.addf %add3A_77, %mul3A_82 : vector<16xf32>
      %reduce_sum3A = arith.constant true
      %reduce_sum3A_84 = vector.broadcast %reduce_sum3A : i1 to vector<16xi1>
      %reduce_sum3A_85 = tpu.scan <sum>, %add3A_83 masked %reduce_sum3A_84 : vector<16xf32>, vector<16xi1> -> vector<16xf32>
      %reduce_sum3A_86 = vector.extract %reduce_sum3A_85[15] : f32 from vector<16xf32>
      %eq3A_87 = arith.constant 0 : i32
      %eq3A_88 = vector.broadcast %eq3A_87 : i32 to vector<16xi32>
      %eq3A_89 = arith.cmpi eq, %iota3A, %eq3A_88 : vector<16xi32>
      %broadcast_in_dim3A_90 = vector.broadcast %reduce_sum3A_86 : f32 to vector<16xf32>
      %select_n3A = arith.select %eq3A_89, %broadcast_in_dim3A_90, %broadcast_in_dim3A_11 : vector<16xi1>, vector<16xf32>
      %broadcast_in_dim3A_91 = arith.constant 0.000000e+00 : f32
      %broadcast_in_dim3A_92 = vector.broadcast %broadcast_in_dim3A_91 : f32 to vector<16xf32>
      %get3A_93 = arith.constant 0 : index
      %get3A_94 = tpu.vector_load %arg7[%get3A_93] {strides = array<i32>} : memref<768xf32, #tpu.memory_space<vmem>>, vector<16xf32>,
      %get3A_95 = arith.constant 192 : index
      %get3A_96 = tpu.vector_load %arg8[%get3A_95] {strides = array<i32>} : memref<768xf32, #tpu.memory_space<vmem>>, vector<16xf32>,
      %mul3A_97 = arith.mulf %get3A_94, %get3A_96 : vector<16xf32>
      %add3A_98 = arith.addf %broadcast_in_dim3A_92, %mul3A_97 : vector<16xf32>
      %get3A_99 = arith.constant 16 : index
      %get3A_100 = tpu.vector_load %arg7[%get3A_99] {strides = array<i32>} : memref<768xf32, #tpu.memory_space<vmem>>, vector<16xf32>,
      %get3A_101 = arith.constant 208 : index
      %get3A_102 = tpu.vector_load %arg8[%get3A_101] {strides = array<i32>} : memref<768xf32, #tpu.memory_space<vmem>>, vector<16xf32>,
      %mul3A_103 = arith.mulf %get3A_100, %get3A_102 : vector<16xf32>
      %add3A_104 = arith.addf %add3A_98, %mul3A_103 : vector<16xf32>
      %get3A_105 = arith.constant 32 : index
      %get3A_106 = tpu.vector_load %arg7[%get3A_105] {strides = array<i32>} : memref<768xf32, #tpu.memory_space<vmem>>, vector<16xf32>,
      %get3A_107 = arith.constant 224 : index
      %get3A_108 = tpu.vector_load %arg8[%get3A_107] {strides = array<i32>} : memref<768xf32, #tpu.memory_space<vmem>>, vector<16xf32>,
      %mul3A_109 = arith.mulf %get3A_106, %get3A_108 : vector<16xf32>
      %add3A_110 = arith.addf %add3A_104, %mul3A_109 : vector<16xf32>
      %get3A_111 = arith.constant 48 : index
      %get3A_112 = tpu.vector_load %arg7[%get3A_111] {strides = array<i32>} : memref<768xf32, #tpu.memory_space<vmem>>, vector<16xf32>,
      %get3A_113 = arith.constant 240 : index
      %get3A_114 = tpu.vector_load %arg8[%get3A_113] {strides = array<i32>} : memref<768xf32, #tpu.memory_space<vmem>>, vector<16xf32>,
      %mul3A_115 = arith.mulf %get3A_112, %get3A_114 : vector<16xf32>
      %add3A_116 = arith.addf %add3A_110, %mul3A_115 : vector<16xf32>
      %get3A_117 = arith.constant 64 : index
      %get3A_118 = tpu.vector_load %arg7[%get3A_117] {strides = array<i32>} : memref<768xf32, #tpu.memory_space<vmem>>, vector<16xf32>,
      %get3A_119 = arith.constant 256 : index
      %get3A_120 = tpu.vector_load %arg8[%get3A_119] {strides = array<i32>} : memref<768xf32, #tpu.memory_space<vmem>>, vector<16xf32>,
      %mul3A_121 = arith.mulf %get3A_118, %get3A_120 : vector<16xf32>
      %add3A_122 = arith.addf %add3A_116, %mul3A_121 : vector<16xf32>
      %get3A_123 = arith.constant 80 : index
      %get3A_124 = tpu.vector_load %arg7[%get3A_123] {strides = array<i32>} : memref<768xf32, #tpu.memory_space<vmem>>, vector<16xf32>,
      %get3A_125 = arith.constant 272 : index
      %get3A_126 = tpu.vector_load %arg8[%get3A_125] {strides = array<i32>} : memref<768xf32, #tpu.memory_space<vmem>>, vector<16xf32>,
      %mul3A_127 = arith.mulf %get3A_124, %get3A_126 : vector<16xf32>
      %add3A_128 = arith.addf %add3A_122, %mul3A_127 : vector<16xf32>
      %get3A_129 = arith.constant 96 : index
      %get3A_130 = tpu.vector_load %arg7[%get3A_129] {strides = array<i32>} : memref<768xf32, #tpu.memory_space<vmem>>, vector<16xf32>,
      %get3A_131 = arith.constant 288 : index
      %get3A_132 = tpu.vector_load %arg8[%get3A_131] {strides = array<i32>} : memref<768xf32, #tpu.memory_space<vmem>>, vector<16xf32>,
      %mul3A_133 = arith.mulf %get3A_130, %get3A_132 : vector<16xf32>
      %add3A_134 = arith.addf %add3A_128, %mul3A_133 : vector<16xf32>
      %get3A_135 = arith.constant 112 : index
      %get3A_136 = tpu.vector_load %arg7[%get3A_135] {strides = array<i32>} : memref<768xf32, #tpu.memory_space<vmem>>, vector<16xf32>,
      %get3A_137 = arith.constant 304 : index
      %get3A_138 = tpu.vector_load %arg8[%get3A_137] {strides = array<i32>} : memref<768xf32, #tpu.memory_space<vmem>>, vector<16xf32>,
      %mul3A_139 = arith.mulf %get3A_136, %get3A_138 : vector<16xf32>
      %add3A_140 = arith.addf %add3A_134, %mul3A_139 : vector<16xf32>
      %get3A_141 = arith.constant 128 : index
      %get3A_142 = tpu.vector_load %arg7[%get3A_141] {strides = array<i32>} : memref<768xf32, #tpu.memory_space<vmem>>, vector<16xf32>,
      %get3A_143 = arith.constant 320 : index
      %get3A_144 = tpu.vector_load %arg8[%get3A_143] {strides = array<i32>} : memref<768xf32, #tpu.memory_space<vmem>>, vector<16xf32>,
      %mul3A_145 = arith.mulf %get3A_142, %get3A_144 : vector<16xf32>
      %add3A_146 = arith.addf %add3A_140, %mul3A_145 : vector<16xf32>
      %get3A_147 = arith.constant 144 : index
      %get3A_148 = tpu.vector_load %arg7[%get3A_147] {strides = array<i32>} : memref<768xf32, #tpu.memory_space<vmem>>, vector<16xf32>,
      %get3A_149 = arith.constant 336 : index
      %get3A_150 = tpu.vector_load %arg8[%get3A_149] {strides = array<i32>} : memref<768xf32, #tpu.memory_space<vmem>>, vector<16xf32>,
      %mul3A_151 = arith.mulf %get3A_148, %get3A_150 : vector<16xf32>
      %add3A_152 = arith.addf %add3A_146, %mul3A_151 : vector<16xf32>
      %get3A_153 = arith.constant 160 : index
      %get3A_154 = tpu.vector_load %arg7[%get3A_153] {strides = array<i32>} : memref<768xf32, #tpu.memory_space<vmem>>, vector<16xf32>,
      %get3A_155 = arith.constant 352 : index
      %get3A_156 = tpu.vector_load %arg8[%get3A_155] {strides = array<i32>} : memref<768xf32, #tpu.memory_space<vmem>>, vector<16xf32>,
      %mul3A_157 = arith.mulf %get3A_154, %get3A_156 : vector<16xf32>
      %add3A_158 = arith.addf %add3A_152, %mul3A_157 : vector<16xf32>
      %get3A_159 = arith.constant 176 : index
      %get3A_160 = tpu.vector_load %arg7[%get3A_159] {strides = array<i32>} : memref<768xf32, #tpu.memory_space<vmem>>, vector<16xf32>,
      %get3A_161 = arith.constant 368 : index
      %get3A_162 = tpu.vector_load %arg8[%get3A_161] {strides = array<i32>} : memref<768xf32, #tpu.memory_space<vmem>>, vector<16xf32>,
      %mul3A_163 = arith.mulf %get3A_160, %get3A_162 : vector<16xf32>
      %add3A_164 = arith.addf %add3A_158, %mul3A_163 : vector<16xf32>
      %reduce_sum3A_165 = arith.constant true
      %reduce_sum3A_166 = vector.broadcast %reduce_sum3A_165 : i1 to vector<16xi1>
      %reduce_sum3A_167 = tpu.scan <sum>, %add3A_164 masked %reduce_sum3A_166 : vector<16xf32>, vector<16xi1> -> vector<16xf32>
      %reduce_sum3A_168 = vector.extract %reduce_sum3A_167[15] : f32 from vector<16xf32>
      %eq3A_169 = arith.constant 1 : i32
      %eq3A_170 = vector.broadcast %eq3A_169 : i32 to vector<16xi32>
      %eq3A_171 = arith.cmpi eq, %iota3A, %eq3A_170 : vector<16xi32>
      %broadcast_in_dim3A_172 = vector.broadcast %reduce_sum3A_168 : f32 to vector<16xf32>
      %select_n3A_173 = arith.select %eq3A_171, %broadcast_in_dim3A_172, %select_n3A : vector<16xi1>, vector<16xf32>
      %broadcast_in_dim3A_174 = arith.constant 0.000000e+00 : f32
      %broadcast_in_dim3A_175 = vector.broadcast %broadcast_in_dim3A_174 : f32 to vector<16xf32>
      %get3A_176 = arith.constant 0 : index
      %get3A_177 = tpu.vector_load %arg7[%get3A_176] {strides = array<i32>} : memref<768xf32, #tpu.memory_space<vmem>>, vector<16xf32>,
      %get3A_178 = arith.constant 384 : index
      %get3A_179 = tpu.vector_load %arg8[%get3A_178] {strides = array<i32>} : memref<768xf32, #tpu.memory_space<vmem>>, vector<16xf32>,
      %mul3A_180 = arith.mulf %get3A_177, %get3A_179 : vector<16xf32>
      %add3A_181 = arith.addf %broadcast_in_dim3A_175, %mul3A_180 : vector<16xf32>
      %get3A_182 = arith.constant 16 : index
      %get3A_183 = tpu.vector_load %arg7[%get3A_182] {strides = array<i32>} : memref<768xf32, #tpu.memory_space<vmem>>, vector<16xf32>,
      %get3A_184 = arith.constant 400 : index
      %get3A_185 = tpu.vector_load %arg8[%get3A_184] {strides = array<i32>} : memref<768xf32, #tpu.memory_space<vmem>>, vector<16xf32>,
      %mul3A_186 = arith.mulf %get3A_183, %get3A_185 : vector<16xf32>
      %add3A_187 = arith.addf %add3A_181, %mul3A_186 : vector<16xf32>
      %get3A_188 = arith.constant 32 : index
      %get3A_189 = tpu.vector_load %arg7[%get3A_188] {strides = array<i32>} : memref<768xf32, #tpu.memory_space<vmem>>, vector<16xf32>,
      %get3A_190 = arith.constant 416 : index
      %get3A_191 = tpu.vector_load %arg8[%get3A_190] {strides = array<i32>} : memref<768xf32, #tpu.memory_space<vmem>>, vector<16xf32>,
      %mul3A_192 = arith.mulf %get3A_189, %get3A_191 : vector<16xf32>
      %add3A_193 = arith.addf %add3A_187, %mul3A_192 : vector<16xf32>
      %get3A_194 = arith.constant 48 : index
      %get3A_195 = tpu.vector_load %arg7[%get3A_194] {strides = array<i32>} : memref<768xf32, #tpu.memory_space<vmem>>, vector<16xf32>,
      %get3A_196 = arith.constant 432 : index
      %get3A_197 = tpu.vector_load %arg8[%get3A_196] {strides = array<i32>} : memref<768xf32, #tpu.memory_space<vmem>>, vector<16xf32>,
      %mul3A_198 = arith.mulf %get3A_195, %get3A_197 : vector<16xf32>
      %add3A_199 = arith.addf %add3A_193, %mul3A_198 : vector<16xf32>
      %get3A_200 = arith.constant 64 : index
      %get3A_201 = tpu.vector_load %arg7[%get3A_200] {strides = array<i32>} : memref<768xf32, #tpu.memory_space<vmem>>, vector<16xf32>,
      %get3A_202 = arith.constant 448 : index
      %get3A_203 = tpu.vector_load %arg8[%get3A_202] {strides = array<i32>} : memref<768xf32, #tpu.memory_space<vmem>>, vector<16xf32>,
      %mul3A_204 = arith.mulf %get3A_201, %get3A_203 : vector<16xf32>
      %add3A_205 = arith.addf %add3A_199, %mul3A_204 : vector<16xf32>
      %get3A_206 = arith.constant 80 : index
      %get3A_207 = tpu.vector_load %arg7[%get3A_206] {strides = array<i32>} : memref<768xf32, #tpu.memory_space<vmem>>, vector<16xf32>,
      %get3A_208 = arith.constant 464 : index
      %get3A_209 = tpu.vector_load %arg8[%get3A_208] {strides = array<i32>} : memref<768xf32, #tpu.memory_space<vmem>>, vector<16xf32>,
      %mul3A_210 = arith.mulf %get3A_207, %get3A_209 : vector<16xf32>
      %add3A_211 = arith.addf %add3A_205, %mul3A_210 : vector<16xf32>
      %get3A_212 = arith.constant 96 : index
      %get3A_213 = tpu.vector_load %arg7[%get3A_212] {strides = array<i32>} : memref<768xf32, #tpu.memory_space<vmem>>, vector<16xf32>,
      %get3A_214 = arith.constant 480 : index
      %get3A_215 = tpu.vector_load %arg8[%get3A_214] {strides = array<i32>} : memref<768xf32, #tpu.memory_space<vmem>>, vector<16xf32>,
      %mul3A_216 = arith.mulf %get3A_213, %get3A_215 : vector<16xf32>
      %add3A_217 = arith.addf %add3A_211, %mul3A_216 : vector<16xf32>
      %get3A_218 = arith.constant 112 : index
      %get3A_219 = tpu.vector_load %arg7[%get3A_218] {strides = array<i32>} : memref<768xf32, #tpu.memory_space<vmem>>, vector<16xf32>,
      %get3A_220 = arith.constant 496 : index
      %get3A_221 = tpu.vector_load %arg8[%get3A_220] {strides = array<i32>} : memref<768xf32, #tpu.memory_space<vmem>>, vector<16xf32>,
      %mul3A_222 = arith.mulf %get3A_219, %get3A_221 : vector<16xf32>
      %add3A_223 = arith.addf %add3A_217, %mul3A_222 : vector<16xf32>
      %get3A_224 = arith.constant 128 : index
      %get3A_225 = tpu.vector_load %arg7[%get3A_224] {strides = array<i32>} : memref<768xf32, #tpu.memory_space<vmem>>, vector<16xf32>,
      %get3A_226 = arith.constant 512 : index
      %get3A_227 = tpu.vector_load %arg8[%get3A_226] {strides = array<i32>} : memref<768xf32, #tpu.memory_space<vmem>>, vector<16xf32>,
      %mul3A_228 = arith.mulf %get3A_225, %get3A_227 : vector<16xf32>
      %add3A_229 = arith.addf %add3A_223, %mul3A_228 : vector<16xf32>
      %get3A_230 = arith.constant 144 : index
      %get3A_231 = tpu.vector_load %arg7[%get3A_230] {strides = array<i32>} : memref<768xf32, #tpu.memory_space<vmem>>, vector<16xf32>,
      %get3A_232 = arith.constant 528 : index
      %get3A_233 = tpu.vector_load %arg8[%get3A_232] {strides = array<i32>} : memref<768xf32, #tpu.memory_space<vmem>>, vector<16xf32>,
      %mul3A_234 = arith.mulf %get3A_231, %get3A_233 : vector<16xf32>
      %add3A_235 = arith.addf %add3A_229, %mul3A_234 : vector<16xf32>
      %get3A_236 = arith.constant 160 : index
      %get3A_237 = tpu.vector_load %arg7[%get3A_236] {strides = array<i32>} : memref<768xf32, #tpu.memory_space<vmem>>, vector<16xf32>,
      %get3A_238 = arith.constant 544 : index
      %get3A_239 = tpu.vector_load %arg8[%get3A_238] {strides = array<i32>} : memref<768xf32, #tpu.memory_space<vmem>>, vector<16xf32>,
      %mul3A_240 = arith.mulf %get3A_237, %get3A_239 : vector<16xf32>
      %add3A_241 = arith.addf %add3A_235, %mul3A_240 : vector<16xf32>
      %get3A_242 = arith.constant 176 : index
      %get3A_243 = tpu.vector_load %arg7[%get3A_242] {strides = array<i32>} : memref<768xf32, #tpu.memory_space<vmem>>, vector<16xf32>,
      %get3A_244 = arith.constant 560 : index
      %get3A_245 = tpu.vector_load %arg8[%get3A_244] {strides = array<i32>} : memref<768xf32, #tpu.memory_space<vmem>>, vector<16xf32>,
      %mul3A_246 = arith.mulf %get3A_243, %get3A_245 : vector<16xf32>
      %add3A_247 = arith.addf %add3A_241, %mul3A_246 : vector<16xf32>
      %reduce_sum3A_248 = arith.constant true
      %reduce_sum3A_249 = vector.broadcast %reduce_sum3A_248 : i1 to vector<16xi1>
      %reduce_sum3A_250 = tpu.scan <sum>, %add3A_247 masked %reduce_sum3A_249 : vector<16xf32>, vector<16xi1> -> vector<16xf32>
      %reduce_sum3A_251 = vector.extract %reduce_sum3A_250[15] : f32 from vector<16xf32>
      %eq3A_252 = arith.constant 2 : i32
      %eq3A_253 = vector.broadcast %eq3A_252 : i32 to vector<16xi32>
      %eq3A_254 = arith.cmpi eq, %iota3A, %eq3A_253 : vector<16xi32>
      %broadcast_in_dim3A_255 = vector.broadcast %reduce_sum3A_251 : f32 to vector<16xf32>
      %select_n3A_256 = arith.select %eq3A_254, %broadcast_in_dim3A_255, %select_n3A_173 : vector<16xi1>, vector<16xf32>
      %broadcast_in_dim3A_257 = arith.constant 0.000000e+00 : f32
      %broadcast_in_dim3A_258 = vector.broadcast %broadcast_in_dim3A_257 : f32 to vector<16xf32>
      %get3A_259 = arith.constant 0 : index
      %get3A_260 = tpu.vector_load %arg7[%get3A_259] {strides = array<i32>} : memref<768xf32, #tpu.memory_space<vmem>>, vector<16xf32>,
      %get3A_261 = arith.constant 576 : index
      %get3A_262 = tpu.vector_load %arg8[%get3A_261] {strides = array<i32>} : memref<768xf32, #tpu.memory_space<vmem>>, vector<16xf32>,
      %mul3A_263 = arith.mulf %get3A_260, %get3A_262 : vector<16xf32>
      %add3A_264 = arith.addf %broadcast_in_dim3A_258, %mul3A_263 : vector<16xf32>
      %get3A_265 = arith.constant 16 : index
      %get3A_266 = tpu.vector_load %arg7[%get3A_265] {strides = array<i32>} : memref<768xf32, #tpu.memory_space<vmem>>, vector<16xf32>,
      %get3A_267 = arith.constant 592 : index
      %get3A_268 = tpu.vector_load %arg8[%get3A_267] {strides = array<i32>} : memref<768xf32, #tpu.memory_space<vmem>>, vector<16xf32>,
      %mul3A_269 = arith.mulf %get3A_266, %get3A_268 : vector<16xf32>
      %add3A_270 = arith.addf %add3A_264, %mul3A_269 : vector<16xf32>
      %get3A_271 = arith.constant 32 : index
      %get3A_272 = tpu.vector_load %arg7[%get3A_271] {strides = array<i32>} : memref<768xf32, #tpu.memory_space<vmem>>, vector<16xf32>,
      %get3A_273 = arith.constant 608 : index
      %get3A_274 = tpu.vector_load %arg8[%get3A_273] {strides = array<i32>} : memref<768xf32, #tpu.memory_space<vmem>>, vector<16xf32>,
      %mul3A_275 = arith.mulf %get3A_272, %get3A_274 : vector<16xf32>
      %add3A_276 = arith.addf %add3A_270, %mul3A_275 : vector<16xf32>
      %get3A_277 = arith.constant 48 : index
      %get3A_278 = tpu.vector_load %arg7[%get3A_277] {strides = array<i32>} : memref<768xf32, #tpu.memory_space<vmem>>, vector<16xf32>,
      %get3A_279 = arith.constant 624 : index
      %get3A_280 = tpu.vector_load %arg8[%get3A_279] {strides = array<i32>} : memref<768xf32, #tpu.memory_space<vmem>>, vector<16xf32>,
      %mul3A_281 = arith.mulf %get3A_278, %get3A_280 : vector<16xf32>
      %add3A_282 = arith.addf %add3A_276, %mul3A_281 : vector<16xf32>
      %get3A_283 = arith.constant 64 : index
      %get3A_284 = tpu.vector_load %arg7[%get3A_283] {strides = array<i32>} : memref<768xf32, #tpu.memory_space<vmem>>, vector<16xf32>,
      %get3A_285 = arith.constant 640 : index
      %get3A_286 = tpu.vector_load %arg8[%get3A_285] {strides = array<i32>} : memref<768xf32, #tpu.memory_space<vmem>>, vector<16xf32>,
      %mul3A_287 = arith.mulf %get3A_284, %get3A_286 : vector<16xf32>
      %add3A_288 = arith.addf %add3A_282, %mul3A_287 : vector<16xf32>
      %get3A_289 = arith.constant 80 : index
      %get3A_290 = tpu.vector_load %arg7[%get3A_289] {strides = array<i32>} : memref<768xf32, #tpu.memory_space<vmem>>, vector<16xf32>,
      %get3A_291 = arith.constant 656 : index
      %get3A_292 = tpu.vector_load %arg8[%get3A_291] {strides = array<i32>} : memref<768xf32, #tpu.memory_space<vmem>>, vector<16xf32>,
      %mul3A_293 = arith.mulf %get3A_290, %get3A_292 : vector<16xf32>
      %add3A_294 = arith.addf %add3A_288, %mul3A_293 : vector<16xf32>
      %get3A_295 = arith.constant 96 : index
      %get3A_296 = tpu.vector_load %arg7[%get3A_295] {strides = array<i32>} : memref<768xf32, #tpu.memory_space<vmem>>, vector<16xf32>,
      %get3A_297 = arith.constant 672 : index
      %get3A_298 = tpu.vector_load %arg8[%get3A_297] {strides = array<i32>} : memref<768xf32, #tpu.memory_space<vmem>>, vector<16xf32>,
      %mul3A_299 = arith.mulf %get3A_296, %get3A_298 : vector<16xf32>
      %add3A_300 = arith.addf %add3A_294, %mul3A_299 : vector<16xf32>
      %get3A_301 = arith.constant 112 : index
      %get3A_302 = tpu.vector_load %arg7[%get3A_301] {strides = array<i32>} : memref<768xf32, #tpu.memory_space<vmem>>, vector<16xf32>,
      %get3A_303 = arith.constant 688 : index
      %get3A_304 = tpu.vector_load %arg8[%get3A_303] {strides = array<i32>} : memref<768xf32, #tpu.memory_space<vmem>>, vector<16xf32>,
      %mul3A_305 = arith.mulf %get3A_302, %get3A_304 : vector<16xf32>
      %add3A_306 = arith.addf %add3A_300, %mul3A_305 : vector<16xf32>
      %get3A_307 = arith.constant 128 : index
      %get3A_308 = tpu.vector_load %arg7[%get3A_307] {strides = array<i32>} : memref<768xf32, #tpu.memory_space<vmem>>, vector<16xf32>,
      %get3A_309 = arith.constant 704 : index
      %get3A_310 = tpu.vector_load %arg8[%get3A_309] {strides = array<i32>} : memref<768xf32, #tpu.memory_space<vmem>>, vector<16xf32>,
      %mul3A_311 = arith.mulf %get3A_308, %get3A_310 : vector<16xf32>
      %add3A_312 = arith.addf %add3A_306, %mul3A_311 : vector<16xf32>
      %get3A_313 = arith.constant 144 : index
      %get3A_314 = tpu.vector_load %arg7[%get3A_313] {strides = array<i32>} : memref<768xf32, #tpu.memory_space<vmem>>, vector<16xf32>,
      %get3A_315 = arith.constant 720 : index
      %get3A_316 = tpu.vector_load %arg8[%get3A_315] {strides = array<i32>} : memref<768xf32, #tpu.memory_space<vmem>>, vector<16xf32>,
      %mul3A_317 = arith.mulf %get3A_314, %get3A_316 : vector<16xf32>
      %add3A_318 = arith.addf %add3A_312, %mul3A_317 : vector<16xf32>
      %get3A_319 = arith.constant 160 : index
      %get3A_320 = tpu.vector_load %arg7[%get3A_319] {strides = array<i32>} : memref<768xf32, #tpu.memory_space<vmem>>, vector<16xf32>,
      %get3A_321 = arith.constant 736 : index
      %get3A_322 = tpu.vector_load %arg8[%get3A_321] {strides = array<i32>} : memref<768xf32, #tpu.memory_space<vmem>>, vector<16xf32>,
      %mul3A_323 = arith.mulf %get3A_320, %get3A_322 : vector<16xf32>
      %add3A_324 = arith.addf %add3A_318, %mul3A_323 : vector<16xf32>
      %get3A_325 = arith.constant 176 : index
      %get3A_326 = tpu.vector_load %arg7[%get3A_325] {strides = array<i32>} : memref<768xf32, #tpu.memory_space<vmem>>, vector<16xf32>,
      %get3A_327 = arith.constant 752 : index
      %get3A_328 = tpu.vector_load %arg8[%get3A_327] {strides = array<i32>} : memref<768xf32, #tpu.memory_space<vmem>>, vector<16xf32>,
      %mul3A_329 = arith.mulf %get3A_326, %get3A_328 : vector<16xf32>
      %add3A_330 = arith.addf %add3A_324, %mul3A_329 : vector<16xf32>
      %reduce_sum3A_331 = arith.constant true
      %reduce_sum3A_332 = vector.broadcast %reduce_sum3A_331 : i1 to vector<16xi1>
      %reduce_sum3A_333 = tpu.scan <sum>, %add3A_330 masked %reduce_sum3A_332 : vector<16xf32>, vector<16xi1> -> vector<16xf32>
      %reduce_sum3A_334 = vector.extract %reduce_sum3A_333[15] : f32 from vector<16xf32>
      %eq3A_335 = arith.constant 3 : i32
      %eq3A_336 = vector.broadcast %eq3A_335 : i32 to vector<16xi32>
      %eq3A_337 = arith.cmpi eq, %iota3A, %eq3A_336 : vector<16xi32>
      %broadcast_in_dim3A_338 = vector.broadcast %reduce_sum3A_334 : f32 to vector<16xf32>
      %select_n3A_339 = arith.select %eq3A_337, %broadcast_in_dim3A_338, %select_n3A_256 : vector<16xi1>, vector<16xf32>
      %add3A_340 = arith.addf %select_n3A_339, %get3A_4 : vector<16xf32>
      %lt3A = arith.constant 4 : i32
      %lt3A_341 = vector.broadcast %lt3A : i32 to vector<16xi32>
      %lt3A_342 = arith.cmpi slt, %iota3A, %lt3A_341 : vector<16xi32>
      %jit3A = arith.constant -1.000000e+30 : f32
      %broadcast_in_dim3A_343 = vector.broadcast %jit3A : f32 to vector<16xf32>
      %select_n3A_344 = arith.select %lt3A_342, %add3A_340, %broadcast_in_dim3A_343 : vector<16xi1>, vector<16xf32>
      %reduce_max3A = arith.constant true
      %reduce_max3A_345 = vector.broadcast %reduce_max3A : i1 to vector<16xi1>
      %reduce_max3A_346 = tpu.scan <max>, %select_n3A_344 masked %reduce_max3A_345 : vector<16xf32>, vector<16xi1> -> vector<16xf32>
      %reduce_max3A_347 = vector.extract %reduce_max3A_346[15] : f32 from vector<16xf32>
      %sub3A = vector.broadcast %reduce_max3A_347 : f32 to vector<16xf32>
      %sub3A_348 = arith.subf %select_n3A_344, %sub3A : vector<16xf32>
      %exp3A = math.exp %sub3A_348 : vector<16xf32>
      %reduce_max3A_349 = arith.constant true
      %reduce_max3A_350 = vector.broadcast %reduce_max3A_349 : i1 to vector<16xi1>
      %reduce_max3A_351 = tpu.scan <max>, %exp3A masked %reduce_max3A_350 : vector<16xf32>, vector<16xi1> -> vector<16xf32>
      %reduce_max3A_352 = vector.extract %reduce_max3A_351[15] : f32 from vector<16xf32>
      %ge3A = vector.broadcast %reduce_max3A_352 : f32 to vector<16xf32>
      %ge3A_353 = arith.cmpf oge, %exp3A, %ge3A : vector<16xf32>
      %jit3A_354 = arith.constant 4 : i32
      %broadcast_in_dim3A_355 = vector.broadcast %jit3A_354 : i32 to vector<16xi32>
      %select_n3A_356 = arith.select %ge3A_353, %iota3A, %broadcast_in_dim3A_355 : vector<16xi1>, vector<16xi32>
      %reduce_min3A = arith.constant true
      %reduce_min3A_357 = vector.broadcast %reduce_min3A : i1 to vector<16xi1>
      %reduce_min3A_358 = arith.constant -2147483648 : i32
      %reduce_min3A_359 = vector.broadcast %reduce_min3A_358 : i32 to vector<16xi32>
      %reduce_min3A_360 = arith.xori %select_n3A_356, %reduce_min3A_359 : vector<16xi32>
      %reduce_min3A_361 = tpu.scan <min>, %reduce_min3A_360 masked %reduce_min3A_357 : vector<16xi32>, vector<16xi1> -> vector<16xi32>
      %reduce_min3A_362 = arith.xori %reduce_min3A_361, %reduce_min3A_359 : vector<16xi32>
      %reduce_min3A_363 = vector.extract %reduce_min3A_362[15] : i32 from vector<16xi32>
      %eq3A_364 = vector.broadcast %reduce_min3A_363 : i32 to vector<16xi32>
      %eq3A_365 = arith.cmpi eq, %iota3A, %eq3A_364 : vector<16xi32>
      %jit3A_366 = arith.constant -1.000000e+00 : f32
      %broadcast_in_dim3A_367 = vector.broadcast %jit3A_366 : f32 to vector<16xf32>
      %select_n3A_368 = arith.select %eq3A_365, %broadcast_in_dim3A_367, %exp3A : vector<16xi1>, vector<16xf32>
      %reduce_max3A_369 = arith.constant true
      %reduce_max3A_370 = vector.broadcast %reduce_max3A_369 : i1 to vector<16xi1>
      %reduce_max3A_371 = tpu.scan <max>, %select_n3A_368 masked %reduce_max3A_370 : vector<16xf32>, vector<16xi1> -> vector<16xf32>
      %reduce_max3A_372 = vector.extract %reduce_max3A_371[15] : f32 from vector<16xf32>
      %ge3A_373 = vector.broadcast %reduce_max3A_372 : f32 to vector<16xf32>
      %ge3A_374 = arith.cmpf oge, %select_n3A_368, %ge3A_373 : vector<16xf32>
      %jit3A_375 = arith.constant 4 : i32
      %broadcast_in_dim3A_376 = vector.broadcast %jit3A_375 : i32 to vector<16xi32>
      %select_n3A_377 = arith.select %ge3A_374, %iota3A, %broadcast_in_dim3A_376 : vector<16xi1>, vector<16xi32>
      %reduce_min3A_378 = arith.constant true
      %reduce_min3A_379 = vector.broadcast %reduce_min3A_378 : i1 to vector<16xi1>
      %reduce_min3A_380 = arith.constant -2147483648 : i32
      %reduce_min3A_381 = vector.broadcast %reduce_min3A_380 : i32 to vector<16xi32>
      %reduce_min3A_382 = arith.xori %select_n3A_377, %reduce_min3A_381 : vector<16xi32>
      %reduce_min3A_383 = tpu.scan <min>, %reduce_min3A_382 masked %reduce_min3A_379 : vector<16xi32>, vector<16xi1> -> vector<16xi32>
      %reduce_min3A_384 = arith.xori %reduce_min3A_383, %reduce_min3A_381 : vector<16xi32>
      %reduce_min3A_385 = vector.extract %reduce_min3A_384[15] : i32 from vector<16xi32>
      %add3A_386 = arith.addf %reduce_max3A_352, %reduce_max3A_372 : f32
      %eq3A_387 = arith.constant 0 : i32
      %eq3A_388 = vector.broadcast %eq3A_387 : i32 to vector<16xi32>
      %eq3A_389 = arith.cmpi eq, %iota3A, %eq3A_388 : vector<16xi32>
      %broadcast_in_dim3A_390 = vector.broadcast %reduce_min3A_363 : i32 to vector<16xi32>
      %select_n3A_391 = arith.select %eq3A_389, %broadcast_in_dim3A_390, %broadcast_in_dim3A_5 : vector<16xi1>, vector<16xi32>
      %eq3A_392 = arith.constant 1 : i32
      %eq3A_393 = vector.broadcast %eq3A_392 : i32 to vector<16xi32>
      %eq3A_394 = arith.cmpi eq, %iota3A, %eq3A_393 : vector<16xi32>
      %broadcast_in_dim3A_395 = vector.broadcast %reduce_min3A_385 : i32 to vector<16xi32>
      %select_n3A_396 = arith.select %eq3A_394, %broadcast_in_dim3A_395, %select_n3A_391 : vector<16xi1>, vector<16xi32>
      %eq3A_397 = arith.constant 0 : i32
      %eq3A_398 = vector.broadcast %eq3A_397 : i32 to vector<16xi32>
      %eq3A_399 = arith.cmpi eq, %iota3A, %eq3A_398 : vector<16xi32>
      %broadcast_in_dim3A_400 = vector.broadcast %reduce_max3A_352 : f32 to vector<16xf32>
      %select_n3A_401 = arith.select %eq3A_399, %broadcast_in_dim3A_400, %broadcast_in_dim3A_7 : vector<16xi1>, vector<16xf32>
      %eq3A_402 = arith.constant 1 : i32
      %eq3A_403 = vector.broadcast %eq3A_402 : i32 to vector<16xi32>
      %eq3A_404 = arith.cmpi eq, %iota3A, %eq3A_403 : vector<16xi32>
      %broadcast_in_dim3A_405 = vector.broadcast %reduce_max3A_372 : f32 to vector<16xf32>
      %select_n3A_406 = arith.select %eq3A_404, %broadcast_in_dim3A_405, %select_n3A_401 : vector<16xi1>, vector<16xf32>
      %eq3A_407 = arith.constant 0 : i32
      %eq3A_408 = vector.broadcast %eq3A_407 : i32 to vector<16xi32>
      %eq3A_409 = arith.cmpi eq, %iota3A, %eq3A_408 : vector<16xi32>
      %eq3A_410 = arith.constant 1 : i32
      %eq3A_411 = vector.broadcast %eq3A_410 : i32 to vector<16xi32>
      %eq3A_412 = arith.cmpi eq, %iota3A, %eq3A_411 : vector<16xi32>
      %or3A = arith.ori %eq3A_409, %eq3A_412 : vector<16xi1>
      %broadcast_in_dim3A_413 = vector.broadcast %add3A_386 : f32 to vector<16xf32>
      %select_n3A_414 = arith.select %or3A, %broadcast_in_dim3A_413, %broadcast_in_dim3A_9 : vector<16xi1>, vector<16xf32>
      %broadcast_in_dim3A_415 = arith.constant 0.000000e+00 : f32
      %broadcast_in_dim3A_416 = vector.broadcast %broadcast_in_dim3A_415 : f32 to vector<16xf32>
      %broadcast_in_dim3A_417 = arith.constant 0.000000e+00 : f32
      %broadcast_in_dim3A_418 = vector.broadcast %broadcast_in_dim3A_417 : f32 to vector<16xf32>
      %get3A_419 = arith.constant 192 : index
      %get3A_420 = tpu.vector_load %arg7[%get3A_419] {strides = array<i32>} : memref<768xf32, #tpu.memory_space<vmem>>, vector<16xf32>,
      %get3A_421 = arith.constant 0 : index
      %get3A_422 = tpu.vector_load %arg8[%get3A_421] {strides = array<i32>} : memref<768xf32, #tpu.memory_space<vmem>>, vector<16xf32>,
      %mul3A_423 = arith.mulf %get3A_420, %get3A_422 : vector<16xf32>
      %add3A_424 = arith.addf %broadcast_in_dim3A_418, %mul3A_423 : vector<16xf32>
      %get3A_425 = arith.constant 208 : index
      %get3A_426 = tpu.vector_load %arg7[%get3A_425] {strides = array<i32>} : memref<768xf32, #tpu.memory_space<vmem>>, vector<16xf32>,
      %get3A_427 = arith.constant 16 : index
      %get3A_428 = tpu.vector_load %arg8[%get3A_427] {strides = array<i32>} : memref<768xf32, #tpu.memory_space<vmem>>, vector<16xf32>,
      %mul3A_429 = arith.mulf %get3A_426, %get3A_428 : vector<16xf32>
      %add3A_430 = arith.addf %add3A_424, %mul3A_429 : vector<16xf32>
      %get3A_431 = arith.constant 224 : index
      %get3A_432 = tpu.vector_load %arg7[%get3A_431] {strides = array<i32>} : memref<768xf32, #tpu.memory_space<vmem>>, vector<16xf32>,
      %get3A_433 = arith.constant 32 : index
      %get3A_434 = tpu.vector_load %arg8[%get3A_433] {strides = array<i32>} : memref<768xf32, #tpu.memory_space<vmem>>, vector<16xf32>,
      %mul3A_435 = arith.mulf %get3A_432, %get3A_434 : vector<16xf32>
      %add3A_436 = arith.addf %add3A_430, %mul3A_435 : vector<16xf32>
      %get3A_437 = arith.constant 240 : index
      %get3A_438 = tpu.vector_load %arg7[%get3A_437] {strides = array<i32>} : memref<768xf32, #tpu.memory_space<vmem>>, vector<16xf32>,
      %get3A_439 = arith.constant 48 : index
      %get3A_440 = tpu.vector_load %arg8[%get3A_439] {strides = array<i32>} : memref<768xf32, #tpu.memory_space<vmem>>, vector<16xf32>,
      %mul3A_441 = arith.mulf %get3A_438, %get3A_440 : vector<16xf32>
      %add3A_442 = arith.addf %add3A_436, %mul3A_441 : vector<16xf32>
      %get3A_443 = arith.constant 256 : index
      %get3A_444 = tpu.vector_load %arg7[%get3A_443] {strides = array<i32>} : memref<768xf32, #tpu.memory_space<vmem>>, vector<16xf32>,
      %get3A_445 = arith.constant 64 : index
      %get3A_446 = tpu.vector_load %arg8[%get3A_445] {strides = array<i32>} : memref<768xf32, #tpu.memory_space<vmem>>, vector<16xf32>,
      %mul3A_447 = arith.mulf %get3A_444, %get3A_446 : vector<16xf32>
      %add3A_448 = arith.addf %add3A_442, %mul3A_447 : vector<16xf32>
      %get3A_449 = arith.constant 272 : index
      %get3A_450 = tpu.vector_load %arg7[%get3A_449] {strides = array<i32>} : memref<768xf32, #tpu.memory_space<vmem>>, vector<16xf32>,
      %get3A_451 = arith.constant 80 : index
      %get3A_452 = tpu.vector_load %arg8[%get3A_451] {strides = array<i32>} : memref<768xf32, #tpu.memory_space<vmem>>, vector<16xf32>,
      %mul3A_453 = arith.mulf %get3A_450, %get3A_452 : vector<16xf32>
      %add3A_454 = arith.addf %add3A_448, %mul3A_453 : vector<16xf32>
      %get3A_455 = arith.constant 288 : index
      %get3A_456 = tpu.vector_load %arg7[%get3A_455] {strides = array<i32>} : memref<768xf32, #tpu.memory_space<vmem>>, vector<16xf32>,
      %get3A_457 = arith.constant 96 : index
      %get3A_458 = tpu.vector_load %arg8[%get3A_457] {strides = array<i32>} : memref<768xf32, #tpu.memory_space<vmem>>, vector<16xf32>,
      %mul3A_459 = arith.mulf %get3A_456, %get3A_458 : vector<16xf32>
      %add3A_460 = arith.addf %add3A_454, %mul3A_459 : vector<16xf32>
      %get3A_461 = arith.constant 304 : index
      %get3A_462 = tpu.vector_load %arg7[%get3A_461] {strides = array<i32>} : memref<768xf32, #tpu.memory_space<vmem>>, vector<16xf32>,
      %get3A_463 = arith.constant 112 : index
      %get3A_464 = tpu.vector_load %arg8[%get3A_463] {strides = array<i32>} : memref<768xf32, #tpu.memory_space<vmem>>, vector<16xf32>,
      %mul3A_465 = arith.mulf %get3A_462, %get3A_464 : vector<16xf32>
      %add3A_466 = arith.addf %add3A_460, %mul3A_465 : vector<16xf32>
      %get3A_467 = arith.constant 320 : index
      %get3A_468 = tpu.vector_load %arg7[%get3A_467] {strides = array<i32>} : memref<768xf32, #tpu.memory_space<vmem>>, vector<16xf32>,
      %get3A_469 = arith.constant 128 : index
      %get3A_470 = tpu.vector_load %arg8[%get3A_469] {strides = array<i32>} : memref<768xf32, #tpu.memory_space<vmem>>, vector<16xf32>,
      %mul3A_471 = arith.mulf %get3A_468, %get3A_470 : vector<16xf32>
      %add3A_472 = arith.addf %add3A_466, %mul3A_471 : vector<16xf32>
      %get3A_473 = arith.constant 336 : index
      %get3A_474 = tpu.vector_load %arg7[%get3A_473] {strides = array<i32>} : memref<768xf32, #tpu.memory_space<vmem>>, vector<16xf32>,
      %get3A_475 = arith.constant 144 : index
      %get3A_476 = tpu.vector_load %arg8[%get3A_475] {strides = array<i32>} : memref<768xf32, #tpu.memory_space<vmem>>, vector<16xf32>,
      %mul3A_477 = arith.mulf %get3A_474, %get3A_476 : vector<16xf32>
      %add3A_478 = arith.addf %add3A_472, %mul3A_477 : vector<16xf32>
      %get3A_479 = arith.constant 352 : index
      %get3A_480 = tpu.vector_load %arg7[%get3A_479] {strides = array<i32>} : memref<768xf32, #tpu.memory_space<vmem>>, vector<16xf32>,
      %get3A_481 = arith.constant 160 : index
      %get3A_482 = tpu.vector_load %arg8[%get3A_481] {strides = array<i32>} : memref<768xf32, #tpu.memory_space<vmem>>, vector<16xf32>,
      %mul3A_483 = arith.mulf %get3A_480, %get3A_482 : vector<16xf32>
      %add3A_484 = arith.addf %add3A_478, %mul3A_483 : vector<16xf32>
      %get3A_485 = arith.constant 368 : index
      %get3A_486 = tpu.vector_load %arg7[%get3A_485] {strides = array<i32>} : memref<768xf32, #tpu.memory_space<vmem>>, vector<16xf32>,
      %get3A_487 = arith.constant 176 : index
      %get3A_488 = tpu.vector_load %arg8[%get3A_487] {strides = array<i32>} : memref<768xf32, #tpu.memory_space<vmem>>, vector<16xf32>,
      %mul3A_489 = arith.mulf %get3A_486, %get3A_488 : vector<16xf32>
      %add3A_490 = arith.addf %add3A_484, %mul3A_489 : vector<16xf32>
      %reduce_sum3A_491 = arith.constant true
      %reduce_sum3A_492 = vector.broadcast %reduce_sum3A_491 : i1 to vector<16xi1>
      %reduce_sum3A_493 = tpu.scan <sum>, %add3A_490 masked %reduce_sum3A_492 : vector<16xf32>, vector<16xi1> -> vector<16xf32>
      %reduce_sum3A_494 = vector.extract %reduce_sum3A_493[15] : f32 from vector<16xf32>
      %eq3A_495 = arith.constant 0 : i32
      %eq3A_496 = vector.broadcast %eq3A_495 : i32 to vector<16xi32>
      %eq3A_497 = arith.cmpi eq, %iota3A, %eq3A_496 : vector<16xi32>
      %broadcast_in_dim3A_498 = vector.broadcast %reduce_sum3A_494 : f32 to vector<16xf32>
      %select_n3A_499 = arith.select %eq3A_497, %broadcast_in_dim3A_498, %broadcast_in_dim3A_416 : vector<16xi1>, vector<16xf32>
      %broadcast_in_dim3A_500 = arith.constant 0.000000e+00 : f32
      %broadcast_in_dim3A_501 = vector.broadcast %broadcast_in_dim3A_500 : f32 to vector<16xf32>
      %get3A_502 = arith.constant 192 : index
      %get3A_503 = tpu.vector_load %arg7[%get3A_502] {strides = array<i32>} : memref<768xf32, #tpu.memory_space<vmem>>, vector<16xf32>,
      %get3A_504 = arith.constant 192 : index
      %get3A_505 = tpu.vector_load %arg8[%get3A_504] {strides = array<i32>} : memref<768xf32, #tpu.memory_space<vmem>>, vector<16xf32>,
      %mul3A_506 = arith.mulf %get3A_503, %get3A_505 : vector<16xf32>
      %add3A_507 = arith.addf %broadcast_in_dim3A_501, %mul3A_506 : vector<16xf32>
      %get3A_508 = arith.constant 208 : index
      %get3A_509 = tpu.vector_load %arg7[%get3A_508] {strides = array<i32>} : memref<768xf32, #tpu.memory_space<vmem>>, vector<16xf32>,
      %get3A_510 = arith.constant 208 : index
      %get3A_511 = tpu.vector_load %arg8[%get3A_510] {strides = array<i32>} : memref<768xf32, #tpu.memory_space<vmem>>, vector<16xf32>,
      %mul3A_512 = arith.mulf %get3A_509, %get3A_511 : vector<16xf32>
      %add3A_513 = arith.addf %add3A_507, %mul3A_512 : vector<16xf32>
      %get3A_514 = arith.constant 224 : index
      %get3A_515 = tpu.vector_load %arg7[%get3A_514] {strides = array<i32>} : memref<768xf32, #tpu.memory_space<vmem>>, vector<16xf32>,
      %get3A_516 = arith.constant 224 : index
      %get3A_517 = tpu.vector_load %arg8[%get3A_516] {strides = array<i32>} : memref<768xf32, #tpu.memory_space<vmem>>, vector<16xf32>,
      %mul3A_518 = arith.mulf %get3A_515, %get3A_517 : vector<16xf32>
      %add3A_519 = arith.addf %add3A_513, %mul3A_518 : vector<16xf32>
      %get3A_520 = arith.constant 240 : index
      %get3A_521 = tpu.vector_load %arg7[%get3A_520] {strides = array<i32>} : memref<768xf32, #tpu.memory_space<vmem>>, vector<16xf32>,
      %get3A_522 = arith.constant 240 : index
      %get3A_523 = tpu.vector_load %arg8[%get3A_522] {strides = array<i32>} : memref<768xf32, #tpu.memory_space<vmem>>, vector<16xf32>,
      %mul3A_524 = arith.mulf %get3A_521, %get3A_523 : vector<16xf32>
      %add3A_525 = arith.addf %add3A_519, %mul3A_524 : vector<16xf32>
      %get3A_526 = arith.constant 256 : index
      %get3A_527 = tpu.vector_load %arg7[%get3A_526] {strides = array<i32>} : memref<768xf32, #tpu.memory_space<vmem>>, vector<16xf32>,
      %get3A_528 = arith.constant 256 : index
      %get3A_529 = tpu.vector_load %arg8[%get3A_528] {strides = array<i32>} : memref<768xf32, #tpu.memory_space<vmem>>, vector<16xf32>,
      %mul3A_530 = arith.mulf %get3A_527, %get3A_529 : vector<16xf32>
      %add3A_531 = arith.addf %add3A_525, %mul3A_530 : vector<16xf32>
      %get3A_532 = arith.constant 272 : index
      %get3A_533 = tpu.vector_load %arg7[%get3A_532] {strides = array<i32>} : memref<768xf32, #tpu.memory_space<vmem>>, vector<16xf32>,
      %get3A_534 = arith.constant 272 : index
      %get3A_535 = tpu.vector_load %arg8[%get3A_534] {strides = array<i32>} : memref<768xf32, #tpu.memory_space<vmem>>, vector<16xf32>,
      %mul3A_536 = arith.mulf %get3A_533, %get3A_535 : vector<16xf32>
      %add3A_537 = arith.addf %add3A_531, %mul3A_536 : vector<16xf32>
      %get3A_538 = arith.constant 288 : index
      %get3A_539 = tpu.vector_load %arg7[%get3A_538] {strides = array<i32>} : memref<768xf32, #tpu.memory_space<vmem>>, vector<16xf32>,
      %get3A_540 = arith.constant 288 : index
      %get3A_541 = tpu.vector_load %arg8[%get3A_540] {strides = array<i32>} : memref<768xf32, #tpu.memory_space<vmem>>, vector<16xf32>,
      %mul3A_542 = arith.mulf %get3A_539, %get3A_541 : vector<16xf32>
      %add3A_543 = arith.addf %add3A_537, %mul3A_542 : vector<16xf32>
      %get3A_544 = arith.constant 304 : index
      %get3A_545 = tpu.vector_load %arg7[%get3A_544] {strides = array<i32>} : memref<768xf32, #tpu.memory_space<vmem>>, vector<16xf32>,
      %get3A_546 = arith.constant 304 : index
      %get3A_547 = tpu.vector_load %arg8[%get3A_546] {strides = array<i32>} : memref<768xf32, #tpu.memory_space<vmem>>, vector<16xf32>,
      %mul3A_548 = arith.mulf %get3A_545, %get3A_547 : vector<16xf32>
      %add3A_549 = arith.addf %add3A_543, %mul3A_548 : vector<16xf32>
      %get3A_550 = arith.constant 320 : index
      %get3A_551 = tpu.vector_load %arg7[%get3A_550] {strides = array<i32>} : memref<768xf32, #tpu.memory_space<vmem>>, vector<16xf32>,
      %get3A_552 = arith.constant 320 : index
      %get3A_553 = tpu.vector_load %arg8[%get3A_552] {strides = array<i32>} : memref<768xf32, #tpu.memory_space<vmem>>, vector<16xf32>,
      %mul3A_554 = arith.mulf %get3A_551, %get3A_553 : vector<16xf32>
      %add3A_555 = arith.addf %add3A_549, %mul3A_554 : vector<16xf32>
      %get3A_556 = arith.constant 336 : index
      %get3A_557 = tpu.vector_load %arg7[%get3A_556] {strides = array<i32>} : memref<768xf32, #tpu.memory_space<vmem>>, vector<16xf32>,
      %get3A_558 = arith.constant 336 : index
      %get3A_559 = tpu.vector_load %arg8[%get3A_558] {strides = array<i32>} : memref<768xf32, #tpu.memory_space<vmem>>, vector<16xf32>,
      %mul3A_560 = arith.mulf %get3A_557, %get3A_559 : vector<16xf32>
      %add3A_561 = arith.addf %add3A_555, %mul3A_560 : vector<16xf32>
      %get3A_562 = arith.constant 352 : index
      %get3A_563 = tpu.vector_load %arg7[%get3A_562] {strides = array<i32>} : memref<768xf32, #tpu.memory_space<vmem>>, vector<16xf32>,
      %get3A_564 = arith.constant 352 : index
      %get3A_565 = tpu.vector_load %arg8[%get3A_564] {strides = array<i32>} : memref<768xf32, #tpu.memory_space<vmem>>, vector<16xf32>,
      %mul3A_566 = arith.mulf %get3A_563, %get3A_565 : vector<16xf32>
      %add3A_567 = arith.addf %add3A_561, %mul3A_566 : vector<16xf32>
      %get3A_568 = arith.constant 368 : index
      %get3A_569 = tpu.vector_load %arg7[%get3A_568] {strides = array<i32>} : memref<768xf32, #tpu.memory_space<vmem>>, vector<16xf32>,
      %get3A_570 = arith.constant 368 : index
      %get3A_571 = tpu.vector_load %arg8[%get3A_570] {strides = array<i32>} : memref<768xf32, #tpu.memory_space<vmem>>, vector<16xf32>,
      %mul3A_572 = arith.mulf %get3A_569, %get3A_571 : vector<16xf32>
      %add3A_573 = arith.addf %add3A_567, %mul3A_572 : vector<16xf32>
      %reduce_sum3A_574 = arith.constant true
      %reduce_sum3A_575 = vector.broadcast %reduce_sum3A_574 : i1 to vector<16xi1>
      %reduce_sum3A_576 = tpu.scan <sum>, %add3A_573 masked %reduce_sum3A_575 : vector<16xf32>, vector<16xi1> -> vector<16xf32>
      %reduce_sum3A_577 = vector.extract %reduce_sum3A_576[15] : f32 from vector<16xf32>
      %eq3A_578 = arith.constant 1 : i32
      %eq3A_579 = vector.broadcast %eq3A_578 : i32 to vector<16xi32>
      %eq3A_580 = arith.cmpi eq, %iota3A, %eq3A_579 : vector<16xi32>
      %broadcast_in_dim3A_581 = vector.broadcast %reduce_sum3A_577 : f32 to vector<16xf32>
      %select_n3A_582 = arith.select %eq3A_580, %broadcast_in_dim3A_581, %select_n3A_499 : vector<16xi1>, vector<16xf32>
      %broadcast_in_dim3A_583 = arith.constant 0.000000e+00 : f32
      %broadcast_in_dim3A_584 = vector.broadcast %broadcast_in_dim3A_583 : f32 to vector<16xf32>
      %get3A_585 = arith.constant 192 : index
      %get3A_586 = tpu.vector_load %arg7[%get3A_585] {strides = array<i32>} : memref<768xf32, #tpu.memory_space<vmem>>, vector<16xf32>,
      %get3A_587 = arith.constant 384 : index
      %get3A_588 = tpu.vector_load %arg8[%get3A_587] {strides = array<i32>} : memref<768xf32, #tpu.memory_space<vmem>>, vector<16xf32>,
      %mul3A_589 = arith.mulf %get3A_586, %get3A_588 : vector<16xf32>
      %add3A_590 = arith.addf %broadcast_in_dim3A_584, %mul3A_589 : vector<16xf32>
      %get3A_591 = arith.constant 208 : index
      %get3A_592 = tpu.vector_load %arg7[%get3A_591] {strides = array<i32>} : memref<768xf32, #tpu.memory_space<vmem>>, vector<16xf32>,
      %get3A_593 = arith.constant 400 : index
      %get3A_594 = tpu.vector_load %arg8[%get3A_593] {strides = array<i32>} : memref<768xf32, #tpu.memory_space<vmem>>, vector<16xf32>,
      %mul3A_595 = arith.mulf %get3A_592, %get3A_594 : vector<16xf32>
      %add3A_596 = arith.addf %add3A_590, %mul3A_595 : vector<16xf32>
      %get3A_597 = arith.constant 224 : index
      %get3A_598 = tpu.vector_load %arg7[%get3A_597] {strides = array<i32>} : memref<768xf32, #tpu.memory_space<vmem>>, vector<16xf32>,
      %get3A_599 = arith.constant 416 : index
      %get3A_600 = tpu.vector_load %arg8[%get3A_599] {strides = array<i32>} : memref<768xf32, #tpu.memory_space<vmem>>, vector<16xf32>,
      %mul3A_601 = arith.mulf %get3A_598, %get3A_600 : vector<16xf32>
      %add3A_602 = arith.addf %add3A_596, %mul3A_601 : vector<16xf32>
      %get3A_603 = arith.constant 240 : index
      %get3A_604 = tpu.vector_load %arg7[%get3A_603] {strides = array<i32>} : memref<768xf32, #tpu.memory_space<vmem>>, vector<16xf32>,
      %get3A_605 = arith.constant 432 : index
      %get3A_606 = tpu.vector_load %arg8[%get3A_605] {strides = array<i32>} : memref<768xf32, #tpu.memory_space<vmem>>, vector<16xf32>,
      %mul3A_607 = arith.mulf %get3A_604, %get3A_606 : vector<16xf32>
      %add3A_608 = arith.addf %add3A_602, %mul3A_607 : vector<16xf32>
      %get3A_609 = arith.constant 256 : index
      %get3A_610 = tpu.vector_load %arg7[%get3A_609] {strides = array<i32>} : memref<768xf32, #tpu.memory_space<vmem>>, vector<16xf32>,
      %get3A_611 = arith.constant 448 : index
      %get3A_612 = tpu.vector_load %arg8[%get3A_611] {strides = array<i32>} : memref<768xf32, #tpu.memory_space<vmem>>, vector<16xf32>,
      %mul3A_613 = arith.mulf %get3A_610, %get3A_612 : vector<16xf32>
      %add3A_614 = arith.addf %add3A_608, %mul3A_613 : vector<16xf32>
      %get3A_615 = arith.constant 272 : index
      %get3A_616 = tpu.vector_load %arg7[%get3A_615] {strides = array<i32>} : memref<768xf32, #tpu.memory_space<vmem>>, vector<16xf32>,
      %get3A_617 = arith.constant 464 : index
      %get3A_618 = tpu.vector_load %arg8[%get3A_617] {strides = array<i32>} : memref<768xf32, #tpu.memory_space<vmem>>, vector<16xf32>,
      %mul3A_619 = arith.mulf %get3A_616, %get3A_618 : vector<16xf32>
      %add3A_620 = arith.addf %add3A_614, %mul3A_619 : vector<16xf32>
      %get3A_621 = arith.constant 288 : index
      %get3A_622 = tpu.vector_load %arg7[%get3A_621] {strides = array<i32>} : memref<768xf32, #tpu.memory_space<vmem>>, vector<16xf32>,
      %get3A_623 = arith.constant 480 : index
      %get3A_624 = tpu.vector_load %arg8[%get3A_623] {strides = array<i32>} : memref<768xf32, #tpu.memory_space<vmem>>, vector<16xf32>,
      %mul3A_625 = arith.mulf %get3A_622, %get3A_624 : vector<16xf32>
      %add3A_626 = arith.addf %add3A_620, %mul3A_625 : vector<16xf32>
      %get3A_627 = arith.constant 304 : index
      %get3A_628 = tpu.vector_load %arg7[%get3A_627] {strides = array<i32>} : memref<768xf32, #tpu.memory_space<vmem>>, vector<16xf32>,
      %get3A_629 = arith.constant 496 : index
      %get3A_630 = tpu.vector_load %arg8[%get3A_629] {strides = array<i32>} : memref<768xf32, #tpu.memory_space<vmem>>, vector<16xf32>,
      %mul3A_631 = arith.mulf %get3A_628, %get3A_630 : vector<16xf32>
      %add3A_632 = arith.addf %add3A_626, %mul3A_631 : vector<16xf32>
      %get3A_633 = arith.constant 320 : index
      %get3A_634 = tpu.vector_load %arg7[%get3A_633] {strides = array<i32>} : memref<768xf32, #tpu.memory_space<vmem>>, vector<16xf32>,
      %get3A_635 = arith.constant 512 : index
      %get3A_636 = tpu.vector_load %arg8[%get3A_635] {strides = array<i32>} : memref<768xf32, #tpu.memory_space<vmem>>, vector<16xf32>,
      %mul3A_637 = arith.mulf %get3A_634, %get3A_636 : vector<16xf32>
      %add3A_638 = arith.addf %add3A_632, %mul3A_637 : vector<16xf32>
      %get3A_639 = arith.constant 336 : index
      %get3A_640 = tpu.vector_load %arg7[%get3A_639] {strides = array<i32>} : memref<768xf32, #tpu.memory_space<vmem>>, vector<16xf32>,
      %get3A_641 = arith.constant 528 : index
      %get3A_642 = tpu.vector_load %arg8[%get3A_641] {strides = array<i32>} : memref<768xf32, #tpu.memory_space<vmem>>, vector<16xf32>,
      %mul3A_643 = arith.mulf %get3A_640, %get3A_642 : vector<16xf32>
      %add3A_644 = arith.addf %add3A_638, %mul3A_643 : vector<16xf32>
      %get3A_645 = arith.constant 352 : index
      %get3A_646 = tpu.vector_load %arg7[%get3A_645] {strides = array<i32>} : memref<768xf32, #tpu.memory_space<vmem>>, vector<16xf32>,
      %get3A_647 = arith.constant 544 : index
      %get3A_648 = tpu.vector_load %arg8[%get3A_647] {strides = array<i32>} : memref<768xf32, #tpu.memory_space<vmem>>, vector<16xf32>,
      %mul3A_649 = arith.mulf %get3A_646, %get3A_648 : vector<16xf32>
      %add3A_650 = arith.addf %add3A_644, %mul3A_649 : vector<16xf32>
      %get3A_651 = arith.constant 368 : index
      %get3A_652 = tpu.vector_load %arg7[%get3A_651] {strides = array<i32>} : memref<768xf32, #tpu.memory_space<vmem>>, vector<16xf32>,
      %get3A_653 = arith.constant 560 : index
      %get3A_654 = tpu.vector_load %arg8[%get3A_653] {strides = array<i32>} : memref<768xf32, #tpu.memory_space<vmem>>, vector<16xf32>,
      %mul3A_655 = arith.mulf %get3A_652, %get3A_654 : vector<16xf32>
      %add3A_656 = arith.addf %add3A_650, %mul3A_655 : vector<16xf32>
      %reduce_sum3A_657 = arith.constant true
      %reduce_sum3A_658 = vector.broadcast %reduce_sum3A_657 : i1 to vector<16xi1>
      %reduce_sum3A_659 = tpu.scan <sum>, %add3A_656 masked %reduce_sum3A_658 : vector<16xf32>, vector<16xi1> -> vector<16xf32>
      %reduce_sum3A_660 = vector.extract %reduce_sum3A_659[15] : f32 from vector<16xf32>
      %eq3A_661 = arith.constant 2 : i32
      %eq3A_662 = vector.broadcast %eq3A_661 : i32 to vector<16xi32>
      %eq3A_663 = arith.cmpi eq, %iota3A, %eq3A_662 : vector<16xi32>
      %broadcast_in_dim3A_664 = vector.broadcast %reduce_sum3A_660 : f32 to vector<16xf32>
      %select_n3A_665 = arith.select %eq3A_663, %broadcast_in_dim3A_664, %select_n3A_582 : vector<16xi1>, vector<16xf32>
      %broadcast_in_dim3A_666 = arith.constant 0.000000e+00 : f32
      %broadcast_in_dim3A_667 = vector.broadcast %broadcast_in_dim3A_666 : f32 to vector<16xf32>
      %get3A_668 = arith.constant 192 : index
      %get3A_669 = tpu.vector_load %arg7[%get3A_668] {strides = array<i32>} : memref<768xf32, #tpu.memory_space<vmem>>, vector<16xf32>,
      %get3A_670 = arith.constant 576 : index
      %get3A_671 = tpu.vector_load %arg8[%get3A_670] {strides = array<i32>} : memref<768xf32, #tpu.memory_space<vmem>>, vector<16xf32>,
      %mul3A_672 = arith.mulf %get3A_669, %get3A_671 : vector<16xf32>
      %add3A_673 = arith.addf %broadcast_in_dim3A_667, %mul3A_672 : vector<16xf32>
      %get3A_674 = arith.constant 208 : index
      %get3A_675 = tpu.vector_load %arg7[%get3A_674] {strides = array<i32>} : memref<768xf32, #tpu.memory_space<vmem>>, vector<16xf32>,
      %get3A_676 = arith.constant 592 : index
      %get3A_677 = tpu.vector_load %arg8[%get3A_676] {strides = array<i32>} : memref<768xf32, #tpu.memory_space<vmem>>, vector<16xf32>,
      %mul3A_678 = arith.mulf %get3A_675, %get3A_677 : vector<16xf32>
      %add3A_679 = arith.addf %add3A_673, %mul3A_678 : vector<16xf32>
      %get3A_680 = arith.constant 224 : index
      %get3A_681 = tpu.vector_load %arg7[%get3A_680] {strides = array<i32>} : memref<768xf32, #tpu.memory_space<vmem>>, vector<16xf32>,
      %get3A_682 = arith.constant 608 : index
      %get3A_683 = tpu.vector_load %arg8[%get3A_682] {strides = array<i32>} : memref<768xf32, #tpu.memory_space<vmem>>, vector<16xf32>,
      %mul3A_684 = arith.mulf %get3A_681, %get3A_683 : vector<16xf32>
      %add3A_685 = arith.addf %add3A_679, %mul3A_684 : vector<16xf32>
      %get3A_686 = arith.constant 240 : index
      %get3A_687 = tpu.vector_load %arg7[%get3A_686] {strides = array<i32>} : memref<768xf32, #tpu.memory_space<vmem>>, vector<16xf32>,
      %get3A_688 = arith.constant 624 : index
      %get3A_689 = tpu.vector_load %arg8[%get3A_688] {strides = array<i32>} : memref<768xf32, #tpu.memory_space<vmem>>, vector<16xf32>,
      %mul3A_690 = arith.mulf %get3A_687, %get3A_689 : vector<16xf32>
      %add3A_691 = arith.addf %add3A_685, %mul3A_690 : vector<16xf32>
      %get3A_692 = arith.constant 256 : index
      %get3A_693 = tpu.vector_load %arg7[%get3A_692] {strides = array<i32>} : memref<768xf32, #tpu.memory_space<vmem>>, vector<16xf32>,
      %get3A_694 = arith.constant 640 : index
      %get3A_695 = tpu.vector_load %arg8[%get3A_694] {strides = array<i32>} : memref<768xf32, #tpu.memory_space<vmem>>, vector<16xf32>,
      %mul3A_696 = arith.mulf %get3A_693, %get3A_695 : vector<16xf32>
      %add3A_697 = arith.addf %add3A_691, %mul3A_696 : vector<16xf32>
      %get3A_698 = arith.constant 272 : index
      %get3A_699 = tpu.vector_load %arg7[%get3A_698] {strides = array<i32>} : memref<768xf32, #tpu.memory_space<vmem>>, vector<16xf32>,
      %get3A_700 = arith.constant 656 : index
      %get3A_701 = tpu.vector_load %arg8[%get3A_700] {strides = array<i32>} : memref<768xf32, #tpu.memory_space<vmem>>, vector<16xf32>,
      %mul3A_702 = arith.mulf %get3A_699, %get3A_701 : vector<16xf32>
      %add3A_703 = arith.addf %add3A_697, %mul3A_702 : vector<16xf32>
      %get3A_704 = arith.constant 288 : index
      %get3A_705 = tpu.vector_load %arg7[%get3A_704] {strides = array<i32>} : memref<768xf32, #tpu.memory_space<vmem>>, vector<16xf32>,
      %get3A_706 = arith.constant 672 : index
      %get3A_707 = tpu.vector_load %arg8[%get3A_706] {strides = array<i32>} : memref<768xf32, #tpu.memory_space<vmem>>, vector<16xf32>,
      %mul3A_708 = arith.mulf %get3A_705, %get3A_707 : vector<16xf32>
      %add3A_709 = arith.addf %add3A_703, %mul3A_708 : vector<16xf32>
      %get3A_710 = arith.constant 304 : index
      %get3A_711 = tpu.vector_load %arg7[%get3A_710] {strides = array<i32>} : memref<768xf32, #tpu.memory_space<vmem>>, vector<16xf32>,
      %get3A_712 = arith.constant 688 : index
      %get3A_713 = tpu.vector_load %arg8[%get3A_712] {strides = array<i32>} : memref<768xf32, #tpu.memory_space<vmem>>, vector<16xf32>,
      %mul3A_714 = arith.mulf %get3A_711, %get3A_713 : vector<16xf32>
      %add3A_715 = arith.addf %add3A_709, %mul3A_714 : vector<16xf32>
      %get3A_716 = arith.constant 320 : index
      %get3A_717 = tpu.vector_load %arg7[%get3A_716] {strides = array<i32>} : memref<768xf32, #tpu.memory_space<vmem>>, vector<16xf32>,
      %get3A_718 = arith.constant 704 : index
      %get3A_719 = tpu.vector_load %arg8[%get3A_718] {strides = array<i32>} : memref<768xf32, #tpu.memory_space<vmem>>, vector<16xf32>,
      %mul3A_720 = arith.mulf %get3A_717, %get3A_719 : vector<16xf32>
      %add3A_721 = arith.addf %add3A_715, %mul3A_720 : vector<16xf32>
      %get3A_722 = arith.constant 336 : index
      %get3A_723 = tpu.vector_load %arg7[%get3A_722] {strides = array<i32>} : memref<768xf32, #tpu.memory_space<vmem>>, vector<16xf32>,
      %get3A_724 = arith.constant 720 : index
      %get3A_725 = tpu.vector_load %arg8[%get3A_724] {strides = array<i32>} : memref<768xf32, #tpu.memory_space<vmem>>, vector<16xf32>,
      %mul3A_726 = arith.mulf %get3A_723, %get3A_725 : vector<16xf32>
      %add3A_727 = arith.addf %add3A_721, %mul3A_726 : vector<16xf32>
      %get3A_728 = arith.constant 352 : index
      %get3A_729 = tpu.vector_load %arg7[%get3A_728] {strides = array<i32>} : memref<768xf32, #tpu.memory_space<vmem>>, vector<16xf32>,
      %get3A_730 = arith.constant 736 : index
      %get3A_731 = tpu.vector_load %arg8[%get3A_730] {strides = array<i32>} : memref<768xf32, #tpu.memory_space<vmem>>, vector<16xf32>,
      %mul3A_732 = arith.mulf %get3A_729, %get3A_731 : vector<16xf32>
      %add3A_733 = arith.addf %add3A_727, %mul3A_732 : vector<16xf32>
      %get3A_734 = arith.constant 368 : index
      %get3A_735 = tpu.vector_load %arg7[%get3A_734] {strides = array<i32>} : memref<768xf32, #tpu.memory_space<vmem>>, vector<16xf32>,
      %get3A_736 = arith.constant 752 : index
      %get3A_737 = tpu.vector_load %arg8[%get3A_736] {strides = array<i32>} : memref<768xf32, #tpu.memory_space<vmem>>, vector<16xf32>,
      %mul3A_738 = arith.mulf %get3A_735, %get3A_737 : vector<16xf32>
      %add3A_739 = arith.addf %add3A_733, %mul3A_738 : vector<16xf32>
      %reduce_sum3A_740 = arith.constant true
      %reduce_sum3A_741 = vector.broadcast %reduce_sum3A_740 : i1 to vector<16xi1>
      %reduce_sum3A_742 = tpu.scan <sum>, %add3A_739 masked %reduce_sum3A_741 : vector<16xf32>, vector<16xi1> -> vector<16xf32>
      %reduce_sum3A_743 = vector.extract %reduce_sum3A_742[15] : f32 from vector<16xf32>
      %eq3A_744 = arith.constant 3 : i32
      %eq3A_745 = vector.broadcast %eq3A_744 : i32 to vector<16xi32>
      %eq3A_746 = arith.cmpi eq, %iota3A, %eq3A_745 : vector<16xi32>
      %broadcast_in_dim3A_747 = vector.broadcast %reduce_sum3A_743 : f32 to vector<16xf32>
      %select_n3A_748 = arith.select %eq3A_746, %broadcast_in_dim3A_747, %select_n3A_665 : vector<16xi1>, vector<16xf32>
      %add3A_749 = arith.addf %select_n3A_748, %get3A_4 : vector<16xf32>
      %lt3A_750 = arith.constant 4 : i32
      %lt3A_751 = vector.broadcast %lt3A_750 : i32 to vector<16xi32>
      %lt3A_752 = arith.cmpi slt, %iota3A, %lt3A_751 : vector<16xi32>
      %jit3A_753 = arith.constant -1.000000e+30 : f32
      %broadcast_in_dim3A_754 = vector.broadcast %jit3A_753 : f32 to vector<16xf32>
      %select_n3A_755 = arith.select %lt3A_752, %add3A_749, %broadcast_in_dim3A_754 : vector<16xi1>, vector<16xf32>
      %reduce_max3A_756 = arith.constant true
      %reduce_max3A_757 = vector.broadcast %reduce_max3A_756 : i1 to vector<16xi1>
      %reduce_max3A_758 = tpu.scan <max>, %select_n3A_755 masked %reduce_max3A_757 : vector<16xf32>, vector<16xi1> -> vector<16xf32>
      %reduce_max3A_759 = vector.extract %reduce_max3A_758[15] : f32 from vector<16xf32>
      %sub3A_760 = vector.broadcast %reduce_max3A_759 : f32 to vector<16xf32>
      %sub3A_761 = arith.subf %select_n3A_755, %sub3A_760 : vector<16xf32>
      %exp3A_762 = math.exp %sub3A_761 : vector<16xf32>
      %reduce_max3A_763 = arith.constant true
      %reduce_max3A_764 = vector.broadcast %reduce_max3A_763 : i1 to vector<16xi1>
      %reduce_max3A_765 = tpu.scan <max>, %exp3A_762 masked %reduce_max3A_764 : vector<16xf32>, vector<16xi1> -> vector<16xf32>
      %reduce_max3A_766 = vector.extract %reduce_max3A_765[15] : f32 from vector<16xf32>
      %ge3A_767 = vector.broadcast %reduce_max3A_766 : f32 to vector<16xf32>
      %ge3A_768 = arith.cmpf oge, %exp3A_762, %ge3A_767 : vector<16xf32>
      %jit3A_769 = arith.constant 4 : i32
      %broadcast_in_dim3A_770 = vector.broadcast %jit3A_769 : i32 to vector<16xi32>
      %select_n3A_771 = arith.select %ge3A_768, %iota3A, %broadcast_in_dim3A_770 : vector<16xi1>, vector<16xi32>
      %reduce_min3A_772 = arith.constant true
      %reduce_min3A_773 = vector.broadcast %reduce_min3A_772 : i1 to vector<16xi1>
      %reduce_min3A_774 = arith.constant -2147483648 : i32
      %reduce_min3A_775 = vector.broadcast %reduce_min3A_774 : i32 to vector<16xi32>
      %reduce_min3A_776 = arith.xori %select_n3A_771, %reduce_min3A_775 : vector<16xi32>
      %reduce_min3A_777 = tpu.scan <min>, %reduce_min3A_776 masked %reduce_min3A_773 : vector<16xi32>, vector<16xi1> -> vector<16xi32>
      %reduce_min3A_778 = arith.xori %reduce_min3A_777, %reduce_min3A_775 : vector<16xi32>
      %reduce_min3A_779 = vector.extract %reduce_min3A_778[15] : i32 from vector<16xi32>
      %eq3A_780 = vector.broadcast %reduce_min3A_779 : i32 to vector<16xi32>
      %eq3A_781 = arith.cmpi eq, %iota3A, %eq3A_780 : vector<16xi32>
      %jit3A_782 = arith.constant -1.000000e+00 : f32
      %broadcast_in_dim3A_783 = vector.broadcast %jit3A_782 : f32 to vector<16xf32>
      %select_n3A_784 = arith.select %eq3A_781, %broadcast_in_dim3A_783, %exp3A_762 : vector<16xi1>, vector<16xf32>
      %reduce_max3A_785 = arith.constant true
      %reduce_max3A_786 = vector.broadcast %reduce_max3A_785 : i1 to vector<16xi1>
      %reduce_max3A_787 = tpu.scan <max>, %select_n3A_784 masked %reduce_max3A_786 : vector<16xf32>, vector<16xi1> -> vector<16xf32>
      %reduce_max3A_788 = vector.extract %reduce_max3A_787[15] : f32 from vector<16xf32>
      %ge3A_789 = vector.broadcast %reduce_max3A_788 : f32 to vector<16xf32>
      %ge3A_790 = arith.cmpf oge, %select_n3A_784, %ge3A_789 : vector<16xf32>
      %jit3A_791 = arith.constant 4 : i32
      %broadcast_in_dim3A_792 = vector.broadcast %jit3A_791 : i32 to vector<16xi32>
      %select_n3A_793 = arith.select %ge3A_790, %iota3A, %broadcast_in_dim3A_792 : vector<16xi1>, vector<16xi32>
      %reduce_min3A_794 = arith.constant true
      %reduce_min3A_795 = vector.broadcast %reduce_min3A_794 : i1 to vector<16xi1>
      %reduce_min3A_796 = arith.constant -2147483648 : i32
      %reduce_min3A_797 = vector.broadcast %reduce_min3A_796 : i32 to vector<16xi32>
      %reduce_min3A_798 = arith.xori %select_n3A_793, %reduce_min3A_797 : vector<16xi32>
      %reduce_min3A_799 = tpu.scan <min>, %reduce_min3A_798 masked %reduce_min3A_795 : vector<16xi32>, vector<16xi1> -> vector<16xi32>
      %reduce_min3A_800 = arith.xori %reduce_min3A_799, %reduce_min3A_797 : vector<16xi32>
      %reduce_min3A_801 = vector.extract %reduce_min3A_800[15] : i32 from vector<16xi32>
      %add3A_802 = arith.addf %reduce_max3A_766, %reduce_max3A_788 : f32
      %eq3A_803 = arith.constant 2 : i32
      %eq3A_804 = vector.broadcast %eq3A_803 : i32 to vector<16xi32>
      %eq3A_805 = arith.cmpi eq, %iota3A, %eq3A_804 : vector<16xi32>
      %broadcast_in_dim3A_806 = vector.broadcast %reduce_min3A_779 : i32 to vector<16xi32>
      %select_n3A_807 = arith.select %eq3A_805, %broadcast_in_dim3A_806, %select_n3A_396 : vector<16xi1>, vector<16xi32>
      %eq3A_808 = arith.constant 3 : i32
      %eq3A_809 = vector.broadcast %eq3A_808 : i32 to vector<16xi32>
      %eq3A_810 = arith.cmpi eq, %iota3A, %eq3A_809 : vector<16xi32>
      %broadcast_in_dim3A_811 = vector.broadcast %reduce_min3A_801 : i32 to vector<16xi32>
      %select_n3A_812 = arith.select %eq3A_810, %broadcast_in_dim3A_811, %select_n3A_807 : vector<16xi1>, vector<16xi32>
      %eq3A_813 = arith.constant 2 : i32
      %eq3A_814 = vector.broadcast %eq3A_813 : i32 to vector<16xi32>
      %eq3A_815 = arith.cmpi eq, %iota3A, %eq3A_814 : vector<16xi32>
      %broadcast_in_dim3A_816 = vector.broadcast %reduce_max3A_766 : f32 to vector<16xf32>
      %select_n3A_817 = arith.select %eq3A_815, %broadcast_in_dim3A_816, %select_n3A_406 : vector<16xi1>, vector<16xf32>
      %eq3A_818 = arith.constant 3 : i32
      %eq3A_819 = vector.broadcast %eq3A_818 : i32 to vector<16xi32>
      %eq3A_820 = arith.cmpi eq, %iota3A, %eq3A_819 : vector<16xi32>
      %broadcast_in_dim3A_821 = vector.broadcast %reduce_max3A_788 : f32 to vector<16xf32>
      %select_n3A_822 = arith.select %eq3A_820, %broadcast_in_dim3A_821, %select_n3A_817 : vector<16xi1>, vector<16xf32>
      %eq3A_823 = arith.constant 2 : i32
      %eq3A_824 = vector.broadcast %eq3A_823 : i32 to vector<16xi32>
      %eq3A_825 = arith.cmpi eq, %iota3A, %eq3A_824 : vector<16xi32>
      %eq3A_826 = arith.constant 3 : i32
      %eq3A_827 = vector.broadcast %eq3A_826 : i32 to vector<16xi32>
      %eq3A_828 = arith.cmpi eq, %iota3A, %eq3A_827 : vector<16xi32>
      %or3A_829 = arith.ori %eq3A_825, %eq3A_828 : vector<16xi1>
      %broadcast_in_dim3A_830 = vector.broadcast %add3A_802 : f32 to vector<16xf32>
      %select_n3A_831 = arith.select %or3A_829, %broadcast_in_dim3A_830, %select_n3A_414 : vector<16xi1>, vector<16xf32>
      %broadcast_in_dim3A_832 = arith.constant 0.000000e+00 : f32
      %broadcast_in_dim3A_833 = vector.broadcast %broadcast_in_dim3A_832 : f32 to vector<16xf32>
      %broadcast_in_dim3A_834 = arith.constant 0.000000e+00 : f32
      %broadcast_in_dim3A_835 = vector.broadcast %broadcast_in_dim3A_834 : f32 to vector<16xf32>
      %get3A_836 = arith.constant 384 : index
      %get3A_837 = tpu.vector_load %arg7[%get3A_836] {strides = array<i32>} : memref<768xf32, #tpu.memory_space<vmem>>, vector<16xf32>,
      %get3A_838 = arith.constant 0 : index
      %get3A_839 = tpu.vector_load %arg8[%get3A_838] {strides = array<i32>} : memref<768xf32, #tpu.memory_space<vmem>>, vector<16xf32>,
      %mul3A_840 = arith.mulf %get3A_837, %get3A_839 : vector<16xf32>
      %add3A_841 = arith.addf %broadcast_in_dim3A_835, %mul3A_840 : vector<16xf32>
      %get3A_842 = arith.constant 400 : index
      %get3A_843 = tpu.vector_load %arg7[%get3A_842] {strides = array<i32>} : memref<768xf32, #tpu.memory_space<vmem>>, vector<16xf32>,
      %get3A_844 = arith.constant 16 : index
      %get3A_845 = tpu.vector_load %arg8[%get3A_844] {strides = array<i32>} : memref<768xf32, #tpu.memory_space<vmem>>, vector<16xf32>,
      %mul3A_846 = arith.mulf %get3A_843, %get3A_845 : vector<16xf32>
      %add3A_847 = arith.addf %add3A_841, %mul3A_846 : vector<16xf32>
      %get3A_848 = arith.constant 416 : index
      %get3A_849 = tpu.vector_load %arg7[%get3A_848] {strides = array<i32>} : memref<768xf32, #tpu.memory_space<vmem>>, vector<16xf32>,
      %get3A_850 = arith.constant 32 : index
      %get3A_851 = tpu.vector_load %arg8[%get3A_850] {strides = array<i32>} : memref<768xf32, #tpu.memory_space<vmem>>, vector<16xf32>,
      %mul3A_852 = arith.mulf %get3A_849, %get3A_851 : vector<16xf32>
      %add3A_853 = arith.addf %add3A_847, %mul3A_852 : vector<16xf32>
      %get3A_854 = arith.constant 432 : index
      %get3A_855 = tpu.vector_load %arg7[%get3A_854] {strides = array<i32>} : memref<768xf32, #tpu.memory_space<vmem>>, vector<16xf32>,
      %get3A_856 = arith.constant 48 : index
      %get3A_857 = tpu.vector_load %arg8[%get3A_856] {strides = array<i32>} : memref<768xf32, #tpu.memory_space<vmem>>, vector<16xf32>,
      %mul3A_858 = arith.mulf %get3A_855, %get3A_857 : vector<16xf32>
      %add3A_859 = arith.addf %add3A_853, %mul3A_858 : vector<16xf32>
      %get3A_860 = arith.constant 448 : index
      %get3A_861 = tpu.vector_load %arg7[%get3A_860] {strides = array<i32>} : memref<768xf32, #tpu.memory_space<vmem>>, vector<16xf32>,
      %get3A_862 = arith.constant 64 : index
      %get3A_863 = tpu.vector_load %arg8[%get3A_862] {strides = array<i32>} : memref<768xf32, #tpu.memory_space<vmem>>, vector<16xf32>,
      %mul3A_864 = arith.mulf %get3A_861, %get3A_863 : vector<16xf32>
      %add3A_865 = arith.addf %add3A_859, %mul3A_864 : vector<16xf32>
      %get3A_866 = arith.constant 464 : index
      %get3A_867 = tpu.vector_load %arg7[%get3A_866] {strides = array<i32>} : memref<768xf32, #tpu.memory_space<vmem>>, vector<16xf32>,
      %get3A_868 = arith.constant 80 : index
      %get3A_869 = tpu.vector_load %arg8[%get3A_868] {strides = array<i32>} : memref<768xf32, #tpu.memory_space<vmem>>, vector<16xf32>,
      %mul3A_870 = arith.mulf %get3A_867, %get3A_869 : vector<16xf32>
      %add3A_871 = arith.addf %add3A_865, %mul3A_870 : vector<16xf32>
      %get3A_872 = arith.constant 480 : index
      %get3A_873 = tpu.vector_load %arg7[%get3A_872] {strides = array<i32>} : memref<768xf32, #tpu.memory_space<vmem>>, vector<16xf32>,
      %get3A_874 = arith.constant 96 : index
      %get3A_875 = tpu.vector_load %arg8[%get3A_874] {strides = array<i32>} : memref<768xf32, #tpu.memory_space<vmem>>, vector<16xf32>,
      %mul3A_876 = arith.mulf %get3A_873, %get3A_875 : vector<16xf32>
      %add3A_877 = arith.addf %add3A_871, %mul3A_876 : vector<16xf32>
      %get3A_878 = arith.constant 496 : index
      %get3A_879 = tpu.vector_load %arg7[%get3A_878] {strides = array<i32>} : memref<768xf32, #tpu.memory_space<vmem>>, vector<16xf32>,
      %get3A_880 = arith.constant 112 : index
      %get3A_881 = tpu.vector_load %arg8[%get3A_880] {strides = array<i32>} : memref<768xf32, #tpu.memory_space<vmem>>, vector<16xf32>,
      %mul3A_882 = arith.mulf %get3A_879, %get3A_881 : vector<16xf32>
      %add3A_883 = arith.addf %add3A_877, %mul3A_882 : vector<16xf32>
      %get3A_884 = arith.constant 512 : index
      %get3A_885 = tpu.vector_load %arg7[%get3A_884] {strides = array<i32>} : memref<768xf32, #tpu.memory_space<vmem>>, vector<16xf32>,
      %get3A_886 = arith.constant 128 : index
      %get3A_887 = tpu.vector_load %arg8[%get3A_886] {strides = array<i32>} : memref<768xf32, #tpu.memory_space<vmem>>, vector<16xf32>,
      %mul3A_888 = arith.mulf %get3A_885, %get3A_887 : vector<16xf32>
      %add3A_889 = arith.addf %add3A_883, %mul3A_888 : vector<16xf32>
      %get3A_890 = arith.constant 528 : index
      %get3A_891 = tpu.vector_load %arg7[%get3A_890] {strides = array<i32>} : memref<768xf32, #tpu.memory_space<vmem>>, vector<16xf32>,
      %get3A_892 = arith.constant 144 : index
      %get3A_893 = tpu.vector_load %arg8[%get3A_892] {strides = array<i32>} : memref<768xf32, #tpu.memory_space<vmem>>, vector<16xf32>,
      %mul3A_894 = arith.mulf %get3A_891, %get3A_893 : vector<16xf32>
      %add3A_895 = arith.addf %add3A_889, %mul3A_894 : vector<16xf32>
      %get3A_896 = arith.constant 544 : index
      %get3A_897 = tpu.vector_load %arg7[%get3A_896] {strides = array<i32>} : memref<768xf32, #tpu.memory_space<vmem>>, vector<16xf32>,
      %get3A_898 = arith.constant 160 : index
      %get3A_899 = tpu.vector_load %arg8[%get3A_898] {strides = array<i32>} : memref<768xf32, #tpu.memory_space<vmem>>, vector<16xf32>,
      %mul3A_900 = arith.mulf %get3A_897, %get3A_899 : vector<16xf32>
      %add3A_901 = arith.addf %add3A_895, %mul3A_900 : vector<16xf32>
      %get3A_902 = arith.constant 560 : index
      %get3A_903 = tpu.vector_load %arg7[%get3A_902] {strides = array<i32>} : memref<768xf32, #tpu.memory_space<vmem>>, vector<16xf32>,
      %get3A_904 = arith.constant 176 : index
      %get3A_905 = tpu.vector_load %arg8[%get3A_904] {strides = array<i32>} : memref<768xf32, #tpu.memory_space<vmem>>, vector<16xf32>,
      %mul3A_906 = arith.mulf %get3A_903, %get3A_905 : vector<16xf32>
      %add3A_907 = arith.addf %add3A_901, %mul3A_906 : vector<16xf32>
      %reduce_sum3A_908 = arith.constant true
      %reduce_sum3A_909 = vector.broadcast %reduce_sum3A_908 : i1 to vector<16xi1>
      %reduce_sum3A_910 = tpu.scan <sum>, %add3A_907 masked %reduce_sum3A_909 : vector<16xf32>, vector<16xi1> -> vector<16xf32>
      %reduce_sum3A_911 = vector.extract %reduce_sum3A_910[15] : f32 from vector<16xf32>
      %eq3A_912 = arith.constant 0 : i32
      %eq3A_913 = vector.broadcast %eq3A_912 : i32 to vector<16xi32>
      %eq3A_914 = arith.cmpi eq, %iota3A, %eq3A_913 : vector<16xi32>
      %broadcast_in_dim3A_915 = vector.broadcast %reduce_sum3A_911 : f32 to vector<16xf32>
      %select_n3A_916 = arith.select %eq3A_914, %broadcast_in_dim3A_915, %broadcast_in_dim3A_833 : vector<16xi1>, vector<16xf32>
      %broadcast_in_dim3A_917 = arith.constant 0.000000e+00 : f32
      %broadcast_in_dim3A_918 = vector.broadcast %broadcast_in_dim3A_917 : f32 to vector<16xf32>
      %get3A_919 = arith.constant 384 : index
      %get3A_920 = tpu.vector_load %arg7[%get3A_919] {strides = array<i32>} : memref<768xf32, #tpu.memory_space<vmem>>, vector<16xf32>,
      %get3A_921 = arith.constant 192 : index
      %get3A_922 = tpu.vector_load %arg8[%get3A_921] {strides = array<i32>} : memref<768xf32, #tpu.memory_space<vmem>>, vector<16xf32>,
      %mul3A_923 = arith.mulf %get3A_920, %get3A_922 : vector<16xf32>
      %add3A_924 = arith.addf %broadcast_in_dim3A_918, %mul3A_923 : vector<16xf32>
      %get3A_925 = arith.constant 400 : index
      %get3A_926 = tpu.vector_load %arg7[%get3A_925] {strides = array<i32>} : memref<768xf32, #tpu.memory_space<vmem>>, vector<16xf32>,
      %get3A_927 = arith.constant 208 : index
      %get3A_928 = tpu.vector_load %arg8[%get3A_927] {strides = array<i32>} : memref<768xf32, #tpu.memory_space<vmem>>, vector<16xf32>,
      %mul3A_929 = arith.mulf %get3A_926, %get3A_928 : vector<16xf32>
      %add3A_930 = arith.addf %add3A_924, %mul3A_929 : vector<16xf32>
      %get3A_931 = arith.constant 416 : index
      %get3A_932 = tpu.vector_load %arg7[%get3A_931] {strides = array<i32>} : memref<768xf32, #tpu.memory_space<vmem>>, vector<16xf32>,
      %get3A_933 = arith.constant 224 : index
      %get3A_934 = tpu.vector_load %arg8[%get3A_933] {strides = array<i32>} : memref<768xf32, #tpu.memory_space<vmem>>, vector<16xf32>,
      %mul3A_935 = arith.mulf %get3A_932, %get3A_934 : vector<16xf32>
      %add3A_936 = arith.addf %add3A_930, %mul3A_935 : vector<16xf32>
      %get3A_937 = arith.constant 432 : index
      %get3A_938 = tpu.vector_load %arg7[%get3A_937] {strides = array<i32>} : memref<768xf32, #tpu.memory_space<vmem>>, vector<16xf32>,
      %get3A_939 = arith.constant 240 : index
      %get3A_940 = tpu.vector_load %arg8[%get3A_939] {strides = array<i32>} : memref<768xf32, #tpu.memory_space<vmem>>, vector<16xf32>,
      %mul3A_941 = arith.mulf %get3A_938, %get3A_940 : vector<16xf32>
      %add3A_942 = arith.addf %add3A_936, %mul3A_941 : vector<16xf32>
      %get3A_943 = arith.constant 448 : index
      %get3A_944 = tpu.vector_load %arg7[%get3A_943] {strides = array<i32>} : memref<768xf32, #tpu.memory_space<vmem>>, vector<16xf32>,
      %get3A_945 = arith.constant 256 : index
      %get3A_946 = tpu.vector_load %arg8[%get3A_945] {strides = array<i32>} : memref<768xf32, #tpu.memory_space<vmem>>, vector<16xf32>,
      %mul3A_947 = arith.mulf %get3A_944, %get3A_946 : vector<16xf32>
      %add3A_948 = arith.addf %add3A_942, %mul3A_947 : vector<16xf32>
      %get3A_949 = arith.constant 464 : index
      %get3A_950 = tpu.vector_load %arg7[%get3A_949] {strides = array<i32>} : memref<768xf32, #tpu.memory_space<vmem>>, vector<16xf32>,
      %get3A_951 = arith.constant 272 : index
      %get3A_952 = tpu.vector_load %arg8[%get3A_951] {strides = array<i32>} : memref<768xf32, #tpu.memory_space<vmem>>, vector<16xf32>,
      %mul3A_953 = arith.mulf %get3A_950, %get3A_952 : vector<16xf32>
      %add3A_954 = arith.addf %add3A_948, %mul3A_953 : vector<16xf32>
      %get3A_955 = arith.constant 480 : index
      %get3A_956 = tpu.vector_load %arg7[%get3A_955] {strides = array<i32>} : memref<768xf32, #tpu.memory_space<vmem>>, vector<16xf32>,
      %get3A_957 = arith.constant 288 : index
      %get3A_958 = tpu.vector_load %arg8[%get3A_957] {strides = array<i32>} : memref<768xf32, #tpu.memory_space<vmem>>, vector<16xf32>,
      %mul3A_959 = arith.mulf %get3A_956, %get3A_958 : vector<16xf32>
      %add3A_960 = arith.addf %add3A_954, %mul3A_959 : vector<16xf32>
      %get3A_961 = arith.constant 496 : index
      %get3A_962 = tpu.vector_load %arg7[%get3A_961] {strides = array<i32>} : memref<768xf32, #tpu.memory_space<vmem>>, vector<16xf32>,
      %get3A_963 = arith.constant 304 : index
      %get3A_964 = tpu.vector_load %arg8[%get3A_963] {strides = array<i32>} : memref<768xf32, #tpu.memory_space<vmem>>, vector<16xf32>,
      %mul3A_965 = arith.mulf %get3A_962, %get3A_964 : vector<16xf32>
      %add3A_966 = arith.addf %add3A_960, %mul3A_965 : vector<16xf32>
      %get3A_967 = arith.constant 512 : index
      %get3A_968 = tpu.vector_load %arg7[%get3A_967] {strides = array<i32>} : memref<768xf32, #tpu.memory_space<vmem>>, vector<16xf32>,
      %get3A_969 = arith.constant 320 : index
      %get3A_970 = tpu.vector_load %arg8[%get3A_969] {strides = array<i32>} : memref<768xf32, #tpu.memory_space<vmem>>, vector<16xf32>,
      %mul3A_971 = arith.mulf %get3A_968, %get3A_970 : vector<16xf32>
      %add3A_972 = arith.addf %add3A_966, %mul3A_971 : vector<16xf32>
      %get3A_973 = arith.constant 528 : index
      %get3A_974 = tpu.vector_load %arg7[%get3A_973] {strides = array<i32>} : memref<768xf32, #tpu.memory_space<vmem>>, vector<16xf32>,
      %get3A_975 = arith.constant 336 : index
      %get3A_976 = tpu.vector_load %arg8[%get3A_975] {strides = array<i32>} : memref<768xf32, #tpu.memory_space<vmem>>, vector<16xf32>,
      %mul3A_977 = arith.mulf %get3A_974, %get3A_976 : vector<16xf32>
      %add3A_978 = arith.addf %add3A_972, %mul3A_977 : vector<16xf32>
      %get3A_979 = arith.constant 544 : index
      %get3A_980 = tpu.vector_load %arg7[%get3A_979] {strides = array<i32>} : memref<768xf32, #tpu.memory_space<vmem>>, vector<16xf32>,
      %get3A_981 = arith.constant 352 : index
      %get3A_982 = tpu.vector_load %arg8[%get3A_981] {strides = array<i32>} : memref<768xf32, #tpu.memory_space<vmem>>, vector<16xf32>,
      %mul3A_983 = arith.mulf %get3A_980, %get3A_982 : vector<16xf32>
      %add3A_984 = arith.addf %add3A_978, %mul3A_983 : vector<16xf32>
      %get3A_985 = arith.constant 560 : index
      %get3A_986 = tpu.vector_load %arg7[%get3A_985] {strides = array<i32>} : memref<768xf32, #tpu.memory_space<vmem>>, vector<16xf32>,
      %get3A_987 = arith.constant 368 : index
      %get3A_988 = tpu.vector_load %arg8[%get3A_987] {strides = array<i32>} : memref<768xf32, #tpu.memory_space<vmem>>, vector<16xf32>,
      %mul3A_989 = arith.mulf %get3A_986, %get3A_988 : vector<16xf32>
      %add3A_990 = arith.addf %add3A_984, %mul3A_989 : vector<16xf32>
      %reduce_sum3A_991 = arith.constant true
      %reduce_sum3A_992 = vector.broadcast %reduce_sum3A_991 : i1 to vector<16xi1>
      %reduce_sum3A_993 = tpu.scan <sum>, %add3A_990 masked %reduce_sum3A_992 : vector<16xf32>, vector<16xi1> -> vector<16xf32>
      %reduce_sum3A_994 = vector.extract %reduce_sum3A_993[15] : f32 from vector<16xf32>
      %eq3A_995 = arith.constant 1 : i32
      %eq3A_996 = vector.broadcast %eq3A_995 : i32 to vector<16xi32>
      %eq3A_997 = arith.cmpi eq, %iota3A, %eq3A_996 : vector<16xi32>
      %broadcast_in_dim3A_998 = vector.broadcast %reduce_sum3A_994 : f32 to vector<16xf32>
      %select_n3A_999 = arith.select %eq3A_997, %broadcast_in_dim3A_998, %select_n3A_916 : vector<16xi1>, vector<16xf32>
      %broadcast_in_dim3A_1000 = arith.constant 0.000000e+00 : f32
      %broadcast_in_dim3A_1001 = vector.broadcast %broadcast_in_dim3A_1000 : f32 to vector<16xf32>
      %get3A_1002 = arith.constant 384 : index
      %get3A_1003 = tpu.vector_load %arg7[%get3A_1002] {strides = array<i32>} : memref<768xf32, #tpu.memory_space<vmem>>, vector<16xf32>,
      %get3A_1004 = arith.constant 384 : index
      %get3A_1005 = tpu.vector_load %arg8[%get3A_1004] {strides = array<i32>} : memref<768xf32, #tpu.memory_space<vmem>>, vector<16xf32>,
      %mul3A_1006 = arith.mulf %get3A_1003, %get3A_1005 : vector<16xf32>
      %add3A_1007 = arith.addf %broadcast_in_dim3A_1001, %mul3A_1006 : vector<16xf32>
      %get3A_1008 = arith.constant 400 : index
      %get3A_1009 = tpu.vector_load %arg7[%get3A_1008] {strides = array<i32>} : memref<768xf32, #tpu.memory_space<vmem>>, vector<16xf32>,
      %get3A_1010 = arith.constant 400 : index
      %get3A_1011 = tpu.vector_load %arg8[%get3A_1010] {strides = array<i32>} : memref<768xf32, #tpu.memory_space<vmem>>, vector<16xf32>,
      %mul3A_1012 = arith.mulf %get3A_1009, %get3A_1011 : vector<16xf32>
      %add3A_1013 = arith.addf %add3A_1007, %mul3A_1012 : vector<16xf32>
      %get3A_1014 = arith.constant 416 : index
      %get3A_1015 = tpu.vector_load %arg7[%get3A_1014] {strides = array<i32>} : memref<768xf32, #tpu.memory_space<vmem>>, vector<16xf32>,
      %get3A_1016 = arith.constant 416 : index
      %get3A_1017 = tpu.vector_load %arg8[%get3A_1016] {strides = array<i32>} : memref<768xf32, #tpu.memory_space<vmem>>, vector<16xf32>,
      %mul3A_1018 = arith.mulf %get3A_1015, %get3A_1017 : vector<16xf32>
      %add3A_1019 = arith.addf %add3A_1013, %mul3A_1018 : vector<16xf32>
      %get3A_1020 = arith.constant 432 : index
      %get3A_1021 = tpu.vector_load %arg7[%get3A_1020] {strides = array<i32>} : memref<768xf32, #tpu.memory_space<vmem>>, vector<16xf32>,
      %get3A_1022 = arith.constant 432 : index
      %get3A_1023 = tpu.vector_load %arg8[%get3A_1022] {strides = array<i32>} : memref<768xf32, #tpu.memory_space<vmem>>, vector<16xf32>,
      %mul3A_1024 = arith.mulf %get3A_1021, %get3A_1023 : vector<16xf32>
      %add3A_1025 = arith.addf %add3A_1019, %mul3A_1024 : vector<16xf32>
      %get3A_1026 = arith.constant 448 : index
      %get3A_1027 = tpu.vector_load %arg7[%get3A_1026] {strides = array<i32>} : memref<768xf32, #tpu.memory_space<vmem>>, vector<16xf32>,
      %get3A_1028 = arith.constant 448 : index
      %get3A_1029 = tpu.vector_load %arg8[%get3A_1028] {strides = array<i32>} : memref<768xf32, #tpu.memory_space<vmem>>, vector<16xf32>,
      %mul3A_1030 = arith.mulf %get3A_1027, %get3A_1029 : vector<16xf32>
      %add3A_1031 = arith.addf %add3A_1025, %mul3A_1030 : vector<16xf32>
      %get3A_1032 = arith.constant 464 : index
      %get3A_1033 = tpu.vector_load %arg7[%get3A_1032] {strides = array<i32>} : memref<768xf32, #tpu.memory_space<vmem>>, vector<16xf32>,
      %get3A_1034 = arith.constant 464 : index
      %get3A_1035 = tpu.vector_load %arg8[%get3A_1034] {strides = array<i32>} : memref<768xf32, #tpu.memory_space<vmem>>, vector<16xf32>,
      %mul3A_1036 = arith.mulf %get3A_1033, %get3A_1035 : vector<16xf32>
      %add3A_1037 = arith.addf %add3A_1031, %mul3A_1036 : vector<16xf32>
      %get3A_1038 = arith.constant 480 : index
      %get3A_1039 = tpu.vector_load %arg7[%get3A_1038] {strides = array<i32>} : memref<768xf32, #tpu.memory_space<vmem>>, vector<16xf32>,
      %get3A_1040 = arith.constant 480 : index
      %get3A_1041 = tpu.vector_load %arg8[%get3A_1040] {strides = array<i32>} : memref<768xf32, #tpu.memory_space<vmem>>, vector<16xf32>,
      %mul3A_1042 = arith.mulf %get3A_1039, %get3A_1041 : vector<16xf32>
      %add3A_1043 = arith.addf %add3A_1037, %mul3A_1042 : vector<16xf32>
      %get3A_1044 = arith.constant 496 : index
      %get3A_1045 = tpu.vector_load %arg7[%get3A_1044] {strides = array<i32>} : memref<768xf32, #tpu.memory_space<vmem>>, vector<16xf32>,
      %get3A_1046 = arith.constant 496 : index
      %get3A_1047 = tpu.vector_load %arg8[%get3A_1046] {strides = array<i32>} : memref<768xf32, #tpu.memory_space<vmem>>, vector<16xf32>,
      %mul3A_1048 = arith.mulf %get3A_1045, %get3A_1047 : vector<16xf32>
      %add3A_1049 = arith.addf %add3A_1043, %mul3A_1048 : vector<16xf32>
      %get3A_1050 = arith.constant 512 : index
      %get3A_1051 = tpu.vector_load %arg7[%get3A_1050] {strides = array<i32>} : memref<768xf32, #tpu.memory_space<vmem>>, vector<16xf32>,
      %get3A_1052 = arith.constant 512 : index
      %get3A_1053 = tpu.vector_load %arg8[%get3A_1052] {strides = array<i32>} : memref<768xf32, #tpu.memory_space<vmem>>, vector<16xf32>,
      %mul3A_1054 = arith.mulf %get3A_1051, %get3A_1053 : vector<16xf32>
      %add3A_1055 = arith.addf %add3A_1049, %mul3A_1054 : vector<16xf32>
      %get3A_1056 = arith.constant 528 : index
      %get3A_1057 = tpu.vector_load %arg7[%get3A_1056] {strides = array<i32>} : memref<768xf32, #tpu.memory_space<vmem>>, vector<16xf32>,
      %get3A_1058 = arith.constant 528 : index
      %get3A_1059 = tpu.vector_load %arg8[%get3A_1058] {strides = array<i32>} : memref<768xf32, #tpu.memory_space<vmem>>, vector<16xf32>,
      %mul3A_1060 = arith.mulf %get3A_1057, %get3A_1059 : vector<16xf32>
      %add3A_1061 = arith.addf %add3A_1055, %mul3A_1060 : vector<16xf32>
      %get3A_1062 = arith.constant 544 : index
      %get3A_1063 = tpu.vector_load %arg7[%get3A_1062] {strides = array<i32>} : memref<768xf32, #tpu.memory_space<vmem>>, vector<16xf32>,
      %get3A_1064 = arith.constant 544 : index
      %get3A_1065 = tpu.vector_load %arg8[%get3A_1064] {strides = array<i32>} : memref<768xf32, #tpu.memory_space<vmem>>, vector<16xf32>,
      %mul3A_1066 = arith.mulf %get3A_1063, %get3A_1065 : vector<16xf32>
      %add3A_1067 = arith.addf %add3A_1061, %mul3A_1066 : vector<16xf32>
      %get3A_1068 = arith.constant 560 : index
      %get3A_1069 = tpu.vector_load %arg7[%get3A_1068] {strides = array<i32>} : memref<768xf32, #tpu.memory_space<vmem>>, vector<16xf32>,
      %get3A_1070 = arith.constant 560 : index
      %get3A_1071 = tpu.vector_load %arg8[%get3A_1070] {strides = array<i32>} : memref<768xf32, #tpu.memory_space<vmem>>, vector<16xf32>,
      %mul3A_1072 = arith.mulf %get3A_1069, %get3A_1071 : vector<16xf32>
      %add3A_1073 = arith.addf %add3A_1067, %mul3A_1072 : vector<16xf32>
      %reduce_sum3A_1074 = arith.constant true
      %reduce_sum3A_1075 = vector.broadcast %reduce_sum3A_1074 : i1 to vector<16xi1>
      %reduce_sum3A_1076 = tpu.scan <sum>, %add3A_1073 masked %reduce_sum3A_1075 : vector<16xf32>, vector<16xi1> -> vector<16xf32>
      %reduce_sum3A_1077 = vector.extract %reduce_sum3A_1076[15] : f32 from vector<16xf32>
      %eq3A_1078 = arith.constant 2 : i32
      %eq3A_1079 = vector.broadcast %eq3A_1078 : i32 to vector<16xi32>
      %eq3A_1080 = arith.cmpi eq, %iota3A, %eq3A_1079 : vector<16xi32>
      %broadcast_in_dim3A_1081 = vector.broadcast %reduce_sum3A_1077 : f32 to vector<16xf32>
      %select_n3A_1082 = arith.select %eq3A_1080, %broadcast_in_dim3A_1081, %select_n3A_999 : vector<16xi1>, vector<16xf32>
      %broadcast_in_dim3A_1083 = arith.constant 0.000000e+00 : f32
      %broadcast_in_dim3A_1084 = vector.broadcast %broadcast_in_dim3A_1083 : f32 to vector<16xf32>
      %get3A_1085 = arith.constant 384 : index
      %get3A_1086 = tpu.vector_load %arg7[%get3A_1085] {strides = array<i32>} : memref<768xf32, #tpu.memory_space<vmem>>, vector<16xf32>,
      %get3A_1087 = arith.constant 576 : index
      %get3A_1088 = tpu.vector_load %arg8[%get3A_1087] {strides = array<i32>} : memref<768xf32, #tpu.memory_space<vmem>>, vector<16xf32>,
      %mul3A_1089 = arith.mulf %get3A_1086, %get3A_1088 : vector<16xf32>
      %add3A_1090 = arith.addf %broadcast_in_dim3A_1084, %mul3A_1089 : vector<16xf32>
      %get3A_1091 = arith.constant 400 : index
      %get3A_1092 = tpu.vector_load %arg7[%get3A_1091] {strides = array<i32>} : memref<768xf32, #tpu.memory_space<vmem>>, vector<16xf32>,
      %get3A_1093 = arith.constant 592 : index
      %get3A_1094 = tpu.vector_load %arg8[%get3A_1093] {strides = array<i32>} : memref<768xf32, #tpu.memory_space<vmem>>, vector<16xf32>,
      %mul3A_1095 = arith.mulf %get3A_1092, %get3A_1094 : vector<16xf32>
      %add3A_1096 = arith.addf %add3A_1090, %mul3A_1095 : vector<16xf32>
      %get3A_1097 = arith.constant 416 : index
      %get3A_1098 = tpu.vector_load %arg7[%get3A_1097] {strides = array<i32>} : memref<768xf32, #tpu.memory_space<vmem>>, vector<16xf32>,
      %get3A_1099 = arith.constant 608 : index
      %get3A_1100 = tpu.vector_load %arg8[%get3A_1099] {strides = array<i32>} : memref<768xf32, #tpu.memory_space<vmem>>, vector<16xf32>,
      %mul3A_1101 = arith.mulf %get3A_1098, %get3A_1100 : vector<16xf32>
      %add3A_1102 = arith.addf %add3A_1096, %mul3A_1101 : vector<16xf32>
      %get3A_1103 = arith.constant 432 : index
      %get3A_1104 = tpu.vector_load %arg7[%get3A_1103] {strides = array<i32>} : memref<768xf32, #tpu.memory_space<vmem>>, vector<16xf32>,
      %get3A_1105 = arith.constant 624 : index
      %get3A_1106 = tpu.vector_load %arg8[%get3A_1105] {strides = array<i32>} : memref<768xf32, #tpu.memory_space<vmem>>, vector<16xf32>,
      %mul3A_1107 = arith.mulf %get3A_1104, %get3A_1106 : vector<16xf32>
      %add3A_1108 = arith.addf %add3A_1102, %mul3A_1107 : vector<16xf32>
      %get3A_1109 = arith.constant 448 : index
      %get3A_1110 = tpu.vector_load %arg7[%get3A_1109] {strides = array<i32>} : memref<768xf32, #tpu.memory_space<vmem>>, vector<16xf32>,
      %get3A_1111 = arith.constant 640 : index
      %get3A_1112 = tpu.vector_load %arg8[%get3A_1111] {strides = array<i32>} : memref<768xf32, #tpu.memory_space<vmem>>, vector<16xf32>,
      %mul3A_1113 = arith.mulf %get3A_1110, %get3A_1112 : vector<16xf32>
      %add3A_1114 = arith.addf %add3A_1108, %mul3A_1113 : vector<16xf32>
      %get3A_1115 = arith.constant 464 : index
      %get3A_1116 = tpu.vector_load %arg7[%get3A_1115] {strides = array<i32>} : memref<768xf32, #tpu.memory_space<vmem>>, vector<16xf32>,
      %get3A_1117 = arith.constant 656 : index
      %get3A_1118 = tpu.vector_load %arg8[%get3A_1117] {strides = array<i32>} : memref<768xf32, #tpu.memory_space<vmem>>, vector<16xf32>,
      %mul3A_1119 = arith.mulf %get3A_1116, %get3A_1118 : vector<16xf32>
      %add3A_1120 = arith.addf %add3A_1114, %mul3A_1119 : vector<16xf32>
      %get3A_1121 = arith.constant 480 : index
      %get3A_1122 = tpu.vector_load %arg7[%get3A_1121] {strides = array<i32>} : memref<768xf32, #tpu.memory_space<vmem>>, vector<16xf32>,
      %get3A_1123 = arith.constant 672 : index
      %get3A_1124 = tpu.vector_load %arg8[%get3A_1123] {strides = array<i32>} : memref<768xf32, #tpu.memory_space<vmem>>, vector<16xf32>,
      %mul3A_1125 = arith.mulf %get3A_1122, %get3A_1124 : vector<16xf32>
      %add3A_1126 = arith.addf %add3A_1120, %mul3A_1125 : vector<16xf32>
      %get3A_1127 = arith.constant 496 : index
      %get3A_1128 = tpu.vector_load %arg7[%get3A_1127] {strides = array<i32>} : memref<768xf32, #tpu.memory_space<vmem>>, vector<16xf32>,
      %get3A_1129 = arith.constant 688 : index
      %get3A_1130 = tpu.vector_load %arg8[%get3A_1129] {strides = array<i32>} : memref<768xf32, #tpu.memory_space<vmem>>, vector<16xf32>,
      %mul3A_1131 = arith.mulf %get3A_1128, %get3A_1130 : vector<16xf32>
      %add3A_1132 = arith.addf %add3A_1126, %mul3A_1131 : vector<16xf32>
      %get3A_1133 = arith.constant 512 : index
      %get3A_1134 = tpu.vector_load %arg7[%get3A_1133] {strides = array<i32>} : memref<768xf32, #tpu.memory_space<vmem>>, vector<16xf32>,
      %get3A_1135 = arith.constant 704 : index
      %get3A_1136 = tpu.vector_load %arg8[%get3A_1135] {strides = array<i32>} : memref<768xf32, #tpu.memory_space<vmem>>, vector<16xf32>,
      %mul3A_1137 = arith.mulf %get3A_1134, %get3A_1136 : vector<16xf32>
      %add3A_1138 = arith.addf %add3A_1132, %mul3A_1137 : vector<16xf32>
      %get3A_1139 = arith.constant 528 : index
      %get3A_1140 = tpu.vector_load %arg7[%get3A_1139] {strides = array<i32>} : memref<768xf32, #tpu.memory_space<vmem>>, vector<16xf32>,
      %get3A_1141 = arith.constant 720 : index
      %get3A_1142 = tpu.vector_load %arg8[%get3A_1141] {strides = array<i32>} : memref<768xf32, #tpu.memory_space<vmem>>, vector<16xf32>,
      %mul3A_1143 = arith.mulf %get3A_1140, %get3A_1142 : vector<16xf32>
      %add3A_1144 = arith.addf %add3A_1138, %mul3A_1143 : vector<16xf32>
      %get3A_1145 = arith.constant 544 : index
      %get3A_1146 = tpu.vector_load %arg7[%get3A_1145] {strides = array<i32>} : memref<768xf32, #tpu.memory_space<vmem>>, vector<16xf32>,
      %get3A_1147 = arith.constant 736 : index
      %get3A_1148 = tpu.vector_load %arg8[%get3A_1147] {strides = array<i32>} : memref<768xf32, #tpu.memory_space<vmem>>, vector<16xf32>,
      %mul3A_1149 = arith.mulf %get3A_1146, %get3A_1148 : vector<16xf32>
      %add3A_1150 = arith.addf %add3A_1144, %mul3A_1149 : vector<16xf32>
      %get3A_1151 = arith.constant 560 : index
      %get3A_1152 = tpu.vector_load %arg7[%get3A_1151] {strides = array<i32>} : memref<768xf32, #tpu.memory_space<vmem>>, vector<16xf32>,
      %get3A_1153 = arith.constant 752 : index
      %get3A_1154 = tpu.vector_load %arg8[%get3A_1153] {strides = array<i32>} : memref<768xf32, #tpu.memory_space<vmem>>, vector<16xf32>,
      %mul3A_1155 = arith.mulf %get3A_1152, %get3A_1154 : vector<16xf32>
      %add3A_1156 = arith.addf %add3A_1150, %mul3A_1155 : vector<16xf32>
      %reduce_sum3A_1157 = arith.constant true
      %reduce_sum3A_1158 = vector.broadcast %reduce_sum3A_1157 : i1 to vector<16xi1>
      %reduce_sum3A_1159 = tpu.scan <sum>, %add3A_1156 masked %reduce_sum3A_1158 : vector<16xf32>, vector<16xi1> -> vector<16xf32>
      %reduce_sum3A_1160 = vector.extract %reduce_sum3A_1159[15] : f32 from vector<16xf32>
      %eq3A_1161 = arith.constant 3 : i32
      %eq3A_1162 = vector.broadcast %eq3A_1161 : i32 to vector<16xi32>
      %eq3A_1163 = arith.cmpi eq, %iota3A, %eq3A_1162 : vector<16xi32>
      %broadcast_in_dim3A_1164 = vector.broadcast %reduce_sum3A_1160 : f32 to vector<16xf32>
      %select_n3A_1165 = arith.select %eq3A_1163, %broadcast_in_dim3A_1164, %select_n3A_1082 : vector<16xi1>, vector<16xf32>
      %add3A_1166 = arith.addf %select_n3A_1165, %get3A_4 : vector<16xf32>
      %lt3A_1167 = arith.constant 4 : i32
      %lt3A_1168 = vector.broadcast %lt3A_1167 : i32 to vector<16xi32>
      %lt3A_1169 = arith.cmpi slt, %iota3A, %lt3A_1168 : vector<16xi32>
      %jit3A_1170 = arith.constant -1.000000e+30 : f32
      %broadcast_in_dim3A_1171 = vector.broadcast %jit3A_1170 : f32 to vector<16xf32>
      %select_n3A_1172 = arith.select %lt3A_1169, %add3A_1166, %broadcast_in_dim3A_1171 : vector<16xi1>, vector<16xf32>
      %reduce_max3A_1173 = arith.constant true
      %reduce_max3A_1174 = vector.broadcast %reduce_max3A_1173 : i1 to vector<16xi1>
      %reduce_max3A_1175 = tpu.scan <max>, %select_n3A_1172 masked %reduce_max3A_1174 : vector<16xf32>, vector<16xi1> -> vector<16xf32>
      %reduce_max3A_1176 = vector.extract %reduce_max3A_1175[15] : f32 from vector<16xf32>
      %sub3A_1177 = vector.broadcast %reduce_max3A_1176 : f32 to vector<16xf32>
      %sub3A_1178 = arith.subf %select_n3A_1172, %sub3A_1177 : vector<16xf32>
      %exp3A_1179 = math.exp %sub3A_1178 : vector<16xf32>
      %reduce_max3A_1180 = arith.constant true
      %reduce_max3A_1181 = vector.broadcast %reduce_max3A_1180 : i1 to vector<16xi1>
      %reduce_max3A_1182 = tpu.scan <max>, %exp3A_1179 masked %reduce_max3A_1181 : vector<16xf32>, vector<16xi1> -> vector<16xf32>
      %reduce_max3A_1183 = vector.extract %reduce_max3A_1182[15] : f32 from vector<16xf32>
      %ge3A_1184 = vector.broadcast %reduce_max3A_1183 : f32 to vector<16xf32>
      %ge3A_1185 = arith.cmpf oge, %exp3A_1179, %ge3A_1184 : vector<16xf32>
      %jit3A_1186 = arith.constant 4 : i32
      %broadcast_in_dim3A_1187 = vector.broadcast %jit3A_1186 : i32 to vector<16xi32>
      %select_n3A_1188 = arith.select %ge3A_1185, %iota3A, %broadcast_in_dim3A_1187 : vector<16xi1>, vector<16xi32>
      %reduce_min3A_1189 = arith.constant true
      %reduce_min3A_1190 = vector.broadcast %reduce_min3A_1189 : i1 to vector<16xi1>
      %reduce_min3A_1191 = arith.constant -2147483648 : i32
      %reduce_min3A_1192 = vector.broadcast %reduce_min3A_1191 : i32 to vector<16xi32>
      %reduce_min3A_1193 = arith.xori %select_n3A_1188, %reduce_min3A_1192 : vector<16xi32>
      %reduce_min3A_1194 = tpu.scan <min>, %reduce_min3A_1193 masked %reduce_min3A_1190 : vector<16xi32>, vector<16xi1> -> vector<16xi32>
      %reduce_min3A_1195 = arith.xori %reduce_min3A_1194, %reduce_min3A_1192 : vector<16xi32>
      %reduce_min3A_1196 = vector.extract %reduce_min3A_1195[15] : i32 from vector<16xi32>
      %eq3A_1197 = vector.broadcast %reduce_min3A_1196 : i32 to vector<16xi32>
      %eq3A_1198 = arith.cmpi eq, %iota3A, %eq3A_1197 : vector<16xi32>
      %jit3A_1199 = arith.constant -1.000000e+00 : f32
      %broadcast_in_dim3A_1200 = vector.broadcast %jit3A_1199 : f32 to vector<16xf32>
      %select_n3A_1201 = arith.select %eq3A_1198, %broadcast_in_dim3A_1200, %exp3A_1179 : vector<16xi1>, vector<16xf32>
      %reduce_max3A_1202 = arith.constant true
      %reduce_max3A_1203 = vector.broadcast %reduce_max3A_1202 : i1 to vector<16xi1>
      %reduce_max3A_1204 = tpu.scan <max>, %select_n3A_1201 masked %reduce_max3A_1203 : vector<16xf32>, vector<16xi1> -> vector<16xf32>
      %reduce_max3A_1205 = vector.extract %reduce_max3A_1204[15] : f32 from vector<16xf32>
      %ge3A_1206 = vector.broadcast %reduce_max3A_1205 : f32 to vector<16xf32>
      %ge3A_1207 = arith.cmpf oge, %select_n3A_1201, %ge3A_1206 : vector<16xf32>
      %jit3A_1208 = arith.constant 4 : i32
      %broadcast_in_dim3A_1209 = vector.broadcast %jit3A_1208 : i32 to vector<16xi32>
      %select_n3A_1210 = arith.select %ge3A_1207, %iota3A, %broadcast_in_dim3A_1209 : vector<16xi1>, vector<16xi32>
      %reduce_min3A_1211 = arith.constant true
      %reduce_min3A_1212 = vector.broadcast %reduce_min3A_1211 : i1 to vector<16xi1>
      %reduce_min3A_1213 = arith.constant -2147483648 : i32
      %reduce_min3A_1214 = vector.broadcast %reduce_min3A_1213 : i32 to vector<16xi32>
      %reduce_min3A_1215 = arith.xori %select_n3A_1210, %reduce_min3A_1214 : vector<16xi32>
      %reduce_min3A_1216 = tpu.scan <min>, %reduce_min3A_1215 masked %reduce_min3A_1212 : vector<16xi32>, vector<16xi1> -> vector<16xi32>
      %reduce_min3A_1217 = arith.xori %reduce_min3A_1216, %reduce_min3A_1214 : vector<16xi32>
      %reduce_min3A_1218 = vector.extract %reduce_min3A_1217[15] : i32 from vector<16xi32>
      %add3A_1219 = arith.addf %reduce_max3A_1183, %reduce_max3A_1205 : f32
      %eq3A_1220 = arith.constant 4 : i32
      %eq3A_1221 = vector.broadcast %eq3A_1220 : i32 to vector<16xi32>
      %eq3A_1222 = arith.cmpi eq, %iota3A, %eq3A_1221 : vector<16xi32>
      %broadcast_in_dim3A_1223 = vector.broadcast %reduce_min3A_1196 : i32 to vector<16xi32>
      %select_n3A_1224 = arith.select %eq3A_1222, %broadcast_in_dim3A_1223, %select_n3A_812 : vector<16xi1>, vector<16xi32>
      %eq3A_1225 = arith.constant 5 : i32
      %eq3A_1226 = vector.broadcast %eq3A_1225 : i32 to vector<16xi32>
      %eq3A_1227 = arith.cmpi eq, %iota3A, %eq3A_1226 : vector<16xi32>
      %broadcast_in_dim3A_1228 = vector.broadcast %reduce_min3A_1218 : i32 to vector<16xi32>
      %select_n3A_1229 = arith.select %eq3A_1227, %broadcast_in_dim3A_1228, %select_n3A_1224 : vector<16xi1>, vector<16xi32>
      %eq3A_1230 = arith.constant 4 : i32
      %eq3A_1231 = vector.broadcast %eq3A_1230 : i32 to vector<16xi32>
      %eq3A_1232 = arith.cmpi eq, %iota3A, %eq3A_1231 : vector<16xi32>
      %broadcast_in_dim3A_1233 = vector.broadcast %reduce_max3A_1183 : f32 to vector<16xf32>
      %select_n3A_1234 = arith.select %eq3A_1232, %broadcast_in_dim3A_1233, %select_n3A_822 : vector<16xi1>, vector<16xf32>
      %eq3A_1235 = arith.constant 5 : i32
      %eq3A_1236 = vector.broadcast %eq3A_1235 : i32 to vector<16xi32>
      %eq3A_1237 = arith.cmpi eq, %iota3A, %eq3A_1236 : vector<16xi32>
      %broadcast_in_dim3A_1238 = vector.broadcast %reduce_max3A_1205 : f32 to vector<16xf32>
      %select_n3A_1239 = arith.select %eq3A_1237, %broadcast_in_dim3A_1238, %select_n3A_1234 : vector<16xi1>, vector<16xf32>
      %eq3A_1240 = arith.constant 4 : i32
      %eq3A_1241 = vector.broadcast %eq3A_1240 : i32 to vector<16xi32>
      %eq3A_1242 = arith.cmpi eq, %iota3A, %eq3A_1241 : vector<16xi32>
      %eq3A_1243 = arith.constant 5 : i32
      %eq3A_1244 = vector.broadcast %eq3A_1243 : i32 to vector<16xi32>
      %eq3A_1245 = arith.cmpi eq, %iota3A, %eq3A_1244 : vector<16xi32>
      %or3A_1246 = arith.ori %eq3A_1242, %eq3A_1245 : vector<16xi1>
      %broadcast_in_dim3A_1247 = vector.broadcast %add3A_1219 : f32 to vector<16xf32>
      %select_n3A_1248 = arith.select %or3A_1246, %broadcast_in_dim3A_1247, %select_n3A_831 : vector<16xi1>, vector<16xf32>
      %broadcast_in_dim3A_1249 = arith.constant 0.000000e+00 : f32
      %broadcast_in_dim3A_1250 = vector.broadcast %broadcast_in_dim3A_1249 : f32 to vector<16xf32>
      %broadcast_in_dim3A_1251 = arith.constant 0.000000e+00 : f32
      %broadcast_in_dim3A_1252 = vector.broadcast %broadcast_in_dim3A_1251 : f32 to vector<16xf32>
      %get3A_1253 = arith.constant 576 : index
      %get3A_1254 = tpu.vector_load %arg7[%get3A_1253] {strides = array<i32>} : memref<768xf32, #tpu.memory_space<vmem>>, vector<16xf32>,
      %get3A_1255 = arith.constant 0 : index
      %get3A_1256 = tpu.vector_load %arg8[%get3A_1255] {strides = array<i32>} : memref<768xf32, #tpu.memory_space<vmem>>, vector<16xf32>,
      %mul3A_1257 = arith.mulf %get3A_1254, %get3A_1256 : vector<16xf32>
      %add3A_1258 = arith.addf %broadcast_in_dim3A_1252, %mul3A_1257 : vector<16xf32>
      %get3A_1259 = arith.constant 592 : index
      %get3A_1260 = tpu.vector_load %arg7[%get3A_1259] {strides = array<i32>} : memref<768xf32, #tpu.memory_space<vmem>>, vector<16xf32>,
      %get3A_1261 = arith.constant 16 : index
      %get3A_1262 = tpu.vector_load %arg8[%get3A_1261] {strides = array<i32>} : memref<768xf32, #tpu.memory_space<vmem>>, vector<16xf32>,
      %mul3A_1263 = arith.mulf %get3A_1260, %get3A_1262 : vector<16xf32>
      %add3A_1264 = arith.addf %add3A_1258, %mul3A_1263 : vector<16xf32>
      %get3A_1265 = arith.constant 608 : index
      %get3A_1266 = tpu.vector_load %arg7[%get3A_1265] {strides = array<i32>} : memref<768xf32, #tpu.memory_space<vmem>>, vector<16xf32>,
      %get3A_1267 = arith.constant 32 : index
      %get3A_1268 = tpu.vector_load %arg8[%get3A_1267] {strides = array<i32>} : memref<768xf32, #tpu.memory_space<vmem>>, vector<16xf32>,
      %mul3A_1269 = arith.mulf %get3A_1266, %get3A_1268 : vector<16xf32>
      %add3A_1270 = arith.addf %add3A_1264, %mul3A_1269 : vector<16xf32>
      %get3A_1271 = arith.constant 624 : index
      %get3A_1272 = tpu.vector_load %arg7[%get3A_1271] {strides = array<i32>} : memref<768xf32, #tpu.memory_space<vmem>>, vector<16xf32>,
      %get3A_1273 = arith.constant 48 : index
      %get3A_1274 = tpu.vector_load %arg8[%get3A_1273] {strides = array<i32>} : memref<768xf32, #tpu.memory_space<vmem>>, vector<16xf32>,
      %mul3A_1275 = arith.mulf %get3A_1272, %get3A_1274 : vector<16xf32>
      %add3A_1276 = arith.addf %add3A_1270, %mul3A_1275 : vector<16xf32>
      %get3A_1277 = arith.constant 640 : index
      %get3A_1278 = tpu.vector_load %arg7[%get3A_1277] {strides = array<i32>} : memref<768xf32, #tpu.memory_space<vmem>>, vector<16xf32>,
      %get3A_1279 = arith.constant 64 : index
      %get3A_1280 = tpu.vector_load %arg8[%get3A_1279] {strides = array<i32>} : memref<768xf32, #tpu.memory_space<vmem>>, vector<16xf32>,
      %mul3A_1281 = arith.mulf %get3A_1278, %get3A_1280 : vector<16xf32>
      %add3A_1282 = arith.addf %add3A_1276, %mul3A_1281 : vector<16xf32>
      %get3A_1283 = arith.constant 656 : index
      %get3A_1284 = tpu.vector_load %arg7[%get3A_1283] {strides = array<i32>} : memref<768xf32, #tpu.memory_space<vmem>>, vector<16xf32>,
      %get3A_1285 = arith.constant 80 : index
      %get3A_1286 = tpu.vector_load %arg8[%get3A_1285] {strides = array<i32>} : memref<768xf32, #tpu.memory_space<vmem>>, vector<16xf32>,
      %mul3A_1287 = arith.mulf %get3A_1284, %get3A_1286 : vector<16xf32>
      %add3A_1288 = arith.addf %add3A_1282, %mul3A_1287 : vector<16xf32>
      %get3A_1289 = arith.constant 672 : index
      %get3A_1290 = tpu.vector_load %arg7[%get3A_1289] {strides = array<i32>} : memref<768xf32, #tpu.memory_space<vmem>>, vector<16xf32>,
      %get3A_1291 = arith.constant 96 : index
      %get3A_1292 = tpu.vector_load %arg8[%get3A_1291] {strides = array<i32>} : memref<768xf32, #tpu.memory_space<vmem>>, vector<16xf32>,
      %mul3A_1293 = arith.mulf %get3A_1290, %get3A_1292 : vector<16xf32>
      %add3A_1294 = arith.addf %add3A_1288, %mul3A_1293 : vector<16xf32>
      %get3A_1295 = arith.constant 688 : index
      %get3A_1296 = tpu.vector_load %arg7[%get3A_1295] {strides = array<i32>} : memref<768xf32, #tpu.memory_space<vmem>>, vector<16xf32>,
      %get3A_1297 = arith.constant 112 : index
      %get3A_1298 = tpu.vector_load %arg8[%get3A_1297] {strides = array<i32>} : memref<768xf32, #tpu.memory_space<vmem>>, vector<16xf32>,
      %mul3A_1299 = arith.mulf %get3A_1296, %get3A_1298 : vector<16xf32>
      %add3A_1300 = arith.addf %add3A_1294, %mul3A_1299 : vector<16xf32>
      %get3A_1301 = arith.constant 704 : index
      %get3A_1302 = tpu.vector_load %arg7[%get3A_1301] {strides = array<i32>} : memref<768xf32, #tpu.memory_space<vmem>>, vector<16xf32>,
      %get3A_1303 = arith.constant 128 : index
      %get3A_1304 = tpu.vector_load %arg8[%get3A_1303] {strides = array<i32>} : memref<768xf32, #tpu.memory_space<vmem>>, vector<16xf32>,
      %mul3A_1305 = arith.mulf %get3A_1302, %get3A_1304 : vector<16xf32>
      %add3A_1306 = arith.addf %add3A_1300, %mul3A_1305 : vector<16xf32>
      %get3A_1307 = arith.constant 720 : index
      %get3A_1308 = tpu.vector_load %arg7[%get3A_1307] {strides = array<i32>} : memref<768xf32, #tpu.memory_space<vmem>>, vector<16xf32>,
      %get3A_1309 = arith.constant 144 : index
      %get3A_1310 = tpu.vector_load %arg8[%get3A_1309] {strides = array<i32>} : memref<768xf32, #tpu.memory_space<vmem>>, vector<16xf32>,
      %mul3A_1311 = arith.mulf %get3A_1308, %get3A_1310 : vector<16xf32>
      %add3A_1312 = arith.addf %add3A_1306, %mul3A_1311 : vector<16xf32>
      %get3A_1313 = arith.constant 736 : index
      %get3A_1314 = tpu.vector_load %arg7[%get3A_1313] {strides = array<i32>} : memref<768xf32, #tpu.memory_space<vmem>>, vector<16xf32>,
      %get3A_1315 = arith.constant 160 : index
      %get3A_1316 = tpu.vector_load %arg8[%get3A_1315] {strides = array<i32>} : memref<768xf32, #tpu.memory_space<vmem>>, vector<16xf32>,
      %mul3A_1317 = arith.mulf %get3A_1314, %get3A_1316 : vector<16xf32>
      %add3A_1318 = arith.addf %add3A_1312, %mul3A_1317 : vector<16xf32>
      %get3A_1319 = arith.constant 752 : index
      %get3A_1320 = tpu.vector_load %arg7[%get3A_1319] {strides = array<i32>} : memref<768xf32, #tpu.memory_space<vmem>>, vector<16xf32>,
      %get3A_1321 = arith.constant 176 : index
      %get3A_1322 = tpu.vector_load %arg8[%get3A_1321] {strides = array<i32>} : memref<768xf32, #tpu.memory_space<vmem>>, vector<16xf32>,
      %mul3A_1323 = arith.mulf %get3A_1320, %get3A_1322 : vector<16xf32>
      %add3A_1324 = arith.addf %add3A_1318, %mul3A_1323 : vector<16xf32>
      %reduce_sum3A_1325 = arith.constant true
      %reduce_sum3A_1326 = vector.broadcast %reduce_sum3A_1325 : i1 to vector<16xi1>
      %reduce_sum3A_1327 = tpu.scan <sum>, %add3A_1324 masked %reduce_sum3A_1326 : vector<16xf32>, vector<16xi1> -> vector<16xf32>
      %reduce_sum3A_1328 = vector.extract %reduce_sum3A_1327[15] : f32 from vector<16xf32>
      %eq3A_1329 = arith.constant 0 : i32
      %eq3A_1330 = vector.broadcast %eq3A_1329 : i32 to vector<16xi32>
      %eq3A_1331 = arith.cmpi eq, %iota3A, %eq3A_1330 : vector<16xi32>
      %broadcast_in_dim3A_1332 = vector.broadcast %reduce_sum3A_1328 : f32 to vector<16xf32>
      %select_n3A_1333 = arith.select %eq3A_1331, %broadcast_in_dim3A_1332, %broadcast_in_dim3A_1250 : vector<16xi1>, vector<16xf32>
      %broadcast_in_dim3A_1334 = arith.constant 0.000000e+00 : f32
      %broadcast_in_dim3A_1335 = vector.broadcast %broadcast_in_dim3A_1334 : f32 to vector<16xf32>
      %get3A_1336 = arith.constant 576 : index
      %get3A_1337 = tpu.vector_load %arg7[%get3A_1336] {strides = array<i32>} : memref<768xf32, #tpu.memory_space<vmem>>, vector<16xf32>,
      %get3A_1338 = arith.constant 192 : index
      %get3A_1339 = tpu.vector_load %arg8[%get3A_1338] {strides = array<i32>} : memref<768xf32, #tpu.memory_space<vmem>>, vector<16xf32>,
      %mul3A_1340 = arith.mulf %get3A_1337, %get3A_1339 : vector<16xf32>
      %add3A_1341 = arith.addf %broadcast_in_dim3A_1335, %mul3A_1340 : vector<16xf32>
      %get3A_1342 = arith.constant 592 : index
      %get3A_1343 = tpu.vector_load %arg7[%get3A_1342] {strides = array<i32>} : memref<768xf32, #tpu.memory_space<vmem>>, vector<16xf32>,
      %get3A_1344 = arith.constant 208 : index
      %get3A_1345 = tpu.vector_load %arg8[%get3A_1344] {strides = array<i32>} : memref<768xf32, #tpu.memory_space<vmem>>, vector<16xf32>,
      %mul3A_1346 = arith.mulf %get3A_1343, %get3A_1345 : vector<16xf32>
      %add3A_1347 = arith.addf %add3A_1341, %mul3A_1346 : vector<16xf32>
      %get3A_1348 = arith.constant 608 : index
      %get3A_1349 = tpu.vector_load %arg7[%get3A_1348] {strides = array<i32>} : memref<768xf32, #tpu.memory_space<vmem>>, vector<16xf32>,
      %get3A_1350 = arith.constant 224 : index
      %get3A_1351 = tpu.vector_load %arg8[%get3A_1350] {strides = array<i32>} : memref<768xf32, #tpu.memory_space<vmem>>, vector<16xf32>,
      %mul3A_1352 = arith.mulf %get3A_1349, %get3A_1351 : vector<16xf32>
      %add3A_1353 = arith.addf %add3A_1347, %mul3A_1352 : vector<16xf32>
      %get3A_1354 = arith.constant 624 : index
      %get3A_1355 = tpu.vector_load %arg7[%get3A_1354] {strides = array<i32>} : memref<768xf32, #tpu.memory_space<vmem>>, vector<16xf32>,
      %get3A_1356 = arith.constant 240 : index
      %get3A_1357 = tpu.vector_load %arg8[%get3A_1356] {strides = array<i32>} : memref<768xf32, #tpu.memory_space<vmem>>, vector<16xf32>,
      %mul3A_1358 = arith.mulf %get3A_1355, %get3A_1357 : vector<16xf32>
      %add3A_1359 = arith.addf %add3A_1353, %mul3A_1358 : vector<16xf32>
      %get3A_1360 = arith.constant 640 : index
      %get3A_1361 = tpu.vector_load %arg7[%get3A_1360] {strides = array<i32>} : memref<768xf32, #tpu.memory_space<vmem>>, vector<16xf32>,
      %get3A_1362 = arith.constant 256 : index
      %get3A_1363 = tpu.vector_load %arg8[%get3A_1362] {strides = array<i32>} : memref<768xf32, #tpu.memory_space<vmem>>, vector<16xf32>,
      %mul3A_1364 = arith.mulf %get3A_1361, %get3A_1363 : vector<16xf32>
      %add3A_1365 = arith.addf %add3A_1359, %mul3A_1364 : vector<16xf32>
      %get3A_1366 = arith.constant 656 : index
      %get3A_1367 = tpu.vector_load %arg7[%get3A_1366] {strides = array<i32>} : memref<768xf32, #tpu.memory_space<vmem>>, vector<16xf32>,
      %get3A_1368 = arith.constant 272 : index
      %get3A_1369 = tpu.vector_load %arg8[%get3A_1368] {strides = array<i32>} : memref<768xf32, #tpu.memory_space<vmem>>, vector<16xf32>,
      %mul3A_1370 = arith.mulf %get3A_1367, %get3A_1369 : vector<16xf32>
      %add3A_1371 = arith.addf %add3A_1365, %mul3A_1370 : vector<16xf32>
      %get3A_1372 = arith.constant 672 : index
      %get3A_1373 = tpu.vector_load %arg7[%get3A_1372] {strides = array<i32>} : memref<768xf32, #tpu.memory_space<vmem>>, vector<16xf32>,
      %get3A_1374 = arith.constant 288 : index
      %get3A_1375 = tpu.vector_load %arg8[%get3A_1374] {strides = array<i32>} : memref<768xf32, #tpu.memory_space<vmem>>, vector<16xf32>,
      %mul3A_1376 = arith.mulf %get3A_1373, %get3A_1375 : vector<16xf32>
      %add3A_1377 = arith.addf %add3A_1371, %mul3A_1376 : vector<16xf32>
      %get3A_1378 = arith.constant 688 : index
      %get3A_1379 = tpu.vector_load %arg7[%get3A_1378] {strides = array<i32>} : memref<768xf32, #tpu.memory_space<vmem>>, vector<16xf32>,
      %get3A_1380 = arith.constant 304 : index
      %get3A_1381 = tpu.vector_load %arg8[%get3A_1380] {strides = array<i32>} : memref<768xf32, #tpu.memory_space<vmem>>, vector<16xf32>,
      %mul3A_1382 = arith.mulf %get3A_1379, %get3A_1381 : vector<16xf32>
      %add3A_1383 = arith.addf %add3A_1377, %mul3A_1382 : vector<16xf32>
      %get3A_1384 = arith.constant 704 : index
      %get3A_1385 = tpu.vector_load %arg7[%get3A_1384] {strides = array<i32>} : memref<768xf32, #tpu.memory_space<vmem>>, vector<16xf32>,
      %get3A_1386 = arith.constant 320 : index
      %get3A_1387 = tpu.vector_load %arg8[%get3A_1386] {strides = array<i32>} : memref<768xf32, #tpu.memory_space<vmem>>, vector<16xf32>,
      %mul3A_1388 = arith.mulf %get3A_1385, %get3A_1387 : vector<16xf32>
      %add3A_1389 = arith.addf %add3A_1383, %mul3A_1388 : vector<16xf32>
      %get3A_1390 = arith.constant 720 : index
      %get3A_1391 = tpu.vector_load %arg7[%get3A_1390] {strides = array<i32>} : memref<768xf32, #tpu.memory_space<vmem>>, vector<16xf32>,
      %get3A_1392 = arith.constant 336 : index
      %get3A_1393 = tpu.vector_load %arg8[%get3A_1392] {strides = array<i32>} : memref<768xf32, #tpu.memory_space<vmem>>, vector<16xf32>,
      %mul3A_1394 = arith.mulf %get3A_1391, %get3A_1393 : vector<16xf32>
      %add3A_1395 = arith.addf %add3A_1389, %mul3A_1394 : vector<16xf32>
      %get3A_1396 = arith.constant 736 : index
      %get3A_1397 = tpu.vector_load %arg7[%get3A_1396] {strides = array<i32>} : memref<768xf32, #tpu.memory_space<vmem>>, vector<16xf32>,
      %get3A_1398 = arith.constant 352 : index
      %get3A_1399 = tpu.vector_load %arg8[%get3A_1398] {strides = array<i32>} : memref<768xf32, #tpu.memory_space<vmem>>, vector<16xf32>,
      %mul3A_1400 = arith.mulf %get3A_1397, %get3A_1399 : vector<16xf32>
      %add3A_1401 = arith.addf %add3A_1395, %mul3A_1400 : vector<16xf32>
      %get3A_1402 = arith.constant 752 : index
      %get3A_1403 = tpu.vector_load %arg7[%get3A_1402] {strides = array<i32>} : memref<768xf32, #tpu.memory_space<vmem>>, vector<16xf32>,
      %get3A_1404 = arith.constant 368 : index
      %get3A_1405 = tpu.vector_load %arg8[%get3A_1404] {strides = array<i32>} : memref<768xf32, #tpu.memory_space<vmem>>, vector<16xf32>,
      %mul3A_1406 = arith.mulf %get3A_1403, %get3A_1405 : vector<16xf32>
      %add3A_1407 = arith.addf %add3A_1401, %mul3A_1406 : vector<16xf32>
      %reduce_sum3A_1408 = arith.constant true
      %reduce_sum3A_1409 = vector.broadcast %reduce_sum3A_1408 : i1 to vector<16xi1>
      %reduce_sum3A_1410 = tpu.scan <sum>, %add3A_1407 masked %reduce_sum3A_1409 : vector<16xf32>, vector<16xi1> -> vector<16xf32>
      %reduce_sum3A_1411 = vector.extract %reduce_sum3A_1410[15] : f32 from vector<16xf32>
      %eq3A_1412 = arith.constant 1 : i32
      %eq3A_1413 = vector.broadcast %eq3A_1412 : i32 to vector<16xi32>
      %eq3A_1414 = arith.cmpi eq, %iota3A, %eq3A_1413 : vector<16xi32>
      %broadcast_in_dim3A_1415 = vector.broadcast %reduce_sum3A_1411 : f32 to vector<16xf32>
      %select_n3A_1416 = arith.select %eq3A_1414, %broadcast_in_dim3A_1415, %select_n3A_1333 : vector<16xi1>, vector<16xf32>
      %broadcast_in_dim3A_1417 = arith.constant 0.000000e+00 : f32
      %broadcast_in_dim3A_1418 = vector.broadcast %broadcast_in_dim3A_1417 : f32 to vector<16xf32>
      %get3A_1419 = arith.constant 576 : index
      %get3A_1420 = tpu.vector_load %arg7[%get3A_1419] {strides = array<i32>} : memref<768xf32, #tpu.memory_space<vmem>>, vector<16xf32>,
      %get3A_1421 = arith.constant 384 : index
      %get3A_1422 = tpu.vector_load %arg8[%get3A_1421] {strides = array<i32>} : memref<768xf32, #tpu.memory_space<vmem>>, vector<16xf32>,
      %mul3A_1423 = arith.mulf %get3A_1420, %get3A_1422 : vector<16xf32>
      %add3A_1424 = arith.addf %broadcast_in_dim3A_1418, %mul3A_1423 : vector<16xf32>
      %get3A_1425 = arith.constant 592 : index
      %get3A_1426 = tpu.vector_load %arg7[%get3A_1425] {strides = array<i32>} : memref<768xf32, #tpu.memory_space<vmem>>, vector<16xf32>,
      %get3A_1427 = arith.constant 400 : index
      %get3A_1428 = tpu.vector_load %arg8[%get3A_1427] {strides = array<i32>} : memref<768xf32, #tpu.memory_space<vmem>>, vector<16xf32>,
      %mul3A_1429 = arith.mulf %get3A_1426, %get3A_1428 : vector<16xf32>
      %add3A_1430 = arith.addf %add3A_1424, %mul3A_1429 : vector<16xf32>
      %get3A_1431 = arith.constant 608 : index
      %get3A_1432 = tpu.vector_load %arg7[%get3A_1431] {strides = array<i32>} : memref<768xf32, #tpu.memory_space<vmem>>, vector<16xf32>,
      %get3A_1433 = arith.constant 416 : index
      %get3A_1434 = tpu.vector_load %arg8[%get3A_1433] {strides = array<i32>} : memref<768xf32, #tpu.memory_space<vmem>>, vector<16xf32>,
      %mul3A_1435 = arith.mulf %get3A_1432, %get3A_1434 : vector<16xf32>
      %add3A_1436 = arith.addf %add3A_1430, %mul3A_1435 : vector<16xf32>
      %get3A_1437 = arith.constant 624 : index
      %get3A_1438 = tpu.vector_load %arg7[%get3A_1437] {strides = array<i32>} : memref<768xf32, #tpu.memory_space<vmem>>, vector<16xf32>,
      %get3A_1439 = arith.constant 432 : index
      %get3A_1440 = tpu.vector_load %arg8[%get3A_1439] {strides = array<i32>} : memref<768xf32, #tpu.memory_space<vmem>>, vector<16xf32>,
      %mul3A_1441 = arith.mulf %get3A_1438, %get3A_1440 : vector<16xf32>
      %add3A_1442 = arith.addf %add3A_1436, %mul3A_1441 : vector<16xf32>
      %get3A_1443 = arith.constant 640 : index
      %get3A_1444 = tpu.vector_load %arg7[%get3A_1443] {strides = array<i32>} : memref<768xf32, #tpu.memory_space<vmem>>, vector<16xf32>,
      %get3A_1445 = arith.constant 448 : index
      %get3A_1446 = tpu.vector_load %arg8[%get3A_1445] {strides = array<i32>} : memref<768xf32, #tpu.memory_space<vmem>>, vector<16xf32>,
      %mul3A_1447 = arith.mulf %get3A_1444, %get3A_1446 : vector<16xf32>
      %add3A_1448 = arith.addf %add3A_1442, %mul3A_1447 : vector<16xf32>
      %get3A_1449 = arith.constant 656 : index
      %get3A_1450 = tpu.vector_load %arg7[%get3A_1449] {strides = array<i32>} : memref<768xf32, #tpu.memory_space<vmem>>, vector<16xf32>,
      %get3A_1451 = arith.constant 464 : index
      %get3A_1452 = tpu.vector_load %arg8[%get3A_1451] {strides = array<i32>} : memref<768xf32, #tpu.memory_space<vmem>>, vector<16xf32>,
      %mul3A_1453 = arith.mulf %get3A_1450, %get3A_1452 : vector<16xf32>
      %add3A_1454 = arith.addf %add3A_1448, %mul3A_1453 : vector<16xf32>
      %get3A_1455 = arith.constant 672 : index
      %get3A_1456 = tpu.vector_load %arg7[%get3A_1455] {strides = array<i32>} : memref<768xf32, #tpu.memory_space<vmem>>, vector<16xf32>,
      %get3A_1457 = arith.constant 480 : index
      %get3A_1458 = tpu.vector_load %arg8[%get3A_1457] {strides = array<i32>} : memref<768xf32, #tpu.memory_space<vmem>>, vector<16xf32>,
      %mul3A_1459 = arith.mulf %get3A_1456, %get3A_1458 : vector<16xf32>
      %add3A_1460 = arith.addf %add3A_1454, %mul3A_1459 : vector<16xf32>
      %get3A_1461 = arith.constant 688 : index
      %get3A_1462 = tpu.vector_load %arg7[%get3A_1461] {strides = array<i32>} : memref<768xf32, #tpu.memory_space<vmem>>, vector<16xf32>,
      %get3A_1463 = arith.constant 496 : index
      %get3A_1464 = tpu.vector_load %arg8[%get3A_1463] {strides = array<i32>} : memref<768xf32, #tpu.memory_space<vmem>>, vector<16xf32>,
      %mul3A_1465 = arith.mulf %get3A_1462, %get3A_1464 : vector<16xf32>
      %add3A_1466 = arith.addf %add3A_1460, %mul3A_1465 : vector<16xf32>
      %get3A_1467 = arith.constant 704 : index
      %get3A_1468 = tpu.vector_load %arg7[%get3A_1467] {strides = array<i32>} : memref<768xf32, #tpu.memory_space<vmem>>, vector<16xf32>,
      %get3A_1469 = arith.constant 512 : index
      %get3A_1470 = tpu.vector_load %arg8[%get3A_1469] {strides = array<i32>} : memref<768xf32, #tpu.memory_space<vmem>>, vector<16xf32>,
      %mul3A_1471 = arith.mulf %get3A_1468, %get3A_1470 : vector<16xf32>
      %add3A_1472 = arith.addf %add3A_1466, %mul3A_1471 : vector<16xf32>
      %get3A_1473 = arith.constant 720 : index
      %get3A_1474 = tpu.vector_load %arg7[%get3A_1473] {strides = array<i32>} : memref<768xf32, #tpu.memory_space<vmem>>, vector<16xf32>,
      %get3A_1475 = arith.constant 528 : index
      %get3A_1476 = tpu.vector_load %arg8[%get3A_1475] {strides = array<i32>} : memref<768xf32, #tpu.memory_space<vmem>>, vector<16xf32>,
      %mul3A_1477 = arith.mulf %get3A_1474, %get3A_1476 : vector<16xf32>
      %add3A_1478 = arith.addf %add3A_1472, %mul3A_1477 : vector<16xf32>
      %get3A_1479 = arith.constant 736 : index
      %get3A_1480 = tpu.vector_load %arg7[%get3A_1479] {strides = array<i32>} : memref<768xf32, #tpu.memory_space<vmem>>, vector<16xf32>,
      %get3A_1481 = arith.constant 544 : index
      %get3A_1482 = tpu.vector_load %arg8[%get3A_1481] {strides = array<i32>} : memref<768xf32, #tpu.memory_space<vmem>>, vector<16xf32>,
      %mul3A_1483 = arith.mulf %get3A_1480, %get3A_1482 : vector<16xf32>
      %add3A_1484 = arith.addf %add3A_1478, %mul3A_1483 : vector<16xf32>
      %get3A_1485 = arith.constant 752 : index
      %get3A_1486 = tpu.vector_load %arg7[%get3A_1485] {strides = array<i32>} : memref<768xf32, #tpu.memory_space<vmem>>, vector<16xf32>,
      %get3A_1487 = arith.constant 560 : index
      %get3A_1488 = tpu.vector_load %arg8[%get3A_1487] {strides = array<i32>} : memref<768xf32, #tpu.memory_space<vmem>>, vector<16xf32>,
      %mul3A_1489 = arith.mulf %get3A_1486, %get3A_1488 : vector<16xf32>
      %add3A_1490 = arith.addf %add3A_1484, %mul3A_1489 : vector<16xf32>
      %reduce_sum3A_1491 = arith.constant true
      %reduce_sum3A_1492 = vector.broadcast %reduce_sum3A_1491 : i1 to vector<16xi1>
      %reduce_sum3A_1493 = tpu.scan <sum>, %add3A_1490 masked %reduce_sum3A_1492 : vector<16xf32>, vector<16xi1> -> vector<16xf32>
      %reduce_sum3A_1494 = vector.extract %reduce_sum3A_1493[15] : f32 from vector<16xf32>
      %eq3A_1495 = arith.constant 2 : i32
      %eq3A_1496 = vector.broadcast %eq3A_1495 : i32 to vector<16xi32>
      %eq3A_1497 = arith.cmpi eq, %iota3A, %eq3A_1496 : vector<16xi32>
      %broadcast_in_dim3A_1498 = vector.broadcast %reduce_sum3A_1494 : f32 to vector<16xf32>
      %select_n3A_1499 = arith.select %eq3A_1497, %broadcast_in_dim3A_1498, %select_n3A_1416 : vector<16xi1>, vector<16xf32>
      %broadcast_in_dim3A_1500 = arith.constant 0.000000e+00 : f32
      %broadcast_in_dim3A_1501 = vector.broadcast %broadcast_in_dim3A_1500 : f32 to vector<16xf32>
      %get3A_1502 = arith.constant 576 : index
      %get3A_1503 = tpu.vector_load %arg7[%get3A_1502] {strides = array<i32>} : memref<768xf32, #tpu.memory_space<vmem>>, vector<16xf32>,
      %get3A_1504 = arith.constant 576 : index
      %get3A_1505 = tpu.vector_load %arg8[%get3A_1504] {strides = array<i32>} : memref<768xf32, #tpu.memory_space<vmem>>, vector<16xf32>,
      %mul3A_1506 = arith.mulf %get3A_1503, %get3A_1505 : vector<16xf32>
      %add3A_1507 = arith.addf %broadcast_in_dim3A_1501, %mul3A_1506 : vector<16xf32>
      %get3A_1508 = arith.constant 592 : index
      %get3A_1509 = tpu.vector_load %arg7[%get3A_1508] {strides = array<i32>} : memref<768xf32, #tpu.memory_space<vmem>>, vector<16xf32>,
      %get3A_1510 = arith.constant 592 : index
      %get3A_1511 = tpu.vector_load %arg8[%get3A_1510] {strides = array<i32>} : memref<768xf32, #tpu.memory_space<vmem>>, vector<16xf32>,
      %mul3A_1512 = arith.mulf %get3A_1509, %get3A_1511 : vector<16xf32>
      %add3A_1513 = arith.addf %add3A_1507, %mul3A_1512 : vector<16xf32>
      %get3A_1514 = arith.constant 608 : index
      %get3A_1515 = tpu.vector_load %arg7[%get3A_1514] {strides = array<i32>} : memref<768xf32, #tpu.memory_space<vmem>>, vector<16xf32>,
      %get3A_1516 = arith.constant 608 : index
      %get3A_1517 = tpu.vector_load %arg8[%get3A_1516] {strides = array<i32>} : memref<768xf32, #tpu.memory_space<vmem>>, vector<16xf32>,
      %mul3A_1518 = arith.mulf %get3A_1515, %get3A_1517 : vector<16xf32>
      %add3A_1519 = arith.addf %add3A_1513, %mul3A_1518 : vector<16xf32>
      %get3A_1520 = arith.constant 624 : index
      %get3A_1521 = tpu.vector_load %arg7[%get3A_1520] {strides = array<i32>} : memref<768xf32, #tpu.memory_space<vmem>>, vector<16xf32>,
      %get3A_1522 = arith.constant 624 : index
      %get3A_1523 = tpu.vector_load %arg8[%get3A_1522] {strides = array<i32>} : memref<768xf32, #tpu.memory_space<vmem>>, vector<16xf32>,
      %mul3A_1524 = arith.mulf %get3A_1521, %get3A_1523 : vector<16xf32>
      %add3A_1525 = arith.addf %add3A_1519, %mul3A_1524 : vector<16xf32>
      %get3A_1526 = arith.constant 640 : index
      %get3A_1527 = tpu.vector_load %arg7[%get3A_1526] {strides = array<i32>} : memref<768xf32, #tpu.memory_space<vmem>>, vector<16xf32>,
      %get3A_1528 = arith.constant 640 : index
      %get3A_1529 = tpu.vector_load %arg8[%get3A_1528] {strides = array<i32>} : memref<768xf32, #tpu.memory_space<vmem>>, vector<16xf32>,
      %mul3A_1530 = arith.mulf %get3A_1527, %get3A_1529 : vector<16xf32>
      %add3A_1531 = arith.addf %add3A_1525, %mul3A_1530 : vector<16xf32>
      %get3A_1532 = arith.constant 656 : index
      %get3A_1533 = tpu.vector_load %arg7[%get3A_1532] {strides = array<i32>} : memref<768xf32, #tpu.memory_space<vmem>>, vector<16xf32>,
      %get3A_1534 = arith.constant 656 : index
      %get3A_1535 = tpu.vector_load %arg8[%get3A_1534] {strides = array<i32>} : memref<768xf32, #tpu.memory_space<vmem>>, vector<16xf32>,
      %mul3A_1536 = arith.mulf %get3A_1533, %get3A_1535 : vector<16xf32>
      %add3A_1537 = arith.addf %add3A_1531, %mul3A_1536 : vector<16xf32>
      %get3A_1538 = arith.constant 672 : index
      %get3A_1539 = tpu.vector_load %arg7[%get3A_1538] {strides = array<i32>} : memref<768xf32, #tpu.memory_space<vmem>>, vector<16xf32>,
      %get3A_1540 = arith.constant 672 : index
      %get3A_1541 = tpu.vector_load %arg8[%get3A_1540] {strides = array<i32>} : memref<768xf32, #tpu.memory_space<vmem>>, vector<16xf32>,
      %mul3A_1542 = arith.mulf %get3A_1539, %get3A_1541 : vector<16xf32>
      %add3A_1543 = arith.addf %add3A_1537, %mul3A_1542 : vector<16xf32>
      %get3A_1544 = arith.constant 688 : index
      %get3A_1545 = tpu.vector_load %arg7[%get3A_1544] {strides = array<i32>} : memref<768xf32, #tpu.memory_space<vmem>>, vector<16xf32>,
      %get3A_1546 = arith.constant 688 : index
      %get3A_1547 = tpu.vector_load %arg8[%get3A_1546] {strides = array<i32>} : memref<768xf32, #tpu.memory_space<vmem>>, vector<16xf32>,
      %mul3A_1548 = arith.mulf %get3A_1545, %get3A_1547 : vector<16xf32>
      %add3A_1549 = arith.addf %add3A_1543, %mul3A_1548 : vector<16xf32>
      %get3A_1550 = arith.constant 704 : index
      %get3A_1551 = tpu.vector_load %arg7[%get3A_1550] {strides = array<i32>} : memref<768xf32, #tpu.memory_space<vmem>>, vector<16xf32>,
      %get3A_1552 = arith.constant 704 : index
      %get3A_1553 = tpu.vector_load %arg8[%get3A_1552] {strides = array<i32>} : memref<768xf32, #tpu.memory_space<vmem>>, vector<16xf32>,
      %mul3A_1554 = arith.mulf %get3A_1551, %get3A_1553 : vector<16xf32>
      %add3A_1555 = arith.addf %add3A_1549, %mul3A_1554 : vector<16xf32>
      %get3A_1556 = arith.constant 720 : index
      %get3A_1557 = tpu.vector_load %arg7[%get3A_1556] {strides = array<i32>} : memref<768xf32, #tpu.memory_space<vmem>>, vector<16xf32>,
      %get3A_1558 = arith.constant 720 : index
      %get3A_1559 = tpu.vector_load %arg8[%get3A_1558] {strides = array<i32>} : memref<768xf32, #tpu.memory_space<vmem>>, vector<16xf32>,
      %mul3A_1560 = arith.mulf %get3A_1557, %get3A_1559 : vector<16xf32>
      %add3A_1561 = arith.addf %add3A_1555, %mul3A_1560 : vector<16xf32>
      %get3A_1562 = arith.constant 736 : index
      %get3A_1563 = tpu.vector_load %arg7[%get3A_1562] {strides = array<i32>} : memref<768xf32, #tpu.memory_space<vmem>>, vector<16xf32>,
      %get3A_1564 = arith.constant 736 : index
      %get3A_1565 = tpu.vector_load %arg8[%get3A_1564] {strides = array<i32>} : memref<768xf32, #tpu.memory_space<vmem>>, vector<16xf32>,
      %mul3A_1566 = arith.mulf %get3A_1563, %get3A_1565 : vector<16xf32>
      %add3A_1567 = arith.addf %add3A_1561, %mul3A_1566 : vector<16xf32>
      %get3A_1568 = arith.constant 752 : index
      %get3A_1569 = tpu.vector_load %arg7[%get3A_1568] {strides = array<i32>} : memref<768xf32, #tpu.memory_space<vmem>>, vector<16xf32>,
      %get3A_1570 = arith.constant 752 : index
      %get3A_1571 = tpu.vector_load %arg8[%get3A_1570] {strides = array<i32>} : memref<768xf32, #tpu.memory_space<vmem>>, vector<16xf32>,
      %mul3A_1572 = arith.mulf %get3A_1569, %get3A_1571 : vector<16xf32>
      %add3A_1573 = arith.addf %add3A_1567, %mul3A_1572 : vector<16xf32>
      %reduce_sum3A_1574 = arith.constant true
      %reduce_sum3A_1575 = vector.broadcast %reduce_sum3A_1574 : i1 to vector<16xi1>
      %reduce_sum3A_1576 = tpu.scan <sum>, %add3A_1573 masked %reduce_sum3A_1575 : vector<16xf32>, vector<16xi1> -> vector<16xf32>
      %reduce_sum3A_1577 = vector.extract %reduce_sum3A_1576[15] : f32 from vector<16xf32>
      %eq3A_1578 = arith.constant 3 : i32
      %eq3A_1579 = vector.broadcast %eq3A_1578 : i32 to vector<16xi32>
      %eq3A_1580 = arith.cmpi eq, %iota3A, %eq3A_1579 : vector<16xi32>
      %broadcast_in_dim3A_1581 = vector.broadcast %reduce_sum3A_1577 : f32 to vector<16xf32>
      %select_n3A_1582 = arith.select %eq3A_1580, %broadcast_in_dim3A_1581, %select_n3A_1499 : vector<16xi1>, vector<16xf32>
      %add3A_1583 = arith.addf %select_n3A_1582, %get3A_4 : vector<16xf32>
      %lt3A_1584 = arith.constant 4 : i32
      %lt3A_1585 = vector.broadcast %lt3A_1584 : i32 to vector<16xi32>
      %lt3A_1586 = arith.cmpi slt, %iota3A, %lt3A_1585 : vector<16xi32>
      %jit3A_1587 = arith.constant -1.000000e+30 : f32
      %broadcast_in_dim3A_1588 = vector.broadcast %jit3A_1587 : f32 to vector<16xf32>
      %select_n3A_1589 = arith.select %lt3A_1586, %add3A_1583, %broadcast_in_dim3A_1588 : vector<16xi1>, vector<16xf32>
      %reduce_max3A_1590 = arith.constant true
      %reduce_max3A_1591 = vector.broadcast %reduce_max3A_1590 : i1 to vector<16xi1>
      %reduce_max3A_1592 = tpu.scan <max>, %select_n3A_1589 masked %reduce_max3A_1591 : vector<16xf32>, vector<16xi1> -> vector<16xf32>
      %reduce_max3A_1593 = vector.extract %reduce_max3A_1592[15] : f32 from vector<16xf32>
      %sub3A_1594 = vector.broadcast %reduce_max3A_1593 : f32 to vector<16xf32>
      %sub3A_1595 = arith.subf %select_n3A_1589, %sub3A_1594 : vector<16xf32>
      %exp3A_1596 = math.exp %sub3A_1595 : vector<16xf32>
      %reduce_max3A_1597 = arith.constant true
      %reduce_max3A_1598 = vector.broadcast %reduce_max3A_1597 : i1 to vector<16xi1>
      %reduce_max3A_1599 = tpu.scan <max>, %exp3A_1596 masked %reduce_max3A_1598 : vector<16xf32>, vector<16xi1> -> vector<16xf32>
      %reduce_max3A_1600 = vector.extract %reduce_max3A_1599[15] : f32 from vector<16xf32>
      %ge3A_1601 = vector.broadcast %reduce_max3A_1600 : f32 to vector<16xf32>
      %ge3A_1602 = arith.cmpf oge, %exp3A_1596, %ge3A_1601 : vector<16xf32>
      %jit3A_1603 = arith.constant 4 : i32
      %broadcast_in_dim3A_1604 = vector.broadcast %jit3A_1603 : i32 to vector<16xi32>
      %select_n3A_1605 = arith.select %ge3A_1602, %iota3A, %broadcast_in_dim3A_1604 : vector<16xi1>, vector<16xi32>
      %reduce_min3A_1606 = arith.constant true
      %reduce_min3A_1607 = vector.broadcast %reduce_min3A_1606 : i1 to vector<16xi1>
      %reduce_min3A_1608 = arith.constant -2147483648 : i32
      %reduce_min3A_1609 = vector.broadcast %reduce_min3A_1608 : i32 to vector<16xi32>
      %reduce_min3A_1610 = arith.xori %select_n3A_1605, %reduce_min3A_1609 : vector<16xi32>
      %reduce_min3A_1611 = tpu.scan <min>, %reduce_min3A_1610 masked %reduce_min3A_1607 : vector<16xi32>, vector<16xi1> -> vector<16xi32>
      %reduce_min3A_1612 = arith.xori %reduce_min3A_1611, %reduce_min3A_1609 : vector<16xi32>
      %reduce_min3A_1613 = vector.extract %reduce_min3A_1612[15] : i32 from vector<16xi32>
      %eq3A_1614 = vector.broadcast %reduce_min3A_1613 : i32 to vector<16xi32>
      %eq3A_1615 = arith.cmpi eq, %iota3A, %eq3A_1614 : vector<16xi32>
      %jit3A_1616 = arith.constant -1.000000e+00 : f32
      %broadcast_in_dim3A_1617 = vector.broadcast %jit3A_1616 : f32 to vector<16xf32>
      %select_n3A_1618 = arith.select %eq3A_1615, %broadcast_in_dim3A_1617, %exp3A_1596 : vector<16xi1>, vector<16xf32>
      %reduce_max3A_1619 = arith.constant true
      %reduce_max3A_1620 = vector.broadcast %reduce_max3A_1619 : i1 to vector<16xi1>
      %reduce_max3A_1621 = tpu.scan <max>, %select_n3A_1618 masked %reduce_max3A_1620 : vector<16xf32>, vector<16xi1> -> vector<16xf32>
      %reduce_max3A_1622 = vector.extract %reduce_max3A_1621[15] : f32 from vector<16xf32>
      %ge3A_1623 = vector.broadcast %reduce_max3A_1622 : f32 to vector<16xf32>
      %ge3A_1624 = arith.cmpf oge, %select_n3A_1618, %ge3A_1623 : vector<16xf32>
      %jit3A_1625 = arith.constant 4 : i32
      %broadcast_in_dim3A_1626 = vector.broadcast %jit3A_1625 : i32 to vector<16xi32>
      %select_n3A_1627 = arith.select %ge3A_1624, %iota3A, %broadcast_in_dim3A_1626 : vector<16xi1>, vector<16xi32>
      %reduce_min3A_1628 = arith.constant true
      %reduce_min3A_1629 = vector.broadcast %reduce_min3A_1628 : i1 to vector<16xi1>
      %reduce_min3A_1630 = arith.constant -2147483648 : i32
      %reduce_min3A_1631 = vector.broadcast %reduce_min3A_1630 : i32 to vector<16xi32>
      %reduce_min3A_1632 = arith.xori %select_n3A_1627, %reduce_min3A_1631 : vector<16xi32>
      %reduce_min3A_1633 = tpu.scan <min>, %reduce_min3A_1632 masked %reduce_min3A_1629 : vector<16xi32>, vector<16xi1> -> vector<16xi32>
      %reduce_min3A_1634 = arith.xori %reduce_min3A_1633, %reduce_min3A_1631 : vector<16xi32>
      %reduce_min3A_1635 = vector.extract %reduce_min3A_1634[15] : i32 from vector<16xi32>
      %add3A_1636 = arith.addf %reduce_max3A_1600, %reduce_max3A_1622 : f32
      %eq3A_1637 = arith.constant 6 : i32
      %eq3A_1638 = vector.broadcast %eq3A_1637 : i32 to vector<16xi32>
      %eq3A_1639 = arith.cmpi eq, %iota3A, %eq3A_1638 : vector<16xi32>
      %broadcast_in_dim3A_1640 = vector.broadcast %reduce_min3A_1613 : i32 to vector<16xi32>
      %select_n3A_1641 = arith.select %eq3A_1639, %broadcast_in_dim3A_1640, %select_n3A_1229 : vector<16xi1>, vector<16xi32>
      %eq3A_1642 = arith.constant 7 : i32
      %eq3A_1643 = vector.broadcast %eq3A_1642 : i32 to vector<16xi32>
      %eq3A_1644 = arith.cmpi eq, %iota3A, %eq3A_1643 : vector<16xi32>
      %broadcast_in_dim3A_1645 = vector.broadcast %reduce_min3A_1635 : i32 to vector<16xi32>
      %select_n3A_1646 = arith.select %eq3A_1644, %broadcast_in_dim3A_1645, %select_n3A_1641 : vector<16xi1>, vector<16xi32>
      %eq3A_1647 = arith.constant 6 : i32
      %eq3A_1648 = vector.broadcast %eq3A_1647 : i32 to vector<16xi32>
      %eq3A_1649 = arith.cmpi eq, %iota3A, %eq3A_1648 : vector<16xi32>
      %broadcast_in_dim3A_1650 = vector.broadcast %reduce_max3A_1600 : f32 to vector<16xf32>
      %select_n3A_1651 = arith.select %eq3A_1649, %broadcast_in_dim3A_1650, %select_n3A_1239 : vector<16xi1>, vector<16xf32>
      %eq3A_1652 = arith.constant 7 : i32
      %eq3A_1653 = vector.broadcast %eq3A_1652 : i32 to vector<16xi32>
      %eq3A_1654 = arith.cmpi eq, %iota3A, %eq3A_1653 : vector<16xi32>
      %broadcast_in_dim3A_1655 = vector.broadcast %reduce_max3A_1622 : f32 to vector<16xf32>
      %select_n3A_1656 = arith.select %eq3A_1654, %broadcast_in_dim3A_1655, %select_n3A_1651 : vector<16xi1>, vector<16xf32>
      %eq3A_1657 = arith.constant 6 : i32
      %eq3A_1658 = vector.broadcast %eq3A_1657 : i32 to vector<16xi32>
      %eq3A_1659 = arith.cmpi eq, %iota3A, %eq3A_1658 : vector<16xi32>
      %eq3A_1660 = arith.constant 7 : i32
      %eq3A_1661 = vector.broadcast %eq3A_1660 : i32 to vector<16xi32>
      %eq3A_1662 = arith.cmpi eq, %iota3A, %eq3A_1661 : vector<16xi32>
      %or3A_1663 = arith.ori %eq3A_1659, %eq3A_1662 : vector<16xi1>
      %broadcast_in_dim3A_1664 = vector.broadcast %add3A_1636 : f32 to vector<16xf32>
      %select_n3A_1665 = arith.select %or3A_1663, %broadcast_in_dim3A_1664, %select_n3A_1248 : vector<16xi1>, vector<16xf32>
      %swap3A = arith.constant 0 : index
      %swap3A_1666 = tpu.vector_load %arg10[%swap3A] {strides = array<i32>} : memref<16xi32, #tpu.memory_space<vmem>>, vector<16xi32>,
      tpu.vector_store %arg10[%swap3A], %select_n3A_1646 {strides = array<i32>} : memref<16xi32, #tpu.memory_space<vmem>>, vector<16xi32>,
      %div3A = arith.divf %select_n3A_1656, %select_n3A_1665 : vector<16xf32>
      %swap3A_1667 = arith.constant 0 : index
      %swap3A_1668 = tpu.vector_load %arg11[%swap3A_1667] {strides = array<i32>} : memref<16xf32, #tpu.memory_space<vmem>>, vector<16xf32>,
      tpu.vector_store %arg11[%swap3A_1667], %div3A {strides = array<i32>} : memref<16xf32, #tpu.memory_space<vmem>>, vector<16xf32>,
      "tpu.region"() ({
        %run_scoped3A = tpu.sem_alloc : memref<!tpu.dma_semaphore, #tpu.memory_space<semaphore_mem>>
        tpu.enqueue_dma source(%arg10 : memref<16xi32, #tpu.memory_space<vmem>>) target(%arg5 : memref<16xi32, #tpu.memory_space<hbm>>) target_semaphore(%run_scoped3A : memref<!tpu.dma_semaphore, #tpu.memory_space<semaphore_mem>>)
        tpu.wait_dma2 semaphore(%run_scoped3A : memref<!tpu.dma_semaphore, #tpu.memory_space<semaphore_mem>>) src(%arg10 : memref<16xi32, #tpu.memory_space<vmem>>) dst(%arg5 : memref<16xi32, #tpu.memory_space<hbm>>)
        tpu.yield
      }) : () -> ()
      "tpu.region"() ({
        %run_scoped3A = tpu.sem_alloc : memref<!tpu.dma_semaphore, #tpu.memory_space<semaphore_mem>>
        tpu.enqueue_dma source(%arg11 : memref<16xf32, #tpu.memory_space<vmem>>) target(%arg6 : memref<16xf32, #tpu.memory_space<hbm>>) target_semaphore(%run_scoped3A : memref<!tpu.dma_semaphore, #tpu.memory_space<semaphore_mem>>)
        tpu.wait_dma2 semaphore(%run_scoped3A : memref<!tpu.dma_semaphore, #tpu.memory_space<semaphore_mem>>) src(%arg11 : memref<16xf32, #tpu.memory_space<vmem>>) dst(%arg6 : memref<16xf32, #tpu.memory_space<hbm>>)
        tpu.yield
      }) : () -> ()
    } else {
    }
    return
  }
}

module attributes {stable_mosaic.version = 14 : i64} {
  func.func @_cv1_body(%arg0: i32, %arg1: memref<1x384x3136xf32, #tpu.memory_space<vmem>>, %arg2: memref<384x384xf32, #tpu.memory_space<vmem>>, %arg3: memref<384x1xf32, #tpu.memory_space<vmem>>, %arg4: memref<1x192x3136xbf16, #tpu.memory_space<vmem>>, %arg5: memref<1x192x3364xbf16, #tpu.memory_space<vmem>>, %arg6: memref<1x192x1xf32, #tpu.memory_space<vmem>>) attributes {dimension_semantics = [#tpu.dimension_semantics<parallel>], iteration_bounds = array<i64: 4>, scalar_prefetch = 0 : i64, scratch_operands = 0 : i64, tpu.core_type = #tpu.core_type<tc>, window_params = [{transform_indices = @transform_0, window_bounds = array<i64: 1, 384, 3136>}, {pipeline_mode = #tpu.pipeline_mode<synchronous>, transform_indices = @transform_1, window_bounds = array<i64: 384, 384>}, {pipeline_mode = #tpu.pipeline_mode<synchronous>, transform_indices = @transform_2, window_bounds = array<i64: 384, 1>}, {transform_indices = @transform_3, window_bounds = array<i64: 1, 192, 3136>}, {transform_indices = @transform_4, window_bounds = array<i64: 1, 192, 3364>}, {transform_indices = @transform_5, window_bounds = array<i64: 1, 192, 1>}]} {
    %get3A = arith.constant 0 : index
    %get3A_0 = arith.constant 0 : index
    %get3A_1 = arith.constant 0 : index
    %get3A_2 = vector.load %arg1[%get3A, %get3A_0, %get3A_1] : memref<1x384x3136xf32, #tpu.memory_space<vmem>>, vector<1x384x3136xf32>
    %get3A_3 = vector.shape_cast %get3A_2 : vector<1x384x3136xf32> to vector<384x3136xf32>
    %get3A_4 = arith.constant 0 : index
    %get3A_5 = arith.constant 0 : index
    %get3A_6 = vector.load %arg2[%get3A_4, %get3A_5] : memref<384x384xf32, #tpu.memory_space<vmem>>, vector<384x384xf32>
    %dot_general3A = arith.constant dense<0.000000e+00> : vector<384x3136xf32>
    %dot_general3A_7 = tpu.matmul %get3A_6, %get3A_3, %dot_general3A {dimension_numbers = #tpu.dot_dimension_numbers<[1], [0], [0], [1], [0, 0, 1, 1], [], []>, transpose_lhs_hint = false} : vector<384x384xf32>, vector<384x3136xf32>, vector<384x3136xf32> -> vector<384x3136xf32>
    %get3A_8 = arith.constant 0 : index
    %get3A_9 = arith.constant 0 : index
    %get3A_10 = vector.load %arg3[%get3A_8, %get3A_9] : memref<384x1xf32, #tpu.memory_space<vmem>>, vector<384x1xf32>
    %add3A = vector.broadcast %get3A_10 : vector<384x1xf32> to vector<384x3136xf32>
    %add3A_11 = arith.addf %dot_general3A_7, %add3A : vector<384x3136xf32>
    %logistic3A = arith.negf %add3A_11 : vector<384x3136xf32>
    %logistic3A_12 = math.exp %logistic3A : vector<384x3136xf32>
    %logistic3A_13 = arith.constant 1.000000e+00 : f32
    %logistic3A_14 = vector.broadcast %logistic3A_13 : f32 to vector<384x3136xf32>
    %logistic3A_15 = arith.addf %logistic3A_14, %logistic3A_12 : vector<384x3136xf32>
    %logistic3A_16 = arith.divf %logistic3A_14, %logistic3A_15 : vector<384x3136xf32>
    %mul3A = arith.mulf %add3A_11, %logistic3A_16 : vector<384x3136xf32>
    %slice3A = vector.extract_strided_slice %mul3A {offsets = [192, 0], sizes = [192, 3136], strides = [1, 1]} : vector<384x3136xf32> to vector<192x3136xf32>
    %slice3A_17 = vector.extract_strided_slice %mul3A {offsets = [0, 0], sizes = [192, 3136], strides = [1, 1]} : vector<384x3136xf32> to vector<192x3136xf32>
    %convert_element_type3A = arith.truncf %slice3A_17 : vector<192x3136xf32> to vector<192x3136xbf16>
    %swap3A = arith.constant 0 : index
    %swap3A_18 = arith.constant 0 : index
    %swap3A_19 = arith.constant 0 : index
    %swap3A_20 = vector.load %arg4[%swap3A, %swap3A_18, %swap3A_19] : memref<1x192x3136xbf16, #tpu.memory_space<vmem>>, vector<1x192x3136xbf16>
    %swap3A_21 = vector.shape_cast %swap3A_20 : vector<1x192x3136xbf16> to vector<192x3136xbf16>
    %swap3A_22 = vector.shape_cast %convert_element_type3A : vector<192x3136xbf16> to vector<1x192x3136xbf16>
    tpu.vector_store %arg4[%swap3A, %swap3A_18, %swap3A_19], %swap3A_22 {strides = array<i32>} : memref<1x192x3136xbf16, #tpu.memory_space<vmem>>, vector<1x192x3136xbf16>,
    %convert_element_type3A_23 = arith.truncf %slice3A : vector<192x3136xf32> to vector<192x3136xbf16>
    %broadcast_in_dim3A = arith.constant 0.000000e+00 : bf16
    %broadcast_in_dim3A_24 = vector.broadcast %broadcast_in_dim3A : bf16 to vector<192x3364xbf16>
    %swap3A_25 = arith.constant 0 : index
    %swap3A_26 = arith.constant 0 : index
    %swap3A_27 = arith.constant 0 : index
    %swap3A_28 = vector.load %arg5[%swap3A_25, %swap3A_26, %swap3A_27] : memref<1x192x3364xbf16, #tpu.memory_space<vmem>>, vector<1x192x3364xbf16>
    %swap3A_29 = vector.shape_cast %swap3A_28 : vector<1x192x3364xbf16> to vector<192x3364xbf16>
    %swap3A_30 = vector.shape_cast %broadcast_in_dim3A_24 : vector<192x3364xbf16> to vector<1x192x3364xbf16>
    tpu.vector_store %arg5[%swap3A_25, %swap3A_26, %swap3A_27], %swap3A_30 {strides = array<i32>} : memref<1x192x3364xbf16, #tpu.memory_space<vmem>>, vector<1x192x3364xbf16>,
    %slice3A_31 = vector.extract_strided_slice %convert_element_type3A_23 {offsets = [0, 0], sizes = [192, 56], strides = [1, 1]} : vector<192x3136xbf16> to vector<192x56xbf16>
    %swap3A_32 = arith.constant 0 : index
    %swap3A_33 = arith.constant 0 : index
    %swap3A_34 = arith.constant 59 : index
    %swap3A_35 = vector.load %arg5[%swap3A_32, %swap3A_33, %swap3A_34] : memref<1x192x3364xbf16, #tpu.memory_space<vmem>>, vector<1x192x56xbf16>
    %swap3A_36 = vector.shape_cast %swap3A_35 : vector<1x192x56xbf16> to vector<192x56xbf16>
    %swap3A_37 = vector.shape_cast %slice3A_31 : vector<192x56xbf16> to vector<1x192x56xbf16>
    tpu.vector_store %arg5[%swap3A_32, %swap3A_33, %swap3A_34], %swap3A_37 {strides = array<i32>} : memref<1x192x3364xbf16, #tpu.memory_space<vmem>>, vector<1x192x56xbf16>,
    %slice3A_38 = vector.extract_strided_slice %convert_element_type3A_23 {offsets = [0, 56], sizes = [192, 56], strides = [1, 1]} : vector<192x3136xbf16> to vector<192x56xbf16>
    %swap3A_39 = arith.constant 0 : index
    %swap3A_40 = arith.constant 0 : index
    %swap3A_41 = arith.constant 117 : index
    %swap3A_42 = vector.load %arg5[%swap3A_39, %swap3A_40, %swap3A_41] : memref<1x192x3364xbf16, #tpu.memory_space<vmem>>, vector<1x192x56xbf16>
    %swap3A_43 = vector.shape_cast %swap3A_42 : vector<1x192x56xbf16> to vector<192x56xbf16>
    %swap3A_44 = vector.shape_cast %slice3A_38 : vector<192x56xbf16> to vector<1x192x56xbf16>
    tpu.vector_store %arg5[%swap3A_39, %swap3A_40, %swap3A_41], %swap3A_44 {strides = array<i32>} : memref<1x192x3364xbf16, #tpu.memory_space<vmem>>, vector<1x192x56xbf16>,
    %slice3A_45 = vector.extract_strided_slice %convert_element_type3A_23 {offsets = [0, 112], sizes = [192, 56], strides = [1, 1]} : vector<192x3136xbf16> to vector<192x56xbf16>
    %swap3A_46 = arith.constant 0 : index
    %swap3A_47 = arith.constant 0 : index
    %swap3A_48 = arith.constant 175 : index
    %swap3A_49 = vector.load %arg5[%swap3A_46, %swap3A_47, %swap3A_48] : memref<1x192x3364xbf16, #tpu.memory_space<vmem>>, vector<1x192x56xbf16>
    %swap3A_50 = vector.shape_cast %swap3A_49 : vector<1x192x56xbf16> to vector<192x56xbf16>
    %swap3A_51 = vector.shape_cast %slice3A_45 : vector<192x56xbf16> to vector<1x192x56xbf16>
    tpu.vector_store %arg5[%swap3A_46, %swap3A_47, %swap3A_48], %swap3A_51 {strides = array<i32>} : memref<1x192x3364xbf16, #tpu.memory_space<vmem>>, vector<1x192x56xbf16>,
    %slice3A_52 = vector.extract_strided_slice %convert_element_type3A_23 {offsets = [0, 168], sizes = [192, 56], strides = [1, 1]} : vector<192x3136xbf16> to vector<192x56xbf16>
    %swap3A_53 = arith.constant 0 : index
    %swap3A_54 = arith.constant 0 : index
    %swap3A_55 = arith.constant 233 : index
    %swap3A_56 = vector.load %arg5[%swap3A_53, %swap3A_54, %swap3A_55] : memref<1x192x3364xbf16, #tpu.memory_space<vmem>>, vector<1x192x56xbf16>
    %swap3A_57 = vector.shape_cast %swap3A_56 : vector<1x192x56xbf16> to vector<192x56xbf16>
    %swap3A_58 = vector.shape_cast %slice3A_52 : vector<192x56xbf16> to vector<1x192x56xbf16>
    tpu.vector_store %arg5[%swap3A_53, %swap3A_54, %swap3A_55], %swap3A_58 {strides = array<i32>} : memref<1x192x3364xbf16, #tpu.memory_space<vmem>>, vector<1x192x56xbf16>,
    %slice3A_59 = vector.extract_strided_slice %convert_element_type3A_23 {offsets = [0, 224], sizes = [192, 56], strides = [1, 1]} : vector<192x3136xbf16> to vector<192x56xbf16>
    %swap3A_60 = arith.constant 0 : index
    %swap3A_61 = arith.constant 0 : index
    %swap3A_62 = arith.constant 291 : index
    %swap3A_63 = vector.load %arg5[%swap3A_60, %swap3A_61, %swap3A_62] : memref<1x192x3364xbf16, #tpu.memory_space<vmem>>, vector<1x192x56xbf16>
    %swap3A_64 = vector.shape_cast %swap3A_63 : vector<1x192x56xbf16> to vector<192x56xbf16>
    %swap3A_65 = vector.shape_cast %slice3A_59 : vector<192x56xbf16> to vector<1x192x56xbf16>
    tpu.vector_store %arg5[%swap3A_60, %swap3A_61, %swap3A_62], %swap3A_65 {strides = array<i32>} : memref<1x192x3364xbf16, #tpu.memory_space<vmem>>, vector<1x192x56xbf16>,
    %slice3A_66 = vector.extract_strided_slice %convert_element_type3A_23 {offsets = [0, 280], sizes = [192, 56], strides = [1, 1]} : vector<192x3136xbf16> to vector<192x56xbf16>
    %swap3A_67 = arith.constant 0 : index
    %swap3A_68 = arith.constant 0 : index
    %swap3A_69 = arith.constant 349 : index
    %swap3A_70 = vector.load %arg5[%swap3A_67, %swap3A_68, %swap3A_69] : memref<1x192x3364xbf16, #tpu.memory_space<vmem>>, vector<1x192x56xbf16>
    %swap3A_71 = vector.shape_cast %swap3A_70 : vector<1x192x56xbf16> to vector<192x56xbf16>
    %swap3A_72 = vector.shape_cast %slice3A_66 : vector<192x56xbf16> to vector<1x192x56xbf16>
    tpu.vector_store %arg5[%swap3A_67, %swap3A_68, %swap3A_69], %swap3A_72 {strides = array<i32>} : memref<1x192x3364xbf16, #tpu.memory_space<vmem>>, vector<1x192x56xbf16>,
    %slice3A_73 = vector.extract_strided_slice %convert_element_type3A_23 {offsets = [0, 336], sizes = [192, 56], strides = [1, 1]} : vector<192x3136xbf16> to vector<192x56xbf16>
    %swap3A_74 = arith.constant 0 : index
    %swap3A_75 = arith.constant 0 : index
    %swap3A_76 = arith.constant 407 : index
    %swap3A_77 = vector.load %arg5[%swap3A_74, %swap3A_75, %swap3A_76] : memref<1x192x3364xbf16, #tpu.memory_space<vmem>>, vector<1x192x56xbf16>
    %swap3A_78 = vector.shape_cast %swap3A_77 : vector<1x192x56xbf16> to vector<192x56xbf16>
    %swap3A_79 = vector.shape_cast %slice3A_73 : vector<192x56xbf16> to vector<1x192x56xbf16>
    tpu.vector_store %arg5[%swap3A_74, %swap3A_75, %swap3A_76], %swap3A_79 {strides = array<i32>} : memref<1x192x3364xbf16, #tpu.memory_space<vmem>>, vector<1x192x56xbf16>,
    %slice3A_80 = vector.extract_strided_slice %convert_element_type3A_23 {offsets = [0, 392], sizes = [192, 56], strides = [1, 1]} : vector<192x3136xbf16> to vector<192x56xbf16>
    %swap3A_81 = arith.constant 0 : index
    %swap3A_82 = arith.constant 0 : index
    %swap3A_83 = arith.constant 465 : index
    %swap3A_84 = vector.load %arg5[%swap3A_81, %swap3A_82, %swap3A_83] : memref<1x192x3364xbf16, #tpu.memory_space<vmem>>, vector<1x192x56xbf16>
    %swap3A_85 = vector.shape_cast %swap3A_84 : vector<1x192x56xbf16> to vector<192x56xbf16>
    %swap3A_86 = vector.shape_cast %slice3A_80 : vector<192x56xbf16> to vector<1x192x56xbf16>
    tpu.vector_store %arg5[%swap3A_81, %swap3A_82, %swap3A_83], %swap3A_86 {strides = array<i32>} : memref<1x192x3364xbf16, #tpu.memory_space<vmem>>, vector<1x192x56xbf16>,
    %slice3A_87 = vector.extract_strided_slice %convert_element_type3A_23 {offsets = [0, 448], sizes = [192, 56], strides = [1, 1]} : vector<192x3136xbf16> to vector<192x56xbf16>
    %swap3A_88 = arith.constant 0 : index
    %swap3A_89 = arith.constant 0 : index
    %swap3A_90 = arith.constant 523 : index
    %swap3A_91 = vector.load %arg5[%swap3A_88, %swap3A_89, %swap3A_90] : memref<1x192x3364xbf16, #tpu.memory_space<vmem>>, vector<1x192x56xbf16>
    %swap3A_92 = vector.shape_cast %swap3A_91 : vector<1x192x56xbf16> to vector<192x56xbf16>
    %swap3A_93 = vector.shape_cast %slice3A_87 : vector<192x56xbf16> to vector<1x192x56xbf16>
    tpu.vector_store %arg5[%swap3A_88, %swap3A_89, %swap3A_90], %swap3A_93 {strides = array<i32>} : memref<1x192x3364xbf16, #tpu.memory_space<vmem>>, vector<1x192x56xbf16>,
    %slice3A_94 = vector.extract_strided_slice %convert_element_type3A_23 {offsets = [0, 504], sizes = [192, 56], strides = [1, 1]} : vector<192x3136xbf16> to vector<192x56xbf16>
    %swap3A_95 = arith.constant 0 : index
    %swap3A_96 = arith.constant 0 : index
    %swap3A_97 = arith.constant 581 : index
    %swap3A_98 = vector.load %arg5[%swap3A_95, %swap3A_96, %swap3A_97] : memref<1x192x3364xbf16, #tpu.memory_space<vmem>>, vector<1x192x56xbf16>
    %swap3A_99 = vector.shape_cast %swap3A_98 : vector<1x192x56xbf16> to vector<192x56xbf16>
    %swap3A_100 = vector.shape_cast %slice3A_94 : vector<192x56xbf16> to vector<1x192x56xbf16>
    tpu.vector_store %arg5[%swap3A_95, %swap3A_96, %swap3A_97], %swap3A_100 {strides = array<i32>} : memref<1x192x3364xbf16, #tpu.memory_space<vmem>>, vector<1x192x56xbf16>,
    %slice3A_101 = vector.extract_strided_slice %convert_element_type3A_23 {offsets = [0, 560], sizes = [192, 56], strides = [1, 1]} : vector<192x3136xbf16> to vector<192x56xbf16>
    %swap3A_102 = arith.constant 0 : index
    %swap3A_103 = arith.constant 0 : index
    %swap3A_104 = arith.constant 639 : index
    %swap3A_105 = vector.load %arg5[%swap3A_102, %swap3A_103, %swap3A_104] : memref<1x192x3364xbf16, #tpu.memory_space<vmem>>, vector<1x192x56xbf16>
    %swap3A_106 = vector.shape_cast %swap3A_105 : vector<1x192x56xbf16> to vector<192x56xbf16>
    %swap3A_107 = vector.shape_cast %slice3A_101 : vector<192x56xbf16> to vector<1x192x56xbf16>
    tpu.vector_store %arg5[%swap3A_102, %swap3A_103, %swap3A_104], %swap3A_107 {strides = array<i32>} : memref<1x192x3364xbf16, #tpu.memory_space<vmem>>, vector<1x192x56xbf16>,
    %slice3A_108 = vector.extract_strided_slice %convert_element_type3A_23 {offsets = [0, 616], sizes = [192, 56], strides = [1, 1]} : vector<192x3136xbf16> to vector<192x56xbf16>
    %swap3A_109 = arith.constant 0 : index
    %swap3A_110 = arith.constant 0 : index
    %swap3A_111 = arith.constant 697 : index
    %swap3A_112 = vector.load %arg5[%swap3A_109, %swap3A_110, %swap3A_111] : memref<1x192x3364xbf16, #tpu.memory_space<vmem>>, vector<1x192x56xbf16>
    %swap3A_113 = vector.shape_cast %swap3A_112 : vector<1x192x56xbf16> to vector<192x56xbf16>
    %swap3A_114 = vector.shape_cast %slice3A_108 : vector<192x56xbf16> to vector<1x192x56xbf16>
    tpu.vector_store %arg5[%swap3A_109, %swap3A_110, %swap3A_111], %swap3A_114 {strides = array<i32>} : memref<1x192x3364xbf16, #tpu.memory_space<vmem>>, vector<1x192x56xbf16>,
    %slice3A_115 = vector.extract_strided_slice %convert_element_type3A_23 {offsets = [0, 672], sizes = [192, 56], strides = [1, 1]} : vector<192x3136xbf16> to vector<192x56xbf16>
    %swap3A_116 = arith.constant 0 : index
    %swap3A_117 = arith.constant 0 : index
    %swap3A_118 = arith.constant 755 : index
    %swap3A_119 = vector.load %arg5[%swap3A_116, %swap3A_117, %swap3A_118] : memref<1x192x3364xbf16, #tpu.memory_space<vmem>>, vector<1x192x56xbf16>
    %swap3A_120 = vector.shape_cast %swap3A_119 : vector<1x192x56xbf16> to vector<192x56xbf16>
    %swap3A_121 = vector.shape_cast %slice3A_115 : vector<192x56xbf16> to vector<1x192x56xbf16>
    tpu.vector_store %arg5[%swap3A_116, %swap3A_117, %swap3A_118], %swap3A_121 {strides = array<i32>} : memref<1x192x3364xbf16, #tpu.memory_space<vmem>>, vector<1x192x56xbf16>,
    %slice3A_122 = vector.extract_strided_slice %convert_element_type3A_23 {offsets = [0, 728], sizes = [192, 56], strides = [1, 1]} : vector<192x3136xbf16> to vector<192x56xbf16>
    %swap3A_123 = arith.constant 0 : index
    %swap3A_124 = arith.constant 0 : index
    %swap3A_125 = arith.constant 813 : index
    %swap3A_126 = vector.load %arg5[%swap3A_123, %swap3A_124, %swap3A_125] : memref<1x192x3364xbf16, #tpu.memory_space<vmem>>, vector<1x192x56xbf16>
    %swap3A_127 = vector.shape_cast %swap3A_126 : vector<1x192x56xbf16> to vector<192x56xbf16>
    %swap3A_128 = vector.shape_cast %slice3A_122 : vector<192x56xbf16> to vector<1x192x56xbf16>
    tpu.vector_store %arg5[%swap3A_123, %swap3A_124, %swap3A_125], %swap3A_128 {strides = array<i32>} : memref<1x192x3364xbf16, #tpu.memory_space<vmem>>, vector<1x192x56xbf16>,
    %slice3A_129 = vector.extract_strided_slice %convert_element_type3A_23 {offsets = [0, 784], sizes = [192, 56], strides = [1, 1]} : vector<192x3136xbf16> to vector<192x56xbf16>
    %swap3A_130 = arith.constant 0 : index
    %swap3A_131 = arith.constant 0 : index
    %swap3A_132 = arith.constant 871 : index
    %swap3A_133 = vector.load %arg5[%swap3A_130, %swap3A_131, %swap3A_132] : memref<1x192x3364xbf16, #tpu.memory_space<vmem>>, vector<1x192x56xbf16>
    %swap3A_134 = vector.shape_cast %swap3A_133 : vector<1x192x56xbf16> to vector<192x56xbf16>
    %swap3A_135 = vector.shape_cast %slice3A_129 : vector<192x56xbf16> to vector<1x192x56xbf16>
    tpu.vector_store %arg5[%swap3A_130, %swap3A_131, %swap3A_132], %swap3A_135 {strides = array<i32>} : memref<1x192x3364xbf16, #tpu.memory_space<vmem>>, vector<1x192x56xbf16>,
    %slice3A_136 = vector.extract_strided_slice %convert_element_type3A_23 {offsets = [0, 840], sizes = [192, 56], strides = [1, 1]} : vector<192x3136xbf16> to vector<192x56xbf16>
    %swap3A_137 = arith.constant 0 : index
    %swap3A_138 = arith.constant 0 : index
    %swap3A_139 = arith.constant 929 : index
    %swap3A_140 = vector.load %arg5[%swap3A_137, %swap3A_138, %swap3A_139] : memref<1x192x3364xbf16, #tpu.memory_space<vmem>>, vector<1x192x56xbf16>
    %swap3A_141 = vector.shape_cast %swap3A_140 : vector<1x192x56xbf16> to vector<192x56xbf16>
    %swap3A_142 = vector.shape_cast %slice3A_136 : vector<192x56xbf16> to vector<1x192x56xbf16>
    tpu.vector_store %arg5[%swap3A_137, %swap3A_138, %swap3A_139], %swap3A_142 {strides = array<i32>} : memref<1x192x3364xbf16, #tpu.memory_space<vmem>>, vector<1x192x56xbf16>,
    %slice3A_143 = vector.extract_strided_slice %convert_element_type3A_23 {offsets = [0, 896], sizes = [192, 56], strides = [1, 1]} : vector<192x3136xbf16> to vector<192x56xbf16>
    %swap3A_144 = arith.constant 0 : index
    %swap3A_145 = arith.constant 0 : index
    %swap3A_146 = arith.constant 987 : index
    %swap3A_147 = vector.load %arg5[%swap3A_144, %swap3A_145, %swap3A_146] : memref<1x192x3364xbf16, #tpu.memory_space<vmem>>, vector<1x192x56xbf16>
    %swap3A_148 = vector.shape_cast %swap3A_147 : vector<1x192x56xbf16> to vector<192x56xbf16>
    %swap3A_149 = vector.shape_cast %slice3A_143 : vector<192x56xbf16> to vector<1x192x56xbf16>
    tpu.vector_store %arg5[%swap3A_144, %swap3A_145, %swap3A_146], %swap3A_149 {strides = array<i32>} : memref<1x192x3364xbf16, #tpu.memory_space<vmem>>, vector<1x192x56xbf16>,
    %slice3A_150 = vector.extract_strided_slice %convert_element_type3A_23 {offsets = [0, 952], sizes = [192, 56], strides = [1, 1]} : vector<192x3136xbf16> to vector<192x56xbf16>
    %swap3A_151 = arith.constant 0 : index
    %swap3A_152 = arith.constant 0 : index
    %swap3A_153 = arith.constant 1045 : index
    %swap3A_154 = vector.load %arg5[%swap3A_151, %swap3A_152, %swap3A_153] : memref<1x192x3364xbf16, #tpu.memory_space<vmem>>, vector<1x192x56xbf16>
    %swap3A_155 = vector.shape_cast %swap3A_154 : vector<1x192x56xbf16> to vector<192x56xbf16>
    %swap3A_156 = vector.shape_cast %slice3A_150 : vector<192x56xbf16> to vector<1x192x56xbf16>
    tpu.vector_store %arg5[%swap3A_151, %swap3A_152, %swap3A_153], %swap3A_156 {strides = array<i32>} : memref<1x192x3364xbf16, #tpu.memory_space<vmem>>, vector<1x192x56xbf16>,
    %slice3A_157 = vector.extract_strided_slice %convert_element_type3A_23 {offsets = [0, 1008], sizes = [192, 56], strides = [1, 1]} : vector<192x3136xbf16> to vector<192x56xbf16>
    %swap3A_158 = arith.constant 0 : index
    %swap3A_159 = arith.constant 0 : index
    %swap3A_160 = arith.constant 1103 : index
    %swap3A_161 = vector.load %arg5[%swap3A_158, %swap3A_159, %swap3A_160] : memref<1x192x3364xbf16, #tpu.memory_space<vmem>>, vector<1x192x56xbf16>
    %swap3A_162 = vector.shape_cast %swap3A_161 : vector<1x192x56xbf16> to vector<192x56xbf16>
    %swap3A_163 = vector.shape_cast %slice3A_157 : vector<192x56xbf16> to vector<1x192x56xbf16>
    tpu.vector_store %arg5[%swap3A_158, %swap3A_159, %swap3A_160], %swap3A_163 {strides = array<i32>} : memref<1x192x3364xbf16, #tpu.memory_space<vmem>>, vector<1x192x56xbf16>,
    %slice3A_164 = vector.extract_strided_slice %convert_element_type3A_23 {offsets = [0, 1064], sizes = [192, 56], strides = [1, 1]} : vector<192x3136xbf16> to vector<192x56xbf16>
    %swap3A_165 = arith.constant 0 : index
    %swap3A_166 = arith.constant 0 : index
    %swap3A_167 = arith.constant 1161 : index
    %swap3A_168 = vector.load %arg5[%swap3A_165, %swap3A_166, %swap3A_167] : memref<1x192x3364xbf16, #tpu.memory_space<vmem>>, vector<1x192x56xbf16>
    %swap3A_169 = vector.shape_cast %swap3A_168 : vector<1x192x56xbf16> to vector<192x56xbf16>
    %swap3A_170 = vector.shape_cast %slice3A_164 : vector<192x56xbf16> to vector<1x192x56xbf16>
    tpu.vector_store %arg5[%swap3A_165, %swap3A_166, %swap3A_167], %swap3A_170 {strides = array<i32>} : memref<1x192x3364xbf16, #tpu.memory_space<vmem>>, vector<1x192x56xbf16>,
    %slice3A_171 = vector.extract_strided_slice %convert_element_type3A_23 {offsets = [0, 1120], sizes = [192, 56], strides = [1, 1]} : vector<192x3136xbf16> to vector<192x56xbf16>
    %swap3A_172 = arith.constant 0 : index
    %swap3A_173 = arith.constant 0 : index
    %swap3A_174 = arith.constant 1219 : index
    %swap3A_175 = vector.load %arg5[%swap3A_172, %swap3A_173, %swap3A_174] : memref<1x192x3364xbf16, #tpu.memory_space<vmem>>, vector<1x192x56xbf16>
    %swap3A_176 = vector.shape_cast %swap3A_175 : vector<1x192x56xbf16> to vector<192x56xbf16>
    %swap3A_177 = vector.shape_cast %slice3A_171 : vector<192x56xbf16> to vector<1x192x56xbf16>
    tpu.vector_store %arg5[%swap3A_172, %swap3A_173, %swap3A_174], %swap3A_177 {strides = array<i32>} : memref<1x192x3364xbf16, #tpu.memory_space<vmem>>, vector<1x192x56xbf16>,
    %slice3A_178 = vector.extract_strided_slice %convert_element_type3A_23 {offsets = [0, 1176], sizes = [192, 56], strides = [1, 1]} : vector<192x3136xbf16> to vector<192x56xbf16>
    %swap3A_179 = arith.constant 0 : index
    %swap3A_180 = arith.constant 0 : index
    %swap3A_181 = arith.constant 1277 : index
    %swap3A_182 = vector.load %arg5[%swap3A_179, %swap3A_180, %swap3A_181] : memref<1x192x3364xbf16, #tpu.memory_space<vmem>>, vector<1x192x56xbf16>
    %swap3A_183 = vector.shape_cast %swap3A_182 : vector<1x192x56xbf16> to vector<192x56xbf16>
    %swap3A_184 = vector.shape_cast %slice3A_178 : vector<192x56xbf16> to vector<1x192x56xbf16>
    tpu.vector_store %arg5[%swap3A_179, %swap3A_180, %swap3A_181], %swap3A_184 {strides = array<i32>} : memref<1x192x3364xbf16, #tpu.memory_space<vmem>>, vector<1x192x56xbf16>,
    %slice3A_185 = vector.extract_strided_slice %convert_element_type3A_23 {offsets = [0, 1232], sizes = [192, 56], strides = [1, 1]} : vector<192x3136xbf16> to vector<192x56xbf16>
    %swap3A_186 = arith.constant 0 : index
    %swap3A_187 = arith.constant 0 : index
    %swap3A_188 = arith.constant 1335 : index
    %swap3A_189 = vector.load %arg5[%swap3A_186, %swap3A_187, %swap3A_188] : memref<1x192x3364xbf16, #tpu.memory_space<vmem>>, vector<1x192x56xbf16>
    %swap3A_190 = vector.shape_cast %swap3A_189 : vector<1x192x56xbf16> to vector<192x56xbf16>
    %swap3A_191 = vector.shape_cast %slice3A_185 : vector<192x56xbf16> to vector<1x192x56xbf16>
    tpu.vector_store %arg5[%swap3A_186, %swap3A_187, %swap3A_188], %swap3A_191 {strides = array<i32>} : memref<1x192x3364xbf16, #tpu.memory_space<vmem>>, vector<1x192x56xbf16>,
    %slice3A_192 = vector.extract_strided_slice %convert_element_type3A_23 {offsets = [0, 1288], sizes = [192, 56], strides = [1, 1]} : vector<192x3136xbf16> to vector<192x56xbf16>
    %swap3A_193 = arith.constant 0 : index
    %swap3A_194 = arith.constant 0 : index
    %swap3A_195 = arith.constant 1393 : index
    %swap3A_196 = vector.load %arg5[%swap3A_193, %swap3A_194, %swap3A_195] : memref<1x192x3364xbf16, #tpu.memory_space<vmem>>, vector<1x192x56xbf16>
    %swap3A_197 = vector.shape_cast %swap3A_196 : vector<1x192x56xbf16> to vector<192x56xbf16>
    %swap3A_198 = vector.shape_cast %slice3A_192 : vector<192x56xbf16> to vector<1x192x56xbf16>
    tpu.vector_store %arg5[%swap3A_193, %swap3A_194, %swap3A_195], %swap3A_198 {strides = array<i32>} : memref<1x192x3364xbf16, #tpu.memory_space<vmem>>, vector<1x192x56xbf16>,
    %slice3A_199 = vector.extract_strided_slice %convert_element_type3A_23 {offsets = [0, 1344], sizes = [192, 56], strides = [1, 1]} : vector<192x3136xbf16> to vector<192x56xbf16>
    %swap3A_200 = arith.constant 0 : index
    %swap3A_201 = arith.constant 0 : index
    %swap3A_202 = arith.constant 1451 : index
    %swap3A_203 = vector.load %arg5[%swap3A_200, %swap3A_201, %swap3A_202] : memref<1x192x3364xbf16, #tpu.memory_space<vmem>>, vector<1x192x56xbf16>
    %swap3A_204 = vector.shape_cast %swap3A_203 : vector<1x192x56xbf16> to vector<192x56xbf16>
    %swap3A_205 = vector.shape_cast %slice3A_199 : vector<192x56xbf16> to vector<1x192x56xbf16>
    tpu.vector_store %arg5[%swap3A_200, %swap3A_201, %swap3A_202], %swap3A_205 {strides = array<i32>} : memref<1x192x3364xbf16, #tpu.memory_space<vmem>>, vector<1x192x56xbf16>,
    %slice3A_206 = vector.extract_strided_slice %convert_element_type3A_23 {offsets = [0, 1400], sizes = [192, 56], strides = [1, 1]} : vector<192x3136xbf16> to vector<192x56xbf16>
    %swap3A_207 = arith.constant 0 : index
    %swap3A_208 = arith.constant 0 : index
    %swap3A_209 = arith.constant 1509 : index
    %swap3A_210 = vector.load %arg5[%swap3A_207, %swap3A_208, %swap3A_209] : memref<1x192x3364xbf16, #tpu.memory_space<vmem>>, vector<1x192x56xbf16>
    %swap3A_211 = vector.shape_cast %swap3A_210 : vector<1x192x56xbf16> to vector<192x56xbf16>
    %swap3A_212 = vector.shape_cast %slice3A_206 : vector<192x56xbf16> to vector<1x192x56xbf16>
    tpu.vector_store %arg5[%swap3A_207, %swap3A_208, %swap3A_209], %swap3A_212 {strides = array<i32>} : memref<1x192x3364xbf16, #tpu.memory_space<vmem>>, vector<1x192x56xbf16>,
    %slice3A_213 = vector.extract_strided_slice %convert_element_type3A_23 {offsets = [0, 1456], sizes = [192, 56], strides = [1, 1]} : vector<192x3136xbf16> to vector<192x56xbf16>
    %swap3A_214 = arith.constant 0 : index
    %swap3A_215 = arith.constant 0 : index
    %swap3A_216 = arith.constant 1567 : index
    %swap3A_217 = vector.load %arg5[%swap3A_214, %swap3A_215, %swap3A_216] : memref<1x192x3364xbf16, #tpu.memory_space<vmem>>, vector<1x192x56xbf16>
    %swap3A_218 = vector.shape_cast %swap3A_217 : vector<1x192x56xbf16> to vector<192x56xbf16>
    %swap3A_219 = vector.shape_cast %slice3A_213 : vector<192x56xbf16> to vector<1x192x56xbf16>
    tpu.vector_store %arg5[%swap3A_214, %swap3A_215, %swap3A_216], %swap3A_219 {strides = array<i32>} : memref<1x192x3364xbf16, #tpu.memory_space<vmem>>, vector<1x192x56xbf16>,
    %slice3A_220 = vector.extract_strided_slice %convert_element_type3A_23 {offsets = [0, 1512], sizes = [192, 56], strides = [1, 1]} : vector<192x3136xbf16> to vector<192x56xbf16>
    %swap3A_221 = arith.constant 0 : index
    %swap3A_222 = arith.constant 0 : index
    %swap3A_223 = arith.constant 1625 : index
    %swap3A_224 = vector.load %arg5[%swap3A_221, %swap3A_222, %swap3A_223] : memref<1x192x3364xbf16, #tpu.memory_space<vmem>>, vector<1x192x56xbf16>
    %swap3A_225 = vector.shape_cast %swap3A_224 : vector<1x192x56xbf16> to vector<192x56xbf16>
    %swap3A_226 = vector.shape_cast %slice3A_220 : vector<192x56xbf16> to vector<1x192x56xbf16>
    tpu.vector_store %arg5[%swap3A_221, %swap3A_222, %swap3A_223], %swap3A_226 {strides = array<i32>} : memref<1x192x3364xbf16, #tpu.memory_space<vmem>>, vector<1x192x56xbf16>,
    %slice3A_227 = vector.extract_strided_slice %convert_element_type3A_23 {offsets = [0, 1568], sizes = [192, 56], strides = [1, 1]} : vector<192x3136xbf16> to vector<192x56xbf16>
    %swap3A_228 = arith.constant 0 : index
    %swap3A_229 = arith.constant 0 : index
    %swap3A_230 = arith.constant 1683 : index
    %swap3A_231 = vector.load %arg5[%swap3A_228, %swap3A_229, %swap3A_230] : memref<1x192x3364xbf16, #tpu.memory_space<vmem>>, vector<1x192x56xbf16>
    %swap3A_232 = vector.shape_cast %swap3A_231 : vector<1x192x56xbf16> to vector<192x56xbf16>
    %swap3A_233 = vector.shape_cast %slice3A_227 : vector<192x56xbf16> to vector<1x192x56xbf16>
    tpu.vector_store %arg5[%swap3A_228, %swap3A_229, %swap3A_230], %swap3A_233 {strides = array<i32>} : memref<1x192x3364xbf16, #tpu.memory_space<vmem>>, vector<1x192x56xbf16>,
    %slice3A_234 = vector.extract_strided_slice %convert_element_type3A_23 {offsets = [0, 1624], sizes = [192, 56], strides = [1, 1]} : vector<192x3136xbf16> to vector<192x56xbf16>
    %swap3A_235 = arith.constant 0 : index
    %swap3A_236 = arith.constant 0 : index
    %swap3A_237 = arith.constant 1741 : index
    %swap3A_238 = vector.load %arg5[%swap3A_235, %swap3A_236, %swap3A_237] : memref<1x192x3364xbf16, #tpu.memory_space<vmem>>, vector<1x192x56xbf16>
    %swap3A_239 = vector.shape_cast %swap3A_238 : vector<1x192x56xbf16> to vector<192x56xbf16>
    %swap3A_240 = vector.shape_cast %slice3A_234 : vector<192x56xbf16> to vector<1x192x56xbf16>
    tpu.vector_store %arg5[%swap3A_235, %swap3A_236, %swap3A_237], %swap3A_240 {strides = array<i32>} : memref<1x192x3364xbf16, #tpu.memory_space<vmem>>, vector<1x192x56xbf16>,
    %slice3A_241 = vector.extract_strided_slice %convert_element_type3A_23 {offsets = [0, 1680], sizes = [192, 56], strides = [1, 1]} : vector<192x3136xbf16> to vector<192x56xbf16>
    %swap3A_242 = arith.constant 0 : index
    %swap3A_243 = arith.constant 0 : index
    %swap3A_244 = arith.constant 1799 : index
    %swap3A_245 = vector.load %arg5[%swap3A_242, %swap3A_243, %swap3A_244] : memref<1x192x3364xbf16, #tpu.memory_space<vmem>>, vector<1x192x56xbf16>
    %swap3A_246 = vector.shape_cast %swap3A_245 : vector<1x192x56xbf16> to vector<192x56xbf16>
    %swap3A_247 = vector.shape_cast %slice3A_241 : vector<192x56xbf16> to vector<1x192x56xbf16>
    tpu.vector_store %arg5[%swap3A_242, %swap3A_243, %swap3A_244], %swap3A_247 {strides = array<i32>} : memref<1x192x3364xbf16, #tpu.memory_space<vmem>>, vector<1x192x56xbf16>,
    %slice3A_248 = vector.extract_strided_slice %convert_element_type3A_23 {offsets = [0, 1736], sizes = [192, 56], strides = [1, 1]} : vector<192x3136xbf16> to vector<192x56xbf16>
    %swap3A_249 = arith.constant 0 : index
    %swap3A_250 = arith.constant 0 : index
    %swap3A_251 = arith.constant 1857 : index
    %swap3A_252 = vector.load %arg5[%swap3A_249, %swap3A_250, %swap3A_251] : memref<1x192x3364xbf16, #tpu.memory_space<vmem>>, vector<1x192x56xbf16>
    %swap3A_253 = vector.shape_cast %swap3A_252 : vector<1x192x56xbf16> to vector<192x56xbf16>
    %swap3A_254 = vector.shape_cast %slice3A_248 : vector<192x56xbf16> to vector<1x192x56xbf16>
    tpu.vector_store %arg5[%swap3A_249, %swap3A_250, %swap3A_251], %swap3A_254 {strides = array<i32>} : memref<1x192x3364xbf16, #tpu.memory_space<vmem>>, vector<1x192x56xbf16>,
    %slice3A_255 = vector.extract_strided_slice %convert_element_type3A_23 {offsets = [0, 1792], sizes = [192, 56], strides = [1, 1]} : vector<192x3136xbf16> to vector<192x56xbf16>
    %swap3A_256 = arith.constant 0 : index
    %swap3A_257 = arith.constant 0 : index
    %swap3A_258 = arith.constant 1915 : index
    %swap3A_259 = vector.load %arg5[%swap3A_256, %swap3A_257, %swap3A_258] : memref<1x192x3364xbf16, #tpu.memory_space<vmem>>, vector<1x192x56xbf16>
    %swap3A_260 = vector.shape_cast %swap3A_259 : vector<1x192x56xbf16> to vector<192x56xbf16>
    %swap3A_261 = vector.shape_cast %slice3A_255 : vector<192x56xbf16> to vector<1x192x56xbf16>
    tpu.vector_store %arg5[%swap3A_256, %swap3A_257, %swap3A_258], %swap3A_261 {strides = array<i32>} : memref<1x192x3364xbf16, #tpu.memory_space<vmem>>, vector<1x192x56xbf16>,
    %slice3A_262 = vector.extract_strided_slice %convert_element_type3A_23 {offsets = [0, 1848], sizes = [192, 56], strides = [1, 1]} : vector<192x3136xbf16> to vector<192x56xbf16>
    %swap3A_263 = arith.constant 0 : index
    %swap3A_264 = arith.constant 0 : index
    %swap3A_265 = arith.constant 1973 : index
    %swap3A_266 = vector.load %arg5[%swap3A_263, %swap3A_264, %swap3A_265] : memref<1x192x3364xbf16, #tpu.memory_space<vmem>>, vector<1x192x56xbf16>
    %swap3A_267 = vector.shape_cast %swap3A_266 : vector<1x192x56xbf16> to vector<192x56xbf16>
    %swap3A_268 = vector.shape_cast %slice3A_262 : vector<192x56xbf16> to vector<1x192x56xbf16>
    tpu.vector_store %arg5[%swap3A_263, %swap3A_264, %swap3A_265], %swap3A_268 {strides = array<i32>} : memref<1x192x3364xbf16, #tpu.memory_space<vmem>>, vector<1x192x56xbf16>,
    %slice3A_269 = vector.extract_strided_slice %convert_element_type3A_23 {offsets = [0, 1904], sizes = [192, 56], strides = [1, 1]} : vector<192x3136xbf16> to vector<192x56xbf16>
    %swap3A_270 = arith.constant 0 : index
    %swap3A_271 = arith.constant 0 : index
    %swap3A_272 = arith.constant 2031 : index
    %swap3A_273 = vector.load %arg5[%swap3A_270, %swap3A_271, %swap3A_272] : memref<1x192x3364xbf16, #tpu.memory_space<vmem>>, vector<1x192x56xbf16>
    %swap3A_274 = vector.shape_cast %swap3A_273 : vector<1x192x56xbf16> to vector<192x56xbf16>
    %swap3A_275 = vector.shape_cast %slice3A_269 : vector<192x56xbf16> to vector<1x192x56xbf16>
    tpu.vector_store %arg5[%swap3A_270, %swap3A_271, %swap3A_272], %swap3A_275 {strides = array<i32>} : memref<1x192x3364xbf16, #tpu.memory_space<vmem>>, vector<1x192x56xbf16>,
    %slice3A_276 = vector.extract_strided_slice %convert_element_type3A_23 {offsets = [0, 1960], sizes = [192, 56], strides = [1, 1]} : vector<192x3136xbf16> to vector<192x56xbf16>
    %swap3A_277 = arith.constant 0 : index
    %swap3A_278 = arith.constant 0 : index
    %swap3A_279 = arith.constant 2089 : index
    %swap3A_280 = vector.load %arg5[%swap3A_277, %swap3A_278, %swap3A_279] : memref<1x192x3364xbf16, #tpu.memory_space<vmem>>, vector<1x192x56xbf16>
    %swap3A_281 = vector.shape_cast %swap3A_280 : vector<1x192x56xbf16> to vector<192x56xbf16>
    %swap3A_282 = vector.shape_cast %slice3A_276 : vector<192x56xbf16> to vector<1x192x56xbf16>
    tpu.vector_store %arg5[%swap3A_277, %swap3A_278, %swap3A_279], %swap3A_282 {strides = array<i32>} : memref<1x192x3364xbf16, #tpu.memory_space<vmem>>, vector<1x192x56xbf16>,
    %slice3A_283 = vector.extract_strided_slice %convert_element_type3A_23 {offsets = [0, 2016], sizes = [192, 56], strides = [1, 1]} : vector<192x3136xbf16> to vector<192x56xbf16>
    %swap3A_284 = arith.constant 0 : index
    %swap3A_285 = arith.constant 0 : index
    %swap3A_286 = arith.constant 2147 : index
    %swap3A_287 = vector.load %arg5[%swap3A_284, %swap3A_285, %swap3A_286] : memref<1x192x3364xbf16, #tpu.memory_space<vmem>>, vector<1x192x56xbf16>
    %swap3A_288 = vector.shape_cast %swap3A_287 : vector<1x192x56xbf16> to vector<192x56xbf16>
    %swap3A_289 = vector.shape_cast %slice3A_283 : vector<192x56xbf16> to vector<1x192x56xbf16>
    tpu.vector_store %arg5[%swap3A_284, %swap3A_285, %swap3A_286], %swap3A_289 {strides = array<i32>} : memref<1x192x3364xbf16, #tpu.memory_space<vmem>>, vector<1x192x56xbf16>,
    %slice3A_290 = vector.extract_strided_slice %convert_element_type3A_23 {offsets = [0, 2072], sizes = [192, 56], strides = [1, 1]} : vector<192x3136xbf16> to vector<192x56xbf16>
    %swap3A_291 = arith.constant 0 : index
    %swap3A_292 = arith.constant 0 : index
    %swap3A_293 = arith.constant 2205 : index
    %swap3A_294 = vector.load %arg5[%swap3A_291, %swap3A_292, %swap3A_293] : memref<1x192x3364xbf16, #tpu.memory_space<vmem>>, vector<1x192x56xbf16>
    %swap3A_295 = vector.shape_cast %swap3A_294 : vector<1x192x56xbf16> to vector<192x56xbf16>
    %swap3A_296 = vector.shape_cast %slice3A_290 : vector<192x56xbf16> to vector<1x192x56xbf16>
    tpu.vector_store %arg5[%swap3A_291, %swap3A_292, %swap3A_293], %swap3A_296 {strides = array<i32>} : memref<1x192x3364xbf16, #tpu.memory_space<vmem>>, vector<1x192x56xbf16>,
    %slice3A_297 = vector.extract_strided_slice %convert_element_type3A_23 {offsets = [0, 2128], sizes = [192, 56], strides = [1, 1]} : vector<192x3136xbf16> to vector<192x56xbf16>
    %swap3A_298 = arith.constant 0 : index
    %swap3A_299 = arith.constant 0 : index
    %swap3A_300 = arith.constant 2263 : index
    %swap3A_301 = vector.load %arg5[%swap3A_298, %swap3A_299, %swap3A_300] : memref<1x192x3364xbf16, #tpu.memory_space<vmem>>, vector<1x192x56xbf16>
    %swap3A_302 = vector.shape_cast %swap3A_301 : vector<1x192x56xbf16> to vector<192x56xbf16>
    %swap3A_303 = vector.shape_cast %slice3A_297 : vector<192x56xbf16> to vector<1x192x56xbf16>
    tpu.vector_store %arg5[%swap3A_298, %swap3A_299, %swap3A_300], %swap3A_303 {strides = array<i32>} : memref<1x192x3364xbf16, #tpu.memory_space<vmem>>, vector<1x192x56xbf16>,
    %slice3A_304 = vector.extract_strided_slice %convert_element_type3A_23 {offsets = [0, 2184], sizes = [192, 56], strides = [1, 1]} : vector<192x3136xbf16> to vector<192x56xbf16>
    %swap3A_305 = arith.constant 0 : index
    %swap3A_306 = arith.constant 0 : index
    %swap3A_307 = arith.constant 2321 : index
    %swap3A_308 = vector.load %arg5[%swap3A_305, %swap3A_306, %swap3A_307] : memref<1x192x3364xbf16, #tpu.memory_space<vmem>>, vector<1x192x56xbf16>
    %swap3A_309 = vector.shape_cast %swap3A_308 : vector<1x192x56xbf16> to vector<192x56xbf16>
    %swap3A_310 = vector.shape_cast %slice3A_304 : vector<192x56xbf16> to vector<1x192x56xbf16>
    tpu.vector_store %arg5[%swap3A_305, %swap3A_306, %swap3A_307], %swap3A_310 {strides = array<i32>} : memref<1x192x3364xbf16, #tpu.memory_space<vmem>>, vector<1x192x56xbf16>,
    %slice3A_311 = vector.extract_strided_slice %convert_element_type3A_23 {offsets = [0, 2240], sizes = [192, 56], strides = [1, 1]} : vector<192x3136xbf16> to vector<192x56xbf16>
    %swap3A_312 = arith.constant 0 : index
    %swap3A_313 = arith.constant 0 : index
    %swap3A_314 = arith.constant 2379 : index
    %swap3A_315 = vector.load %arg5[%swap3A_312, %swap3A_313, %swap3A_314] : memref<1x192x3364xbf16, #tpu.memory_space<vmem>>, vector<1x192x56xbf16>
    %swap3A_316 = vector.shape_cast %swap3A_315 : vector<1x192x56xbf16> to vector<192x56xbf16>
    %swap3A_317 = vector.shape_cast %slice3A_311 : vector<192x56xbf16> to vector<1x192x56xbf16>
    tpu.vector_store %arg5[%swap3A_312, %swap3A_313, %swap3A_314], %swap3A_317 {strides = array<i32>} : memref<1x192x3364xbf16, #tpu.memory_space<vmem>>, vector<1x192x56xbf16>,
    %slice3A_318 = vector.extract_strided_slice %convert_element_type3A_23 {offsets = [0, 2296], sizes = [192, 56], strides = [1, 1]} : vector<192x3136xbf16> to vector<192x56xbf16>
    %swap3A_319 = arith.constant 0 : index
    %swap3A_320 = arith.constant 0 : index
    %swap3A_321 = arith.constant 2437 : index
    %swap3A_322 = vector.load %arg5[%swap3A_319, %swap3A_320, %swap3A_321] : memref<1x192x3364xbf16, #tpu.memory_space<vmem>>, vector<1x192x56xbf16>
    %swap3A_323 = vector.shape_cast %swap3A_322 : vector<1x192x56xbf16> to vector<192x56xbf16>
    %swap3A_324 = vector.shape_cast %slice3A_318 : vector<192x56xbf16> to vector<1x192x56xbf16>
    tpu.vector_store %arg5[%swap3A_319, %swap3A_320, %swap3A_321], %swap3A_324 {strides = array<i32>} : memref<1x192x3364xbf16, #tpu.memory_space<vmem>>, vector<1x192x56xbf16>,
    %slice3A_325 = vector.extract_strided_slice %convert_element_type3A_23 {offsets = [0, 2352], sizes = [192, 56], strides = [1, 1]} : vector<192x3136xbf16> to vector<192x56xbf16>
    %swap3A_326 = arith.constant 0 : index
    %swap3A_327 = arith.constant 0 : index
    %swap3A_328 = arith.constant 2495 : index
    %swap3A_329 = vector.load %arg5[%swap3A_326, %swap3A_327, %swap3A_328] : memref<1x192x3364xbf16, #tpu.memory_space<vmem>>, vector<1x192x56xbf16>
    %swap3A_330 = vector.shape_cast %swap3A_329 : vector<1x192x56xbf16> to vector<192x56xbf16>
    %swap3A_331 = vector.shape_cast %slice3A_325 : vector<192x56xbf16> to vector<1x192x56xbf16>
    tpu.vector_store %arg5[%swap3A_326, %swap3A_327, %swap3A_328], %swap3A_331 {strides = array<i32>} : memref<1x192x3364xbf16, #tpu.memory_space<vmem>>, vector<1x192x56xbf16>,
    %slice3A_332 = vector.extract_strided_slice %convert_element_type3A_23 {offsets = [0, 2408], sizes = [192, 56], strides = [1, 1]} : vector<192x3136xbf16> to vector<192x56xbf16>
    %swap3A_333 = arith.constant 0 : index
    %swap3A_334 = arith.constant 0 : index
    %swap3A_335 = arith.constant 2553 : index
    %swap3A_336 = vector.load %arg5[%swap3A_333, %swap3A_334, %swap3A_335] : memref<1x192x3364xbf16, #tpu.memory_space<vmem>>, vector<1x192x56xbf16>
    %swap3A_337 = vector.shape_cast %swap3A_336 : vector<1x192x56xbf16> to vector<192x56xbf16>
    %swap3A_338 = vector.shape_cast %slice3A_332 : vector<192x56xbf16> to vector<1x192x56xbf16>
    tpu.vector_store %arg5[%swap3A_333, %swap3A_334, %swap3A_335], %swap3A_338 {strides = array<i32>} : memref<1x192x3364xbf16, #tpu.memory_space<vmem>>, vector<1x192x56xbf16>,
    %slice3A_339 = vector.extract_strided_slice %convert_element_type3A_23 {offsets = [0, 2464], sizes = [192, 56], strides = [1, 1]} : vector<192x3136xbf16> to vector<192x56xbf16>
    %swap3A_340 = arith.constant 0 : index
    %swap3A_341 = arith.constant 0 : index
    %swap3A_342 = arith.constant 2611 : index
    %swap3A_343 = vector.load %arg5[%swap3A_340, %swap3A_341, %swap3A_342] : memref<1x192x3364xbf16, #tpu.memory_space<vmem>>, vector<1x192x56xbf16>
    %swap3A_344 = vector.shape_cast %swap3A_343 : vector<1x192x56xbf16> to vector<192x56xbf16>
    %swap3A_345 = vector.shape_cast %slice3A_339 : vector<192x56xbf16> to vector<1x192x56xbf16>
    tpu.vector_store %arg5[%swap3A_340, %swap3A_341, %swap3A_342], %swap3A_345 {strides = array<i32>} : memref<1x192x3364xbf16, #tpu.memory_space<vmem>>, vector<1x192x56xbf16>,
    %slice3A_346 = vector.extract_strided_slice %convert_element_type3A_23 {offsets = [0, 2520], sizes = [192, 56], strides = [1, 1]} : vector<192x3136xbf16> to vector<192x56xbf16>
    %swap3A_347 = arith.constant 0 : index
    %swap3A_348 = arith.constant 0 : index
    %swap3A_349 = arith.constant 2669 : index
    %swap3A_350 = vector.load %arg5[%swap3A_347, %swap3A_348, %swap3A_349] : memref<1x192x3364xbf16, #tpu.memory_space<vmem>>, vector<1x192x56xbf16>
    %swap3A_351 = vector.shape_cast %swap3A_350 : vector<1x192x56xbf16> to vector<192x56xbf16>
    %swap3A_352 = vector.shape_cast %slice3A_346 : vector<192x56xbf16> to vector<1x192x56xbf16>
    tpu.vector_store %arg5[%swap3A_347, %swap3A_348, %swap3A_349], %swap3A_352 {strides = array<i32>} : memref<1x192x3364xbf16, #tpu.memory_space<vmem>>, vector<1x192x56xbf16>,
    %slice3A_353 = vector.extract_strided_slice %convert_element_type3A_23 {offsets = [0, 2576], sizes = [192, 56], strides = [1, 1]} : vector<192x3136xbf16> to vector<192x56xbf16>
    %swap3A_354 = arith.constant 0 : index
    %swap3A_355 = arith.constant 0 : index
    %swap3A_356 = arith.constant 2727 : index
    %swap3A_357 = vector.load %arg5[%swap3A_354, %swap3A_355, %swap3A_356] : memref<1x192x3364xbf16, #tpu.memory_space<vmem>>, vector<1x192x56xbf16>
    %swap3A_358 = vector.shape_cast %swap3A_357 : vector<1x192x56xbf16> to vector<192x56xbf16>
    %swap3A_359 = vector.shape_cast %slice3A_353 : vector<192x56xbf16> to vector<1x192x56xbf16>
    tpu.vector_store %arg5[%swap3A_354, %swap3A_355, %swap3A_356], %swap3A_359 {strides = array<i32>} : memref<1x192x3364xbf16, #tpu.memory_space<vmem>>, vector<1x192x56xbf16>,
    %slice3A_360 = vector.extract_strided_slice %convert_element_type3A_23 {offsets = [0, 2632], sizes = [192, 56], strides = [1, 1]} : vector<192x3136xbf16> to vector<192x56xbf16>
    %swap3A_361 = arith.constant 0 : index
    %swap3A_362 = arith.constant 0 : index
    %swap3A_363 = arith.constant 2785 : index
    %swap3A_364 = vector.load %arg5[%swap3A_361, %swap3A_362, %swap3A_363] : memref<1x192x3364xbf16, #tpu.memory_space<vmem>>, vector<1x192x56xbf16>
    %swap3A_365 = vector.shape_cast %swap3A_364 : vector<1x192x56xbf16> to vector<192x56xbf16>
    %swap3A_366 = vector.shape_cast %slice3A_360 : vector<192x56xbf16> to vector<1x192x56xbf16>
    tpu.vector_store %arg5[%swap3A_361, %swap3A_362, %swap3A_363], %swap3A_366 {strides = array<i32>} : memref<1x192x3364xbf16, #tpu.memory_space<vmem>>, vector<1x192x56xbf16>,
    %slice3A_367 = vector.extract_strided_slice %convert_element_type3A_23 {offsets = [0, 2688], sizes = [192, 56], strides = [1, 1]} : vector<192x3136xbf16> to vector<192x56xbf16>
    %swap3A_368 = arith.constant 0 : index
    %swap3A_369 = arith.constant 0 : index
    %swap3A_370 = arith.constant 2843 : index
    %swap3A_371 = vector.load %arg5[%swap3A_368, %swap3A_369, %swap3A_370] : memref<1x192x3364xbf16, #tpu.memory_space<vmem>>, vector<1x192x56xbf16>
    %swap3A_372 = vector.shape_cast %swap3A_371 : vector<1x192x56xbf16> to vector<192x56xbf16>
    %swap3A_373 = vector.shape_cast %slice3A_367 : vector<192x56xbf16> to vector<1x192x56xbf16>
    tpu.vector_store %arg5[%swap3A_368, %swap3A_369, %swap3A_370], %swap3A_373 {strides = array<i32>} : memref<1x192x3364xbf16, #tpu.memory_space<vmem>>, vector<1x192x56xbf16>,
    %slice3A_374 = vector.extract_strided_slice %convert_element_type3A_23 {offsets = [0, 2744], sizes = [192, 56], strides = [1, 1]} : vector<192x3136xbf16> to vector<192x56xbf16>
    %swap3A_375 = arith.constant 0 : index
    %swap3A_376 = arith.constant 0 : index
    %swap3A_377 = arith.constant 2901 : index
    %swap3A_378 = vector.load %arg5[%swap3A_375, %swap3A_376, %swap3A_377] : memref<1x192x3364xbf16, #tpu.memory_space<vmem>>, vector<1x192x56xbf16>
    %swap3A_379 = vector.shape_cast %swap3A_378 : vector<1x192x56xbf16> to vector<192x56xbf16>
    %swap3A_380 = vector.shape_cast %slice3A_374 : vector<192x56xbf16> to vector<1x192x56xbf16>
    tpu.vector_store %arg5[%swap3A_375, %swap3A_376, %swap3A_377], %swap3A_380 {strides = array<i32>} : memref<1x192x3364xbf16, #tpu.memory_space<vmem>>, vector<1x192x56xbf16>,
    %slice3A_381 = vector.extract_strided_slice %convert_element_type3A_23 {offsets = [0, 2800], sizes = [192, 56], strides = [1, 1]} : vector<192x3136xbf16> to vector<192x56xbf16>
    %swap3A_382 = arith.constant 0 : index
    %swap3A_383 = arith.constant 0 : index
    %swap3A_384 = arith.constant 2959 : index
    %swap3A_385 = vector.load %arg5[%swap3A_382, %swap3A_383, %swap3A_384] : memref<1x192x3364xbf16, #tpu.memory_space<vmem>>, vector<1x192x56xbf16>
    %swap3A_386 = vector.shape_cast %swap3A_385 : vector<1x192x56xbf16> to vector<192x56xbf16>
    %swap3A_387 = vector.shape_cast %slice3A_381 : vector<192x56xbf16> to vector<1x192x56xbf16>
    tpu.vector_store %arg5[%swap3A_382, %swap3A_383, %swap3A_384], %swap3A_387 {strides = array<i32>} : memref<1x192x3364xbf16, #tpu.memory_space<vmem>>, vector<1x192x56xbf16>,
    %slice3A_388 = vector.extract_strided_slice %convert_element_type3A_23 {offsets = [0, 2856], sizes = [192, 56], strides = [1, 1]} : vector<192x3136xbf16> to vector<192x56xbf16>
    %swap3A_389 = arith.constant 0 : index
    %swap3A_390 = arith.constant 0 : index
    %swap3A_391 = arith.constant 3017 : index
    %swap3A_392 = vector.load %arg5[%swap3A_389, %swap3A_390, %swap3A_391] : memref<1x192x3364xbf16, #tpu.memory_space<vmem>>, vector<1x192x56xbf16>
    %swap3A_393 = vector.shape_cast %swap3A_392 : vector<1x192x56xbf16> to vector<192x56xbf16>
    %swap3A_394 = vector.shape_cast %slice3A_388 : vector<192x56xbf16> to vector<1x192x56xbf16>
    tpu.vector_store %arg5[%swap3A_389, %swap3A_390, %swap3A_391], %swap3A_394 {strides = array<i32>} : memref<1x192x3364xbf16, #tpu.memory_space<vmem>>, vector<1x192x56xbf16>,
    %slice3A_395 = vector.extract_strided_slice %convert_element_type3A_23 {offsets = [0, 2912], sizes = [192, 56], strides = [1, 1]} : vector<192x3136xbf16> to vector<192x56xbf16>
    %swap3A_396 = arith.constant 0 : index
    %swap3A_397 = arith.constant 0 : index
    %swap3A_398 = arith.constant 3075 : index
    %swap3A_399 = vector.load %arg5[%swap3A_396, %swap3A_397, %swap3A_398] : memref<1x192x3364xbf16, #tpu.memory_space<vmem>>, vector<1x192x56xbf16>
    %swap3A_400 = vector.shape_cast %swap3A_399 : vector<1x192x56xbf16> to vector<192x56xbf16>
    %swap3A_401 = vector.shape_cast %slice3A_395 : vector<192x56xbf16> to vector<1x192x56xbf16>
    tpu.vector_store %arg5[%swap3A_396, %swap3A_397, %swap3A_398], %swap3A_401 {strides = array<i32>} : memref<1x192x3364xbf16, #tpu.memory_space<vmem>>, vector<1x192x56xbf16>,
    %slice3A_402 = vector.extract_strided_slice %convert_element_type3A_23 {offsets = [0, 2968], sizes = [192, 56], strides = [1, 1]} : vector<192x3136xbf16> to vector<192x56xbf16>
    %swap3A_403 = arith.constant 0 : index
    %swap3A_404 = arith.constant 0 : index
    %swap3A_405 = arith.constant 3133 : index
    %swap3A_406 = vector.load %arg5[%swap3A_403, %swap3A_404, %swap3A_405] : memref<1x192x3364xbf16, #tpu.memory_space<vmem>>, vector<1x192x56xbf16>
    %swap3A_407 = vector.shape_cast %swap3A_406 : vector<1x192x56xbf16> to vector<192x56xbf16>
    %swap3A_408 = vector.shape_cast %slice3A_402 : vector<192x56xbf16> to vector<1x192x56xbf16>
    tpu.vector_store %arg5[%swap3A_403, %swap3A_404, %swap3A_405], %swap3A_408 {strides = array<i32>} : memref<1x192x3364xbf16, #tpu.memory_space<vmem>>, vector<1x192x56xbf16>,
    %slice3A_409 = vector.extract_strided_slice %convert_element_type3A_23 {offsets = [0, 3024], sizes = [192, 56], strides = [1, 1]} : vector<192x3136xbf16> to vector<192x56xbf16>
    %swap3A_410 = arith.constant 0 : index
    %swap3A_411 = arith.constant 0 : index
    %swap3A_412 = arith.constant 3191 : index
    %swap3A_413 = vector.load %arg5[%swap3A_410, %swap3A_411, %swap3A_412] : memref<1x192x3364xbf16, #tpu.memory_space<vmem>>, vector<1x192x56xbf16>
    %swap3A_414 = vector.shape_cast %swap3A_413 : vector<1x192x56xbf16> to vector<192x56xbf16>
    %swap3A_415 = vector.shape_cast %slice3A_409 : vector<192x56xbf16> to vector<1x192x56xbf16>
    tpu.vector_store %arg5[%swap3A_410, %swap3A_411, %swap3A_412], %swap3A_415 {strides = array<i32>} : memref<1x192x3364xbf16, #tpu.memory_space<vmem>>, vector<1x192x56xbf16>,
    %slice3A_416 = vector.extract_strided_slice %convert_element_type3A_23 {offsets = [0, 3080], sizes = [192, 56], strides = [1, 1]} : vector<192x3136xbf16> to vector<192x56xbf16>
    %swap3A_417 = arith.constant 0 : index
    %swap3A_418 = arith.constant 0 : index
    %swap3A_419 = arith.constant 3249 : index
    %swap3A_420 = vector.load %arg5[%swap3A_417, %swap3A_418, %swap3A_419] : memref<1x192x3364xbf16, #tpu.memory_space<vmem>>, vector<1x192x56xbf16>
    %swap3A_421 = vector.shape_cast %swap3A_420 : vector<1x192x56xbf16> to vector<192x56xbf16>
    %swap3A_422 = vector.shape_cast %slice3A_416 : vector<192x56xbf16> to vector<1x192x56xbf16>
    tpu.vector_store %arg5[%swap3A_417, %swap3A_418, %swap3A_419], %swap3A_422 {strides = array<i32>} : memref<1x192x3364xbf16, #tpu.memory_space<vmem>>, vector<1x192x56xbf16>,
    %reduce_sum3A = arith.constant dense<0.000000e+00> : vector<192xf32>
    %reduce_sum3A_423 = vector.multi_reduction <add>, %slice3A, %reduce_sum3A [1] : vector<192x3136xf32> to vector<192xf32>
    %broadcast_in_dim3A_424 = vector.shape_cast %reduce_sum3A_423 : vector<192xf32> to vector<192x1xf32>
    %mul3A_425 = arith.constant 3.18877544E-4 : f32
    %mul3A_426 = vector.broadcast %mul3A_425 : f32 to vector<192x1xf32>
    %mul3A_427 = arith.mulf %broadcast_in_dim3A_424, %mul3A_426 : vector<192x1xf32>
    %swap3A_428 = arith.constant 0 : index
    %swap3A_429 = arith.constant 0 : index
    %swap3A_430 = arith.constant 0 : index
    %swap3A_431 = vector.load %arg6[%swap3A_428, %swap3A_429, %swap3A_430] : memref<1x192x1xf32, #tpu.memory_space<vmem>>, vector<1x192x1xf32>
    %swap3A_432 = vector.shape_cast %swap3A_431 : vector<1x192x1xf32> to vector<192x1xf32>
    %swap3A_433 = vector.shape_cast %mul3A_427 : vector<192x1xf32> to vector<1x192x1xf32>
    tpu.vector_store %arg6[%swap3A_428, %swap3A_429, %swap3A_430], %swap3A_433 {strides = array<i32>} : memref<1x192x1xf32, #tpu.memory_space<vmem>>, vector<1x192x1xf32>,
    return
  }
  func.func @transform_0(%arg0: i32) -> (i32, i32, i32) {
    %c0_i32 = arith.constant 0 : i32
    %c0_i32_0 = arith.constant 0 : i32
    %c0_i32_1 = arith.constant 0 : i32
    return %arg0, %c0_i32, %c0_i32_0 : i32, i32, i32
  }
  func.func @transform_1(%arg0: i32) -> (i32, i32) {
    %c0_i32 = arith.constant 0 : i32
    %c0_i32_0 = arith.constant 0 : i32
    %c0_i32_1 = arith.constant 0 : i32
    return %c0_i32, %c0_i32_0 : i32, i32
  }
  func.func @transform_2(%arg0: i32) -> (i32, i32) {
    %c0_i32 = arith.constant 0 : i32
    %c0_i32_0 = arith.constant 0 : i32
    %c0_i32_1 = arith.constant 0 : i32
    return %c0_i32, %c0_i32_0 : i32, i32
  }
  func.func @transform_3(%arg0: i32) -> (i32, i32, i32) {
    %c0_i32 = arith.constant 0 : i32
    %c0_i32_0 = arith.constant 0 : i32
    %c0_i32_1 = arith.constant 0 : i32
    return %arg0, %c0_i32, %c0_i32_0 : i32, i32, i32
  }
  func.func @transform_4(%arg0: i32) -> (i32, i32, i32) {
    %c0_i32 = arith.constant 0 : i32
    %c0_i32_0 = arith.constant 0 : i32
    %c0_i32_1 = arith.constant 0 : i32
    return %arg0, %c0_i32, %c0_i32_0 : i32, i32, i32
  }
  func.func @transform_5(%arg0: i32) -> (i32, i32, i32) {
    %c0_i32 = arith.constant 0 : i32
    %c0_i32_0 = arith.constant 0 : i32
    %c0_i32_1 = arith.constant 0 : i32
    return %arg0, %c0_i32, %c0_i32_0 : i32, i32, i32
  }
}

module attributes {stable_mosaic.version = 14 : i64} {
  func.func @_expert_cv2_body(%arg0: i32, %arg1: memref<8xi32, #tpu.memory_space<smem>>, %arg2: memref<8xf32, #tpu.memory_space<smem>>, %arg3: memref<1x192x3136xbf16, #tpu.memory_space<vmem>>, %arg4: memref<1x192x3364xbf16, #tpu.memory_space<vmem>>, %arg5: memref<1x192x1728xbf16, #tpu.memory_space<vmem>>, %arg6: memref<1x192x1728xbf16, #tpu.memory_space<vmem>>, %arg7: memref<1x192x1xf32, #tpu.memory_space<vmem>>, %arg8: memref<1x192x1xf32, #tpu.memory_space<vmem>>, %arg9: memref<384x576xbf16, #tpu.memory_space<vmem>>, %arg10: memref<384x1xf32, #tpu.memory_space<vmem>>, %arg11: memref<1x384x3136xf32, #tpu.memory_space<vmem>>, %arg12: memref<1728x3246xbf16, #tpu.memory_space<vmem>>, %arg13: memref<576x3136xbf16, #tpu.memory_space<vmem>>) attributes {dimension_semantics = [#tpu.dimension_semantics<parallel>], iteration_bounds = array<i64: 4>, scalar_prefetch = 2 : i64, scratch_operands = 2 : i64, tpu.core_type = #tpu.core_type<tc>, window_params = [{transform_indices = @transform_0, window_bounds = array<i64: 1, 192, 3136>}, {transform_indices = @transform_1, window_bounds = array<i64: 1, 192, 3364>}, {transform_indices = @transform_2, window_bounds = array<i64: 1, 192, 1728>}, {transform_indices = @transform_3, window_bounds = array<i64: 1, 192, 1728>}, {transform_indices = @transform_4, window_bounds = array<i64: 1, 192, 1>}, {transform_indices = @transform_5, window_bounds = array<i64: 1, 192, 1>}, {pipeline_mode = #tpu.pipeline_mode<synchronous>, transform_indices = @transform_6, window_bounds = array<i64: 384, 576>}, {pipeline_mode = #tpu.pipeline_mode<synchronous>, transform_indices = @transform_7, window_bounds = array<i64: 384, 1>}, {transform_indices = @transform_8, window_bounds = array<i64: 1, 384, 3136>}]} {
    %mul3A = arith.constant 2 : i32
    %mul3A_0 = arith.muli %mul3A, %arg0 : i32
    %get3A = arith.index_cast %mul3A_0 : i32 to index
    %get3A_1 = memref.load %arg2[%get3A] : memref<8xf32, #tpu.memory_space<smem>>
    %mul3A_2 = arith.constant 2 : i32
    %mul3A_3 = arith.muli %mul3A_2, %arg0 : i32
    %add3A = arith.constant 1 : i32
    %add3A_4 = arith.addi %mul3A_3, %add3A : i32
    %get3A_5 = arith.index_cast %add3A_4 : i32 to index
    %get3A_6 = memref.load %arg2[%get3A_5] : memref<8xf32, #tpu.memory_space<smem>>
    %get3A_7 = arith.constant 0 : index
    %get3A_8 = arith.constant 0 : index
    %get3A_9 = arith.constant 0 : index
    %get3A_10 = vector.load %arg4[%get3A_7, %get3A_8, %get3A_9] : memref<1x192x3364xbf16, #tpu.memory_space<vmem>>, vector<1x192x3246xbf16>
    %get3A_11 = vector.shape_cast %get3A_10 : vector<1x192x3246xbf16> to vector<192x3246xbf16>
    %swap3A = arith.constant 0 : index
    %swap3A_12 = arith.constant 0 : index
    %swap3A_13 = vector.load %arg12[%swap3A, %swap3A_12] : memref<1728x3246xbf16, #tpu.memory_space<vmem>>, vector<192x3246xbf16>
    tpu.vector_store %arg12[%swap3A, %swap3A_12], %get3A_11 {strides = array<i32>} : memref<1728x3246xbf16, #tpu.memory_space<vmem>>, vector<192x3246xbf16>,
    %get3A_14 = arith.constant 0 : index
    %get3A_15 = arith.constant 0 : index
    %get3A_16 = arith.constant 1 : index
    %get3A_17 = vector.load %arg4[%get3A_14, %get3A_15, %get3A_16] : memref<1x192x3364xbf16, #tpu.memory_space<vmem>>, vector<1x192x3246xbf16>
    %get3A_18 = vector.shape_cast %get3A_17 : vector<1x192x3246xbf16> to vector<192x3246xbf16>
    %swap3A_19 = arith.constant 192 : index
    %swap3A_20 = arith.constant 0 : index
    %swap3A_21 = vector.load %arg12[%swap3A_19, %swap3A_20] : memref<1728x3246xbf16, #tpu.memory_space<vmem>>, vector<192x3246xbf16>
    tpu.vector_store %arg12[%swap3A_19, %swap3A_20], %get3A_18 {strides = array<i32>} : memref<1728x3246xbf16, #tpu.memory_space<vmem>>, vector<192x3246xbf16>,
    %get3A_22 = arith.constant 0 : index
    %get3A_23 = arith.constant 0 : index
    %get3A_24 = arith.constant 2 : index
    %get3A_25 = vector.load %arg4[%get3A_22, %get3A_23, %get3A_24] : memref<1x192x3364xbf16, #tpu.memory_space<vmem>>, vector<1x192x3246xbf16>
    %get3A_26 = vector.shape_cast %get3A_25 : vector<1x192x3246xbf16> to vector<192x3246xbf16>
    %swap3A_27 = arith.constant 384 : index
    %swap3A_28 = arith.constant 0 : index
    %swap3A_29 = vector.load %arg12[%swap3A_27, %swap3A_28] : memref<1728x3246xbf16, #tpu.memory_space<vmem>>, vector<192x3246xbf16>
    tpu.vector_store %arg12[%swap3A_27, %swap3A_28], %get3A_26 {strides = array<i32>} : memref<1728x3246xbf16, #tpu.memory_space<vmem>>, vector<192x3246xbf16>,
    %get3A_30 = arith.constant 0 : index
    %get3A_31 = arith.constant 0 : index
    %get3A_32 = arith.constant 58 : index
    %get3A_33 = vector.load %arg4[%get3A_30, %get3A_31, %get3A_32] : memref<1x192x3364xbf16, #tpu.memory_space<vmem>>, vector<1x192x3246xbf16>
    %get3A_34 = vector.shape_cast %get3A_33 : vector<1x192x3246xbf16> to vector<192x3246xbf16>
    %swap3A_35 = arith.constant 576 : index
    %swap3A_36 = arith.constant 0 : index
    %swap3A_37 = vector.load %arg12[%swap3A_35, %swap3A_36] : memref<1728x3246xbf16, #tpu.memory_space<vmem>>, vector<192x3246xbf16>
    tpu.vector_store %arg12[%swap3A_35, %swap3A_36], %get3A_34 {strides = array<i32>} : memref<1728x3246xbf16, #tpu.memory_space<vmem>>, vector<192x3246xbf16>,
    %get3A_38 = arith.constant 0 : index
    %get3A_39 = arith.constant 0 : index
    %get3A_40 = arith.constant 59 : index
    %get3A_41 = vector.load %arg4[%get3A_38, %get3A_39, %get3A_40] : memref<1x192x3364xbf16, #tpu.memory_space<vmem>>, vector<1x192x3246xbf16>
    %get3A_42 = vector.shape_cast %get3A_41 : vector<1x192x3246xbf16> to vector<192x3246xbf16>
    %swap3A_43 = arith.constant 768 : index
    %swap3A_44 = arith.constant 0 : index
    %swap3A_45 = vector.load %arg12[%swap3A_43, %swap3A_44] : memref<1728x3246xbf16, #tpu.memory_space<vmem>>, vector<192x3246xbf16>
    tpu.vector_store %arg12[%swap3A_43, %swap3A_44], %get3A_42 {strides = array<i32>} : memref<1728x3246xbf16, #tpu.memory_space<vmem>>, vector<192x3246xbf16>,
    %get3A_46 = arith.constant 0 : index
    %get3A_47 = arith.constant 0 : index
    %get3A_48 = arith.constant 60 : index
    %get3A_49 = vector.load %arg4[%get3A_46, %get3A_47, %get3A_48] : memref<1x192x3364xbf16, #tpu.memory_space<vmem>>, vector<1x192x3246xbf16>
    %get3A_50 = vector.shape_cast %get3A_49 : vector<1x192x3246xbf16> to vector<192x3246xbf16>
    %swap3A_51 = arith.constant 960 : index
    %swap3A_52 = arith.constant 0 : index
    %swap3A_53 = vector.load %arg12[%swap3A_51, %swap3A_52] : memref<1728x3246xbf16, #tpu.memory_space<vmem>>, vector<192x3246xbf16>
    tpu.vector_store %arg12[%swap3A_51, %swap3A_52], %get3A_50 {strides = array<i32>} : memref<1728x3246xbf16, #tpu.memory_space<vmem>>, vector<192x3246xbf16>,
    %get3A_54 = arith.constant 0 : index
    %get3A_55 = arith.constant 0 : index
    %get3A_56 = arith.constant 116 : index
    %get3A_57 = vector.load %arg4[%get3A_54, %get3A_55, %get3A_56] : memref<1x192x3364xbf16, #tpu.memory_space<vmem>>, vector<1x192x3246xbf16>
    %get3A_58 = vector.shape_cast %get3A_57 : vector<1x192x3246xbf16> to vector<192x3246xbf16>
    %swap3A_59 = arith.constant 1152 : index
    %swap3A_60 = arith.constant 0 : index
    %swap3A_61 = vector.load %arg12[%swap3A_59, %swap3A_60] : memref<1728x3246xbf16, #tpu.memory_space<vmem>>, vector<192x3246xbf16>
    tpu.vector_store %arg12[%swap3A_59, %swap3A_60], %get3A_58 {strides = array<i32>} : memref<1728x3246xbf16, #tpu.memory_space<vmem>>, vector<192x3246xbf16>,
    %get3A_62 = arith.constant 0 : index
    %get3A_63 = arith.constant 0 : index
    %get3A_64 = arith.constant 117 : index
    %get3A_65 = vector.load %arg4[%get3A_62, %get3A_63, %get3A_64] : memref<1x192x3364xbf16, #tpu.memory_space<vmem>>, vector<1x192x3246xbf16>
    %get3A_66 = vector.shape_cast %get3A_65 : vector<1x192x3246xbf16> to vector<192x3246xbf16>
    %swap3A_67 = arith.constant 1344 : index
    %swap3A_68 = arith.constant 0 : index
    %swap3A_69 = vector.load %arg12[%swap3A_67, %swap3A_68] : memref<1728x3246xbf16, #tpu.memory_space<vmem>>, vector<192x3246xbf16>
    tpu.vector_store %arg12[%swap3A_67, %swap3A_68], %get3A_66 {strides = array<i32>} : memref<1728x3246xbf16, #tpu.memory_space<vmem>>, vector<192x3246xbf16>,
    %get3A_70 = arith.constant 0 : index
    %get3A_71 = arith.constant 0 : index
    %get3A_72 = arith.constant 118 : index
    %get3A_73 = vector.load %arg4[%get3A_70, %get3A_71, %get3A_72] : memref<1x192x3364xbf16, #tpu.memory_space<vmem>>, vector<1x192x3246xbf16>
    %get3A_74 = vector.shape_cast %get3A_73 : vector<1x192x3246xbf16> to vector<192x3246xbf16>
    %swap3A_75 = arith.constant 1536 : index
    %swap3A_76 = arith.constant 0 : index
    %swap3A_77 = vector.load %arg12[%swap3A_75, %swap3A_76] : memref<1728x3246xbf16, #tpu.memory_space<vmem>>, vector<192x3246xbf16>
    tpu.vector_store %arg12[%swap3A_75, %swap3A_76], %get3A_74 {strides = array<i32>} : memref<1728x3246xbf16, #tpu.memory_space<vmem>>, vector<192x3246xbf16>,
    %get3A_78 = arith.constant 0 : index
    %get3A_79 = arith.constant 0 : index
    %get3A_80 = arith.constant 0 : index
    %get3A_81 = vector.load %arg5[%get3A_78, %get3A_79, %get3A_80] : memref<1x192x1728xbf16, #tpu.memory_space<vmem>>, vector<1x192x1728xbf16>
    %get3A_82 = vector.shape_cast %get3A_81 : vector<1x192x1728xbf16> to vector<192x1728xbf16>
    %get3A_83 = arith.constant 0 : index
    %get3A_84 = arith.constant 0 : index
    %get3A_85 = arith.constant 0 : index
    %get3A_86 = vector.load %arg6[%get3A_83, %get3A_84, %get3A_85] : memref<1x192x1728xbf16, #tpu.memory_space<vmem>>, vector<1x192x1728xbf16>
    %get3A_87 = vector.shape_cast %get3A_86 : vector<1x192x1728xbf16> to vector<192x1728xbf16>
    %concatenate3A = tpu.concatenate %get3A_82, %get3A_87 in 0 : vector<192x1728xbf16>, vector<192x1728xbf16> -> vector<384x1728xbf16>
    %get3A_88 = arith.constant 0 : index
    %get3A_89 = arith.constant 0 : index
    %get3A_90 = vector.load %arg12[%get3A_88, %get3A_89] : memref<1728x3246xbf16, #tpu.memory_space<vmem>>, vector<1728x3246xbf16>
    %dot_general3A = arith.constant dense<0.000000e+00> : vector<384x3246xf32>
    %dot_general3A_91 = tpu.matmul %concatenate3A, %get3A_90, %dot_general3A {dimension_numbers = #tpu.dot_dimension_numbers<[1], [0], [0], [1], [0, 0, 1, 1], [], []>, transpose_lhs_hint = false} : vector<384x1728xbf16>, vector<1728x3246xbf16>, vector<384x3246xf32> -> vector<384x3246xf32>
    %slice3A = vector.extract_strided_slice %dot_general3A_91 {offsets = [0, 0], sizes = [192, 3246], strides = [1, 1]} : vector<384x3246xf32> to vector<192x3246xf32>
    %get3A_92 = arith.constant 0 : index
    %get3A_93 = arith.constant 0 : index
    %get3A_94 = arith.constant 0 : index
    %get3A_95 = vector.load %arg7[%get3A_92, %get3A_93, %get3A_94] : memref<1x192x1xf32, #tpu.memory_space<vmem>>, vector<1x192x1xf32>
    %get3A_96 = vector.shape_cast %get3A_95 : vector<1x192x1xf32> to vector<192x1xf32>
    %add3A_97 = vector.broadcast %get3A_96 : vector<192x1xf32> to vector<192x3246xf32>
    %add3A_98 = arith.addf %slice3A, %add3A_97 : vector<192x3246xf32>
    %logistic3A = arith.negf %add3A_98 : vector<192x3246xf32>
    %logistic3A_99 = math.exp %logistic3A : vector<192x3246xf32>
    %logistic3A_100 = arith.constant 1.000000e+00 : f32
    %logistic3A_101 = vector.broadcast %logistic3A_100 : f32 to vector<192x3246xf32>
    %logistic3A_102 = arith.addf %logistic3A_101, %logistic3A_99 : vector<192x3246xf32>
    %logistic3A_103 = arith.divf %logistic3A_101, %logistic3A_102 : vector<192x3246xf32>
    %mul3A_104 = arith.mulf %add3A_98, %logistic3A_103 : vector<192x3246xf32>
    %slice3A_105 = vector.extract_strided_slice %dot_general3A_91 {offsets = [192, 0], sizes = [192, 3246], strides = [1, 1]} : vector<384x3246xf32> to vector<192x3246xf32>
    %get3A_106 = arith.constant 0 : index
    %get3A_107 = arith.constant 0 : index
    %get3A_108 = arith.constant 0 : index
    %get3A_109 = vector.load %arg8[%get3A_106, %get3A_107, %get3A_108] : memref<1x192x1xf32, #tpu.memory_space<vmem>>, vector<1x192x1xf32>
    %get3A_110 = vector.shape_cast %get3A_109 : vector<1x192x1xf32> to vector<192x1xf32>
    %add3A_111 = vector.broadcast %get3A_110 : vector<192x1xf32> to vector<192x3246xf32>
    %add3A_112 = arith.addf %slice3A_105, %add3A_111 : vector<192x3246xf32>
    %logistic3A_113 = arith.negf %add3A_112 : vector<192x3246xf32>
    %logistic3A_114 = math.exp %logistic3A_113 : vector<192x3246xf32>
    %logistic3A_115 = arith.constant 1.000000e+00 : f32
    %logistic3A_116 = vector.broadcast %logistic3A_115 : f32 to vector<192x3246xf32>
    %logistic3A_117 = arith.addf %logistic3A_116, %logistic3A_114 : vector<192x3246xf32>
    %logistic3A_118 = arith.divf %logistic3A_116, %logistic3A_117 : vector<192x3246xf32>
    %mul3A_119 = arith.mulf %add3A_112, %logistic3A_118 : vector<192x3246xf32>
    %mul3A_120 = vector.broadcast %get3A_1 : f32 to vector<192x3246xf32>
    %mul3A_121 = arith.mulf %mul3A_120, %mul3A_104 : vector<192x3246xf32>
    %mul3A_122 = vector.broadcast %get3A_6 : f32 to vector<192x3246xf32>
    %mul3A_123 = arith.mulf %mul3A_122, %mul3A_119 : vector<192x3246xf32>
    %add3A_124 = arith.addf %mul3A_121, %mul3A_123 : vector<192x3246xf32>
    %get3A_125 = arith.constant 0 : index
    %get3A_126 = arith.constant 0 : index
    %get3A_127 = arith.constant 0 : index
    %get3A_128 = vector.load %arg3[%get3A_125, %get3A_126, %get3A_127] : memref<1x192x3136xbf16, #tpu.memory_space<vmem>>, vector<1x192x3136xbf16>
    %get3A_129 = vector.shape_cast %get3A_128 : vector<1x192x3136xbf16> to vector<192x3136xbf16>
    %swap3A_130 = arith.constant 0 : index
    %swap3A_131 = arith.constant 0 : index
    %swap3A_132 = vector.load %arg13[%swap3A_130, %swap3A_131] : memref<576x3136xbf16, #tpu.memory_space<vmem>>, vector<192x3136xbf16>
    tpu.vector_store %arg13[%swap3A_130, %swap3A_131], %get3A_129 {strides = array<i32>} : memref<576x3136xbf16, #tpu.memory_space<vmem>>, vector<192x3136xbf16>,
    %get3A_133 = arith.constant 0 : index
    %get3A_134 = arith.constant 0 : index
    %get3A_135 = arith.constant 59 : index
    %get3A_136 = vector.load %arg4[%get3A_133, %get3A_134, %get3A_135] : memref<1x192x3364xbf16, #tpu.memory_space<vmem>>, vector<1x192x56xbf16>
    %get3A_137 = vector.shape_cast %get3A_136 : vector<1x192x56xbf16> to vector<192x56xbf16>
    %swap3A_138 = arith.constant 192 : index
    %swap3A_139 = arith.constant 0 : index
    %swap3A_140 = vector.load %arg13[%swap3A_138, %swap3A_139] : memref<576x3136xbf16, #tpu.memory_space<vmem>>, vector<192x56xbf16>
    tpu.vector_store %arg13[%swap3A_138, %swap3A_139], %get3A_137 {strides = array<i32>} : memref<576x3136xbf16, #tpu.memory_space<vmem>>, vector<192x56xbf16>,
    %slice3A_141 = vector.extract_strided_slice %add3A_124 {offsets = [0, 0], sizes = [192, 56], strides = [1, 1]} : vector<192x3246xf32> to vector<192x56xf32>
    %convert_element_type3A = arith.truncf %slice3A_141 : vector<192x56xf32> to vector<192x56xbf16>
    %swap3A_142 = arith.constant 384 : index
    %swap3A_143 = arith.constant 0 : index
    %swap3A_144 = vector.load %arg13[%swap3A_142, %swap3A_143] : memref<576x3136xbf16, #tpu.memory_space<vmem>>, vector<192x56xbf16>
    tpu.vector_store %arg13[%swap3A_142, %swap3A_143], %convert_element_type3A {strides = array<i32>} : memref<576x3136xbf16, #tpu.memory_space<vmem>>, vector<192x56xbf16>,
    %get3A_145 = arith.constant 0 : index
    %get3A_146 = arith.constant 0 : index
    %get3A_147 = arith.constant 117 : index
    %get3A_148 = vector.load %arg4[%get3A_145, %get3A_146, %get3A_147] : memref<1x192x3364xbf16, #tpu.memory_space<vmem>>, vector<1x192x56xbf16>
    %get3A_149 = vector.shape_cast %get3A_148 : vector<1x192x56xbf16> to vector<192x56xbf16>
    %swap3A_150 = arith.constant 192 : index
    %swap3A_151 = arith.constant 56 : index
    %swap3A_152 = vector.load %arg13[%swap3A_150, %swap3A_151] : memref<576x3136xbf16, #tpu.memory_space<vmem>>, vector<192x56xbf16>
    tpu.vector_store %arg13[%swap3A_150, %swap3A_151], %get3A_149 {strides = array<i32>} : memref<576x3136xbf16, #tpu.memory_space<vmem>>, vector<192x56xbf16>,
    %slice3A_153 = vector.extract_strided_slice %add3A_124 {offsets = [0, 58], sizes = [192, 56], strides = [1, 1]} : vector<192x3246xf32> to vector<192x56xf32>
    %convert_element_type3A_154 = arith.truncf %slice3A_153 : vector<192x56xf32> to vector<192x56xbf16>
    %swap3A_155 = arith.constant 384 : index
    %swap3A_156 = arith.constant 56 : index
    %swap3A_157 = vector.load %arg13[%swap3A_155, %swap3A_156] : memref<576x3136xbf16, #tpu.memory_space<vmem>>, vector<192x56xbf16>
    tpu.vector_store %arg13[%swap3A_155, %swap3A_156], %convert_element_type3A_154 {strides = array<i32>} : memref<576x3136xbf16, #tpu.memory_space<vmem>>, vector<192x56xbf16>,
    %get3A_158 = arith.constant 0 : index
    %get3A_159 = arith.constant 0 : index
    %get3A_160 = arith.constant 175 : index
    %get3A_161 = vector.load %arg4[%get3A_158, %get3A_159, %get3A_160] : memref<1x192x3364xbf16, #tpu.memory_space<vmem>>, vector<1x192x56xbf16>
    %get3A_162 = vector.shape_cast %get3A_161 : vector<1x192x56xbf16> to vector<192x56xbf16>
    %swap3A_163 = arith.constant 192 : index
    %swap3A_164 = arith.constant 112 : index
    %swap3A_165 = vector.load %arg13[%swap3A_163, %swap3A_164] : memref<576x3136xbf16, #tpu.memory_space<vmem>>, vector<192x56xbf16>
    tpu.vector_store %arg13[%swap3A_163, %swap3A_164], %get3A_162 {strides = array<i32>} : memref<576x3136xbf16, #tpu.memory_space<vmem>>, vector<192x56xbf16>,
    %slice3A_166 = vector.extract_strided_slice %add3A_124 {offsets = [0, 116], sizes = [192, 56], strides = [1, 1]} : vector<192x3246xf32> to vector<192x56xf32>
    %convert_element_type3A_167 = arith.truncf %slice3A_166 : vector<192x56xf32> to vector<192x56xbf16>
    %swap3A_168 = arith.constant 384 : index
    %swap3A_169 = arith.constant 112 : index
    %swap3A_170 = vector.load %arg13[%swap3A_168, %swap3A_169] : memref<576x3136xbf16, #tpu.memory_space<vmem>>, vector<192x56xbf16>
    tpu.vector_store %arg13[%swap3A_168, %swap3A_169], %convert_element_type3A_167 {strides = array<i32>} : memref<576x3136xbf16, #tpu.memory_space<vmem>>, vector<192x56xbf16>,
    %get3A_171 = arith.constant 0 : index
    %get3A_172 = arith.constant 0 : index
    %get3A_173 = arith.constant 233 : index
    %get3A_174 = vector.load %arg4[%get3A_171, %get3A_172, %get3A_173] : memref<1x192x3364xbf16, #tpu.memory_space<vmem>>, vector<1x192x56xbf16>
    %get3A_175 = vector.shape_cast %get3A_174 : vector<1x192x56xbf16> to vector<192x56xbf16>
    %swap3A_176 = arith.constant 192 : index
    %swap3A_177 = arith.constant 168 : index
    %swap3A_178 = vector.load %arg13[%swap3A_176, %swap3A_177] : memref<576x3136xbf16, #tpu.memory_space<vmem>>, vector<192x56xbf16>
    tpu.vector_store %arg13[%swap3A_176, %swap3A_177], %get3A_175 {strides = array<i32>} : memref<576x3136xbf16, #tpu.memory_space<vmem>>, vector<192x56xbf16>,
    %slice3A_179 = vector.extract_strided_slice %add3A_124 {offsets = [0, 174], sizes = [192, 56], strides = [1, 1]} : vector<192x3246xf32> to vector<192x56xf32>
    %convert_element_type3A_180 = arith.truncf %slice3A_179 : vector<192x56xf32> to vector<192x56xbf16>
    %swap3A_181 = arith.constant 384 : index
    %swap3A_182 = arith.constant 168 : index
    %swap3A_183 = vector.load %arg13[%swap3A_181, %swap3A_182] : memref<576x3136xbf16, #tpu.memory_space<vmem>>, vector<192x56xbf16>
    tpu.vector_store %arg13[%swap3A_181, %swap3A_182], %convert_element_type3A_180 {strides = array<i32>} : memref<576x3136xbf16, #tpu.memory_space<vmem>>, vector<192x56xbf16>,
    %get3A_184 = arith.constant 0 : index
    %get3A_185 = arith.constant 0 : index
    %get3A_186 = arith.constant 291 : index
    %get3A_187 = vector.load %arg4[%get3A_184, %get3A_185, %get3A_186] : memref<1x192x3364xbf16, #tpu.memory_space<vmem>>, vector<1x192x56xbf16>
    %get3A_188 = vector.shape_cast %get3A_187 : vector<1x192x56xbf16> to vector<192x56xbf16>
    %swap3A_189 = arith.constant 192 : index
    %swap3A_190 = arith.constant 224 : index
    %swap3A_191 = vector.load %arg13[%swap3A_189, %swap3A_190] : memref<576x3136xbf16, #tpu.memory_space<vmem>>, vector<192x56xbf16>
    tpu.vector_store %arg13[%swap3A_189, %swap3A_190], %get3A_188 {strides = array<i32>} : memref<576x3136xbf16, #tpu.memory_space<vmem>>, vector<192x56xbf16>,
    %slice3A_192 = vector.extract_strided_slice %add3A_124 {offsets = [0, 232], sizes = [192, 56], strides = [1, 1]} : vector<192x3246xf32> to vector<192x56xf32>
    %convert_element_type3A_193 = arith.truncf %slice3A_192 : vector<192x56xf32> to vector<192x56xbf16>
    %swap3A_194 = arith.constant 384 : index
    %swap3A_195 = arith.constant 224 : index
    %swap3A_196 = vector.load %arg13[%swap3A_194, %swap3A_195] : memref<576x3136xbf16, #tpu.memory_space<vmem>>, vector<192x56xbf16>
    tpu.vector_store %arg13[%swap3A_194, %swap3A_195], %convert_element_type3A_193 {strides = array<i32>} : memref<576x3136xbf16, #tpu.memory_space<vmem>>, vector<192x56xbf16>,
    %get3A_197 = arith.constant 0 : index
    %get3A_198 = arith.constant 0 : index
    %get3A_199 = arith.constant 349 : index
    %get3A_200 = vector.load %arg4[%get3A_197, %get3A_198, %get3A_199] : memref<1x192x3364xbf16, #tpu.memory_space<vmem>>, vector<1x192x56xbf16>
    %get3A_201 = vector.shape_cast %get3A_200 : vector<1x192x56xbf16> to vector<192x56xbf16>
    %swap3A_202 = arith.constant 192 : index
    %swap3A_203 = arith.constant 280 : index
    %swap3A_204 = vector.load %arg13[%swap3A_202, %swap3A_203] : memref<576x3136xbf16, #tpu.memory_space<vmem>>, vector<192x56xbf16>
    tpu.vector_store %arg13[%swap3A_202, %swap3A_203], %get3A_201 {strides = array<i32>} : memref<576x3136xbf16, #tpu.memory_space<vmem>>, vector<192x56xbf16>,
    %slice3A_205 = vector.extract_strided_slice %add3A_124 {offsets = [0, 290], sizes = [192, 56], strides = [1, 1]} : vector<192x3246xf32> to vector<192x56xf32>
    %convert_element_type3A_206 = arith.truncf %slice3A_205 : vector<192x56xf32> to vector<192x56xbf16>
    %swap3A_207 = arith.constant 384 : index
    %swap3A_208 = arith.constant 280 : index
    %swap3A_209 = vector.load %arg13[%swap3A_207, %swap3A_208] : memref<576x3136xbf16, #tpu.memory_space<vmem>>, vector<192x56xbf16>
    tpu.vector_store %arg13[%swap3A_207, %swap3A_208], %convert_element_type3A_206 {strides = array<i32>} : memref<576x3136xbf16, #tpu.memory_space<vmem>>, vector<192x56xbf16>,
    %get3A_210 = arith.constant 0 : index
    %get3A_211 = arith.constant 0 : index
    %get3A_212 = arith.constant 407 : index
    %get3A_213 = vector.load %arg4[%get3A_210, %get3A_211, %get3A_212] : memref<1x192x3364xbf16, #tpu.memory_space<vmem>>, vector<1x192x56xbf16>
    %get3A_214 = vector.shape_cast %get3A_213 : vector<1x192x56xbf16> to vector<192x56xbf16>
    %swap3A_215 = arith.constant 192 : index
    %swap3A_216 = arith.constant 336 : index
    %swap3A_217 = vector.load %arg13[%swap3A_215, %swap3A_216] : memref<576x3136xbf16, #tpu.memory_space<vmem>>, vector<192x56xbf16>
    tpu.vector_store %arg13[%swap3A_215, %swap3A_216], %get3A_214 {strides = array<i32>} : memref<576x3136xbf16, #tpu.memory_space<vmem>>, vector<192x56xbf16>,
    %slice3A_218 = vector.extract_strided_slice %add3A_124 {offsets = [0, 348], sizes = [192, 56], strides = [1, 1]} : vector<192x3246xf32> to vector<192x56xf32>
    %convert_element_type3A_219 = arith.truncf %slice3A_218 : vector<192x56xf32> to vector<192x56xbf16>
    %swap3A_220 = arith.constant 384 : index
    %swap3A_221 = arith.constant 336 : index
    %swap3A_222 = vector.load %arg13[%swap3A_220, %swap3A_221] : memref<576x3136xbf16, #tpu.memory_space<vmem>>, vector<192x56xbf16>
    tpu.vector_store %arg13[%swap3A_220, %swap3A_221], %convert_element_type3A_219 {strides = array<i32>} : memref<576x3136xbf16, #tpu.memory_space<vmem>>, vector<192x56xbf16>,
    %get3A_223 = arith.constant 0 : index
    %get3A_224 = arith.constant 0 : index
    %get3A_225 = arith.constant 465 : index
    %get3A_226 = vector.load %arg4[%get3A_223, %get3A_224, %get3A_225] : memref<1x192x3364xbf16, #tpu.memory_space<vmem>>, vector<1x192x56xbf16>
    %get3A_227 = vector.shape_cast %get3A_226 : vector<1x192x56xbf16> to vector<192x56xbf16>
    %swap3A_228 = arith.constant 192 : index
    %swap3A_229 = arith.constant 392 : index
    %swap3A_230 = vector.load %arg13[%swap3A_228, %swap3A_229] : memref<576x3136xbf16, #tpu.memory_space<vmem>>, vector<192x56xbf16>
    tpu.vector_store %arg13[%swap3A_228, %swap3A_229], %get3A_227 {strides = array<i32>} : memref<576x3136xbf16, #tpu.memory_space<vmem>>, vector<192x56xbf16>,
    %slice3A_231 = vector.extract_strided_slice %add3A_124 {offsets = [0, 406], sizes = [192, 56], strides = [1, 1]} : vector<192x3246xf32> to vector<192x56xf32>
    %convert_element_type3A_232 = arith.truncf %slice3A_231 : vector<192x56xf32> to vector<192x56xbf16>
    %swap3A_233 = arith.constant 384 : index
    %swap3A_234 = arith.constant 392 : index
    %swap3A_235 = vector.load %arg13[%swap3A_233, %swap3A_234] : memref<576x3136xbf16, #tpu.memory_space<vmem>>, vector<192x56xbf16>
    tpu.vector_store %arg13[%swap3A_233, %swap3A_234], %convert_element_type3A_232 {strides = array<i32>} : memref<576x3136xbf16, #tpu.memory_space<vmem>>, vector<192x56xbf16>,
    %get3A_236 = arith.constant 0 : index
    %get3A_237 = arith.constant 0 : index
    %get3A_238 = arith.constant 523 : index
    %get3A_239 = vector.load %arg4[%get3A_236, %get3A_237, %get3A_238] : memref<1x192x3364xbf16, #tpu.memory_space<vmem>>, vector<1x192x56xbf16>
    %get3A_240 = vector.shape_cast %get3A_239 : vector<1x192x56xbf16> to vector<192x56xbf16>
    %swap3A_241 = arith.constant 192 : index
    %swap3A_242 = arith.constant 448 : index
    %swap3A_243 = vector.load %arg13[%swap3A_241, %swap3A_242] : memref<576x3136xbf16, #tpu.memory_space<vmem>>, vector<192x56xbf16>
    tpu.vector_store %arg13[%swap3A_241, %swap3A_242], %get3A_240 {strides = array<i32>} : memref<576x3136xbf16, #tpu.memory_space<vmem>>, vector<192x56xbf16>,
    %slice3A_244 = vector.extract_strided_slice %add3A_124 {offsets = [0, 464], sizes = [192, 56], strides = [1, 1]} : vector<192x3246xf32> to vector<192x56xf32>
    %convert_element_type3A_245 = arith.truncf %slice3A_244 : vector<192x56xf32> to vector<192x56xbf16>
    %swap3A_246 = arith.constant 384 : index
    %swap3A_247 = arith.constant 448 : index
    %swap3A_248 = vector.load %arg13[%swap3A_246, %swap3A_247] : memref<576x3136xbf16, #tpu.memory_space<vmem>>, vector<192x56xbf16>
    tpu.vector_store %arg13[%swap3A_246, %swap3A_247], %convert_element_type3A_245 {strides = array<i32>} : memref<576x3136xbf16, #tpu.memory_space<vmem>>, vector<192x56xbf16>,
    %get3A_249 = arith.constant 0 : index
    %get3A_250 = arith.constant 0 : index
    %get3A_251 = arith.constant 581 : index
    %get3A_252 = vector.load %arg4[%get3A_249, %get3A_250, %get3A_251] : memref<1x192x3364xbf16, #tpu.memory_space<vmem>>, vector<1x192x56xbf16>
    %get3A_253 = vector.shape_cast %get3A_252 : vector<1x192x56xbf16> to vector<192x56xbf16>
    %swap3A_254 = arith.constant 192 : index
    %swap3A_255 = arith.constant 504 : index
    %swap3A_256 = vector.load %arg13[%swap3A_254, %swap3A_255] : memref<576x3136xbf16, #tpu.memory_space<vmem>>, vector<192x56xbf16>
    tpu.vector_store %arg13[%swap3A_254, %swap3A_255], %get3A_253 {strides = array<i32>} : memref<576x3136xbf16, #tpu.memory_space<vmem>>, vector<192x56xbf16>,
    %slice3A_257 = vector.extract_strided_slice %add3A_124 {offsets = [0, 522], sizes = [192, 56], strides = [1, 1]} : vector<192x3246xf32> to vector<192x56xf32>
    %convert_element_type3A_258 = arith.truncf %slice3A_257 : vector<192x56xf32> to vector<192x56xbf16>
    %swap3A_259 = arith.constant 384 : index
    %swap3A_260 = arith.constant 504 : index
    %swap3A_261 = vector.load %arg13[%swap3A_259, %swap3A_260] : memref<576x3136xbf16, #tpu.memory_space<vmem>>, vector<192x56xbf16>
    tpu.vector_store %arg13[%swap3A_259, %swap3A_260], %convert_element_type3A_258 {strides = array<i32>} : memref<576x3136xbf16, #tpu.memory_space<vmem>>, vector<192x56xbf16>,
    %get3A_262 = arith.constant 0 : index
    %get3A_263 = arith.constant 0 : index
    %get3A_264 = arith.constant 639 : index
    %get3A_265 = vector.load %arg4[%get3A_262, %get3A_263, %get3A_264] : memref<1x192x3364xbf16, #tpu.memory_space<vmem>>, vector<1x192x56xbf16>
    %get3A_266 = vector.shape_cast %get3A_265 : vector<1x192x56xbf16> to vector<192x56xbf16>
    %swap3A_267 = arith.constant 192 : index
    %swap3A_268 = arith.constant 560 : index
    %swap3A_269 = vector.load %arg13[%swap3A_267, %swap3A_268] : memref<576x3136xbf16, #tpu.memory_space<vmem>>, vector<192x56xbf16>
    tpu.vector_store %arg13[%swap3A_267, %swap3A_268], %get3A_266 {strides = array<i32>} : memref<576x3136xbf16, #tpu.memory_space<vmem>>, vector<192x56xbf16>,
    %slice3A_270 = vector.extract_strided_slice %add3A_124 {offsets = [0, 580], sizes = [192, 56], strides = [1, 1]} : vector<192x3246xf32> to vector<192x56xf32>
    %convert_element_type3A_271 = arith.truncf %slice3A_270 : vector<192x56xf32> to vector<192x56xbf16>
    %swap3A_272 = arith.constant 384 : index
    %swap3A_273 = arith.constant 560 : index
    %swap3A_274 = vector.load %arg13[%swap3A_272, %swap3A_273] : memref<576x3136xbf16, #tpu.memory_space<vmem>>, vector<192x56xbf16>
    tpu.vector_store %arg13[%swap3A_272, %swap3A_273], %convert_element_type3A_271 {strides = array<i32>} : memref<576x3136xbf16, #tpu.memory_space<vmem>>, vector<192x56xbf16>,
    %get3A_275 = arith.constant 0 : index
    %get3A_276 = arith.constant 0 : index
    %get3A_277 = arith.constant 697 : index
    %get3A_278 = vector.load %arg4[%get3A_275, %get3A_276, %get3A_277] : memref<1x192x3364xbf16, #tpu.memory_space<vmem>>, vector<1x192x56xbf16>
    %get3A_279 = vector.shape_cast %get3A_278 : vector<1x192x56xbf16> to vector<192x56xbf16>
    %swap3A_280 = arith.constant 192 : index
    %swap3A_281 = arith.constant 616 : index
    %swap3A_282 = vector.load %arg13[%swap3A_280, %swap3A_281] : memref<576x3136xbf16, #tpu.memory_space<vmem>>, vector<192x56xbf16>
    tpu.vector_store %arg13[%swap3A_280, %swap3A_281], %get3A_279 {strides = array<i32>} : memref<576x3136xbf16, #tpu.memory_space<vmem>>, vector<192x56xbf16>,
    %slice3A_283 = vector.extract_strided_slice %add3A_124 {offsets = [0, 638], sizes = [192, 56], strides = [1, 1]} : vector<192x3246xf32> to vector<192x56xf32>
    %convert_element_type3A_284 = arith.truncf %slice3A_283 : vector<192x56xf32> to vector<192x56xbf16>
    %swap3A_285 = arith.constant 384 : index
    %swap3A_286 = arith.constant 616 : index
    %swap3A_287 = vector.load %arg13[%swap3A_285, %swap3A_286] : memref<576x3136xbf16, #tpu.memory_space<vmem>>, vector<192x56xbf16>
    tpu.vector_store %arg13[%swap3A_285, %swap3A_286], %convert_element_type3A_284 {strides = array<i32>} : memref<576x3136xbf16, #tpu.memory_space<vmem>>, vector<192x56xbf16>,
    %get3A_288 = arith.constant 0 : index
    %get3A_289 = arith.constant 0 : index
    %get3A_290 = arith.constant 755 : index
    %get3A_291 = vector.load %arg4[%get3A_288, %get3A_289, %get3A_290] : memref<1x192x3364xbf16, #tpu.memory_space<vmem>>, vector<1x192x56xbf16>
    %get3A_292 = vector.shape_cast %get3A_291 : vector<1x192x56xbf16> to vector<192x56xbf16>
    %swap3A_293 = arith.constant 192 : index
    %swap3A_294 = arith.constant 672 : index
    %swap3A_295 = vector.load %arg13[%swap3A_293, %swap3A_294] : memref<576x3136xbf16, #tpu.memory_space<vmem>>, vector<192x56xbf16>
    tpu.vector_store %arg13[%swap3A_293, %swap3A_294], %get3A_292 {strides = array<i32>} : memref<576x3136xbf16, #tpu.memory_space<vmem>>, vector<192x56xbf16>,
    %slice3A_296 = vector.extract_strided_slice %add3A_124 {offsets = [0, 696], sizes = [192, 56], strides = [1, 1]} : vector<192x3246xf32> to vector<192x56xf32>
    %convert_element_type3A_297 = arith.truncf %slice3A_296 : vector<192x56xf32> to vector<192x56xbf16>
    %swap3A_298 = arith.constant 384 : index
    %swap3A_299 = arith.constant 672 : index
    %swap3A_300 = vector.load %arg13[%swap3A_298, %swap3A_299] : memref<576x3136xbf16, #tpu.memory_space<vmem>>, vector<192x56xbf16>
    tpu.vector_store %arg13[%swap3A_298, %swap3A_299], %convert_element_type3A_297 {strides = array<i32>} : memref<576x3136xbf16, #tpu.memory_space<vmem>>, vector<192x56xbf16>,
    %get3A_301 = arith.constant 0 : index
    %get3A_302 = arith.constant 0 : index
    %get3A_303 = arith.constant 813 : index
    %get3A_304 = vector.load %arg4[%get3A_301, %get3A_302, %get3A_303] : memref<1x192x3364xbf16, #tpu.memory_space<vmem>>, vector<1x192x56xbf16>
    %get3A_305 = vector.shape_cast %get3A_304 : vector<1x192x56xbf16> to vector<192x56xbf16>
    %swap3A_306 = arith.constant 192 : index
    %swap3A_307 = arith.constant 728 : index
    %swap3A_308 = vector.load %arg13[%swap3A_306, %swap3A_307] : memref<576x3136xbf16, #tpu.memory_space<vmem>>, vector<192x56xbf16>
    tpu.vector_store %arg13[%swap3A_306, %swap3A_307], %get3A_305 {strides = array<i32>} : memref<576x3136xbf16, #tpu.memory_space<vmem>>, vector<192x56xbf16>,
    %slice3A_309 = vector.extract_strided_slice %add3A_124 {offsets = [0, 754], sizes = [192, 56], strides = [1, 1]} : vector<192x3246xf32> to vector<192x56xf32>
    %convert_element_type3A_310 = arith.truncf %slice3A_309 : vector<192x56xf32> to vector<192x56xbf16>
    %swap3A_311 = arith.constant 384 : index
    %swap3A_312 = arith.constant 728 : index
    %swap3A_313 = vector.load %arg13[%swap3A_311, %swap3A_312] : memref<576x3136xbf16, #tpu.memory_space<vmem>>, vector<192x56xbf16>
    tpu.vector_store %arg13[%swap3A_311, %swap3A_312], %convert_element_type3A_310 {strides = array<i32>} : memref<576x3136xbf16, #tpu.memory_space<vmem>>, vector<192x56xbf16>,
    %get3A_314 = arith.constant 0 : index
    %get3A_315 = arith.constant 0 : index
    %get3A_316 = arith.constant 871 : index
    %get3A_317 = vector.load %arg4[%get3A_314, %get3A_315, %get3A_316] : memref<1x192x3364xbf16, #tpu.memory_space<vmem>>, vector<1x192x56xbf16>
    %get3A_318 = vector.shape_cast %get3A_317 : vector<1x192x56xbf16> to vector<192x56xbf16>
    %swap3A_319 = arith.constant 192 : index
    %swap3A_320 = arith.constant 784 : index
    %swap3A_321 = vector.load %arg13[%swap3A_319, %swap3A_320] : memref<576x3136xbf16, #tpu.memory_space<vmem>>, vector<192x56xbf16>
    tpu.vector_store %arg13[%swap3A_319, %swap3A_320], %get3A_318 {strides = array<i32>} : memref<576x3136xbf16, #tpu.memory_space<vmem>>, vector<192x56xbf16>,
    %slice3A_322 = vector.extract_strided_slice %add3A_124 {offsets = [0, 812], sizes = [192, 56], strides = [1, 1]} : vector<192x3246xf32> to vector<192x56xf32>
    %convert_element_type3A_323 = arith.truncf %slice3A_322 : vector<192x56xf32> to vector<192x56xbf16>
    %swap3A_324 = arith.constant 384 : index
    %swap3A_325 = arith.constant 784 : index
    %swap3A_326 = vector.load %arg13[%swap3A_324, %swap3A_325] : memref<576x3136xbf16, #tpu.memory_space<vmem>>, vector<192x56xbf16>
    tpu.vector_store %arg13[%swap3A_324, %swap3A_325], %convert_element_type3A_323 {strides = array<i32>} : memref<576x3136xbf16, #tpu.memory_space<vmem>>, vector<192x56xbf16>,
    %get3A_327 = arith.constant 0 : index
    %get3A_328 = arith.constant 0 : index
    %get3A_329 = arith.constant 929 : index
    %get3A_330 = vector.load %arg4[%get3A_327, %get3A_328, %get3A_329] : memref<1x192x3364xbf16, #tpu.memory_space<vmem>>, vector<1x192x56xbf16>
    %get3A_331 = vector.shape_cast %get3A_330 : vector<1x192x56xbf16> to vector<192x56xbf16>
    %swap3A_332 = arith.constant 192 : index
    %swap3A_333 = arith.constant 840 : index
    %swap3A_334 = vector.load %arg13[%swap3A_332, %swap3A_333] : memref<576x3136xbf16, #tpu.memory_space<vmem>>, vector<192x56xbf16>
    tpu.vector_store %arg13[%swap3A_332, %swap3A_333], %get3A_331 {strides = array<i32>} : memref<576x3136xbf16, #tpu.memory_space<vmem>>, vector<192x56xbf16>,
    %slice3A_335 = vector.extract_strided_slice %add3A_124 {offsets = [0, 870], sizes = [192, 56], strides = [1, 1]} : vector<192x3246xf32> to vector<192x56xf32>
    %convert_element_type3A_336 = arith.truncf %slice3A_335 : vector<192x56xf32> to vector<192x56xbf16>
    %swap3A_337 = arith.constant 384 : index
    %swap3A_338 = arith.constant 840 : index
    %swap3A_339 = vector.load %arg13[%swap3A_337, %swap3A_338] : memref<576x3136xbf16, #tpu.memory_space<vmem>>, vector<192x56xbf16>
    tpu.vector_store %arg13[%swap3A_337, %swap3A_338], %convert_element_type3A_336 {strides = array<i32>} : memref<576x3136xbf16, #tpu.memory_space<vmem>>, vector<192x56xbf16>,
    %get3A_340 = arith.constant 0 : index
    %get3A_341 = arith.constant 0 : index
    %get3A_342 = arith.constant 987 : index
    %get3A_343 = vector.load %arg4[%get3A_340, %get3A_341, %get3A_342] : memref<1x192x3364xbf16, #tpu.memory_space<vmem>>, vector<1x192x56xbf16>
    %get3A_344 = vector.shape_cast %get3A_343 : vector<1x192x56xbf16> to vector<192x56xbf16>
    %swap3A_345 = arith.constant 192 : index
    %swap3A_346 = arith.constant 896 : index
    %swap3A_347 = vector.load %arg13[%swap3A_345, %swap3A_346] : memref<576x3136xbf16, #tpu.memory_space<vmem>>, vector<192x56xbf16>
    tpu.vector_store %arg13[%swap3A_345, %swap3A_346], %get3A_344 {strides = array<i32>} : memref<576x3136xbf16, #tpu.memory_space<vmem>>, vector<192x56xbf16>,
    %slice3A_348 = vector.extract_strided_slice %add3A_124 {offsets = [0, 928], sizes = [192, 56], strides = [1, 1]} : vector<192x3246xf32> to vector<192x56xf32>
    %convert_element_type3A_349 = arith.truncf %slice3A_348 : vector<192x56xf32> to vector<192x56xbf16>
    %swap3A_350 = arith.constant 384 : index
    %swap3A_351 = arith.constant 896 : index
    %swap3A_352 = vector.load %arg13[%swap3A_350, %swap3A_351] : memref<576x3136xbf16, #tpu.memory_space<vmem>>, vector<192x56xbf16>
    tpu.vector_store %arg13[%swap3A_350, %swap3A_351], %convert_element_type3A_349 {strides = array<i32>} : memref<576x3136xbf16, #tpu.memory_space<vmem>>, vector<192x56xbf16>,
    %get3A_353 = arith.constant 0 : index
    %get3A_354 = arith.constant 0 : index
    %get3A_355 = arith.constant 1045 : index
    %get3A_356 = vector.load %arg4[%get3A_353, %get3A_354, %get3A_355] : memref<1x192x3364xbf16, #tpu.memory_space<vmem>>, vector<1x192x56xbf16>
    %get3A_357 = vector.shape_cast %get3A_356 : vector<1x192x56xbf16> to vector<192x56xbf16>
    %swap3A_358 = arith.constant 192 : index
    %swap3A_359 = arith.constant 952 : index
    %swap3A_360 = vector.load %arg13[%swap3A_358, %swap3A_359] : memref<576x3136xbf16, #tpu.memory_space<vmem>>, vector<192x56xbf16>
    tpu.vector_store %arg13[%swap3A_358, %swap3A_359], %get3A_357 {strides = array<i32>} : memref<576x3136xbf16, #tpu.memory_space<vmem>>, vector<192x56xbf16>,
    %slice3A_361 = vector.extract_strided_slice %add3A_124 {offsets = [0, 986], sizes = [192, 56], strides = [1, 1]} : vector<192x3246xf32> to vector<192x56xf32>
    %convert_element_type3A_362 = arith.truncf %slice3A_361 : vector<192x56xf32> to vector<192x56xbf16>
    %swap3A_363 = arith.constant 384 : index
    %swap3A_364 = arith.constant 952 : index
    %swap3A_365 = vector.load %arg13[%swap3A_363, %swap3A_364] : memref<576x3136xbf16, #tpu.memory_space<vmem>>, vector<192x56xbf16>
    tpu.vector_store %arg13[%swap3A_363, %swap3A_364], %convert_element_type3A_362 {strides = array<i32>} : memref<576x3136xbf16, #tpu.memory_space<vmem>>, vector<192x56xbf16>,
    %get3A_366 = arith.constant 0 : index
    %get3A_367 = arith.constant 0 : index
    %get3A_368 = arith.constant 1103 : index
    %get3A_369 = vector.load %arg4[%get3A_366, %get3A_367, %get3A_368] : memref<1x192x3364xbf16, #tpu.memory_space<vmem>>, vector<1x192x56xbf16>
    %get3A_370 = vector.shape_cast %get3A_369 : vector<1x192x56xbf16> to vector<192x56xbf16>
    %swap3A_371 = arith.constant 192 : index
    %swap3A_372 = arith.constant 1008 : index
    %swap3A_373 = vector.load %arg13[%swap3A_371, %swap3A_372] : memref<576x3136xbf16, #tpu.memory_space<vmem>>, vector<192x56xbf16>
    tpu.vector_store %arg13[%swap3A_371, %swap3A_372], %get3A_370 {strides = array<i32>} : memref<576x3136xbf16, #tpu.memory_space<vmem>>, vector<192x56xbf16>,
    %slice3A_374 = vector.extract_strided_slice %add3A_124 {offsets = [0, 1044], sizes = [192, 56], strides = [1, 1]} : vector<192x3246xf32> to vector<192x56xf32>
    %convert_element_type3A_375 = arith.truncf %slice3A_374 : vector<192x56xf32> to vector<192x56xbf16>
    %swap3A_376 = arith.constant 384 : index
    %swap3A_377 = arith.constant 1008 : index
    %swap3A_378 = vector.load %arg13[%swap3A_376, %swap3A_377] : memref<576x3136xbf16, #tpu.memory_space<vmem>>, vector<192x56xbf16>
    tpu.vector_store %arg13[%swap3A_376, %swap3A_377], %convert_element_type3A_375 {strides = array<i32>} : memref<576x3136xbf16, #tpu.memory_space<vmem>>, vector<192x56xbf16>,
    %get3A_379 = arith.constant 0 : index
    %get3A_380 = arith.constant 0 : index
    %get3A_381 = arith.constant 1161 : index
    %get3A_382 = vector.load %arg4[%get3A_379, %get3A_380, %get3A_381] : memref<1x192x3364xbf16, #tpu.memory_space<vmem>>, vector<1x192x56xbf16>
    %get3A_383 = vector.shape_cast %get3A_382 : vector<1x192x56xbf16> to vector<192x56xbf16>
    %swap3A_384 = arith.constant 192 : index
    %swap3A_385 = arith.constant 1064 : index
    %swap3A_386 = vector.load %arg13[%swap3A_384, %swap3A_385] : memref<576x3136xbf16, #tpu.memory_space<vmem>>, vector<192x56xbf16>
    tpu.vector_store %arg13[%swap3A_384, %swap3A_385], %get3A_383 {strides = array<i32>} : memref<576x3136xbf16, #tpu.memory_space<vmem>>, vector<192x56xbf16>,
    %slice3A_387 = vector.extract_strided_slice %add3A_124 {offsets = [0, 1102], sizes = [192, 56], strides = [1, 1]} : vector<192x3246xf32> to vector<192x56xf32>
    %convert_element_type3A_388 = arith.truncf %slice3A_387 : vector<192x56xf32> to vector<192x56xbf16>
    %swap3A_389 = arith.constant 384 : index
    %swap3A_390 = arith.constant 1064 : index
    %swap3A_391 = vector.load %arg13[%swap3A_389, %swap3A_390] : memref<576x3136xbf16, #tpu.memory_space<vmem>>, vector<192x56xbf16>
    tpu.vector_store %arg13[%swap3A_389, %swap3A_390], %convert_element_type3A_388 {strides = array<i32>} : memref<576x3136xbf16, #tpu.memory_space<vmem>>, vector<192x56xbf16>,
    %get3A_392 = arith.constant 0 : index
    %get3A_393 = arith.constant 0 : index
    %get3A_394 = arith.constant 1219 : index
    %get3A_395 = vector.load %arg4[%get3A_392, %get3A_393, %get3A_394] : memref<1x192x3364xbf16, #tpu.memory_space<vmem>>, vector<1x192x56xbf16>
    %get3A_396 = vector.shape_cast %get3A_395 : vector<1x192x56xbf16> to vector<192x56xbf16>
    %swap3A_397 = arith.constant 192 : index
    %swap3A_398 = arith.constant 1120 : index
    %swap3A_399 = vector.load %arg13[%swap3A_397, %swap3A_398] : memref<576x3136xbf16, #tpu.memory_space<vmem>>, vector<192x56xbf16>
    tpu.vector_store %arg13[%swap3A_397, %swap3A_398], %get3A_396 {strides = array<i32>} : memref<576x3136xbf16, #tpu.memory_space<vmem>>, vector<192x56xbf16>,
    %slice3A_400 = vector.extract_strided_slice %add3A_124 {offsets = [0, 1160], sizes = [192, 56], strides = [1, 1]} : vector<192x3246xf32> to vector<192x56xf32>
    %convert_element_type3A_401 = arith.truncf %slice3A_400 : vector<192x56xf32> to vector<192x56xbf16>
    %swap3A_402 = arith.constant 384 : index
    %swap3A_403 = arith.constant 1120 : index
    %swap3A_404 = vector.load %arg13[%swap3A_402, %swap3A_403] : memref<576x3136xbf16, #tpu.memory_space<vmem>>, vector<192x56xbf16>
    tpu.vector_store %arg13[%swap3A_402, %swap3A_403], %convert_element_type3A_401 {strides = array<i32>} : memref<576x3136xbf16, #tpu.memory_space<vmem>>, vector<192x56xbf16>,
    %get3A_405 = arith.constant 0 : index
    %get3A_406 = arith.constant 0 : index
    %get3A_407 = arith.constant 1277 : index
    %get3A_408 = vector.load %arg4[%get3A_405, %get3A_406, %get3A_407] : memref<1x192x3364xbf16, #tpu.memory_space<vmem>>, vector<1x192x56xbf16>
    %get3A_409 = vector.shape_cast %get3A_408 : vector<1x192x56xbf16> to vector<192x56xbf16>
    %swap3A_410 = arith.constant 192 : index
    %swap3A_411 = arith.constant 1176 : index
    %swap3A_412 = vector.load %arg13[%swap3A_410, %swap3A_411] : memref<576x3136xbf16, #tpu.memory_space<vmem>>, vector<192x56xbf16>
    tpu.vector_store %arg13[%swap3A_410, %swap3A_411], %get3A_409 {strides = array<i32>} : memref<576x3136xbf16, #tpu.memory_space<vmem>>, vector<192x56xbf16>,
    %slice3A_413 = vector.extract_strided_slice %add3A_124 {offsets = [0, 1218], sizes = [192, 56], strides = [1, 1]} : vector<192x3246xf32> to vector<192x56xf32>
    %convert_element_type3A_414 = arith.truncf %slice3A_413 : vector<192x56xf32> to vector<192x56xbf16>
    %swap3A_415 = arith.constant 384 : index
    %swap3A_416 = arith.constant 1176 : index
    %swap3A_417 = vector.load %arg13[%swap3A_415, %swap3A_416] : memref<576x3136xbf16, #tpu.memory_space<vmem>>, vector<192x56xbf16>
    tpu.vector_store %arg13[%swap3A_415, %swap3A_416], %convert_element_type3A_414 {strides = array<i32>} : memref<576x3136xbf16, #tpu.memory_space<vmem>>, vector<192x56xbf16>,
    %get3A_418 = arith.constant 0 : index
    %get3A_419 = arith.constant 0 : index
    %get3A_420 = arith.constant 1335 : index
    %get3A_421 = vector.load %arg4[%get3A_418, %get3A_419, %get3A_420] : memref<1x192x3364xbf16, #tpu.memory_space<vmem>>, vector<1x192x56xbf16>
    %get3A_422 = vector.shape_cast %get3A_421 : vector<1x192x56xbf16> to vector<192x56xbf16>
    %swap3A_423 = arith.constant 192 : index
    %swap3A_424 = arith.constant 1232 : index
    %swap3A_425 = vector.load %arg13[%swap3A_423, %swap3A_424] : memref<576x3136xbf16, #tpu.memory_space<vmem>>, vector<192x56xbf16>
    tpu.vector_store %arg13[%swap3A_423, %swap3A_424], %get3A_422 {strides = array<i32>} : memref<576x3136xbf16, #tpu.memory_space<vmem>>, vector<192x56xbf16>,
    %slice3A_426 = vector.extract_strided_slice %add3A_124 {offsets = [0, 1276], sizes = [192, 56], strides = [1, 1]} : vector<192x3246xf32> to vector<192x56xf32>
    %convert_element_type3A_427 = arith.truncf %slice3A_426 : vector<192x56xf32> to vector<192x56xbf16>
    %swap3A_428 = arith.constant 384 : index
    %swap3A_429 = arith.constant 1232 : index
    %swap3A_430 = vector.load %arg13[%swap3A_428, %swap3A_429] : memref<576x3136xbf16, #tpu.memory_space<vmem>>, vector<192x56xbf16>
    tpu.vector_store %arg13[%swap3A_428, %swap3A_429], %convert_element_type3A_427 {strides = array<i32>} : memref<576x3136xbf16, #tpu.memory_space<vmem>>, vector<192x56xbf16>,
    %get3A_431 = arith.constant 0 : index
    %get3A_432 = arith.constant 0 : index
    %get3A_433 = arith.constant 1393 : index
    %get3A_434 = vector.load %arg4[%get3A_431, %get3A_432, %get3A_433] : memref<1x192x3364xbf16, #tpu.memory_space<vmem>>, vector<1x192x56xbf16>
    %get3A_435 = vector.shape_cast %get3A_434 : vector<1x192x56xbf16> to vector<192x56xbf16>
    %swap3A_436 = arith.constant 192 : index
    %swap3A_437 = arith.constant 1288 : index
    %swap3A_438 = vector.load %arg13[%swap3A_436, %swap3A_437] : memref<576x3136xbf16, #tpu.memory_space<vmem>>, vector<192x56xbf16>
    tpu.vector_store %arg13[%swap3A_436, %swap3A_437], %get3A_435 {strides = array<i32>} : memref<576x3136xbf16, #tpu.memory_space<vmem>>, vector<192x56xbf16>,
    %slice3A_439 = vector.extract_strided_slice %add3A_124 {offsets = [0, 1334], sizes = [192, 56], strides = [1, 1]} : vector<192x3246xf32> to vector<192x56xf32>
    %convert_element_type3A_440 = arith.truncf %slice3A_439 : vector<192x56xf32> to vector<192x56xbf16>
    %swap3A_441 = arith.constant 384 : index
    %swap3A_442 = arith.constant 1288 : index
    %swap3A_443 = vector.load %arg13[%swap3A_441, %swap3A_442] : memref<576x3136xbf16, #tpu.memory_space<vmem>>, vector<192x56xbf16>
    tpu.vector_store %arg13[%swap3A_441, %swap3A_442], %convert_element_type3A_440 {strides = array<i32>} : memref<576x3136xbf16, #tpu.memory_space<vmem>>, vector<192x56xbf16>,
    %get3A_444 = arith.constant 0 : index
    %get3A_445 = arith.constant 0 : index
    %get3A_446 = arith.constant 1451 : index
    %get3A_447 = vector.load %arg4[%get3A_444, %get3A_445, %get3A_446] : memref<1x192x3364xbf16, #tpu.memory_space<vmem>>, vector<1x192x56xbf16>
    %get3A_448 = vector.shape_cast %get3A_447 : vector<1x192x56xbf16> to vector<192x56xbf16>
    %swap3A_449 = arith.constant 192 : index
    %swap3A_450 = arith.constant 1344 : index
    %swap3A_451 = vector.load %arg13[%swap3A_449, %swap3A_450] : memref<576x3136xbf16, #tpu.memory_space<vmem>>, vector<192x56xbf16>
    tpu.vector_store %arg13[%swap3A_449, %swap3A_450], %get3A_448 {strides = array<i32>} : memref<576x3136xbf16, #tpu.memory_space<vmem>>, vector<192x56xbf16>,
    %slice3A_452 = vector.extract_strided_slice %add3A_124 {offsets = [0, 1392], sizes = [192, 56], strides = [1, 1]} : vector<192x3246xf32> to vector<192x56xf32>
    %convert_element_type3A_453 = arith.truncf %slice3A_452 : vector<192x56xf32> to vector<192x56xbf16>
    %swap3A_454 = arith.constant 384 : index
    %swap3A_455 = arith.constant 1344 : index
    %swap3A_456 = vector.load %arg13[%swap3A_454, %swap3A_455] : memref<576x3136xbf16, #tpu.memory_space<vmem>>, vector<192x56xbf16>
    tpu.vector_store %arg13[%swap3A_454, %swap3A_455], %convert_element_type3A_453 {strides = array<i32>} : memref<576x3136xbf16, #tpu.memory_space<vmem>>, vector<192x56xbf16>,
    %get3A_457 = arith.constant 0 : index
    %get3A_458 = arith.constant 0 : index
    %get3A_459 = arith.constant 1509 : index
    %get3A_460 = vector.load %arg4[%get3A_457, %get3A_458, %get3A_459] : memref<1x192x3364xbf16, #tpu.memory_space<vmem>>, vector<1x192x56xbf16>
    %get3A_461 = vector.shape_cast %get3A_460 : vector<1x192x56xbf16> to vector<192x56xbf16>
    %swap3A_462 = arith.constant 192 : index
    %swap3A_463 = arith.constant 1400 : index
    %swap3A_464 = vector.load %arg13[%swap3A_462, %swap3A_463] : memref<576x3136xbf16, #tpu.memory_space<vmem>>, vector<192x56xbf16>
    tpu.vector_store %arg13[%swap3A_462, %swap3A_463], %get3A_461 {strides = array<i32>} : memref<576x3136xbf16, #tpu.memory_space<vmem>>, vector<192x56xbf16>,
    %slice3A_465 = vector.extract_strided_slice %add3A_124 {offsets = [0, 1450], sizes = [192, 56], strides = [1, 1]} : vector<192x3246xf32> to vector<192x56xf32>
    %convert_element_type3A_466 = arith.truncf %slice3A_465 : vector<192x56xf32> to vector<192x56xbf16>
    %swap3A_467 = arith.constant 384 : index
    %swap3A_468 = arith.constant 1400 : index
    %swap3A_469 = vector.load %arg13[%swap3A_467, %swap3A_468] : memref<576x3136xbf16, #tpu.memory_space<vmem>>, vector<192x56xbf16>
    tpu.vector_store %arg13[%swap3A_467, %swap3A_468], %convert_element_type3A_466 {strides = array<i32>} : memref<576x3136xbf16, #tpu.memory_space<vmem>>, vector<192x56xbf16>,
    %get3A_470 = arith.constant 0 : index
    %get3A_471 = arith.constant 0 : index
    %get3A_472 = arith.constant 1567 : index
    %get3A_473 = vector.load %arg4[%get3A_470, %get3A_471, %get3A_472] : memref<1x192x3364xbf16, #tpu.memory_space<vmem>>, vector<1x192x56xbf16>
    %get3A_474 = vector.shape_cast %get3A_473 : vector<1x192x56xbf16> to vector<192x56xbf16>
    %swap3A_475 = arith.constant 192 : index
    %swap3A_476 = arith.constant 1456 : index
    %swap3A_477 = vector.load %arg13[%swap3A_475, %swap3A_476] : memref<576x3136xbf16, #tpu.memory_space<vmem>>, vector<192x56xbf16>
    tpu.vector_store %arg13[%swap3A_475, %swap3A_476], %get3A_474 {strides = array<i32>} : memref<576x3136xbf16, #tpu.memory_space<vmem>>, vector<192x56xbf16>,
    %slice3A_478 = vector.extract_strided_slice %add3A_124 {offsets = [0, 1508], sizes = [192, 56], strides = [1, 1]} : vector<192x3246xf32> to vector<192x56xf32>
    %convert_element_type3A_479 = arith.truncf %slice3A_478 : vector<192x56xf32> to vector<192x56xbf16>
    %swap3A_480 = arith.constant 384 : index
    %swap3A_481 = arith.constant 1456 : index
    %swap3A_482 = vector.load %arg13[%swap3A_480, %swap3A_481] : memref<576x3136xbf16, #tpu.memory_space<vmem>>, vector<192x56xbf16>
    tpu.vector_store %arg13[%swap3A_480, %swap3A_481], %convert_element_type3A_479 {strides = array<i32>} : memref<576x3136xbf16, #tpu.memory_space<vmem>>, vector<192x56xbf16>,
    %get3A_483 = arith.constant 0 : index
    %get3A_484 = arith.constant 0 : index
    %get3A_485 = arith.constant 1625 : index
    %get3A_486 = vector.load %arg4[%get3A_483, %get3A_484, %get3A_485] : memref<1x192x3364xbf16, #tpu.memory_space<vmem>>, vector<1x192x56xbf16>
    %get3A_487 = vector.shape_cast %get3A_486 : vector<1x192x56xbf16> to vector<192x56xbf16>
    %swap3A_488 = arith.constant 192 : index
    %swap3A_489 = arith.constant 1512 : index
    %swap3A_490 = vector.load %arg13[%swap3A_488, %swap3A_489] : memref<576x3136xbf16, #tpu.memory_space<vmem>>, vector<192x56xbf16>
    tpu.vector_store %arg13[%swap3A_488, %swap3A_489], %get3A_487 {strides = array<i32>} : memref<576x3136xbf16, #tpu.memory_space<vmem>>, vector<192x56xbf16>,
    %slice3A_491 = vector.extract_strided_slice %add3A_124 {offsets = [0, 1566], sizes = [192, 56], strides = [1, 1]} : vector<192x3246xf32> to vector<192x56xf32>
    %convert_element_type3A_492 = arith.truncf %slice3A_491 : vector<192x56xf32> to vector<192x56xbf16>
    %swap3A_493 = arith.constant 384 : index
    %swap3A_494 = arith.constant 1512 : index
    %swap3A_495 = vector.load %arg13[%swap3A_493, %swap3A_494] : memref<576x3136xbf16, #tpu.memory_space<vmem>>, vector<192x56xbf16>
    tpu.vector_store %arg13[%swap3A_493, %swap3A_494], %convert_element_type3A_492 {strides = array<i32>} : memref<576x3136xbf16, #tpu.memory_space<vmem>>, vector<192x56xbf16>,
    %get3A_496 = arith.constant 0 : index
    %get3A_497 = arith.constant 0 : index
    %get3A_498 = arith.constant 1683 : index
    %get3A_499 = vector.load %arg4[%get3A_496, %get3A_497, %get3A_498] : memref<1x192x3364xbf16, #tpu.memory_space<vmem>>, vector<1x192x56xbf16>
    %get3A_500 = vector.shape_cast %get3A_499 : vector<1x192x56xbf16> to vector<192x56xbf16>
    %swap3A_501 = arith.constant 192 : index
    %swap3A_502 = arith.constant 1568 : index
    %swap3A_503 = vector.load %arg13[%swap3A_501, %swap3A_502] : memref<576x3136xbf16, #tpu.memory_space<vmem>>, vector<192x56xbf16>
    tpu.vector_store %arg13[%swap3A_501, %swap3A_502], %get3A_500 {strides = array<i32>} : memref<576x3136xbf16, #tpu.memory_space<vmem>>, vector<192x56xbf16>,
    %slice3A_504 = vector.extract_strided_slice %add3A_124 {offsets = [0, 1624], sizes = [192, 56], strides = [1, 1]} : vector<192x3246xf32> to vector<192x56xf32>
    %convert_element_type3A_505 = arith.truncf %slice3A_504 : vector<192x56xf32> to vector<192x56xbf16>
    %swap3A_506 = arith.constant 384 : index
    %swap3A_507 = arith.constant 1568 : index
    %swap3A_508 = vector.load %arg13[%swap3A_506, %swap3A_507] : memref<576x3136xbf16, #tpu.memory_space<vmem>>, vector<192x56xbf16>
    tpu.vector_store %arg13[%swap3A_506, %swap3A_507], %convert_element_type3A_505 {strides = array<i32>} : memref<576x3136xbf16, #tpu.memory_space<vmem>>, vector<192x56xbf16>,
    %get3A_509 = arith.constant 0 : index
    %get3A_510 = arith.constant 0 : index
    %get3A_511 = arith.constant 1741 : index
    %get3A_512 = vector.load %arg4[%get3A_509, %get3A_510, %get3A_511] : memref<1x192x3364xbf16, #tpu.memory_space<vmem>>, vector<1x192x56xbf16>
    %get3A_513 = vector.shape_cast %get3A_512 : vector<1x192x56xbf16> to vector<192x56xbf16>
    %swap3A_514 = arith.constant 192 : index
    %swap3A_515 = arith.constant 1624 : index
    %swap3A_516 = vector.load %arg13[%swap3A_514, %swap3A_515] : memref<576x3136xbf16, #tpu.memory_space<vmem>>, vector<192x56xbf16>
    tpu.vector_store %arg13[%swap3A_514, %swap3A_515], %get3A_513 {strides = array<i32>} : memref<576x3136xbf16, #tpu.memory_space<vmem>>, vector<192x56xbf16>,
    %slice3A_517 = vector.extract_strided_slice %add3A_124 {offsets = [0, 1682], sizes = [192, 56], strides = [1, 1]} : vector<192x3246xf32> to vector<192x56xf32>
    %convert_element_type3A_518 = arith.truncf %slice3A_517 : vector<192x56xf32> to vector<192x56xbf16>
    %swap3A_519 = arith.constant 384 : index
    %swap3A_520 = arith.constant 1624 : index
    %swap3A_521 = vector.load %arg13[%swap3A_519, %swap3A_520] : memref<576x3136xbf16, #tpu.memory_space<vmem>>, vector<192x56xbf16>
    tpu.vector_store %arg13[%swap3A_519, %swap3A_520], %convert_element_type3A_518 {strides = array<i32>} : memref<576x3136xbf16, #tpu.memory_space<vmem>>, vector<192x56xbf16>,
    %get3A_522 = arith.constant 0 : index
    %get3A_523 = arith.constant 0 : index
    %get3A_524 = arith.constant 1799 : index
    %get3A_525 = vector.load %arg4[%get3A_522, %get3A_523, %get3A_524] : memref<1x192x3364xbf16, #tpu.memory_space<vmem>>, vector<1x192x56xbf16>
    %get3A_526 = vector.shape_cast %get3A_525 : vector<1x192x56xbf16> to vector<192x56xbf16>
    %swap3A_527 = arith.constant 192 : index
    %swap3A_528 = arith.constant 1680 : index
    %swap3A_529 = vector.load %arg13[%swap3A_527, %swap3A_528] : memref<576x3136xbf16, #tpu.memory_space<vmem>>, vector<192x56xbf16>
    tpu.vector_store %arg13[%swap3A_527, %swap3A_528], %get3A_526 {strides = array<i32>} : memref<576x3136xbf16, #tpu.memory_space<vmem>>, vector<192x56xbf16>,
    %slice3A_530 = vector.extract_strided_slice %add3A_124 {offsets = [0, 1740], sizes = [192, 56], strides = [1, 1]} : vector<192x3246xf32> to vector<192x56xf32>
    %convert_element_type3A_531 = arith.truncf %slice3A_530 : vector<192x56xf32> to vector<192x56xbf16>
    %swap3A_532 = arith.constant 384 : index
    %swap3A_533 = arith.constant 1680 : index
    %swap3A_534 = vector.load %arg13[%swap3A_532, %swap3A_533] : memref<576x3136xbf16, #tpu.memory_space<vmem>>, vector<192x56xbf16>
    tpu.vector_store %arg13[%swap3A_532, %swap3A_533], %convert_element_type3A_531 {strides = array<i32>} : memref<576x3136xbf16, #tpu.memory_space<vmem>>, vector<192x56xbf16>,
    %get3A_535 = arith.constant 0 : index
    %get3A_536 = arith.constant 0 : index
    %get3A_537 = arith.constant 1857 : index
    %get3A_538 = vector.load %arg4[%get3A_535, %get3A_536, %get3A_537] : memref<1x192x3364xbf16, #tpu.memory_space<vmem>>, vector<1x192x56xbf16>
    %get3A_539 = vector.shape_cast %get3A_538 : vector<1x192x56xbf16> to vector<192x56xbf16>
    %swap3A_540 = arith.constant 192 : index
    %swap3A_541 = arith.constant 1736 : index
    %swap3A_542 = vector.load %arg13[%swap3A_540, %swap3A_541] : memref<576x3136xbf16, #tpu.memory_space<vmem>>, vector<192x56xbf16>
    tpu.vector_store %arg13[%swap3A_540, %swap3A_541], %get3A_539 {strides = array<i32>} : memref<576x3136xbf16, #tpu.memory_space<vmem>>, vector<192x56xbf16>,
    %slice3A_543 = vector.extract_strided_slice %add3A_124 {offsets = [0, 1798], sizes = [192, 56], strides = [1, 1]} : vector<192x3246xf32> to vector<192x56xf32>
    %convert_element_type3A_544 = arith.truncf %slice3A_543 : vector<192x56xf32> to vector<192x56xbf16>
    %swap3A_545 = arith.constant 384 : index
    %swap3A_546 = arith.constant 1736 : index
    %swap3A_547 = vector.load %arg13[%swap3A_545, %swap3A_546] : memref<576x3136xbf16, #tpu.memory_space<vmem>>, vector<192x56xbf16>
    tpu.vector_store %arg13[%swap3A_545, %swap3A_546], %convert_element_type3A_544 {strides = array<i32>} : memref<576x3136xbf16, #tpu.memory_space<vmem>>, vector<192x56xbf16>,
    %get3A_548 = arith.constant 0 : index
    %get3A_549 = arith.constant 0 : index
    %get3A_550 = arith.constant 1915 : index
    %get3A_551 = vector.load %arg4[%get3A_548, %get3A_549, %get3A_550] : memref<1x192x3364xbf16, #tpu.memory_space<vmem>>, vector<1x192x56xbf16>
    %get3A_552 = vector.shape_cast %get3A_551 : vector<1x192x56xbf16> to vector<192x56xbf16>
    %swap3A_553 = arith.constant 192 : index
    %swap3A_554 = arith.constant 1792 : index
    %swap3A_555 = vector.load %arg13[%swap3A_553, %swap3A_554] : memref<576x3136xbf16, #tpu.memory_space<vmem>>, vector<192x56xbf16>
    tpu.vector_store %arg13[%swap3A_553, %swap3A_554], %get3A_552 {strides = array<i32>} : memref<576x3136xbf16, #tpu.memory_space<vmem>>, vector<192x56xbf16>,
    %slice3A_556 = vector.extract_strided_slice %add3A_124 {offsets = [0, 1856], sizes = [192, 56], strides = [1, 1]} : vector<192x3246xf32> to vector<192x56xf32>
    %convert_element_type3A_557 = arith.truncf %slice3A_556 : vector<192x56xf32> to vector<192x56xbf16>
    %swap3A_558 = arith.constant 384 : index
    %swap3A_559 = arith.constant 1792 : index
    %swap3A_560 = vector.load %arg13[%swap3A_558, %swap3A_559] : memref<576x3136xbf16, #tpu.memory_space<vmem>>, vector<192x56xbf16>
    tpu.vector_store %arg13[%swap3A_558, %swap3A_559], %convert_element_type3A_557 {strides = array<i32>} : memref<576x3136xbf16, #tpu.memory_space<vmem>>, vector<192x56xbf16>,
    %get3A_561 = arith.constant 0 : index
    %get3A_562 = arith.constant 0 : index
    %get3A_563 = arith.constant 1973 : index
    %get3A_564 = vector.load %arg4[%get3A_561, %get3A_562, %get3A_563] : memref<1x192x3364xbf16, #tpu.memory_space<vmem>>, vector<1x192x56xbf16>
    %get3A_565 = vector.shape_cast %get3A_564 : vector<1x192x56xbf16> to vector<192x56xbf16>
    %swap3A_566 = arith.constant 192 : index
    %swap3A_567 = arith.constant 1848 : index
    %swap3A_568 = vector.load %arg13[%swap3A_566, %swap3A_567] : memref<576x3136xbf16, #tpu.memory_space<vmem>>, vector<192x56xbf16>
    tpu.vector_store %arg13[%swap3A_566, %swap3A_567], %get3A_565 {strides = array<i32>} : memref<576x3136xbf16, #tpu.memory_space<vmem>>, vector<192x56xbf16>,
    %slice3A_569 = vector.extract_strided_slice %add3A_124 {offsets = [0, 1914], sizes = [192, 56], strides = [1, 1]} : vector<192x3246xf32> to vector<192x56xf32>
    %convert_element_type3A_570 = arith.truncf %slice3A_569 : vector<192x56xf32> to vector<192x56xbf16>
    %swap3A_571 = arith.constant 384 : index
    %swap3A_572 = arith.constant 1848 : index
    %swap3A_573 = vector.load %arg13[%swap3A_571, %swap3A_572] : memref<576x3136xbf16, #tpu.memory_space<vmem>>, vector<192x56xbf16>
    tpu.vector_store %arg13[%swap3A_571, %swap3A_572], %convert_element_type3A_570 {strides = array<i32>} : memref<576x3136xbf16, #tpu.memory_space<vmem>>, vector<192x56xbf16>,
    %get3A_574 = arith.constant 0 : index
    %get3A_575 = arith.constant 0 : index
    %get3A_576 = arith.constant 2031 : index
    %get3A_577 = vector.load %arg4[%get3A_574, %get3A_575, %get3A_576] : memref<1x192x3364xbf16, #tpu.memory_space<vmem>>, vector<1x192x56xbf16>
    %get3A_578 = vector.shape_cast %get3A_577 : vector<1x192x56xbf16> to vector<192x56xbf16>
    %swap3A_579 = arith.constant 192 : index
    %swap3A_580 = arith.constant 1904 : index
    %swap3A_581 = vector.load %arg13[%swap3A_579, %swap3A_580] : memref<576x3136xbf16, #tpu.memory_space<vmem>>, vector<192x56xbf16>
    tpu.vector_store %arg13[%swap3A_579, %swap3A_580], %get3A_578 {strides = array<i32>} : memref<576x3136xbf16, #tpu.memory_space<vmem>>, vector<192x56xbf16>,
    %slice3A_582 = vector.extract_strided_slice %add3A_124 {offsets = [0, 1972], sizes = [192, 56], strides = [1, 1]} : vector<192x3246xf32> to vector<192x56xf32>
    %convert_element_type3A_583 = arith.truncf %slice3A_582 : vector<192x56xf32> to vector<192x56xbf16>
    %swap3A_584 = arith.constant 384 : index
    %swap3A_585 = arith.constant 1904 : index
    %swap3A_586 = vector.load %arg13[%swap3A_584, %swap3A_585] : memref<576x3136xbf16, #tpu.memory_space<vmem>>, vector<192x56xbf16>
    tpu.vector_store %arg13[%swap3A_584, %swap3A_585], %convert_element_type3A_583 {strides = array<i32>} : memref<576x3136xbf16, #tpu.memory_space<vmem>>, vector<192x56xbf16>,
    %get3A_587 = arith.constant 0 : index
    %get3A_588 = arith.constant 0 : index
    %get3A_589 = arith.constant 2089 : index
    %get3A_590 = vector.load %arg4[%get3A_587, %get3A_588, %get3A_589] : memref<1x192x3364xbf16, #tpu.memory_space<vmem>>, vector<1x192x56xbf16>
    %get3A_591 = vector.shape_cast %get3A_590 : vector<1x192x56xbf16> to vector<192x56xbf16>
    %swap3A_592 = arith.constant 192 : index
    %swap3A_593 = arith.constant 1960 : index
    %swap3A_594 = vector.load %arg13[%swap3A_592, %swap3A_593] : memref<576x3136xbf16, #tpu.memory_space<vmem>>, vector<192x56xbf16>
    tpu.vector_store %arg13[%swap3A_592, %swap3A_593], %get3A_591 {strides = array<i32>} : memref<576x3136xbf16, #tpu.memory_space<vmem>>, vector<192x56xbf16>,
    %slice3A_595 = vector.extract_strided_slice %add3A_124 {offsets = [0, 2030], sizes = [192, 56], strides = [1, 1]} : vector<192x3246xf32> to vector<192x56xf32>
    %convert_element_type3A_596 = arith.truncf %slice3A_595 : vector<192x56xf32> to vector<192x56xbf16>
    %swap3A_597 = arith.constant 384 : index
    %swap3A_598 = arith.constant 1960 : index
    %swap3A_599 = vector.load %arg13[%swap3A_597, %swap3A_598] : memref<576x3136xbf16, #tpu.memory_space<vmem>>, vector<192x56xbf16>
    tpu.vector_store %arg13[%swap3A_597, %swap3A_598], %convert_element_type3A_596 {strides = array<i32>} : memref<576x3136xbf16, #tpu.memory_space<vmem>>, vector<192x56xbf16>,
    %get3A_600 = arith.constant 0 : index
    %get3A_601 = arith.constant 0 : index
    %get3A_602 = arith.constant 2147 : index
    %get3A_603 = vector.load %arg4[%get3A_600, %get3A_601, %get3A_602] : memref<1x192x3364xbf16, #tpu.memory_space<vmem>>, vector<1x192x56xbf16>
    %get3A_604 = vector.shape_cast %get3A_603 : vector<1x192x56xbf16> to vector<192x56xbf16>
    %swap3A_605 = arith.constant 192 : index
    %swap3A_606 = arith.constant 2016 : index
    %swap3A_607 = vector.load %arg13[%swap3A_605, %swap3A_606] : memref<576x3136xbf16, #tpu.memory_space<vmem>>, vector<192x56xbf16>
    tpu.vector_store %arg13[%swap3A_605, %swap3A_606], %get3A_604 {strides = array<i32>} : memref<576x3136xbf16, #tpu.memory_space<vmem>>, vector<192x56xbf16>,
    %slice3A_608 = vector.extract_strided_slice %add3A_124 {offsets = [0, 2088], sizes = [192, 56], strides = [1, 1]} : vector<192x3246xf32> to vector<192x56xf32>
    %convert_element_type3A_609 = arith.truncf %slice3A_608 : vector<192x56xf32> to vector<192x56xbf16>
    %swap3A_610 = arith.constant 384 : index
    %swap3A_611 = arith.constant 2016 : index
    %swap3A_612 = vector.load %arg13[%swap3A_610, %swap3A_611] : memref<576x3136xbf16, #tpu.memory_space<vmem>>, vector<192x56xbf16>
    tpu.vector_store %arg13[%swap3A_610, %swap3A_611], %convert_element_type3A_609 {strides = array<i32>} : memref<576x3136xbf16, #tpu.memory_space<vmem>>, vector<192x56xbf16>,
    %get3A_613 = arith.constant 0 : index
    %get3A_614 = arith.constant 0 : index
    %get3A_615 = arith.constant 2205 : index
    %get3A_616 = vector.load %arg4[%get3A_613, %get3A_614, %get3A_615] : memref<1x192x3364xbf16, #tpu.memory_space<vmem>>, vector<1x192x56xbf16>
    %get3A_617 = vector.shape_cast %get3A_616 : vector<1x192x56xbf16> to vector<192x56xbf16>
    %swap3A_618 = arith.constant 192 : index
    %swap3A_619 = arith.constant 2072 : index
    %swap3A_620 = vector.load %arg13[%swap3A_618, %swap3A_619] : memref<576x3136xbf16, #tpu.memory_space<vmem>>, vector<192x56xbf16>
    tpu.vector_store %arg13[%swap3A_618, %swap3A_619], %get3A_617 {strides = array<i32>} : memref<576x3136xbf16, #tpu.memory_space<vmem>>, vector<192x56xbf16>,
    %slice3A_621 = vector.extract_strided_slice %add3A_124 {offsets = [0, 2146], sizes = [192, 56], strides = [1, 1]} : vector<192x3246xf32> to vector<192x56xf32>
    %convert_element_type3A_622 = arith.truncf %slice3A_621 : vector<192x56xf32> to vector<192x56xbf16>
    %swap3A_623 = arith.constant 384 : index
    %swap3A_624 = arith.constant 2072 : index
    %swap3A_625 = vector.load %arg13[%swap3A_623, %swap3A_624] : memref<576x3136xbf16, #tpu.memory_space<vmem>>, vector<192x56xbf16>
    tpu.vector_store %arg13[%swap3A_623, %swap3A_624], %convert_element_type3A_622 {strides = array<i32>} : memref<576x3136xbf16, #tpu.memory_space<vmem>>, vector<192x56xbf16>,
    %get3A_626 = arith.constant 0 : index
    %get3A_627 = arith.constant 0 : index
    %get3A_628 = arith.constant 2263 : index
    %get3A_629 = vector.load %arg4[%get3A_626, %get3A_627, %get3A_628] : memref<1x192x3364xbf16, #tpu.memory_space<vmem>>, vector<1x192x56xbf16>
    %get3A_630 = vector.shape_cast %get3A_629 : vector<1x192x56xbf16> to vector<192x56xbf16>
    %swap3A_631 = arith.constant 192 : index
    %swap3A_632 = arith.constant 2128 : index
    %swap3A_633 = vector.load %arg13[%swap3A_631, %swap3A_632] : memref<576x3136xbf16, #tpu.memory_space<vmem>>, vector<192x56xbf16>
    tpu.vector_store %arg13[%swap3A_631, %swap3A_632], %get3A_630 {strides = array<i32>} : memref<576x3136xbf16, #tpu.memory_space<vmem>>, vector<192x56xbf16>,
    %slice3A_634 = vector.extract_strided_slice %add3A_124 {offsets = [0, 2204], sizes = [192, 56], strides = [1, 1]} : vector<192x3246xf32> to vector<192x56xf32>
    %convert_element_type3A_635 = arith.truncf %slice3A_634 : vector<192x56xf32> to vector<192x56xbf16>
    %swap3A_636 = arith.constant 384 : index
    %swap3A_637 = arith.constant 2128 : index
    %swap3A_638 = vector.load %arg13[%swap3A_636, %swap3A_637] : memref<576x3136xbf16, #tpu.memory_space<vmem>>, vector<192x56xbf16>
    tpu.vector_store %arg13[%swap3A_636, %swap3A_637], %convert_element_type3A_635 {strides = array<i32>} : memref<576x3136xbf16, #tpu.memory_space<vmem>>, vector<192x56xbf16>,
    %get3A_639 = arith.constant 0 : index
    %get3A_640 = arith.constant 0 : index
    %get3A_641 = arith.constant 2321 : index
    %get3A_642 = vector.load %arg4[%get3A_639, %get3A_640, %get3A_641] : memref<1x192x3364xbf16, #tpu.memory_space<vmem>>, vector<1x192x56xbf16>
    %get3A_643 = vector.shape_cast %get3A_642 : vector<1x192x56xbf16> to vector<192x56xbf16>
    %swap3A_644 = arith.constant 192 : index
    %swap3A_645 = arith.constant 2184 : index
    %swap3A_646 = vector.load %arg13[%swap3A_644, %swap3A_645] : memref<576x3136xbf16, #tpu.memory_space<vmem>>, vector<192x56xbf16>
    tpu.vector_store %arg13[%swap3A_644, %swap3A_645], %get3A_643 {strides = array<i32>} : memref<576x3136xbf16, #tpu.memory_space<vmem>>, vector<192x56xbf16>,
    %slice3A_647 = vector.extract_strided_slice %add3A_124 {offsets = [0, 2262], sizes = [192, 56], strides = [1, 1]} : vector<192x3246xf32> to vector<192x56xf32>
    %convert_element_type3A_648 = arith.truncf %slice3A_647 : vector<192x56xf32> to vector<192x56xbf16>
    %swap3A_649 = arith.constant 384 : index
    %swap3A_650 = arith.constant 2184 : index
    %swap3A_651 = vector.load %arg13[%swap3A_649, %swap3A_650] : memref<576x3136xbf16, #tpu.memory_space<vmem>>, vector<192x56xbf16>
    tpu.vector_store %arg13[%swap3A_649, %swap3A_650], %convert_element_type3A_648 {strides = array<i32>} : memref<576x3136xbf16, #tpu.memory_space<vmem>>, vector<192x56xbf16>,
    %get3A_652 = arith.constant 0 : index
    %get3A_653 = arith.constant 0 : index
    %get3A_654 = arith.constant 2379 : index
    %get3A_655 = vector.load %arg4[%get3A_652, %get3A_653, %get3A_654] : memref<1x192x3364xbf16, #tpu.memory_space<vmem>>, vector<1x192x56xbf16>
    %get3A_656 = vector.shape_cast %get3A_655 : vector<1x192x56xbf16> to vector<192x56xbf16>
    %swap3A_657 = arith.constant 192 : index
    %swap3A_658 = arith.constant 2240 : index
    %swap3A_659 = vector.load %arg13[%swap3A_657, %swap3A_658] : memref<576x3136xbf16, #tpu.memory_space<vmem>>, vector<192x56xbf16>
    tpu.vector_store %arg13[%swap3A_657, %swap3A_658], %get3A_656 {strides = array<i32>} : memref<576x3136xbf16, #tpu.memory_space<vmem>>, vector<192x56xbf16>,
    %slice3A_660 = vector.extract_strided_slice %add3A_124 {offsets = [0, 2320], sizes = [192, 56], strides = [1, 1]} : vector<192x3246xf32> to vector<192x56xf32>
    %convert_element_type3A_661 = arith.truncf %slice3A_660 : vector<192x56xf32> to vector<192x56xbf16>
    %swap3A_662 = arith.constant 384 : index
    %swap3A_663 = arith.constant 2240 : index
    %swap3A_664 = vector.load %arg13[%swap3A_662, %swap3A_663] : memref<576x3136xbf16, #tpu.memory_space<vmem>>, vector<192x56xbf16>
    tpu.vector_store %arg13[%swap3A_662, %swap3A_663], %convert_element_type3A_661 {strides = array<i32>} : memref<576x3136xbf16, #tpu.memory_space<vmem>>, vector<192x56xbf16>,
    %get3A_665 = arith.constant 0 : index
    %get3A_666 = arith.constant 0 : index
    %get3A_667 = arith.constant 2437 : index
    %get3A_668 = vector.load %arg4[%get3A_665, %get3A_666, %get3A_667] : memref<1x192x3364xbf16, #tpu.memory_space<vmem>>, vector<1x192x56xbf16>
    %get3A_669 = vector.shape_cast %get3A_668 : vector<1x192x56xbf16> to vector<192x56xbf16>
    %swap3A_670 = arith.constant 192 : index
    %swap3A_671 = arith.constant 2296 : index
    %swap3A_672 = vector.load %arg13[%swap3A_670, %swap3A_671] : memref<576x3136xbf16, #tpu.memory_space<vmem>>, vector<192x56xbf16>
    tpu.vector_store %arg13[%swap3A_670, %swap3A_671], %get3A_669 {strides = array<i32>} : memref<576x3136xbf16, #tpu.memory_space<vmem>>, vector<192x56xbf16>,
    %slice3A_673 = vector.extract_strided_slice %add3A_124 {offsets = [0, 2378], sizes = [192, 56], strides = [1, 1]} : vector<192x3246xf32> to vector<192x56xf32>
    %convert_element_type3A_674 = arith.truncf %slice3A_673 : vector<192x56xf32> to vector<192x56xbf16>
    %swap3A_675 = arith.constant 384 : index
    %swap3A_676 = arith.constant 2296 : index
    %swap3A_677 = vector.load %arg13[%swap3A_675, %swap3A_676] : memref<576x3136xbf16, #tpu.memory_space<vmem>>, vector<192x56xbf16>
    tpu.vector_store %arg13[%swap3A_675, %swap3A_676], %convert_element_type3A_674 {strides = array<i32>} : memref<576x3136xbf16, #tpu.memory_space<vmem>>, vector<192x56xbf16>,
    %get3A_678 = arith.constant 0 : index
    %get3A_679 = arith.constant 0 : index
    %get3A_680 = arith.constant 2495 : index
    %get3A_681 = vector.load %arg4[%get3A_678, %get3A_679, %get3A_680] : memref<1x192x3364xbf16, #tpu.memory_space<vmem>>, vector<1x192x56xbf16>
    %get3A_682 = vector.shape_cast %get3A_681 : vector<1x192x56xbf16> to vector<192x56xbf16>
    %swap3A_683 = arith.constant 192 : index
    %swap3A_684 = arith.constant 2352 : index
    %swap3A_685 = vector.load %arg13[%swap3A_683, %swap3A_684] : memref<576x3136xbf16, #tpu.memory_space<vmem>>, vector<192x56xbf16>
    tpu.vector_store %arg13[%swap3A_683, %swap3A_684], %get3A_682 {strides = array<i32>} : memref<576x3136xbf16, #tpu.memory_space<vmem>>, vector<192x56xbf16>,
    %slice3A_686 = vector.extract_strided_slice %add3A_124 {offsets = [0, 2436], sizes = [192, 56], strides = [1, 1]} : vector<192x3246xf32> to vector<192x56xf32>
    %convert_element_type3A_687 = arith.truncf %slice3A_686 : vector<192x56xf32> to vector<192x56xbf16>
    %swap3A_688 = arith.constant 384 : index
    %swap3A_689 = arith.constant 2352 : index
    %swap3A_690 = vector.load %arg13[%swap3A_688, %swap3A_689] : memref<576x3136xbf16, #tpu.memory_space<vmem>>, vector<192x56xbf16>
    tpu.vector_store %arg13[%swap3A_688, %swap3A_689], %convert_element_type3A_687 {strides = array<i32>} : memref<576x3136xbf16, #tpu.memory_space<vmem>>, vector<192x56xbf16>,
    %get3A_691 = arith.constant 0 : index
    %get3A_692 = arith.constant 0 : index
    %get3A_693 = arith.constant 2553 : index
    %get3A_694 = vector.load %arg4[%get3A_691, %get3A_692, %get3A_693] : memref<1x192x3364xbf16, #tpu.memory_space<vmem>>, vector<1x192x56xbf16>
    %get3A_695 = vector.shape_cast %get3A_694 : vector<1x192x56xbf16> to vector<192x56xbf16>
    %swap3A_696 = arith.constant 192 : index
    %swap3A_697 = arith.constant 2408 : index
    %swap3A_698 = vector.load %arg13[%swap3A_696, %swap3A_697] : memref<576x3136xbf16, #tpu.memory_space<vmem>>, vector<192x56xbf16>
    tpu.vector_store %arg13[%swap3A_696, %swap3A_697], %get3A_695 {strides = array<i32>} : memref<576x3136xbf16, #tpu.memory_space<vmem>>, vector<192x56xbf16>,
    %slice3A_699 = vector.extract_strided_slice %add3A_124 {offsets = [0, 2494], sizes = [192, 56], strides = [1, 1]} : vector<192x3246xf32> to vector<192x56xf32>
    %convert_element_type3A_700 = arith.truncf %slice3A_699 : vector<192x56xf32> to vector<192x56xbf16>
    %swap3A_701 = arith.constant 384 : index
    %swap3A_702 = arith.constant 2408 : index
    %swap3A_703 = vector.load %arg13[%swap3A_701, %swap3A_702] : memref<576x3136xbf16, #tpu.memory_space<vmem>>, vector<192x56xbf16>
    tpu.vector_store %arg13[%swap3A_701, %swap3A_702], %convert_element_type3A_700 {strides = array<i32>} : memref<576x3136xbf16, #tpu.memory_space<vmem>>, vector<192x56xbf16>,
    %get3A_704 = arith.constant 0 : index
    %get3A_705 = arith.constant 0 : index
    %get3A_706 = arith.constant 2611 : index
    %get3A_707 = vector.load %arg4[%get3A_704, %get3A_705, %get3A_706] : memref<1x192x3364xbf16, #tpu.memory_space<vmem>>, vector<1x192x56xbf16>
    %get3A_708 = vector.shape_cast %get3A_707 : vector<1x192x56xbf16> to vector<192x56xbf16>
    %swap3A_709 = arith.constant 192 : index
    %swap3A_710 = arith.constant 2464 : index
    %swap3A_711 = vector.load %arg13[%swap3A_709, %swap3A_710] : memref<576x3136xbf16, #tpu.memory_space<vmem>>, vector<192x56xbf16>
    tpu.vector_store %arg13[%swap3A_709, %swap3A_710], %get3A_708 {strides = array<i32>} : memref<576x3136xbf16, #tpu.memory_space<vmem>>, vector<192x56xbf16>,
    %slice3A_712 = vector.extract_strided_slice %add3A_124 {offsets = [0, 2552], sizes = [192, 56], strides = [1, 1]} : vector<192x3246xf32> to vector<192x56xf32>
    %convert_element_type3A_713 = arith.truncf %slice3A_712 : vector<192x56xf32> to vector<192x56xbf16>
    %swap3A_714 = arith.constant 384 : index
    %swap3A_715 = arith.constant 2464 : index
    %swap3A_716 = vector.load %arg13[%swap3A_714, %swap3A_715] : memref<576x3136xbf16, #tpu.memory_space<vmem>>, vector<192x56xbf16>
    tpu.vector_store %arg13[%swap3A_714, %swap3A_715], %convert_element_type3A_713 {strides = array<i32>} : memref<576x3136xbf16, #tpu.memory_space<vmem>>, vector<192x56xbf16>,
    %get3A_717 = arith.constant 0 : index
    %get3A_718 = arith.constant 0 : index
    %get3A_719 = arith.constant 2669 : index
    %get3A_720 = vector.load %arg4[%get3A_717, %get3A_718, %get3A_719] : memref<1x192x3364xbf16, #tpu.memory_space<vmem>>, vector<1x192x56xbf16>
    %get3A_721 = vector.shape_cast %get3A_720 : vector<1x192x56xbf16> to vector<192x56xbf16>
    %swap3A_722 = arith.constant 192 : index
    %swap3A_723 = arith.constant 2520 : index
    %swap3A_724 = vector.load %arg13[%swap3A_722, %swap3A_723] : memref<576x3136xbf16, #tpu.memory_space<vmem>>, vector<192x56xbf16>
    tpu.vector_store %arg13[%swap3A_722, %swap3A_723], %get3A_721 {strides = array<i32>} : memref<576x3136xbf16, #tpu.memory_space<vmem>>, vector<192x56xbf16>,
    %slice3A_725 = vector.extract_strided_slice %add3A_124 {offsets = [0, 2610], sizes = [192, 56], strides = [1, 1]} : vector<192x3246xf32> to vector<192x56xf32>
    %convert_element_type3A_726 = arith.truncf %slice3A_725 : vector<192x56xf32> to vector<192x56xbf16>
    %swap3A_727 = arith.constant 384 : index
    %swap3A_728 = arith.constant 2520 : index
    %swap3A_729 = vector.load %arg13[%swap3A_727, %swap3A_728] : memref<576x3136xbf16, #tpu.memory_space<vmem>>, vector<192x56xbf16>
    tpu.vector_store %arg13[%swap3A_727, %swap3A_728], %convert_element_type3A_726 {strides = array<i32>} : memref<576x3136xbf16, #tpu.memory_space<vmem>>, vector<192x56xbf16>,
    %get3A_730 = arith.constant 0 : index
    %get3A_731 = arith.constant 0 : index
    %get3A_732 = arith.constant 2727 : index
    %get3A_733 = vector.load %arg4[%get3A_730, %get3A_731, %get3A_732] : memref<1x192x3364xbf16, #tpu.memory_space<vmem>>, vector<1x192x56xbf16>
    %get3A_734 = vector.shape_cast %get3A_733 : vector<1x192x56xbf16> to vector<192x56xbf16>
    %swap3A_735 = arith.constant 192 : index
    %swap3A_736 = arith.constant 2576 : index
    %swap3A_737 = vector.load %arg13[%swap3A_735, %swap3A_736] : memref<576x3136xbf16, #tpu.memory_space<vmem>>, vector<192x56xbf16>
    tpu.vector_store %arg13[%swap3A_735, %swap3A_736], %get3A_734 {strides = array<i32>} : memref<576x3136xbf16, #tpu.memory_space<vmem>>, vector<192x56xbf16>,
    %slice3A_738 = vector.extract_strided_slice %add3A_124 {offsets = [0, 2668], sizes = [192, 56], strides = [1, 1]} : vector<192x3246xf32> to vector<192x56xf32>
    %convert_element_type3A_739 = arith.truncf %slice3A_738 : vector<192x56xf32> to vector<192x56xbf16>
    %swap3A_740 = arith.constant 384 : index
    %swap3A_741 = arith.constant 2576 : index
    %swap3A_742 = vector.load %arg13[%swap3A_740, %swap3A_741] : memref<576x3136xbf16, #tpu.memory_space<vmem>>, vector<192x56xbf16>
    tpu.vector_store %arg13[%swap3A_740, %swap3A_741], %convert_element_type3A_739 {strides = array<i32>} : memref<576x3136xbf16, #tpu.memory_space<vmem>>, vector<192x56xbf16>,
    %get3A_743 = arith.constant 0 : index
    %get3A_744 = arith.constant 0 : index
    %get3A_745 = arith.constant 2785 : index
    %get3A_746 = vector.load %arg4[%get3A_743, %get3A_744, %get3A_745] : memref<1x192x3364xbf16, #tpu.memory_space<vmem>>, vector<1x192x56xbf16>
    %get3A_747 = vector.shape_cast %get3A_746 : vector<1x192x56xbf16> to vector<192x56xbf16>
    %swap3A_748 = arith.constant 192 : index
    %swap3A_749 = arith.constant 2632 : index
    %swap3A_750 = vector.load %arg13[%swap3A_748, %swap3A_749] : memref<576x3136xbf16, #tpu.memory_space<vmem>>, vector<192x56xbf16>
    tpu.vector_store %arg13[%swap3A_748, %swap3A_749], %get3A_747 {strides = array<i32>} : memref<576x3136xbf16, #tpu.memory_space<vmem>>, vector<192x56xbf16>,
    %slice3A_751 = vector.extract_strided_slice %add3A_124 {offsets = [0, 2726], sizes = [192, 56], strides = [1, 1]} : vector<192x3246xf32> to vector<192x56xf32>
    %convert_element_type3A_752 = arith.truncf %slice3A_751 : vector<192x56xf32> to vector<192x56xbf16>
    %swap3A_753 = arith.constant 384 : index
    %swap3A_754 = arith.constant 2632 : index
    %swap3A_755 = vector.load %arg13[%swap3A_753, %swap3A_754] : memref<576x3136xbf16, #tpu.memory_space<vmem>>, vector<192x56xbf16>
    tpu.vector_store %arg13[%swap3A_753, %swap3A_754], %convert_element_type3A_752 {strides = array<i32>} : memref<576x3136xbf16, #tpu.memory_space<vmem>>, vector<192x56xbf16>,
    %get3A_756 = arith.constant 0 : index
    %get3A_757 = arith.constant 0 : index
    %get3A_758 = arith.constant 2843 : index
    %get3A_759 = vector.load %arg4[%get3A_756, %get3A_757, %get3A_758] : memref<1x192x3364xbf16, #tpu.memory_space<vmem>>, vector<1x192x56xbf16>
    %get3A_760 = vector.shape_cast %get3A_759 : vector<1x192x56xbf16> to vector<192x56xbf16>
    %swap3A_761 = arith.constant 192 : index
    %swap3A_762 = arith.constant 2688 : index
    %swap3A_763 = vector.load %arg13[%swap3A_761, %swap3A_762] : memref<576x3136xbf16, #tpu.memory_space<vmem>>, vector<192x56xbf16>
    tpu.vector_store %arg13[%swap3A_761, %swap3A_762], %get3A_760 {strides = array<i32>} : memref<576x3136xbf16, #tpu.memory_space<vmem>>, vector<192x56xbf16>,
    %slice3A_764 = vector.extract_strided_slice %add3A_124 {offsets = [0, 2784], sizes = [192, 56], strides = [1, 1]} : vector<192x3246xf32> to vector<192x56xf32>
    %convert_element_type3A_765 = arith.truncf %slice3A_764 : vector<192x56xf32> to vector<192x56xbf16>
    %swap3A_766 = arith.constant 384 : index
    %swap3A_767 = arith.constant 2688 : index
    %swap3A_768 = vector.load %arg13[%swap3A_766, %swap3A_767] : memref<576x3136xbf16, #tpu.memory_space<vmem>>, vector<192x56xbf16>
    tpu.vector_store %arg13[%swap3A_766, %swap3A_767], %convert_element_type3A_765 {strides = array<i32>} : memref<576x3136xbf16, #tpu.memory_space<vmem>>, vector<192x56xbf16>,
    %get3A_769 = arith.constant 0 : index
    %get3A_770 = arith.constant 0 : index
    %get3A_771 = arith.constant 2901 : index
    %get3A_772 = vector.load %arg4[%get3A_769, %get3A_770, %get3A_771] : memref<1x192x3364xbf16, #tpu.memory_space<vmem>>, vector<1x192x56xbf16>
    %get3A_773 = vector.shape_cast %get3A_772 : vector<1x192x56xbf16> to vector<192x56xbf16>
    %swap3A_774 = arith.constant 192 : index
    %swap3A_775 = arith.constant 2744 : index
    %swap3A_776 = vector.load %arg13[%swap3A_774, %swap3A_775] : memref<576x3136xbf16, #tpu.memory_space<vmem>>, vector<192x56xbf16>
    tpu.vector_store %arg13[%swap3A_774, %swap3A_775], %get3A_773 {strides = array<i32>} : memref<576x3136xbf16, #tpu.memory_space<vmem>>, vector<192x56xbf16>,
    %slice3A_777 = vector.extract_strided_slice %add3A_124 {offsets = [0, 2842], sizes = [192, 56], strides = [1, 1]} : vector<192x3246xf32> to vector<192x56xf32>
    %convert_element_type3A_778 = arith.truncf %slice3A_777 : vector<192x56xf32> to vector<192x56xbf16>
    %swap3A_779 = arith.constant 384 : index
    %swap3A_780 = arith.constant 2744 : index
    %swap3A_781 = vector.load %arg13[%swap3A_779, %swap3A_780] : memref<576x3136xbf16, #tpu.memory_space<vmem>>, vector<192x56xbf16>
    tpu.vector_store %arg13[%swap3A_779, %swap3A_780], %convert_element_type3A_778 {strides = array<i32>} : memref<576x3136xbf16, #tpu.memory_space<vmem>>, vector<192x56xbf16>,
    %get3A_782 = arith.constant 0 : index
    %get3A_783 = arith.constant 0 : index
    %get3A_784 = arith.constant 2959 : index
    %get3A_785 = vector.load %arg4[%get3A_782, %get3A_783, %get3A_784] : memref<1x192x3364xbf16, #tpu.memory_space<vmem>>, vector<1x192x56xbf16>
    %get3A_786 = vector.shape_cast %get3A_785 : vector<1x192x56xbf16> to vector<192x56xbf16>
    %swap3A_787 = arith.constant 192 : index
    %swap3A_788 = arith.constant 2800 : index
    %swap3A_789 = vector.load %arg13[%swap3A_787, %swap3A_788] : memref<576x3136xbf16, #tpu.memory_space<vmem>>, vector<192x56xbf16>
    tpu.vector_store %arg13[%swap3A_787, %swap3A_788], %get3A_786 {strides = array<i32>} : memref<576x3136xbf16, #tpu.memory_space<vmem>>, vector<192x56xbf16>,
    %slice3A_790 = vector.extract_strided_slice %add3A_124 {offsets = [0, 2900], sizes = [192, 56], strides = [1, 1]} : vector<192x3246xf32> to vector<192x56xf32>
    %convert_element_type3A_791 = arith.truncf %slice3A_790 : vector<192x56xf32> to vector<192x56xbf16>
    %swap3A_792 = arith.constant 384 : index
    %swap3A_793 = arith.constant 2800 : index
    %swap3A_794 = vector.load %arg13[%swap3A_792, %swap3A_793] : memref<576x3136xbf16, #tpu.memory_space<vmem>>, vector<192x56xbf16>
    tpu.vector_store %arg13[%swap3A_792, %swap3A_793], %convert_element_type3A_791 {strides = array<i32>} : memref<576x3136xbf16, #tpu.memory_space<vmem>>, vector<192x56xbf16>,
    %get3A_795 = arith.constant 0 : index
    %get3A_796 = arith.constant 0 : index
    %get3A_797 = arith.constant 3017 : index
    %get3A_798 = vector.load %arg4[%get3A_795, %get3A_796, %get3A_797] : memref<1x192x3364xbf16, #tpu.memory_space<vmem>>, vector<1x192x56xbf16>
    %get3A_799 = vector.shape_cast %get3A_798 : vector<1x192x56xbf16> to vector<192x56xbf16>
    %swap3A_800 = arith.constant 192 : index
    %swap3A_801 = arith.constant 2856 : index
    %swap3A_802 = vector.load %arg13[%swap3A_800, %swap3A_801] : memref<576x3136xbf16, #tpu.memory_space<vmem>>, vector<192x56xbf16>
    tpu.vector_store %arg13[%swap3A_800, %swap3A_801], %get3A_799 {strides = array<i32>} : memref<576x3136xbf16, #tpu.memory_space<vmem>>, vector<192x56xbf16>,
    %slice3A_803 = vector.extract_strided_slice %add3A_124 {offsets = [0, 2958], sizes = [192, 56], strides = [1, 1]} : vector<192x3246xf32> to vector<192x56xf32>
    %convert_element_type3A_804 = arith.truncf %slice3A_803 : vector<192x56xf32> to vector<192x56xbf16>
    %swap3A_805 = arith.constant 384 : index
    %swap3A_806 = arith.constant 2856 : index
    %swap3A_807 = vector.load %arg13[%swap3A_805, %swap3A_806] : memref<576x3136xbf16, #tpu.memory_space<vmem>>, vector<192x56xbf16>
    tpu.vector_store %arg13[%swap3A_805, %swap3A_806], %convert_element_type3A_804 {strides = array<i32>} : memref<576x3136xbf16, #tpu.memory_space<vmem>>, vector<192x56xbf16>,
    %get3A_808 = arith.constant 0 : index
    %get3A_809 = arith.constant 0 : index
    %get3A_810 = arith.constant 3075 : index
    %get3A_811 = vector.load %arg4[%get3A_808, %get3A_809, %get3A_810] : memref<1x192x3364xbf16, #tpu.memory_space<vmem>>, vector<1x192x56xbf16>
    %get3A_812 = vector.shape_cast %get3A_811 : vector<1x192x56xbf16> to vector<192x56xbf16>
    %swap3A_813 = arith.constant 192 : index
    %swap3A_814 = arith.constant 2912 : index
    %swap3A_815 = vector.load %arg13[%swap3A_813, %swap3A_814] : memref<576x3136xbf16, #tpu.memory_space<vmem>>, vector<192x56xbf16>
    tpu.vector_store %arg13[%swap3A_813, %swap3A_814], %get3A_812 {strides = array<i32>} : memref<576x3136xbf16, #tpu.memory_space<vmem>>, vector<192x56xbf16>,
    %slice3A_816 = vector.extract_strided_slice %add3A_124 {offsets = [0, 3016], sizes = [192, 56], strides = [1, 1]} : vector<192x3246xf32> to vector<192x56xf32>
    %convert_element_type3A_817 = arith.truncf %slice3A_816 : vector<192x56xf32> to vector<192x56xbf16>
    %swap3A_818 = arith.constant 384 : index
    %swap3A_819 = arith.constant 2912 : index
    %swap3A_820 = vector.load %arg13[%swap3A_818, %swap3A_819] : memref<576x3136xbf16, #tpu.memory_space<vmem>>, vector<192x56xbf16>
    tpu.vector_store %arg13[%swap3A_818, %swap3A_819], %convert_element_type3A_817 {strides = array<i32>} : memref<576x3136xbf16, #tpu.memory_space<vmem>>, vector<192x56xbf16>,
    %get3A_821 = arith.constant 0 : index
    %get3A_822 = arith.constant 0 : index
    %get3A_823 = arith.constant 3133 : index
    %get3A_824 = vector.load %arg4[%get3A_821, %get3A_822, %get3A_823] : memref<1x192x3364xbf16, #tpu.memory_space<vmem>>, vector<1x192x56xbf16>
    %get3A_825 = vector.shape_cast %get3A_824 : vector<1x192x56xbf16> to vector<192x56xbf16>
    %swap3A_826 = arith.constant 192 : index
    %swap3A_827 = arith.constant 2968 : index
    %swap3A_828 = vector.load %arg13[%swap3A_826, %swap3A_827] : memref<576x3136xbf16, #tpu.memory_space<vmem>>, vector<192x56xbf16>
    tpu.vector_store %arg13[%swap3A_826, %swap3A_827], %get3A_825 {strides = array<i32>} : memref<576x3136xbf16, #tpu.memory_space<vmem>>, vector<192x56xbf16>,
    %slice3A_829 = vector.extract_strided_slice %add3A_124 {offsets = [0, 3074], sizes = [192, 56], strides = [1, 1]} : vector<192x3246xf32> to vector<192x56xf32>
    %convert_element_type3A_830 = arith.truncf %slice3A_829 : vector<192x56xf32> to vector<192x56xbf16>
    %swap3A_831 = arith.constant 384 : index
    %swap3A_832 = arith.constant 2968 : index
    %swap3A_833 = vector.load %arg13[%swap3A_831, %swap3A_832] : memref<576x3136xbf16, #tpu.memory_space<vmem>>, vector<192x56xbf16>
    tpu.vector_store %arg13[%swap3A_831, %swap3A_832], %convert_element_type3A_830 {strides = array<i32>} : memref<576x3136xbf16, #tpu.memory_space<vmem>>, vector<192x56xbf16>,
    %get3A_834 = arith.constant 0 : index
    %get3A_835 = arith.constant 0 : index
    %get3A_836 = arith.constant 3191 : index
    %get3A_837 = vector.load %arg4[%get3A_834, %get3A_835, %get3A_836] : memref<1x192x3364xbf16, #tpu.memory_space<vmem>>, vector<1x192x56xbf16>
    %get3A_838 = vector.shape_cast %get3A_837 : vector<1x192x56xbf16> to vector<192x56xbf16>
    %swap3A_839 = arith.constant 192 : index
    %swap3A_840 = arith.constant 3024 : index
    %swap3A_841 = vector.load %arg13[%swap3A_839, %swap3A_840] : memref<576x3136xbf16, #tpu.memory_space<vmem>>, vector<192x56xbf16>
    tpu.vector_store %arg13[%swap3A_839, %swap3A_840], %get3A_838 {strides = array<i32>} : memref<576x3136xbf16, #tpu.memory_space<vmem>>, vector<192x56xbf16>,
    %slice3A_842 = vector.extract_strided_slice %add3A_124 {offsets = [0, 3132], sizes = [192, 56], strides = [1, 1]} : vector<192x3246xf32> to vector<192x56xf32>
    %convert_element_type3A_843 = arith.truncf %slice3A_842 : vector<192x56xf32> to vector<192x56xbf16>
    %swap3A_844 = arith.constant 384 : index
    %swap3A_845 = arith.constant 3024 : index
    %swap3A_846 = vector.load %arg13[%swap3A_844, %swap3A_845] : memref<576x3136xbf16, #tpu.memory_space<vmem>>, vector<192x56xbf16>
    tpu.vector_store %arg13[%swap3A_844, %swap3A_845], %convert_element_type3A_843 {strides = array<i32>} : memref<576x3136xbf16, #tpu.memory_space<vmem>>, vector<192x56xbf16>,
    %get3A_847 = arith.constant 0 : index
    %get3A_848 = arith.constant 0 : index
    %get3A_849 = arith.constant 3249 : index
    %get3A_850 = vector.load %arg4[%get3A_847, %get3A_848, %get3A_849] : memref<1x192x3364xbf16, #tpu.memory_space<vmem>>, vector<1x192x56xbf16>
    %get3A_851 = vector.shape_cast %get3A_850 : vector<1x192x56xbf16> to vector<192x56xbf16>
    %swap3A_852 = arith.constant 192 : index
    %swap3A_853 = arith.constant 3080 : index
    %swap3A_854 = vector.load %arg13[%swap3A_852, %swap3A_853] : memref<576x3136xbf16, #tpu.memory_space<vmem>>, vector<192x56xbf16>
    tpu.vector_store %arg13[%swap3A_852, %swap3A_853], %get3A_851 {strides = array<i32>} : memref<576x3136xbf16, #tpu.memory_space<vmem>>, vector<192x56xbf16>,
    %slice3A_855 = vector.extract_strided_slice %add3A_124 {offsets = [0, 3190], sizes = [192, 56], strides = [1, 1]} : vector<192x3246xf32> to vector<192x56xf32>
    %convert_element_type3A_856 = arith.truncf %slice3A_855 : vector<192x56xf32> to vector<192x56xbf16>
    %swap3A_857 = arith.constant 384 : index
    %swap3A_858 = arith.constant 3080 : index
    %swap3A_859 = vector.load %arg13[%swap3A_857, %swap3A_858] : memref<576x3136xbf16, #tpu.memory_space<vmem>>, vector<192x56xbf16>
    tpu.vector_store %arg13[%swap3A_857, %swap3A_858], %convert_element_type3A_856 {strides = array<i32>} : memref<576x3136xbf16, #tpu.memory_space<vmem>>, vector<192x56xbf16>,
    %get3A_860 = arith.constant 0 : index
    %get3A_861 = arith.constant 0 : index
    %get3A_862 = vector.load %arg9[%get3A_860, %get3A_861] : memref<384x576xbf16, #tpu.memory_space<vmem>>, vector<384x576xbf16>
    %get3A_863 = arith.constant 0 : index
    %get3A_864 = arith.constant 0 : index
    %get3A_865 = vector.load %arg13[%get3A_863, %get3A_864] : memref<576x3136xbf16, #tpu.memory_space<vmem>>, vector<576x3136xbf16>
    %dot_general3A_866 = arith.constant dense<0.000000e+00> : vector<384x3136xf32>
    %dot_general3A_867 = tpu.matmul %get3A_862, %get3A_865, %dot_general3A_866 {dimension_numbers = #tpu.dot_dimension_numbers<[1], [0], [0], [1], [0, 0, 1, 1], [], []>, transpose_lhs_hint = false} : vector<384x576xbf16>, vector<576x3136xbf16>, vector<384x3136xf32> -> vector<384x3136xf32>
    %get3A_868 = arith.constant 0 : index
    %get3A_869 = arith.constant 0 : index
    %get3A_870 = vector.load %arg10[%get3A_868, %get3A_869] : memref<384x1xf32, #tpu.memory_space<vmem>>, vector<384x1xf32>
    %add3A_871 = vector.broadcast %get3A_870 : vector<384x1xf32> to vector<384x3136xf32>
    %add3A_872 = arith.addf %dot_general3A_867, %add3A_871 : vector<384x3136xf32>
    %logistic3A_873 = arith.negf %add3A_872 : vector<384x3136xf32>
    %logistic3A_874 = math.exp %logistic3A_873 : vector<384x3136xf32>
    %logistic3A_875 = arith.constant 1.000000e+00 : f32
    %logistic3A_876 = vector.broadcast %logistic3A_875 : f32 to vector<384x3136xf32>
    %logistic3A_877 = arith.addf %logistic3A_876, %logistic3A_874 : vector<384x3136xf32>
    %logistic3A_878 = arith.divf %logistic3A_876, %logistic3A_877 : vector<384x3136xf32>
    %mul3A_879 = arith.mulf %add3A_872, %logistic3A_878 : vector<384x3136xf32>
    %swap3A_880 = arith.constant 0 : index
    %swap3A_881 = arith.constant 0 : index
    %swap3A_882 = arith.constant 0 : index
    %swap3A_883 = vector.load %arg11[%swap3A_880, %swap3A_881, %swap3A_882] : memref<1x384x3136xf32, #tpu.memory_space<vmem>>, vector<1x384x3136xf32>
    %swap3A_884 = vector.shape_cast %swap3A_883 : vector<1x384x3136xf32> to vector<384x3136xf32>
    %swap3A_885 = vector.shape_cast %mul3A_879 : vector<384x3136xf32> to vector<1x384x3136xf32>
    tpu.vector_store %arg11[%swap3A_880, %swap3A_881, %swap3A_882], %swap3A_885 {strides = array<i32>} : memref<1x384x3136xf32, #tpu.memory_space<vmem>>, vector<1x384x3136xf32>,
    return
  }
  func.func @transform_0(%arg0: i32, %arg1: memref<8xi32, #tpu.memory_space<smem>>, %arg2: memref<8xf32, #tpu.memory_space<smem>>) -> (i32, i32, i32) {
    %c0_i32 = arith.constant 0 : i32
    %c0_i32_0 = arith.constant 0 : i32
    %c0_i32_1 = arith.constant 0 : i32
    return %arg0, %c0_i32, %c0_i32_0 : i32, i32, i32
  }
  func.func @transform_1(%arg0: i32, %arg1: memref<8xi32, #tpu.memory_space<smem>>, %arg2: memref<8xf32, #tpu.memory_space<smem>>) -> (i32, i32, i32) {
    %c0_i32 = arith.constant 0 : i32
    %c0_i32_0 = arith.constant 0 : i32
    %c0_i32_1 = arith.constant 0 : i32
    return %arg0, %c0_i32, %c0_i32_0 : i32, i32, i32
  }
  func.func @transform_2(%arg0: i32, %arg1: memref<8xi32, #tpu.memory_space<smem>>, %arg2: memref<8xf32, #tpu.memory_space<smem>>) -> (i32, i32, i32) {
    %mul3A = arith.constant 2 : i32
    %mul3A_0 = arith.muli %mul3A, %arg0 : i32
    %get3A = arith.index_cast %mul3A_0 : i32 to index
    %get3A_1 = memref.load %arg1[%get3A] : memref<8xi32, #tpu.memory_space<smem>>
    %c0_i32 = arith.constant 0 : i32
    %c0_i32_2 = arith.constant 0 : i32
    %c0_i32_3 = arith.constant 0 : i32
    return %get3A_1, %c0_i32, %c0_i32_2 : i32, i32, i32
  }
  func.func @transform_3(%arg0: i32, %arg1: memref<8xi32, #tpu.memory_space<smem>>, %arg2: memref<8xf32, #tpu.memory_space<smem>>) -> (i32, i32, i32) {
    %mul3A = arith.constant 2 : i32
    %mul3A_0 = arith.muli %mul3A, %arg0 : i32
    %add3A = arith.constant 1 : i32
    %add3A_1 = arith.addi %mul3A_0, %add3A : i32
    %get3A = arith.index_cast %add3A_1 : i32 to index
    %get3A_2 = memref.load %arg1[%get3A] : memref<8xi32, #tpu.memory_space<smem>>
    %c0_i32 = arith.constant 0 : i32
    %c0_i32_3 = arith.constant 0 : i32
    %c0_i32_4 = arith.constant 0 : i32
    return %get3A_2, %c0_i32, %c0_i32_3 : i32, i32, i32
  }
  func.func @transform_4(%arg0: i32, %arg1: memref<8xi32, #tpu.memory_space<smem>>, %arg2: memref<8xf32, #tpu.memory_space<smem>>) -> (i32, i32, i32) {
    %mul3A = arith.constant 2 : i32
    %mul3A_0 = arith.muli %mul3A, %arg0 : i32
    %get3A = arith.index_cast %mul3A_0 : i32 to index
    %get3A_1 = memref.load %arg1[%get3A] : memref<8xi32, #tpu.memory_space<smem>>
    %c0_i32 = arith.constant 0 : i32
    %c0_i32_2 = arith.constant 0 : i32
    %c0_i32_3 = arith.constant 0 : i32
    return %get3A_1, %c0_i32, %c0_i32_2 : i32, i32, i32
  }
  func.func @transform_5(%arg0: i32, %arg1: memref<8xi32, #tpu.memory_space<smem>>, %arg2: memref<8xf32, #tpu.memory_space<smem>>) -> (i32, i32, i32) {
    %mul3A = arith.constant 2 : i32
    %mul3A_0 = arith.muli %mul3A, %arg0 : i32
    %add3A = arith.constant 1 : i32
    %add3A_1 = arith.addi %mul3A_0, %add3A : i32
    %get3A = arith.index_cast %add3A_1 : i32 to index
    %get3A_2 = memref.load %arg1[%get3A] : memref<8xi32, #tpu.memory_space<smem>>
    %c0_i32 = arith.constant 0 : i32
    %c0_i32_3 = arith.constant 0 : i32
    %c0_i32_4 = arith.constant 0 : i32
    return %get3A_2, %c0_i32, %c0_i32_3 : i32, i32, i32
  }
  func.func @transform_6(%arg0: i32, %arg1: memref<8xi32, #tpu.memory_space<smem>>, %arg2: memref<8xf32, #tpu.memory_space<smem>>) -> (i32, i32) {
    %c0_i32 = arith.constant 0 : i32
    %c0_i32_0 = arith.constant 0 : i32
    %c0_i32_1 = arith.constant 0 : i32
    return %c0_i32, %c0_i32_0 : i32, i32
  }
  func.func @transform_7(%arg0: i32, %arg1: memref<8xi32, #tpu.memory_space<smem>>, %arg2: memref<8xf32, #tpu.memory_space<smem>>) -> (i32, i32) {
    %c0_i32 = arith.constant 0 : i32
    %c0_i32_0 = arith.constant 0 : i32
    %c0_i32_1 = arith.constant 0 : i32
    return %c0_i32, %c0_i32_0 : i32, i32
  }
  func.func @transform_8(%arg0: i32, %arg1: memref<8xi32, #tpu.memory_space<smem>>, %arg2: memref<8xf32, #tpu.memory_space<smem>>) -> (i32, i32, i32) {
    %c0_i32 = arith.constant 0 : i32
    %c0_i32_0 = arith.constant 0 : i32
    %c0_i32_1 = arith.constant 0 : i32
    return %arg0, %c0_i32, %c0_i32_0 : i32, i32, i32
  }
}

</mosaic_0001>

<sc_bundles>
// kernel: kernel.5.cloned.1.call-start
scs
__scs_entry_jumppad:
0x0: {  	(pc) =	sbr.rel $0x88, $3  }
0x1: {  	(tag) =	ssettag $0x0;
	lr =	simm.s32 $0x1  }
0x2: {  	[smem:$0x3F98] =	sst lr;
	_ =	strace $0xD0000000  }
0x3: {  	_ = 	snop  }
0x4: {  	_ = 	snop  }
0x5: {  	_ = 	snop  }
0x6: {  	_ = 	snop  }
0x7: {  	_ = 	snop  }
__scs_overlays_trampoline_lowered:
0x8: {  	[smem:$0x3FA7] =	sst s0  }
0x9: {  	[smem:$0x3FA8] =	sst s1  }
0xa: {  	[smem:$0x3FA9] =	sst s2  }
0xb: {  	[smem:$0x3FAA] =	sst s3  }
0xc: {  	[smem:$0x3FAB] =	sst s4  }
0xd: {  	[smem:$0x3FAC] =	sst s5  }
0xe: {  	[smem:$0x3FAD] =	sst s6  }
0xf: {  	[smem:$0x3FAE] =	sst s7  }
0x10: {  	[smem:$0x3FAF] =	sst s8  }
0x11: {  	[smem:$0x3FB0] =	sst s9;
	s0 =	simm.s32 @!p0 $0x0  }
0x12: {  	s1 =	sld [smem:$0x3F96];
	s0 =	simm.s32 @p0 $0x1  }
0x13: {  	[smem:$0x3FB1] =	sst s0;
	s0 =	simm.s32 @!p1 $0x0  }
0x14: {  	s2 =	sld [smem:$0x3F95];
	s0 =	simm.s32 @p1 $0x1  }
0x15: {  	[smem:$0x3FB2] =	sst s0;
	s0 =	simm.s32 @!p2 $0x0  }
0x16: {  	s3 =	sld [smem:$0x3FDB];
	s0 =	simm.s32 @p2 $0x1  }
0x17: {  	s4 =	simm.s32 $0x1BF5;
	[smem:$0x3FB4] =	sst s0  }
0x18: {  	s0 =	sld [smem:$0x3F97];
	_ =	swait.ge [sflag:s4], $0x0  }
0x19: {  	s7 =	sld [smem:$0x3F98]  }
0x1a: {  	s8 =	sadd.s32 $0xFFFFE003, lr  }
0x1b: {  	s9 =	sadd.s32 $0xFFFFFEF7, lr;
	s5 =	simm.s32 $0xFFFFFFFF;
	p2 =	slt.u32 s8, $0xFFFFF086  }
0x1c: {  	p1 =	slt.u32 s9, $0xF7A;
	s5 =	simm.s32 @!p2 $0x0  }
0x1d: {  	s5 =	simm.s32 @p1 $0x1;
	p0 =	seq.s32 s7, s2  }
0x1e: {  	s7 =	smul.u32 @!p0 $0xF7A, s2;
	p2 =	seq.s32 @!p0 s5, $0x0  }
0x1f: {  	s9 =	smul.u32 $0xF7A, s1;
	s8 =	simm.s32 @!p0 $0x1BF5;
	p2 =	por !p2, p0  }
0x20: {  	[sflag:s8] =	ssyncset.s32 @!p0 $0xFFFFF086;
	s6 =	sadd.s32 @!p0 s3, s7;
	s7 =	simm.s32 @!p0 $0x108  }
0x21: {  	s3 =	sadd.s32 s3, s9;
	s6 =	sadd.s32 @!p0 $0x88, s6;
	s7 =	simm.s32 @p2 $0x1082  }
0x22: {  	[simem:s7], [sflag:s8] =	dma.local @!p0 [hbm:s6], $0xF7A  }
0x23: {  	s9 =	sor.u32 $0xD0000000, s2;
	s6 =	simm.s32 $0x108;
	_ =	swait.ge @!p0 [sflag:s8], $0x0  }
0x24: {  	s3 =	sadd.s32 $0x88, s3;
	s6 =	simm.s32 @!p1 $0x1082;
	[sflag:s4] =	ssyncset.s32 $0xFFFFF086  }
0x25: {  	[simem:s6], [sflag:s4] =	dma.local [hbm:s3], $0xF7A  }
0x26: {  	[smem:$0x3F98] =	sst s1;
	(tag) =	ssettag s2;
	_ =	strace s9  }
0x27: {  	s1 =	sld [smem:$0x3FA8]  }
0x28: {  	s2 =	sld [smem:$0x3FA9]  }
0x29: {  	s4 =	sld [smem:$0x3FAB]  }
0x2a: {  	p0 =	seq.s32 s5, $0x0;
	s5 =	sld [smem:$0x3FAC]  }
0x2b: {  	s6 =	sld [smem:$0x3FAD]  }
0x2c: {  	s7 =	sld [smem:$0x3FAE]  }
0x2d: {  	s3 =	simm.s32 $0x108;
	s8 =	sld [smem:$0x3FAF]  }
0x2e: {  	s3 =	simm.s32 @!p0 $0x1082;
	s9 =	sld [smem:$0x3FB0]  }
0x2f: {  	lr =	sadd.s32 s0, s3;
	s0 =	sld [smem:$0x3FA7]  }
0x30: {  	s3 =	sld [smem:$0x3FAA]  }
0x31: {  	[smem:$0x3FB3] =	sst s10  }
0x32: {  	s10 =	sld [smem:$0x3FB1];
	_ =	sdelay $0x3  }
0x33: {  	p0 =	seq.s32 s10, $0x1;
	s10 =	sld [smem:$0x3FB3];
	_ =	sdelay $0x3  }
0x34: {  	[smem:$0x3FB3] =	sst s10  }
0x35: {  	s10 =	sld [smem:$0x3FB2];
	_ =	sdelay $0x3  }
0x36: {  	p1 =	seq.s32 s10, $0x1;
	s10 =	sld [smem:$0x3FB3];
	_ =	sdelay $0x3  }
0x37: {  	[smem:$0x3FB3] =	sst s10  }
0x38: {  	s10 =	sld [smem:$0x3FB4]  }
0x39: {  	_ = 	snop;
	(pc) =	sbr.ind lr, $3  }
0x3a: {  	_ = 	snop  }
0x3b: {  	_ = 	snop  }
0x3c: {  	p2 =	seq.s32 s10, $0x1;
	s10 =	sld [smem:$0x3FB3]  }
0x3d: {  	_ =	shalt  }
0x3e: {  	_ =	shalt  }
0x3f: {  	_ =	shalt  }
0x40: {  	_ =	shalt  }
0x41: {  	_ =	shalt  }
0x42: {  	_ =	shalt  }
0x43: {  	_ =	shalt  }
0x44: {  	_ =	shalt  }
0x45: {  	_ =	shalt  }
0x46: {  	_ =	shalt  }
0x47: {  	_ =	shalt  }
0x48: {  	_ =	shalt  }
0x49: {  	_ =	shalt  }
0x4a: {  	_ =	shalt  }
0x4b: {  	_ =	shalt  }
0x4c: {  	_ =	shalt  }
0x4d: {  	_ =	shalt  }
0x4e: {  	_ =	shalt  }
0x4f: {  	_ =	shalt  }
0x50: {  	_ =	shalt  }
0x51: {  	_ =	shalt  }
0x52: {  	_ =	shalt  }
0x53: {  	_ =	shalt  }
0x54: {  	_ =	shalt  }
0x55: {  	_ =	shalt  }
0x56: {  	_ =	shalt  }
0x57: {  	_ =	shalt  }
0x58: {  	_ =	shalt  }
0x59: {  	_ =	shalt  }
0x5a: {  	_ =	shalt  }
0x5b: {  	_ =	shalt  }
0x5c: {  	_ =	shalt  }
0x5d: {  	_ =	shalt  }
0x5e: {  	_ =	shalt  }
0x5f: {  	_ =	shalt  }
0x60: {  	_ =	shalt  }
0x61: {  	_ =	shalt  }
0x62: {  	_ =	shalt  }
0x63: {  	_ =	shalt  }
0x64: {  	_ =	shalt  }
0x65: {  	_ =	shalt  }
0x66: {  	_ =	shalt  }
0x67: {  	_ =	shalt  }
0x68: {  	_ =	shalt  }
0x69: {  	_ =	shalt  }
0x6a: {  	_ =	shalt  }
0x6b: {  	_ =	shalt  }
0x6c: {  	_ =	shalt  }
0x6d: {  	_ =	shalt  }
0x6e: {  	_ =	shalt  }
0x6f: {  	_ =	shalt  }
0x70: {  	_ =	shalt  }
0x71: {  	_ =	shalt  }
0x72: {  	_ =	shalt  }
0x73: {  	_ =	shalt  }
0x74: {  	_ =	shalt  }
0x75: {  	_ =	shalt  }
0x76: {  	_ =	shalt  }
0x77: {  	_ =	shalt  }
0x78: {  	_ =	shalt  }
0x79: {  	_ =	shalt  }
0x7a: {  	_ =	shalt  }
0x7b: {  	_ =	shalt  }
0x7c: {  	_ =	shalt  }
0x7d: {  	_ =	shalt  }
0x7e: {  	_ =	shalt  }
0x7f: {  	_ =	shalt  }
0x80: {  	_ =	shalt  }
0x81: {  	_ =	shalt  }
0x82: {  	_ =	shalt  }
0x83: {  	_ =	shalt  }
0x84: {  	_ =	shalt  }
0x85: {  	_ =	shalt  }
0x86: {  	_ =	shalt  }
0x87: {  	_ =	shalt  }
.Lfunc_end0:
.L_simem_size_0:
called_computation_lowered:
.L_overlay_start_0:
0x88: {  	s2 =	sld [smem:$0x3FD9]  }
0x89: {  	s3 =	sld [smem:$0x3FFE];
	_ =	sdelay $0x1  }
0x8a: {  	s1 =	srdreg.scid  }
0x8b: {  	s0 =	sand.u32 $0x1, s1  }
0x8c: {  	s17 =	sshll.u32 s0, $0xA;
	s2 =	sadd.s32 s3, s2  }
0x8d: {  	s2 =	sadd.s32 s2, s17  }
0x8e: {  	[smem:$0x3FBF] =	sst s2  }
0x8f: {  	_ = 	snop  }
0x90: {  	s2 =	sld [smem:$0x3FD0];
	(tm) =	ssettm $0x1  }
0x91: {  	s18 =	sld [smem:$0x3FFB];
	_ =	sdelay $0x3  }
0x92: {  	_ =	strace s18  }
0x93: {  	s3 =	sld [smem:$0x3FFC];
	_ =	sdelay $0x3  }
0x94: {  	_ =	strace s3  }
0x95: {  	s3 =	sld [smem:$0x3FFD];
	_ =	sdelay $0x3  }
0x96: {  	_ =	strace s3  }
0x97: {  	_ =	strace $0x8FFFFFFF  }
0x98: {  	s19 =	sld [smem:$0x3FDB];
	_ =	sdelay $0x1  }
0x99: {  	s4 =	simm.s32 $_scs_section_size  }
0x9a: {  	s5 =	simm.s32 $_size__tile_overlayer_lowered;
	s6 =	simm.s32 $_tile_overlayer_lowered  }
0x9b: {  	s22 =	simm.s32 $0x1BFF;
	s21 =	sshll.u32 s6, $0x1;
	s3 =	sadd.s32 s4, s19  }
0x9c: {  	s7 =	simm.s32 $0x0;
	s20 =	sshll.u32 s5, $0x1;
	s5 =	sadd.s32 s21, s3  }
0x9d: {  	[timem:s7], [sflag:s22] =	dma.local [hbm:s5], s20  }
0x9e: {  	_ =	swait.ge [sflag:s22], s20  }
0x9f: {  	s4 =	ssub.s32 $0x0, s20;
	[sflag:s22] =	ssyncset.done $0x0  }
0xa0: {  	[sflag:s22] =	ssyncadd.s32 s4;
	_ =	sdelay $0x1  }
0xa1: {  	s23 =	simm.s32 $0x1B8B  }
0xa2: {  	_ =	swait.ge [sflag:s23], $0x1  }
0xa3: {  	[sflag:s23] =	ssyncset.done $0x0  }
0xa4: {  	s25 =	simm.s32 $0x1B8E;
	s24 =	sld [smem:$0x3FFE];
	[sflag:s23] =	ssyncadd.s32 $0xFFFFFFFF  }
0xa5: {  	s26 =	simm.s32 $execute0_lowered;
	[smem:$0x3FD2] =	sst s25  }
0xa6: {  	s5 =	sshll.u32 s26, $0x1;
	_ =	strace $0x80000046;
	[dreg:$0x1] =	wrdreg $0xFFFFFFFF  }
0xa7: {  	s28 =	simm.s32 $_size_execute0_lowered;
	s3 =	sadd.s32 s3, s5;
	[dreg:$0x0] =	wrdreg $0x0  }
0xa8: {  	s5 =	sshll.u32 s28, $0x1;
	[dreg:$0x2] =	wrdreg s3  }
0xa9: {  	[dreg:$0x3] =	wrdreg s5  }
0xaa: {  	[dreg:$0x4] =	wrdreg $0xC0  }
0xab: {  	_ =	task [dreg:s7], $0x5FFFF  }
0xac: {  	[dreg:$0x1] =	wrdreg $0xFFFFFFFF  }
0xad: {  	[dreg:$0x0] =	wrdreg $0x60  }
0xae: {  	[dreg:$0x2] =	wrdreg s2  }
0xaf: {  	[dreg:$0x3] =	wrdreg s24  }
0xb0: {  	[dreg:$0x4] =	wrdreg $0x9  }
0xb1: {  	_ =	task.clear_ibuf [dreg:s7], $0x5FFFF;
	_ =	strace $0x90000046  }
0xb2: {  	s29 =	simm.s32 $0x9;
	_ =	strace $0x80000048  }
0xb3: {  	_ =	swait.ge [sflag:s29], $0x1  }
0xb4: {  	[sflag:s29] =	ssyncadd.s32 $0xFFFFFFFF  }
0xb5: {  	_ =	strace $0x90000048  }
0xb6: {  	_ =	sfence  }
0xb7: {  	s30 =	sld [smem:$0x0];
	_ =	sdelay $0x2  }
0xb8: {  	s31 =	sshll.u32 s1, $0xD;
	s1 =	sshrl.u32 s1, $0x2  }
0xb9: {  	s3 =	sand.u32 $0x4000, s31;
	s1 =	sadd.s32 s1, s30  }
0xba: {  	s0 =	sor.u32 s3, s0;
	s1 =	sshll.u32 s1, $0x11  }
0xbb: {  	s0 =	sor.u32 s1, s0  }
0xbc: {  	s0 =	sadd.s32 $0x8F2B, s0  }
0xbd: {  	[sflag:s0] =	ssyncadd.remote.s32 $0x1  }
0xbe: {  	_ =	sfence.sel $0xFFFF  }
0xbf: {  	[dreg:$0x0] =	wrdreg $0xFFFFFFFF;
	(pc) =	sbr.abs _section_cstart, $3  }
0xc0: {  	[dreg:$0x1] =	wrdreg $0xFFFFFFFF  }
0xc1: {  	_ =	task.clear_ibuf [dreg:s7], $0x2FFFF;
	_ =	strace $0x9FFFFFFF  }
0xc2: {  	(tm) =	ssettm $0x7FFFFFFF  }
0xc3: {  	_ =	shalt  }
tec
execute0_lowered:
.L_overlay_start_1:
0x0: {  	(tag) =	ssettag $0x1  }
0x1: {  	s0 =	rddreg [dreg:$0x0];
	s1 =	srdreg.scid  }
0x2: {  	[dreg:$0x3] =	wrdreg s0;
	s2 =	sand.u32 $0x1, s1;
	s0 =	stileid.u32  }
0x3: {  	s4 =	sor.u32 s0, s2  }
0x4: {  	p0 =	sne.s32 s4, $0x0  }
.Ltmp0:
0x5: {  	_ = 	snop;
	(pc) =	sbr.rel @p0 .LBB2_3-.Ltmp0, $3  }
0x6: {  	_ =	sdelay $0x1  }
0x7: {  	s3 =	rddreg [dreg:$0x1]  }
0x8: {  	s1 =	rddreg [dreg:$0x2];
	_ =	strace $0x80000047  }
0x9: {  	s4 =	sadd.s32 $0x1A00, s3;
	s29 =	sadd.s32 $0x1C00, s3;
	vm0 =	vmmov $0x1;
	vm1 =	vmmov $0x3  }
0xa: {  	v0 =	vlaneseq.u32;
	s30 =	ssub.s32 $0x2, s2;
	vm2 =	vmmov $0x7;
	vm3 =	vmmov $0xf;
	s2 =	sadd.s32 $0x1E00, s3;
	[dreg:$0x5] =	wrdreg s4  }
0xb: {  	s3 =	sadd.s32 $0x2000, s3;
	vm5 =	vcmask $0x704;
	vm6 =	vcmask $0x320;
	s7 =	simm.s32 $0x300;
	vm7 =	vcmask $0xB08;
	[dreg:$0x7] =	wrdreg s29  }
0xc: {  	vm8 =	vcmask $0x720;
	vm9 =	vcmask $0xB20;
	s6 =	simm.s32 $0x1;
	s31 =	simm.s32 $0x600;
	vm10 =	vcmask $0x1310;
	[dreg:$0x4] =	wrdreg s7  }
0xd: {  	vm11 =	vcmask $0xF20;
	vm12 =	vcmask $0x1320;
	s8 =	simm.s32 $0x700;
	v0 =	vor.u32 $0x80000000, v0;
	s5 =	sshrl.u32 s30, $0x1;
	[dreg:$0x6] =	wrdreg s31  }
0xe: {  	vm13 =	vcmask $0x1B18;
	vm14 =	vcmask $0x1720;
	vm15 =	vcmask $0x1B20;
	s7 =	simm.s32 $0x680;
	[tilespmem:$0x1FFF0] =	vst v0;
	s4 =	ssub.s32 s30, s5;
	s5 =	simm.s32 $0x0  }
.LBB2_2:
0xf: {  	s9 =	rddreg [dreg:$0x3]  }
0x10: {  	[tilespmem:s5], [sflag:$0x1] =	stream.linear.gather [hbm4b:s9+s5], $0x300, $0x38;
	[tilespmem:$0x780] =	vst v63  }
0x11: {  	_ =	swait.ge [sflag:s6], $0x300  }
0x12: {  	s28 =	rddreg [dreg:$0x4];
	[sflag:s6] =	ssyncset.done $0x0  }
0x13: {  	s10 =	rddreg [dreg:$0x5];
	[sflag:s6] =	ssyncadd.s32 $0xFFFFFD00  }
0x14: {  	[tilespmem:s28], [sflag:$0x1] =	stream.linear.gather [hbm4b:s10+s5], $0x300, $0x38;
	[tilespmem:$0x780] =	vst v63  }
0x15: {  	_ =	swait.ge [sflag:s6], $0x300  }
0x16: {  	s29 =	rddreg [dreg:$0x6];
	[sflag:s6] =	ssyncset.done $0x0  }
0x17: {  	s30 =	rddreg [dreg:$0x7];
	[sflag:s6] =	ssyncadd.s32 $0xFFFFFD00  }
0x18: {  	[tilespmem:s29], [sflag:$0x1] =	stream.linear.gather [hbm4b:s30+s5], $0x80, $0x38;
	[tilespmem:$0x780] =	vst v63  }
0x19: {  	_ =	swait.ge [sflag:s6], $0x80  }
0x1a: {  	[sflag:s6] =	ssyncset.done $0x0  }
0x1b: {  	[sflag:s6] =	ssyncadd.s32 $0xFFFFFF80  }
0x1c: {  	v29 =	vld [tilespmem:$0x0]  }
0x1d: {  	v62 =	vld [tilespmem:$0x300]  }
0x1e: {  	v33 =	vld [tilespmem:$0x10]  }
0x1f: {  	v23 =	vld [tilespmem:$0x310]  }
0x20: {  	v35 =	vld [tilespmem:$0x20]  }
0x21: {  	v61 =	vld [tilespmem:$0x320]  }
0x22: {  	v38 =	vld [tilespmem:$0x30]  }
0x23: {  	v5 =	vld [tilespmem:$0x330]  }
0x24: {  	v40 =	vld [tilespmem:$0x40]  }
0x25: {  	v36 =	vld [tilespmem:$0x340]  }
0x26: {  	v42 =	vld [tilespmem:$0x50]  }
0x27: {  	v22 =	vld [tilespmem:$0x350]  }
0x28: {  	v44 =	vld [tilespmem:$0x60]  }
0x29: {  	v8 =	vld [tilespmem:$0x360]  }
0x2a: {  	v49 =	vld [tilespmem:$0x70]  }
0x2b: {  	v7 =	vld [tilespmem:$0x370]  }
0x2c: {  	v51 =	vld [tilespmem:$0x80]  }
0x2d: {  	v3 =	vld [tilespmem:$0x380]  }
0x2e: {  	v52 =	vld [tilespmem:$0x90]  }
0x2f: {  	v2 =	vld [tilespmem:$0x390]  }
0x30: {  	v53 =	vld [tilespmem:$0xA0]  }
0x31: {  	v1 =	vld [tilespmem:$0x3A0]  }
0x32: {  	v18 =	vld [tilespmem:$0xB0]  }
0x33: {  	v0 =	vld [tilespmem:$0x3B0]  }
0x34: {  	v63 =	vld [tilespmem:$0x3C0]  }
0x35: {  	v12 =	vld [tilespmem:$0x3D0]  }
0x36: {  	v11 =	vld [tilespmem:$0x3E0]  }
0x37: {  	v15 =	vld [tilespmem:$0x3F0];
	v4 =	vmul.f32 v62, v29  }
0x38: {  	v10 =	vld [tilespmem:$0x400]  }
0x39: {  	v20 =	vld [tilespmem:$0x410];
	v6 =	vmul.f32 v23, v33;
	v4 =	vadd.f32 $0.0e+00, v4  }
0x3a: {  	v17 =	vld [tilespmem:$0x420]  }
0x3b: {  	v9 =	vld [tilespmem:$0x430];
	v56 =	vmul.f32 v61, v35;
	v4 =	vadd.f32 v6, v4  }
0x3c: {  	v30 =	vld [tilespmem:$0x440]  }
0x3d: {  	v13 =	vld [tilespmem:$0x480];
	v57 =	vmul.f32 v5, v38;
	v4 =	vadd.f32 v56, v4  }
0x3e: {  	v21 =	vld [tilespmem:$0x490]  }
0x3f: {  	v16 =	vld [tilespmem:$0x550];
	v25 =	vmul.f32 v63, v29;
	v27 =	vmul.f32 v36, v40;
	v26 =	vadd.f32 v57, v4  }
0x40: {  	[tilespmem:$0x1FF80] =	vst v8;
	v28 =	vmul.f32 v12, v33;
	v34 =	vmul.f32 v8, v44;
	v8 =	vld [tilespmem:$0x4B0]  }
0x41: {  	v31 =	vmul.f32 v22, v42;
	v58 =	vmul.f32 v11, v35;
	v27 =	vadd.f32 v27, v26;
	v26 =	vld [tilespmem:$0x540]  }
0x42: {  	v59 =	vld [tilespmem:$0x4A0];
	v37 =	vmul.f32 v15, v38;
	v39 =	vmul.f32 v7, v49  }
0x43: {  	[tilespmem:$0x1FEA0] =	vst v5;
	v41 =	vmul.f32 v10, v40;
	v43 =	vmul.f32 v13, v29;
	v5 =	vld [tilespmem:$0x560];
	v25 =	vadd.f32 $0.0e+00, v25  }
0x44: {  	v45 =	vld [tilespmem:$0x450];
	v46 =	vmul.f32 v3, v51;
	v48 =	vmul.f32 v20, v42  }
0x45: {  	v60 =	vld [tilespmem:$0x460];
	v50 =	vmul.f32 v16, v33;
	v25 =	vadd.f32 v28, v25;
	v32 =	vadd.f32 v31, v27  }
0x46: {  	v24 =	vld [tilespmem:$0x4D0];
	v55 =	vadd.f32 $0.0e+00, v43;
	v54 =	vmul.f32 v8, v38;
	v47 =	vmul.f32 v26, v29  }
0x47: {  	[tilespmem:$0x1FEC0] =	vst v21;
	v28 =	vadd.f32 v58, v25;
	v56 =	vmul.f32 v21, v33;
	v34 =	vadd.f32 v34, v32;
	v32 =	vld [tilespmem:$0x570]  }
0x48: {  	[tilespmem:$0x1FF90] =	vst v59;
	v58 =	vmul.f32 v59, v35;
	v59 =	vmul.f32 v5, v35;
	v29 =	vld [tilespmem:$0x4C0];
	v47 =	vadd.f32 $0.0e+00, v47  }
0x49: {  	v21 =	vld [tilespmem:$0x580];
	v33 =	vmovc v5;
	v5 =	vmul.f32 v17, v44;
	v57 =	vadd.f32 v56, v55;
	v39 =	vadd.f32 v39, v34  }
0x4a: {  	[tilespmem:$0x1FF10] =	vst v2;
	v35 =	vld [tilespmem:$0x5A0];
	v37 =	vadd.f32 v37, v28;
	v55 =	vmul.f32 v2, v52;
	v47 =	vadd.f32 v50, v47  }
0x4b: {  	v6 =	vmovc v15;
	v56 =	vmul.f32 v9, v49;
	v43 =	vadd.f32 v58, v57;
	v46 =	vadd.f32 v46, v39;
	v39 =	vld [tilespmem:$0x590]  }
0x4c: {  	v41 =	vadd.f32 v41, v37;
	v28 =	vmovc v8;
	v27 =	vld [tilespmem:$0x4E0];
	v14 =	vmul.f32 v32, v38;
	v47 =	vadd.f32 v59, v47  }
0x4d: {  	v4 =	vld [tilespmem:$0x470];
	v8 =	vmovc v2;
	v2 =	vmul.f32 v24, v42;
	v43 =	vadd.f32 v54, v43;
	v15 =	vmul.f32 v29, v40  }
0x4e: {  	v37 =	vld [tilespmem:$0x4F0];
	v25 =	vmul.f32 v21, v40;
	v41 =	vadd.f32 v48, v41;
	v47 =	vadd.f32 v14, v47  }
0x4f: {  	v19 =	vmovc v7;
	v57 =	vmul.f32 v30, v51;
	v58 =	vmul.f32 v1, v53;
	v31 =	vadd.f32 v15, v43;
	v43 =	vld [tilespmem:$0x5B0]  }
0x50: {  	[tilespmem:$0x1FEF0] =	vst v7;
	v34 =	vld [tilespmem:$0x500];
	v50 =	vadd.f32 v5, v41;
	v5 =	vmul.f32 v39, v42;
	v48 =	vadd.f32 v25, v47  }
0x51: {  	v7 =	vmovc v9;
	v9 =	vmul.f32 v27, v44;
	v55 =	vadd.f32 v55, v46;
	v46 =	vadd.f32 v2, v31;
	v47 =	vld [tilespmem:$0x5C0]  }
0x52: {  	v44 =	vmul.f32 v35, v44;
	v50 =	vadd.f32 v56, v50;
	v42 =	vld [tilespmem:$0x510];
	v56 =	vadd.f32 v5, v48  }
0x53: {  	[tilespmem:$0x1FEB0] =	vst v13;
	v59 =	vmul.f32 v45, v52;
	v14 =	vmul.f32 v37, v49;
	v13 =	vadd.f32 v9, v46;
	v48 =	vld [tilespmem:$0x5D0]  }
0x54: {  	v38 =	vmovc v24;
	v55 =	vadd.f32 v58, v55;
	v46 =	vld [tilespmem:$0x520];
	v24 =	vmul.f32 v43, v49;
	v44 =	vadd.f32 v44, v56  }
0x55: {  	[tilespmem:$0x1FF20] =	vst v1;
	v57 =	vadd.f32 v57, v50;
	v50 =	vld [tilespmem:$0x5E0];
	v25 =	vmul.f32 v34, v51;
	v54 =	vadd.f32 v14, v13  }
0x56: {  	v15 =	vmovc v1;
	v1 =	vmul.f32 v60, v53;
	v49 =	vld [tilespmem:$0x530];
	v31 =	vmul.f32 v47, v51;
	v44 =	vadd.f32 v24, v44  }
0x57: {  	v57 =	vadd.f32 v59, v57;
	v2 =	vmul.f32 v42, v52;
	v54 =	vadd.f32 v25, v54;
	v51 =	vld [tilespmem:$0x5F0]  }
0x58: {  	v9 =	vmul.f32 v0, v18;
	v52 =	vmul.f32 v48, v52;
	v44 =	vadd.f32 v31, v44  }
0x59: {  	v13 =	vadd.f32 v1, v57;
	v14 =	vmul.f32 v46, v53;
	v54 =	vadd.f32 v2, v54  }
0x5a: {  	v25 =	vmul.f32 v50, v53;
	v24 =	vmul.f32 v4, v18;
	v44 =	vadd.f32 v52, v44  }
0x5b: {  	v40 =	vmovc v60;
	v60 =	vmul.f32 v49, v18;
	v31 =	vadd.f32 v9, v55;
	v54 =	vadd.f32 v14, v54  }
0x5c: {  	v56 =	vadd.f32 v24, v13;
	v18 =	vmul.f32 v51, v18;
	v44 =	vadd.f32 v25, v44  }
0x5d: {  	v5 =	vmov v0;
	(xrf2) =	vadd.scan.msk.f32 $0xffff, v31;
	v0 =	vadd.f32 v60, v54  }
0x5e: {  	(xrf2) =	vadd.scan.msk.f32 $0xffff, v56;
	v18 =	vadd.f32 v18, v44  }
0x5f: {  	(xrf2) =	vadd.scan.msk.f32 $0xffff, v0  }
0x60: {  	(xrf2) =	vadd.scan.msk.f32 $0xffff, v18;
	_ =	sdelay $0x6  }
0x61: {  	v1, _, _ =	vpop (xrf2)  }
0x62: {  	v2, _, _ =	vpop (xrf2)  }
0x63: {  	v41 =	vmov v4;
	v44 =	vld [tilespmem:$0x600];
	v18 =	vbroadcast v1, $0xF;
	v52 =	vbroadcast v2, $0xF;
	v4, _, _ =	vpop (xrf2)  }
0x64: {  	v53 =	vbroadcast v4, $0xF;
	v9, _, _ =	vpop (xrf2)  }
0x65: {  	v18 =	vsel vm0, v18, v52;
	v13 =	vbroadcast v9, $0xF  }
0x66: {  	v18 =	vsel vm1, v18, v53  }
0x67: {  	v18 =	vsel vm2, v18, v13  }
0x68: {  	v18 =	vadd.f32 v18, v44;
	_ =	sdelay $0x1  }
0x69: {  	v18 =	vnsel vm3, $0xF149F2CA, v18  }
0x6a: {  	(xrf0) =	vmax.scan.msk.f32 $0xffff, v18;
	_ =	sdelay $0x5  }
0x6b: {  	v14, _, _ =	vpop (xrf0)  }
0x6c: {  	v52 =	vbroadcast v14, $0xF;
	_ =	sdelay $0x1  }
0x6d: {  	v18 =	vsub.f32 v18, v52;
	_ =	sdelay $0x1  }
0x6e: {  	v18 =	vmul.f32 $1.442695020e+00, v18;
	_ =	sdelay $0x1  }
0x6f: {  	(erf) = vpow2.f32 v18;
	_ =	sdelay $0x7  }
0x70: {  	v52 =	vld [tilespmem:$0xC0]  }
0x71: {  	v54 =	vld [tilespmem:$0xD0];
	v53 =	vpop (erf)  }
0x72: {  	(xrf0) =	vmax.scan.msk.f32 $0xffff, v53  }
0x73: {  	v58 =	vld [tilespmem:$0xF0]  }
0x74: {  	v55 =	vld [tilespmem:$0xE0]  }
0x75: {  	v13 =	vld [tilespmem:$0x1FEA0];
	v18 =	vmul.f32 v52, v62  }
0x76: {  	v60 =	vld [tilespmem:$0x100];
	v31 =	vmul.f32 v54, v23  }
0x77: {  	v56 =	vadd.f32 $0.0e+00, v18  }
0x78: {  	v57, _, _ =	vpop (xrf0)  }
0x79: {  	v1 =	vmul.f32 v55, v61;
	v56 =	vadd.f32 v31, v56;
	v25 =	vbroadcast v57, $0xF  }
0x7a: {  	v4 =	vmul.f32 v58, v13;
	v31 =	vmov v63;
	v63 =	vmul.f32 v52, v63  }
0x7b: {  	v56 =	vadd.f32 v1, v56;
	[tilespmem:$0x1FFB0] =	vst v25;
	vm4 =	vge.f32 v53, v25;
	v25 =	vmul.f32 v60, v36;
	_ =	sdelay $0x1  }
0x7c: {  	[tilespmem:$0x1FF40] =	vst v23;
	v24 =	vmovc v62;
	v14 =	vmul.f32 v54, v12;
	v62 =	vld [tilespmem:$0x110];
	v63 =	vadd.f32 $0.0e+00, v63;
	v56 =	vadd.f32 v4, v56  }
0x7d: {  	[tilespmem:$0x1FF50] =	vst v61;
	v18 =	vmov v23;
	v23 =	vmov v61;
	v61 =	vld [tilespmem:$0x120]  }
0x7e: {  	v0 =	vadd.f32 v14, v63;
	v63 =	vmul.f32 v58, v6;
	v56 =	vadd.f32 v25, v56;
	v25 =	vmovc v6;
	v6 =	vld [tilespmem:$0x1FF80]  }
0x7f: {  	v9 =	vld [tilespmem:$0x1FFF0];
	_ =	sdelay $0x1  }
0x80: {  	v14 =	vmul.f32 v62, v22;
	_ =	sdelay $0x1  }
0x81: {  	v56 =	vadd.f32 v14, v56;
	v14 =	vmul.f32 v61, v6  }
0x82: {  	v1 =	vld [tilespmem:$0x130];
	v2 =	vnsel vm4, $0x80000004, v9  }
0x83: {  	(xrf0) =	vmin.scan.msk.u32 $0xffff, v2;
	v56 =	vadd.f32 v14, v56;
	v14 =	vld [tilespmem:$0x1FEB0];
	_ =	sdelay $0x3  }
0x84: {  	v4 =	vmul.f32 v55, v11  }
0x85: {  	v59 =	vmul.f32 v1, v19;
	v19 =	vmul.f32 v52, v14  }
0x86: {  	v0 =	vadd.f32 v4, v0;
	(v2sf) =	vpush v57, $0xF;
	v2, _, _ =	vpop (xrf0)  }
0x87: {  	(v2sf) =	vpush v2, $0xF;
	v2 =	vadd.f32 $0.0e+00, v19;
	v19 =	vld [tilespmem:$0x1FEC0];
	_ =	sdelay $0x1  }
0x88: {  	v4 =	vmul.f32 v60, v10;
	v0 =	vadd.f32 v63, v0;
	_ =	sdelay $0x1  }
0x89: {  	[tilespmem:$0x1FED0] =	vst v20;
	v0 =	vadd.f32 v4, v0;
	v4 =	vmul.f32 v62, v20;
	v57 =	vld [tilespmem:$0x140];
	v52 =	vmul.f32 v52, v26  }
0x8a: {  	[tilespmem:$0x1FEE0] =	vst v26;
	v26 =	vmov v16;
	v20 =	vmul.f32 v54, v19;
	v54 =	vmul.f32 v54, v16;
	v16 =	vld [tilespmem:$0x1FF90];
	_ =	sdelay $0x3  }
0x8b: {  	v56 =	vadd.f32 v59, v56;
	v59 =	vmul.f32 v57, v3;
	v52 =	vadd.f32 $0.0e+00, v52  }
0x8c: {  	[tilespmem:$0x1FF00] =	vst v3;
	v63 =	vld [tilespmem:$0x150];
	v0 =	vadd.f32 v4, v0;
	v2 =	vadd.f32 v20, v2;
	v3 =	vmul.f32 v55, v16  }
0x8d: {  	v56 =	vadd.f32 v59, v56;
	v52 =	vadd.f32 v54, v52;
	v54 =	vmul.f32 v55, v33  }
0x8e: {  	v59 =	vmul.f32 v58, v28;
	v55 =	vmul.f32 v61, v17;
	v2 =	vadd.f32 v3, v2  }
0x8f: {  	v20 =	vmovc v17;
	v52 =	vadd.f32 v54, v52;
	v54 =	vmul.f32 v60, v21;
	v17 =	vmul.f32 v58, v32  }
0x90: {  	v58 =	vmul.f32 v60, v29;
	v0 =	vadd.f32 v55, v0;
	v2 =	vadd.f32 v59, v2  }
0x91: {  	v55 =	vmul.f32 v63, v8;
	v52 =	vadd.f32 v17, v52;
	v8 =	vmul.f32 v1, v7  }
0x92: {  	v4 =	vmovc v21;
	v60 =	vmul.f32 v62, v38;
	v62 =	vmul.f32 v62, v39;
	v2 =	vadd.f32 v58, v2  }
0x93: {  	v21 =	vmovc v38;
	v38 =	vmul.f32 v61, v35;
	v3 =	vld [tilespmem:$0x160];
	v0 =	vadd.f32 v8, v0;
	v52 =	vadd.f32 v54, v52  }
0x94: {  	v17 =	vmovc v7;
	v7 =	vmul.f32 v57, v30;
	v8 =	vmul.f32 v61, v27;
	v2 =	vadd.f32 v60, v2  }
0x95: {  	v55 =	vadd.f32 v55, v56;
	v61 =	vmul.f32 v1, v37;
	v52 =	vadd.f32 v62, v52  }
0x96: {  	v0 =	vadd.f32 v7, v0;
	v62 =	vmul.f32 v63, v45;
	v2 =	vadd.f32 v8, v2  }
0x97: {  	v1 =	vmul.f32 v1, v43;
	v7 =	vmul.f32 v57, v34;
	v60 =	vld [tilespmem:$0x170];
	v52 =	vadd.f32 v38, v52  }
0x98: {  	v15 =	vmul.f32 v3, v15;
	v0 =	vadd.f32 v62, v0;
	v2 =	vadd.f32 v61, v2  }
0x99: {  	v38 =	vmul.f32 v63, v42;
	v1 =	vadd.f32 v1, v52;
	v8 =	vmul.f32 v57, v47  }
0x9a: {  	v62 =	vmul.f32 v63, v48;
	v63 =	vmul.f32 v3, v46;
	v2 =	vadd.f32 v7, v2  }
0x9b: {  	v54 =	vadd.f32 v15, v55;
	v15 =	vmul.f32 v3, v40;
	v1 =	vadd.f32 v8, v1  }
0x9c: {  	v3 =	vmul.f32 v3, v50;
	v61 =	vmul.f32 v60, v5;
	v2 =	vadd.f32 v38, v2  }
0x9d: {  	v0 =	vadd.f32 v15, v0;
	v7 =	vmul.f32 v60, v41;
	v1 =	vadd.f32 v62, v1  }
0x9e: {  	v15 =	vmul.f32 v60, v49;
	v8 =	vadd.f32 v61, v54;
	v2 =	vadd.f32 v63, v2  }
0x9f: {  	v0 =	vadd.f32 v7, v0;
	v1 =	vadd.f32 v3, v1;
	v38 =	vmul.f32 v60, v51  }
0xa0: {  	(xrf2) =	vadd.scan.msk.f32 $0xffff, v8;
	v2 =	vadd.f32 v15, v2  }
0xa1: {  	(xrf2) =	vadd.scan.msk.f32 $0xffff, v0;
	v55 =	vadd.f32 v38, v1  }
0xa2: {  	s31 =	spop (v2sf);
	(xrf2) =	vadd.scan.msk.f32 $0xffff, v2  }
0xa3: {  	s21 =	spop (v2sf);
	(xrf2) =	vadd.scan.msk.f32 $0xffff, v55  }
0xa4: {  	s10 =	sxor.u32 $0x80000000, s21  }
0xa5: {  	v56 =	vmov s10;
	v57 =	vlaneseq.u32  }
0xa6: {  	vm4 =	veq.s32 v56, v57  }
0xa7: {  	v0 =	vsel vm4, $0xBF800000, v53  }
0xa8: {  	(xrf0) =	vmax.scan.msk.f32 $0xffff, v0;
	_ =	sdelay $0x1  }
0xa9: {  	v58, _, _ =	vpop (xrf2)  }
0xaa: {  	v59, _, _ =	vpop (xrf2)  }
0xab: {  	v1 =	vbroadcast v58, $0xF;
	v2 =	vbroadcast v59, $0xF;
	v60, _, _ =	vpop (xrf2)  }
0xac: {  	v3 =	vbroadcast v60, $0xF;
	v61, _, _ =	vpop (xrf2)  }
0xad: {  	[tilespmem:$0x1FFD0] =	vst v56;
	v56, _, _ =	vpop (xrf0);
	v1 =	vsel vm0, v1, v2;
	v62 =	vbroadcast v61, $0xF  }
0xae: {  	v63 =	vbroadcast v56, $0xF;
	v1 =	vsel vm1, v1, v3  }
0xaf: {  	v1 =	vsel vm2, v1, v62  }
0xb0: {  	vm4 =	vge.f32 v0, v63;
	v7 =	vadd.f32 v1, v44  }
0xb1: {  	v8 =	vnsel vm4, $0x80000004, v9  }
0xb2: {  	(xrf0) =	vmin.scan.msk.u32 $0xffff, v8;
	v0 =	vnsel vm3, $0xF149F2CA, v7  }
0xb3: {  	(xrf0) =	vmax.scan.msk.f32 $0xffff, v0;
	_ =	sdelay $0x4  }
0xb4: {  	v1, _, _ =	vpop (xrf0)  }
0xb5: {  	v15, _, _ =	vpop (xrf0)  }
0xb6: {  	v2 =	vbroadcast v15, $0xF;
	_ =	sdelay $0x1  }
0xb7: {  	v0 =	vsub.f32 v0, v2;
	_ =	sdelay $0x1  }
0xb8: {  	v0 =	vmul.f32 $1.442695020e+00, v0;
	_ =	sdelay $0x1  }
0xb9: {  	(erf) = vpow2.f32 v0;
	_ =	sdelay $0x7  }
0xba: {  	v0 =	vld [tilespmem:$0x180]  }
0xbb: {  	v55 =	vpop (erf)  }
0xbc: {  	(xrf0) =	vmax.scan.msk.f32 $0xffff, v55  }
0xbd: {  	v2 =	vld [tilespmem:$0x190];
	_ =	sdelay $0x1  }
0xbe: {  	v3 =	vld [tilespmem:$0x1A0];
	v38 =	vmul.f32 v0, v24;
	_ =	sdelay $0x1  }
0xbf: {  	v57 =	vld [tilespmem:$0x1B0];
	v54 =	vadd.f32 $0.0e+00, v38;
	v38 =	vmul.f32 v0, v31  }
0xc0: {  	v8 =	vmul.f32 v2, v18;
	v58, _, _ =	vpop (xrf0)  }
0xc1: {  	v53 =	vmul.f32 v2, v12;
	v62 =	vadd.f32 $0.0e+00, v38;
	v18 =	vbroadcast v58, $0xF  }
0xc2: {  	[tilespmem:$0x1FF30] =	vst v45;
	v45 =	vmov v5;
	v61 =	vld [tilespmem:$0x1C0];
	v52 =	vmul.f32 v3, v23;
	v59 =	vadd.f32 v8, v54  }
0xc3: {  	v15 =	vmovc v31;
	v31 =	vmul.f32 v3, v11;
	v5 =	vadd.f32 v53, v62;
	vm4 =	vge.f32 v55, v18  }
0xc4: {  	[tilespmem:$0x1FFC0] =	vst v63;
	v63 =	vld [tilespmem:$0x1D0];
	v59 =	vadd.f32 v52, v59;
	v52 =	vmul.f32 v57, v25;
	v54 =	vnsel vm4, $0x80000004, v9  }
0xc5: {  	v62 =	vld [tilespmem:$0x1E0];
	v5 =	vadd.f32 v31, v5;
	[tilespmem:$0x1FFE0] =	vst v18;
	v18 =	vmul.f32 v57, v13;
	(xrf0) =	vmin.scan.msk.u32 $0xffff, v54;
	_ =	sdelay $0x1  }
0xc6: {  	v38 =	vmul.f32 v61, v36;
	v60 =	vadd.f32 v52, v5;
	v52 =	vld [tilespmem:$0x1FEE0];
	v7 =	vadd.f32 v18, v59  }
0xc7: {  	(v2sf) =	vpush v56, $0xF  }
0xc8: {  	(v2sf) =	vpush v1, $0xF;
	v7 =	vadd.f32 v38, v7;
	v38 =	vld [tilespmem:$0x1FED0]  }
0xc9: {  	v23 =	vmovc v13;
	v53 =	vmul.f32 v63, v22;
	v31 =	vmul.f32 v62, v6;
	(v2sf) =	vpush v58, $0xF;
	v13 =	vmovc v11  }
0xca: {  	[tilespmem:$0x1FF70] =	vst v22;
	v5 =	vld [tilespmem:$0x1F0];
	v11 =	vmov v10;
	v18 =	vmul.f32 v61, v10;
	v10 =	vmul.f32 v0, v14;
	v22, _, _ =	vpop (xrf0)  }
0xcb: {  	[tilespmem:$0x1FF60] =	vst v36;
	v36 =	vmul.f32 v62, v20;
	v0 =	vmul.f32 v0, v52;
	(v2sf) =	vpush v22, $0xF;
	v22 =	vld [tilespmem:$0x1FEF0]  }
0xcc: {  	v1 =	vadd.f32 v18, v60;
	v56 =	vadd.f32 $0.0e+00, v10;
	v18 =	vmul.f32 v2, v19  }
0xcd: {  	v6 =	vld [tilespmem:$0x1FF00];
	v0 =	vadd.f32 $0.0e+00, v0;
	v2 =	vmul.f32 v2, v26;
	v60 =	vmul.f32 v63, v38  }
0xce: {  	v58 =	vld [tilespmem:$0x200];
	v54 =	vmul.f32 v3, v16;
	v7 =	vadd.f32 v53, v7;
	v56 =	vadd.f32 v18, v56  }
0xcf: {  	v0 =	vadd.f32 v2, v0;
	v1 =	vadd.f32 v60, v1;
	v60 =	vmul.f32 v3, v33  }
0xd0: {  	v53 =	vmovc v14;
	v18 =	vmul.f32 v57, v28;
	v7 =	vadd.f32 v31, v7;
	v14 =	vmul.f32 v5, v22  }
0xd1: {  	v31 =	vmovc v19;
	v19 =	vmul.f32 v57, v32;
	v3 =	vld [tilespmem:$0x210];
	v1 =	vadd.f32 v36, v1;
	v0 =	vadd.f32 v60, v0  }
0xd2: {  	v10 =	vmovc v17;
	v36 =	vmul.f32 v5, v17;
	v17 =	vld [tilespmem:$0x1FF10];
	v7 =	vadd.f32 v14, v7;
	v14 =	vadd.f32 v54, v56  }
0xd3: {  	v16 =	vmul.f32 v58, v6;
	v60 =	vmul.f32 v61, v29  }
0xd4: {  	v0 =	vadd.f32 v19, v0;
	v19 =	vmul.f32 v63, v21;
	v8 =	vadd.f32 v18, v14  }
0xd5: {  	v1 =	vadd.f32 v36, v1;
	v36 =	vmul.f32 v63, v39;
	v14 =	vmul.f32 v61, v4  }
0xd6: {  	v57 =	vld [tilespmem:$0x220];
	v54 =	vmovc v32;
	v32 =	vmov v21;
	v21 =	vmul.f32 v5, v37;
	v8 =	vadd.f32 v60, v8  }
0xd7: {  	v7 =	vadd.f32 v16, v7;
	v18 =	vmul.f32 v3, v17;
	v61 =	vld [tilespmem:$0x1FF30];
	v0 =	vadd.f32 v14, v0  }
0xd8: {  	v59 =	vld [tilespmem:$0x230];
	v16 =	vmul.f32 v62, v27;
	v14 =	vmul.f32 v58, v30;
	v8 =	vadd.f32 v19, v8  }
0xd9: {  	v7 =	vadd.f32 v18, v7;
	v18 =	vmul.f32 v62, v35;
	v62 =	vld [tilespmem:$0x1FF20];
	v0 =	vadd.f32 v36, v0  }
0xda: {  	[tilespmem:$0x1FFA0] =	vst v27;
	v27 =	vmul.f32 v5, v43;
	v60 =	vmul.f32 v58, v47;
	v8 =	vadd.f32 v16, v8  }
0xdb: {  	v1 =	vadd.f32 v14, v1;
	v36 =	vmul.f32 v58, v34;
	v0 =	vadd.f32 v18, v0  }
0xdc: {  	v63 =	vmovc v30;
	v14 =	vmul.f32 v57, v40;
	v30 =	vmul.f32 v3, v61;
	v8 =	vadd.f32 v21, v8  }
0xdd: {  	v16 =	vmul.f32 v3, v42;
	v18 =	vmul.f32 v59, v45;
	v0 =	vadd.f32 v27, v0  }
0xde: {  	v3 =	vmul.f32 v3, v48;
	v19 =	vmul.f32 v57, v62;
	v8 =	vadd.f32 v36, v8  }
0xdf: {  	v1 =	vadd.f32 v30, v1;
	v21 =	vmul.f32 v57, v46;
	v0 =	vadd.f32 v60, v0  }
0xe0: {  	v27 =	vmul.f32 v59, v41;
	v7 =	vadd.f32 v19, v7;
	v19 =	vadd.f32 v16, v8  }
0xe1: {  	v1 =	vadd.f32 v14, v1;
	v36 =	vmul.f32 v57, v50;
	v0 =	vadd.f32 v3, v0  }
0xe2: {  	v30 =	vmovc v45;
	v45 =	vmul.f32 v59, v49;
	v2 =	vadd.f32 v18, v7;
	v5 =	vadd.f32 v21, v19  }
0xe3: {  	v57 =	vmul.f32 v59, v51;
	v1 =	vadd.f32 v27, v1;
	v0 =	vadd.f32 v36, v0  }
0xe4: {  	s12 =	spop (v2sf);
	(xrf2) =	vadd.scan.msk.f32 $0xffff, v2;
	v58 =	vadd.f32 v45, v5  }
0xe5: {  	s22 =	spop (v2sf);
	(xrf2) =	vadd.scan.msk.f32 $0xffff, v1;
	v0 =	vadd.f32 v57, v0  }
0xe6: {  	s13 =	spop (v2sf);
	(xrf2) =	vadd.scan.msk.f32 $0xffff, v58  }
0xe7: {  	s11 =	spop (v2sf);
	(xrf2) =	vadd.scan.msk.f32 $0xffff, v0  }
0xe8: {  	s11 =	sxor.u32 $0x80000000, s11  }
0xe9: {  	v59 =	vmov s11;
	v60 =	vlaneseq.u32  }
0xea: {  	vm4 =	veq.s32 v59, v60  }
0xeb: {  	v0 =	vsel vm4, $0xBF800000, v55  }
0xec: {  	(xrf0) =	vmax.scan.msk.f32 $0xffff, v0;
	_ =	sdelay $0x1  }
0xed: {  	v5, _, _ =	vpop (xrf2)  }
0xee: {  	v7, _, _ =	vpop (xrf2)  }
0xef: {  	v1 =	vbroadcast v5, $0xF;
	v2 =	vbroadcast v7, $0xF;
	v8, _, _ =	vpop (xrf2)  }
0xf0: {  	v3 =	vbroadcast v8, $0xF;
	v14, _, _ =	vpop (xrf2)  }
0xf1: {  	v7, _, _ =	vpop (xrf0);
	v1 =	vsel vm0, v1, v2;
	v16 =	vbroadcast v14, $0xF  }
0xf2: {  	v55 =	vbroadcast v7, $0xF;
	v1 =	vsel vm1, v1, v3  }
0xf3: {  	v1 =	vsel vm2, v1, v16  }
0xf4: {  	vm4 =	vge.f32 v0, v55;
	v18 =	vadd.f32 v1, v44  }
0xf5: {  	v19 =	vnsel vm4, $0x80000004, v9  }
0xf6: {  	(xrf0) =	vmin.scan.msk.u32 $0xffff, v19;
	v0 =	vnsel vm3, $0xF149F2CA, v18  }
0xf7: {  	(xrf0) =	vmax.scan.msk.f32 $0xffff, v0;
	_ =	sdelay $0x4  }
0xf8: {  	v1, _, _ =	vpop (xrf0)  }
0xf9: {  	v21, _, _ =	vpop (xrf0)  }
0xfa: {  	v2 =	vbroadcast v21, $0xF;
	_ =	sdelay $0x1  }
0xfb: {  	v0 =	vsub.f32 v0, v2;
	_ =	sdelay $0x1  }
0xfc: {  	v0 =	vmul.f32 $1.442695020e+00, v0;
	_ =	sdelay $0x1  }
0xfd: {  	(erf) = vpow2.f32 v0;
	_ =	sdelay $0x6  }
0xfe: {  	v0 =	vld [tilespmem:$0x240];
	_ =	sdelay $0x1  }
0xff: {  	v57 =	vpop (erf)  }
0x100: {  	(xrf0) =	vmax.scan.msk.f32 $0xffff, v57  }
0x101: {  	v60 =	vld [tilespmem:$0x1FF40]  }
0x102: {  	v2 =	vld [tilespmem:$0x250];
	v27 =	vmul.f32 v0, v24  }
0x103: {  	v5 =	vld [tilespmem:$0x260]  }
0x104: {  	v8 =	vadd.f32 $0.0e+00, v27;
	v27 =	vld [tilespmem:$0x1FF50];
	_ =	sdelay $0x1  }
0x105: {  	v21 =	vld [tilespmem:$0x270];
	v36 =	vmul.f32 v0, v15;
	v3, _, _ =	vpop (xrf0)  }
0x106: {  	v15 =	vmul.f32 v2, v60;
	v56 =	vbroadcast v3, $0xF  }
0x107: {  	v24 =	vmul.f32 v2, v12;
	v45 =	vadd.f32 $0.0e+00, v36  }
0x108: {  	v59 =	vld [tilespmem:$0x280];
	v8 =	vadd.f32 v15, v8;
	v58 =	vmul.f32 v5, v27;
	vm4 =	vge.f32 v57, v56  }
0x109: {  	v19 =	vld [tilespmem:$0x2A0];
	v60 =	vadd.f32 v24, v45;
	v18 =	vnsel vm4, $0x80000004, v9  }
0x10a: {  	v15 =	vld [tilespmem:$0x1FF60];
	v27 =	vmul.f32 v21, v23;
	v8 =	vadd.f32 v58, v8;
	(xrf0) =	vmin.scan.msk.u32 $0xffff, v18;
	v18 =	vmul.f32 v5, v13  }
0x10b: {  	v36 =	vld [tilespmem:$0x290]  }
0x10c: {  	v45 =	vadd.f32 v18, v60;
	v60 =	vadd.f32 v27, v8;
	v27 =	vld [tilespmem:$0x1FF70];
	_ =	sdelay $0x2  }
0x10d: {  	v58 =	vmul.f32 v21, v25;
	v8 =	vmul.f32 v59, v15  }
0x10e: {  	(v2sf) =	vpush v7, $0xF;
	v16 =	vmul.f32 v19, v20;
	v20 =	vmul.f32 v2, v31  }
0x10f: {  	v18 =	vadd.f32 v58, v45;
	v24 =	vadd.f32 v8, v60;
	v58 =	vld [tilespmem:$0x1FF80];
	v8 =	vmul.f32 v36, v27  }
0x110: {  	(v2sf) =	vpush v1, $0xF;
	v31 =	vmul.f32 v21, v28;
	v2 =	vmul.f32 v2, v26;
	v12 =	vld [tilespmem:$0x2C0]  }
0x111: {  	v26 =	vmul.f32 v5, v33;
	(v2sf) =	vpush v3, $0xF;
	v3 =	vadd.f32 v8, v24;
	v24 =	vld [tilespmem:$0x1FF90]  }
0x112: {  	v23 =	vmul.f32 v59, v11;
	v60 =	vmul.f32 v0, v53  }
0x113: {  	v7 =	vld [tilespmem:$0x2B0];
	v33 =	vmul.f32 v21, v54;
	v0 =	vmul.f32 v0, v52  }
0x114: {  	v21 =	vld [tilespmem:$0x2F0];
	v25, _, _ =	vpop (xrf0);
	v1 =	vadd.f32 v23, v18;
	v18 =	vadd.f32 $0.0e+00, v60;
	v8 =	vmul.f32 v19, v58  }
0x115: {  	v54 =	vmul.f32 v12, v63;
	v0 =	vadd.f32 $0.0e+00, v0;
	(v2sf) =	vpush v25, $0xF  }
0x116: {  	v3 =	vadd.f32 v8, v3;
	v8 =	vadd.f32 v20, v18;
	v25 =	vmul.f32 v5, v24  }
0x117: {  	v45 =	vmul.f32 v36, v38;
	v38 =	vld [tilespmem:$0x2D0];
	v52 =	vmul.f32 v59, v29;
	v0 =	vadd.f32 v2, v0  }
0x118: {  	v53 =	vmul.f32 v59, v4;
	v59 =	vmul.f32 v36, v39;
	v8 =	vadd.f32 v25, v8  }
0x119: {  	v15 =	vld [tilespmem:$0x1FFA0];
	v29 =	vmul.f32 v21, v30;
	v23 =	vmul.f32 v7, v22;
	v0 =	vadd.f32 v26, v0  }
0x11a: {  	v27 =	vmul.f32 v7, v10;
	v1 =	vadd.f32 v45, v1;
	v8 =	vadd.f32 v31, v8  }
0x11b: {  	v45 =	vmul.f32 v12, v6;
	v58 =	vmul.f32 v36, v32;
	v0 =	vadd.f32 v33, v0  }
0x11c: {  	v60 =	vld [tilespmem:$0x2E0];
	v63 =	vmul.f32 v38, v17;
	v17 =	vmul.f32 v19, v35;
	v8 =	vadd.f32 v52, v8  }
0x11d: {  	v32 =	vmul.f32 v21, v41;
	v1 =	vadd.f32 v16, v1;
	v0 =	vadd.f32 v53, v0  }
0x11e: {  	v16 =	vmul.f32 v19, v15;
	v19 =	vmul.f32 v7, v37;
	v8 =	vadd.f32 v58, v8  }
0x11f: {  	v26 =	vmul.f32 v38, v42;
	v18 =	vmul.f32 v38, v61;
	v0 =	vadd.f32 v59, v0  }
0x120: {  	v20 =	vmul.f32 v7, v43;
	v3 =	vadd.f32 v23, v3;
	v8 =	vadd.f32 v16, v8  }
0x121: {  	v22 =	vmul.f32 v60, v62;
	v1 =	vadd.f32 v27, v1;
	v0 =	vadd.f32 v17, v0  }
0x122: {  	v23 =	vmul.f32 v12, v34;
	v3 =	vadd.f32 v45, v3;
	v8 =	vadd.f32 v19, v8  }
0x123: {  	v1 =	vadd.f32 v54, v1;
	v24 =	vmul.f32 v12, v47;
	v0 =	vadd.f32 v20, v0  }
0x124: {  	v27 =	vmul.f32 v38, v48;
	v3 =	vadd.f32 v63, v3;
	v8 =	vadd.f32 v23, v8  }
0x125: {  	v1 =	vadd.f32 v18, v1;
	v25 =	vmul.f32 v60, v40;
	v0 =	vadd.f32 v24, v0  }
0x126: {  	v30 =	vmul.f32 v60, v46;
	v3 =	vadd.f32 v22, v3;
	v28 =	vadd.f32 v26, v8  }
0x127: {  	v1 =	vadd.f32 v25, v1;
	v31 =	vmul.f32 v60, v50;
	v0 =	vadd.f32 v27, v0  }
0x128: {  	v33 =	vmul.f32 v21, v49;
	v3 =	vadd.f32 v29, v3;
	v5 =	vadd.f32 v30, v28  }
0x129: {  	v34 =	vmul.f32 v21, v51;
	v1 =	vadd.f32 v32, v1;
	v0 =	vadd.f32 v31, v0  }
0x12a: {  	s16 =	spop (v2sf);
	(xrf2) =	vadd.scan.msk.f32 $0xffff, v3;
	v35 =	vadd.f32 v33, v5  }
0x12b: {  	s14 =	spop (v2sf);
	(xrf2) =	vadd.scan.msk.f32 $0xffff, v1;
	v0 =	vadd.f32 v34, v0  }
0x12c: {  	s17 =	spop (v2sf);
	(xrf2) =	vadd.scan.msk.f32 $0xffff, v35  }
0x12d: {  	s15 =	spop (v2sf);
	(xrf2) =	vadd.scan.msk.f32 $0xffff, v0  }
0x12e: {  	s15 =	sxor.u32 $0x80000000, s15  }
0x12f: {  	v37 =	vlaneseq.u32;
	v36 =	vmov s15  }
0x130: {  	vm4 =	veq.s32 v36, v37  }
0x131: {  	v0 =	vsel vm4, $0xBF800000, v57  }
0x132: {  	(xrf0) =	vmax.scan.msk.f32 $0xffff, v0;
	_ =	sdelay $0x1  }
0x133: {  	v38, _, _ =	vpop (xrf2)  }
0x134: {  	v39, _, _ =	vpop (xrf2)  }
0x135: {  	v1 =	vbroadcast v38, $0xF;
	v2 =	vbroadcast v39, $0xF;
	v3, _, _ =	vpop (xrf2)  }
0x136: {  	v3 =	vbroadcast v3, $0xF;
	v40, _, _ =	vpop (xrf2)  }
0x137: {  	v1 =	vsel vm0, v1, v2;
	v41, _, _ =	vpop (xrf0);
	v42 =	vbroadcast v40, $0xF  }
0x138: {  	v43 =	vbroadcast v41, $0xF;
	v1 =	vsel vm1, v1, v3  }
0x139: {  	v1 =	vsel vm2, v1, v42  }
0x13a: {  	vm4 =	vge.f32 v0, v43;
	v45 =	vadd.f32 v1, v44  }
0x13b: {  	v46 =	vnsel vm4, $0x80000004, v9  }
0x13c: {  	(xrf0) =	vmin.scan.msk.u32 $0xffff, v46;
	v0 =	vnsel vm3, $0xF149F2CA, v45  }
0x13d: {  	(xrf0) =	vmax.scan.msk.f32 $0xffff, v0;
	_ =	sdelay $0x4  }
0x13e: {  	v1, _, _ =	vpop (xrf0)  }
0x13f: {  	v47, _, _ =	vpop (xrf0)  }
0x140: {  	v2 =	vbroadcast v47, $0xF;
	_ =	sdelay $0x1  }
0x141: {  	v0 =	vsub.f32 v0, v2;
	_ =	sdelay $0x1  }
0x142: {  	v0 =	vmul.f32 $1.442695020e+00, v0;
	_ =	sdelay $0x1  }
0x143: {  	(erf) = vpow2.f32 v0;
	_ =	sdelay $0x8  }
0x144: {  	v0 =	vpop (erf)  }
0x145: {  	(xrf0) =	vmax.scan.msk.f32 $0xffff, v0;
	_ =	sdelay $0x5  }
0x146: {  	v48, _, _ =	vpop (xrf0)  }
0x147: {  	v49 =	vbroadcast v48, $0xF;
	_ =	sdelay $0x1  }
0x148: {  	vm4 =	vge.f32 v0, v49  }
0x149: {  	v50 =	vnsel vm4, $0x80000004, v9  }
0x14a: {  	(xrf0) =	vmin.scan.msk.u32 $0xffff, v50;
	_ =	sdelay $0x3  }
0x14b: {  	(v2sf) =	vpush v41, $0xF  }
0x14c: {  	(v2sf) =	vpush v1, $0xF  }
0x14d: {  	(v2sf) =	vpush v48, $0xF;
	v51, _, _ =	vpop (xrf0)  }
0x14e: {  	(v2sf) =	vpush v51, $0xF;
	_ =	sdelay $0xb  }
0x14f: {  	s18 =	spop (v2sf)  }
0x150: {  	s19 =	spop (v2sf)  }
0x151: {  	s20 =	spop (v2sf)  }
0x152: {  	s21 =	spop (v2sf)  }
0x153: {  	s21 =	sxor.u32 $0x80000000, s21  }
0x154: {  	v53 =	vlaneseq.u32;
	v52 =	vmov s21  }
0x155: {  	vm4 =	veq.s32 v52, v53  }
0x156: {  	v0 =	vsel vm4, $0xBF800000, v0  }
0x157: {  	(xrf0) =	vmax.scan.msk.f32 $0xffff, v0;
	_ =	sdelay $0x5  }
0x158: {  	v54, _, _ =	vpop (xrf0)  }
0x159: {  	(v2sf) =	vpush v54, $0xF  }
0x15a: {  	v1 =	vbroadcast v54, $0xF;
	_ =	sdelay $0x1  }
0x15b: {  	vm4 =	vge.f32 v0, v1  }
0x15c: {  	v0 =	vnsel vm4, $0x80000004, v9  }
0x15d: {  	(xrf0) =	vmin.scan.msk.u32 $0xffff, v0;
	_ =	sdelay $0x5  }
0x15e: {  	v0, _, _ =	vpop (xrf0)  }
0x15f: {  	s9 =	sadd.f32 s12, s31;
	(v2sf) =	vpush v0, $0xF;
	_ =	sdelay $0x1  }
0x160: {  	s23 =	sadd.f32 s16, s13;
	v57 =	vmov s9  }
0x161: {  	v59 =	vld [tilespmem:$0x1FFC0];
	s24 =	sadd.f32 s18, s17;
	v0 =	vnsel vm1, $0x3F800000, v57;
	s25 =	spop (v2sf)  }
0x162: {  	v58 =	vld [tilespmem:$0x1FFB0];
	v0 =	vnsel vm8, s23, v0;
	s26 =	sadd.f32 s25, s20  }
0x163: {  	v60 =	vld [tilespmem:$0x1FFD0];
	v0 =	vnsel vm11, s24, v0  }
0x164: {  	v61 =	vld [tilespmem:$0x1FFE0];
	v0 =	vnsel vm14, s26, v0  }
0x165: {  	(erf) = vrcp.f32 v0;
	_ =	sdelay $0x1  }
0x166: {  	vm4 =	vcmask $0x300;
	v0 =	vnsel vm0, $0x0, v58  }
0x167: {  	s28 =	sxor.u32 $0x80000000, s22;
	v2 =	vnsel vm4, $0x0, v60;
	v0 =	vsel vm6, v0, v59  }
0x168: {  	v2 =	vsel vm5, s28, v2;
	v0 =	vsel vm8, v0, v61  }
0x169: {  	s29 =	sxor.u32 $0x80000000, s14;
	vm4 =	veq.s32 v53, $0x3;
	v2 =	vsel vm7, s11, v2;
	v0 =	vsel vm9, v0, v55  }
0x16a: {  	v2 =	vsel vm4, s29, v2;
	v0 =	vsel vm11, v0, v56  }
0x16b: {  	s30 =	sxor.u32 $0x80000000, s19;
	vm4 =	veq.s32 v53, $0x5;
	v2 =	vsel vm10, s15, v2;
	v0 =	vsel vm12, v0, v43  }
0x16c: {  	v62 =	vlaneseq.u32;
	v2 =	vsel vm4, s30, v2;
	v0 =	vsel vm14, v0, v49;
	s31 =	spop (v2sf)  }
0x16d: {  	vm4 =	veq.s32 v62, $0x7;
	v2 =	vsel vm13, s21, v2;
	v0 =	vsel vm15, v0, v1;
	s9 =	sxor.u32 $0x80000000, s31;
	v63 =	vpop (erf)  }
0x16e: {  	v2 =	vsel vm4, s9, v2;
	v0 =	vmul.f32 v63, v0  }
0x16f: {  	[tilespmem:$0x680] =	vst v2  }
0x170: {  	[tilespmem:$0x700] =	vst v0  }
0x171: {  	[hbm4b:s2+s5] =	stream.linear.scatter [tilespmem:s7], [sflag:$0x1], $0x80, $0x38;
	[tilespmem:$0x780] =	vst v63  }
0x172: {  	_ =	swait.ge [sflag:s6], $0x80  }
0x173: {  	p0 =	sne.s32 s4, $0x1;
	[sflag:s6] =	ssyncset.done $0x0  }
.Ltmp1:
0x174: {  	[sflag:s6] =	ssyncadd.s32 $0xFFFFFF80;
	(pc) =	sbr.rel @p0 .LBB2_2-.Ltmp1, $4  }
0x175: {  	[hbm4b:s3+s5] =	stream.linear.scatter [tilespmem:s8], [sflag:$0x1], $0x80, $0x38;
	[tilespmem:$0x780] =	vst v63  }
0x176: {  	_ =	swait.ge [sflag:s6], $0x80  }
0x177: {  	[sflag:s6] =	ssyncset.done $0x0  }
0x178: {  	s4 =	sadd.s32 $0xFFFFFFFF, s4;
	[sflag:s6] =	ssyncadd.s32 $0xFFFFFF80  }
.LBB2_3:
0x179: {  	_ =	sfence.sel $0x180000  }
0x17a: {  	[bflag:$0x0] =	sbarrier.arrive $0xFFFF  }
0x17b: {  	p0 =	sne.s32 s0, $0x0;
	_ =	strace $0x90000047  }
0x17c: {  	s0 =	sadd.s32 @!p0 $0x100000, s1;
	[bflag:$0x2] =	sbarrier.arrive $0xFFFF  }
0x17d: {  	[sflag:s0] =	ssyncadd.tile.s32 @!p0 $0x1;
	_ =	shalt  }
.Lfunc_end2:
_tile_overlayer_lowered:
.L_overlay_start_2:
0x17e: {  	(tag) =	ssettag $0x2  }
0x17f: {  	s0 =	rddreg [dreg:$0x0];
	s2 =	stileid.u32  }
0x180: {  	s1 =	rddreg [dreg:$0x1];
	p0 =	sne.s32 s2, $0x0  }
0x181: {  	s3 =	rddreg [dreg:$0x2];
	[bflag:$0x3] =	sbarrier.arrive $0xFFFF;
	s2 =	simm.s32 @!p0 $0x1C01  }
0x182: {  	[timem:s3], [sflag:s2] =	dma.local @!p0 [hbm:s0], s1  }
0x183: {  	s0 =	simm.s32 @!p0 $0x1  }
0x184: {  	_ =	swait.ge @!p0 [sflag:s0], s1  }
0x185: {  	s1 =	ssub.s32 @!p0 $0x0, s1;
	[sflag:s0] =	ssyncset.done @!p0 $0x0  }
0x186: {  	[sflag:s0] =	ssyncadd.s32 @!p0 s1  }
0x187: {  	[bflag:$0x3] =	sbarrier.arrive $0xFFFF  }
0x188: {  	_ =	shalt  }

</sc_bundles>
